<compile_context>
chip_gen: v7x
topology: tpu7x:2x2x1
jax: 0.10.2.dev20260603
libtpu: 0.0.44.dev20260713+nightly
codegen_flags: <defaults>
</compile_context>

<pallas_src>
import functools

import jax
import jax.numpy as jnp
from jax import lax
from jax.experimental import pallas as pl
from jax.experimental.pallas import tpu as pltpu
from jax.experimental.pallas import tpu_sc as plsc

N_NODES = 10000
N_EDGES = 320000
FEAT = 128
HFEAT = FEAT // 2
NUM_RELS = 8
NUM_BASES = 4

NC = 2
NS = 16
NW = NC * NS

EDGE_CHUNK = 80
CHUNK_ROWS = N_EDGES // EDGE_CHUNK
TILE_CHUNKS = CHUNK_ROWS // NW
ROWS_MAIN = 624
ZROWS = 48

ROW_BLOCK = 1000


def _proj_body(x_ref, w_ref, wc_ref, lw_ref, hall_ref, xl_ref):
    xb = x_ref[...]
    for r in range(NUM_RELS):
        wr = wc_ref[r, 0] * w_ref[0]
        for b in range(1, NUM_BASES):
            wr = wr + wc_ref[r, b] * w_ref[b]
        pr = jnp.dot(xb, wr, preferred_element_type=jnp.float32)
        hall_ref[:, r, :, :] = pr.reshape(ROW_BLOCK // 8, 8, FEAT)
    xl_ref[...] = jnp.dot(xb, lw_ref[...], preferred_element_type=jnp.float32)


def _project(x, weight, w_comp, loop_weight):
    return pl.pallas_call(
        _proj_body,
        grid=(N_NODES // ROW_BLOCK,),
        in_specs=[
            pl.BlockSpec((ROW_BLOCK, FEAT), lambda i: (i, 0)),
            pl.BlockSpec((NUM_BASES, FEAT, FEAT), lambda i: (0, 0, 0)),
            pl.BlockSpec(memory_space=pltpu.SMEM),
            pl.BlockSpec((FEAT, FEAT), lambda i: (0, 0)),
        ],
        out_specs=[
            pl.BlockSpec((ROW_BLOCK // 8, NUM_RELS, 8, FEAT),
                         lambda i: (i, 0, 0, 0)),
            pl.BlockSpec((ROW_BLOCK, FEAT), lambda i: (i, 0)),
        ],
        out_shape=[
            jax.ShapeDtypeStruct((N_NODES // 8, NUM_RELS, 8, FEAT),
                                 jnp.float32),
            jax.ShapeDtypeStruct((N_NODES, FEAT), jnp.float32),
        ],
    )(x, weight, w_comp, loop_weight)


def _edge_agg(table, ei3, et3, xl):
    mesh = plsc.VectorSubcoreMesh(core_axis_name="c", subcore_axis_name="s")

    @functools.partial(
        pl.kernel,
        mesh=mesh,
        compiler_params=pltpu.CompilerParams(use_tc_tiling_on_sc=False),
        out_type=jax.ShapeDtypeStruct((NC * N_NODES, FEAT), jnp.float32),
        scratch_types=[
            pltpu.VMEM((TILE_CHUNKS, EDGE_CHUNK), jnp.int32),
            pltpu.VMEM((TILE_CHUNKS, EDGE_CHUNK), jnp.int32),
            pltpu.VMEM((TILE_CHUNKS, EDGE_CHUNK), jnp.int32),
            [pltpu.VMEM((EDGE_CHUNK, HFEAT), jnp.float32)] * 10,
            pltpu.VMEM((ZROWS, HFEAT), jnp.float32),
            pltpu.VMEM_SHARED((N_NODES, HFEAT), jnp.float32),
            [pltpu.SemaphoreType.DMA] * 10,
            [pltpu.SemaphoreType.DMA] * 10,
        ],
    )
    def k(table_hbm, ei_hbm, et_hbm, xl_hbm, out_hbm,
          src_v, et_v, dst_v, bufs, zbuf_v, acc_sh, gsems, ssems):
        cid = lax.axis_index("c")
        tid = lax.axis_index("s")
        wid = tid * NC + cid
        nbase = tid * ROWS_MAIN
        last = tid == NS - 1

        zv = jnp.zeros((16,), jnp.float32)

        def zrow(r, carry):
            for j in range(HFEAT // 16):
                zbuf_v[r, pl.ds(j * 16, 16)] = zv
            return carry

        lax.fori_loop(0, ZROWS, zrow, 0)

        def zero_acc(p):
            @pl.when(cid == 0)
            def _():
                pltpu.sync_copy(
                    xl_hbm.at[pl.ds(nbase, ROWS_MAIN),
                              pl.ds(p * HFEAT, HFEAT)],
                    acc_sh.at[pl.ds(nbase, ROWS_MAIN)])

                @pl.when(last)
                def _():
                    pltpu.sync_copy(
                        xl_hbm.at[pl.ds(N_NODES - 16, 16),
                                  pl.ds(p * HFEAT, HFEAT)],
                        acc_sh.at[pl.ds(N_NODES - 16, 16)])

            @pl.when(cid != 0)
            def _():
                for z in range(ROWS_MAIN // ZROWS):
                    pltpu.sync_copy(zbuf_v,
                                    acc_sh.at[pl.ds(nbase + z * ZROWS, ZROWS)])

                @pl.when(last)
                def _():
                    pltpu.sync_copy(zbuf_v.at[pl.ds(0, 16)],
                                    acc_sh.at[pl.ds(N_NODES - 16, 16)])

        def writeback(p):
            obase = cid * N_NODES + nbase
            pltpu.sync_copy(
                acc_sh.at[pl.ds(nbase, ROWS_MAIN)],
                out_hbm.at[pl.ds(obase, ROWS_MAIN), pl.ds(p * HFEAT, HFEAT)])

            @pl.when(last)
            def _():
                pltpu.sync_copy(
                    acc_sh.at[pl.ds(N_NODES - 16, 16)],
                    out_hbm.at[pl.ds(cid * N_NODES + N_NODES - 16, 16),
                               pl.ds(p * HFEAT, HFEAT)])

        zero_acc(0)

        rbase = wid * TILE_CHUNKS
        pltpu.sync_copy(ei_hbm.at[0, pl.ds(rbase, TILE_CHUNKS)], src_v)
        pltpu.sync_copy(et_hbm.at[pl.ds(rbase, TILE_CHUNKS)], et_v)
        pltpu.sync_copy(ei_hbm.at[1, pl.ds(rbase, TILE_CHUNKS)], dst_v)

        def gfill(r, carry):
            for j in range(EDGE_CHUNK // 16):
                s = src_v[r, pl.ds(j * 16, 16)]
                e = et_v[r, pl.ds(j * 16, 16)]
                src_v[r, pl.ds(j * 16, 16)] = (
                    (s >> 3) * 128 + e * 16 + (s & 7) * 2)
            return carry

        lax.fori_loop(0, TILE_CHUNKS, gfill, 0)
        plsc.subcore_barrier()

        NB = 10

        def gather(c, b):
            pltpu.async_copy(table_hbm.at[src_v.at[c]], bufs[b], gsems[b])

        def gwait(c, b):
            pltpu.make_async_copy(
                table_hbm.at[src_v.at[c]], bufs[b], gsems[b]).wait()

        def scatter(c, b):
            pltpu.async_copy(bufs[b], acc_sh.at[dst_v.at[c]], ssems[b],
                             add=True)

        def swait(c, b):
            pltpu.make_async_copy(
                bufs[b], acc_sh.at[dst_v.at[c]], ssems[b]).wait()

        LEAD = 8
        NFULL = TILE_CHUNKS // NB
        NTAIL = TILE_CHUNKS % NB

        def step(c, b, do_swait, do_gather):
            gwait(c, b)
            scatter(c, b)
            if do_swait:
                swait(c - (NB - LEAD), (b + LEAD) % NB)
            if do_gather:
                gather(c + LEAD, (b + LEAD) % NB)

        def edge_sweep():
            for b in range(LEAD):
                gather(b, b)
            for b in range(NB):
                step(b, b, do_swait=b >= NB - LEAD, do_gather=True)

            def group(g, carry):
                c0 = g * NB
                for b in range(NB):
                    step(c0 + b, b, do_swait=True, do_gather=True)
                return carry

            lax.fori_loop(1, NFULL - 1, group, 0)
            c0 = (NFULL - 1) * NB
            for b in range(NB):
                step(c0 + b, b, do_swait=True,
                     do_gather=c0 + b + LEAD < TILE_CHUNKS)
            c0 = NFULL * NB
            for t in range(NTAIL):
                step(c0 + t, (c0 + t) % NB, do_swait=True, do_gather=False)
            for c in range(TILE_CHUNKS - (NB - LEAD), TILE_CHUNKS):
                swait(c, c % NB)

        edge_sweep()
        plsc.subcore_barrier()
        writeback(0)

        def bump(r, carry):
            for j in range(EDGE_CHUNK // 16):
                src_v[r, pl.ds(j * 16, 16)] = src_v[r, pl.ds(j * 16, 16)] + 1
            return carry

        lax.fori_loop(0, TILE_CHUNKS, bump, 0)
        zero_acc(1)
        plsc.subcore_barrier()
        edge_sweep()
        plsc.subcore_barrier()
        writeback(1)

    return k(table, ei3, et3, xl)


def _mlp_body(a0_ref, a1_ref, hb_ref, w1_ref, b1_ref, w2_ref,
              b2_ref, o_ref):
    s = a0_ref[...] + a1_ref[...] + hb_ref[...]
    h1 = jnp.maximum(
        jnp.dot(s, w1_ref[...], preferred_element_type=jnp.float32)
        + b1_ref[...], 0.0)
    o_ref[...] = jnp.maximum(
        jnp.dot(h1, w2_ref[...], preferred_element_type=jnp.float32)
        + b2_ref[...], 0.0)


def _mlp(aggp, hb, W1, b1, W2, b2):
    nb = N_NODES // ROW_BLOCK
    a0_spec = pl.BlockSpec((ROW_BLOCK, FEAT), lambda i: (i, 0))
    a1_spec = pl.BlockSpec((ROW_BLOCK, FEAT), lambda i: (i + nb, 0))
    row_spec = pl.BlockSpec((ROW_BLOCK, FEAT), lambda i: (i, 0))
    mat_spec = pl.BlockSpec((FEAT, FEAT), lambda i: (0, 0))
    vec_spec = pl.BlockSpec((1, FEAT), lambda i: (0, 0))
    return pl.pallas_call(
        _mlp_body,
        grid=(nb,),
        in_specs=[a0_spec, a1_spec, vec_spec, mat_spec,
                  vec_spec, mat_spec, vec_spec],
        out_specs=row_spec,
        out_shape=jax.ShapeDtypeStruct((N_NODES, FEAT), jnp.float32),
    )(aggp, aggp, hb, W1, b1, W2, b2)


def kernel(x, edge_index, etypes, weight, w_comp, loop_weight, h_bias,
           W1, b1, W2, b2):
    hall4, xl = _project(x, weight, w_comp, loop_weight)
    table = hall4.reshape(N_NODES * NUM_RELS * 2, HFEAT)
    ei3 = edge_index.astype(jnp.int32).reshape(2, CHUNK_ROWS, EDGE_CHUNK)
    et3 = etypes.astype(jnp.int32).reshape(CHUNK_ROWS, EDGE_CHUNK)
    aggp = _edge_agg(table, ei3, et3, xl)
    return _mlp(aggp, h_bias.reshape(1, FEAT), W1,
                b1.reshape(1, FEAT), W2, b2.reshape(1, FEAT))

# --- scband reference (transcript-rebuilt; emitter-appended) ---
"""Pipeline reference for scband-rginlayer-8083128451272 (READ-ONLY COPY).

The authoritative reference and input builder live on the scoring server;
editing this copy changes nothing except your own understanding.
"""

import jax, jax.numpy as jnp
import numpy as np

N_NODES = 10000
N_EDGES = 320000
IN_FEAT = 128
OUT_FEAT = 128
NUM_RELS = 8
NUM_BASES = 4


def setup_inputs(seed: int = 0) -> dict:
    key = jax.random.key(seed)
    ks = jax.random.split(key, 12)
    std = 1.0 / (OUT_FEAT ** 0.5)
    x = jax.random.normal(ks[0], (N_NODES, IN_FEAT), dtype=jnp.float32)
    edge_index = jax.random.randint(ks[1], (2, N_EDGES), 0, N_NODES, dtype=jnp.int64) if jax.config.jax_enable_x64 else jax.random.randint(ks[1], (2, N_EDGES), 0, N_NODES).astype(jnp.int32)
    etypes = jax.random.randint(ks[2], (N_EDGES,), 0, NUM_RELS).astype(edge_index.dtype)
    # RelGraphConv basis-decomposition parameters
    weight = std * jax.random.normal(ks[3], (NUM_BASES, IN_FEAT, OUT_FEAT), dtype=jnp.float32)
    w_comp = std * jax.random.normal(ks[4], (NUM_RELS, NUM_BASES), dtype=jnp.float32)
    loop_weight = std * jax.random.normal(ks[5], (IN_FEAT, OUT_FEAT), dtype=jnp.float32)
    h_bias = jnp.zeros((OUT_FEAT,), dtype=jnp.float32)
    # MLP parameters (Linear -> ReLU -> Linear -> ReLU)
    W1 = std * jax.random.normal(ks[6], (OUT_FEAT, OUT_FEAT), dtype=jnp.float32)
    b1 = jnp.zeros((OUT_FEAT,), dtype=jnp.float32)
    W2 = std * jax.random.normal(ks[7], (OUT_FEAT, OUT_FEAT), dtype=jnp.float32)
    b2 = jnp.zeros((OUT_FEAT,), dtype=jnp.float32)
    return {"x": x, "edge_index": edge_index, "etypes": etypes,
            "weight": weight, "w_comp": w_comp, "loop_weight": loop_weight,
            "h_bias": h_bias, "W1": W1, "b1": b1, "W2": W2, "b2": b2}


def reference(x, edge_index, etypes, weight, w_comp, loop_weight, h_bias, W1, b1, W2, b2):
    # RelGraphConv (basis regularizer, self_loop=True, norm=None, activation=None)
    src = edge_index[0]
    dst = edge_index[1]
    N = x.shape[0]
    # Compose per-relation weights from bases: [R, in, out]
    rel_w = jnp.einsum('rb,bio->rio', w_comp, weight)
    # Low-memory equivalent of per-edge bmm: project x through every relation,
    # then gather per (src, etype). Mathematically identical to DGL's message fn.
    h_all = jnp.einsum('ni,rio->nro', x, rel_w)  # [N, R, out]
    msg = h_all[src, etypes]                      # [E, out] gather
    agg = jax.ops.segment_sum(msg, dst, num_segments=N)  # sum aggregation at dst
    # self-loop + bias
    h = agg + x @ loop_weight + h_bias
    # MLP: Linear -> ReLU -> Linear -> ReLU (dropout p=0.0 is identity)
    h = jax.nn.relu(h @ W1 + b1)
    h = jax.nn.relu(h @ W2 + b2)
    return h

if __name__ == "__main__":
    import jax
    _d = setup_inputs()
    print(jax.jit(kernel)(*tuple(_d.values())))

</pallas_src>

<mosaic_0001>
#map = affine_map<(d0, d1) -> (0, 0)>
#map1 = affine_map<(d0, d1) -> (0, 0, 0)>
module attributes {stable_mosaic.version = 14 : i64} {
  func.func @k(%arg0: i32, %arg1: i32, %arg2: memref<160000x64xf32, #tpu.memory_space<hbm>>, %arg3: memref<2x4000x80xi32, #tpu.memory_space<hbm>>, %arg4: memref<4000x80xi32, #tpu.memory_space<hbm>>, %arg5: memref<10000x128xf32, #tpu.memory_space<hbm>>, %arg6: memref<20000x128xf32, #tpu.memory_space<hbm>>, %arg7: memref<125x80xi32, #tpu.memory_space<vmem>>, %arg8: memref<125x80xi32, #tpu.memory_space<vmem>>, %arg9: memref<125x80xi32, #tpu.memory_space<vmem>>, %arg10: memref<80x64xf32, #tpu.memory_space<vmem>>, %arg11: memref<80x64xf32, #tpu.memory_space<vmem>>, %arg12: memref<80x64xf32, #tpu.memory_space<vmem>>, %arg13: memref<80x64xf32, #tpu.memory_space<vmem>>, %arg14: memref<80x64xf32, #tpu.memory_space<vmem>>, %arg15: memref<80x64xf32, #tpu.memory_space<vmem>>, %arg16: memref<80x64xf32, #tpu.memory_space<vmem>>, %arg17: memref<80x64xf32, #tpu.memory_space<vmem>>, %arg18: memref<80x64xf32, #tpu.memory_space<vmem>>, %arg19: memref<80x64xf32, #tpu.memory_space<vmem>>, %arg20: memref<48x64xf32, #tpu.memory_space<vmem>>, %arg21: memref<10000x64xf32, #tpu.memory_space<vmem_shared>>, %arg22: memref<!tpu.dma_semaphore, #tpu.memory_space<semaphore_mem>>, %arg23: memref<!tpu.dma_semaphore, #tpu.memory_space<semaphore_mem>>, %arg24: memref<!tpu.dma_semaphore, #tpu.memory_space<semaphore_mem>>, %arg25: memref<!tpu.dma_semaphore, #tpu.memory_space<semaphore_mem>>, %arg26: memref<!tpu.dma_semaphore, #tpu.memory_space<semaphore_mem>>, %arg27: memref<!tpu.dma_semaphore, #tpu.memory_space<semaphore_mem>>, %arg28: memref<!tpu.dma_semaphore, #tpu.memory_space<semaphore_mem>>, %arg29: memref<!tpu.dma_semaphore, #tpu.memory_space<semaphore_mem>>, %arg30: memref<!tpu.dma_semaphore, #tpu.memory_space<semaphore_mem>>, %arg31: memref<!tpu.dma_semaphore, #tpu.memory_space<semaphore_mem>>, %arg32: memref<!tpu.dma_semaphore, #tpu.memory_space<semaphore_mem>>, %arg33: memref<!tpu.dma_semaphore, #tpu.memory_space<semaphore_mem>>, %arg34: memref<!tpu.dma_semaphore, #tpu.memory_space<semaphore_mem>>, %arg35: memref<!tpu.dma_semaphore, #tpu.memory_space<semaphore_mem>>, %arg36: memref<!tpu.dma_semaphore, #tpu.memory_space<semaphore_mem>>, %arg37: memref<!tpu.dma_semaphore, #tpu.memory_space<semaphore_mem>>, %arg38: memref<!tpu.dma_semaphore, #tpu.memory_space<semaphore_mem>>, %arg39: memref<!tpu.dma_semaphore, #tpu.memory_space<semaphore_mem>>, %arg40: memref<!tpu.dma_semaphore, #tpu.memory_space<semaphore_mem>>, %arg41: memref<!tpu.dma_semaphore, #tpu.memory_space<semaphore_mem>>) attributes {dimension_semantics = [#tpu.dimension_semantics<core_parallel>, #tpu.dimension_semantics<subcore_parallel>], iteration_bounds = array<i64: 2, 16>, scalar_prefetch = 0 : i64, scratch_operands = 35 : i64, tpu.core_type = #tpu.core_type<sc_vector_subcore>, window_params = [{transform_indices = #map}, {transform_indices = #map1}, {transform_indices = #map}, {transform_indices = #map}, {transform_indices = #map}]} {
    %mul3A = arith.constant 2 : i32
    %mul3A_0 = arith.muli %arg1, %mul3A : i32
    %add3A = arith.addi %mul3A_0, %arg0 : i32
    %mul3A_1 = arith.constant 624 : i32
    %mul3A_2 = arith.muli %arg1, %mul3A_1 : i32
    %eq3A = arith.constant 15 : i32
    %eq3A_3 = arith.cmpi eq, %arg1, %eq3A : i32
    %broadcast_in_dim3A = arith.constant 0.000000e+00 : f32
    %broadcast_in_dim3A_4 = vector.broadcast %broadcast_in_dim3A : f32 to vector<16xf32>
    %scan3A = arith.constant 0 : i32
    %scan3A_5 = arith.constant 0 : i32
    %scan3A_6 = arith.constant 48 : i32
    %scan3A_7 = arith.addi %scan3A_5, %scan3A_6 : i32
    %scan3A_8 = arith.constant 1 : i32
    scf.for %scan3A_1467 = %scan3A_5 to %scan3A_7 step %scan3A_8  : i32 {
      %swap3A = arith.index_cast %scan3A_1467 : i32 to index
      %swap3A_1468 = arith.constant 0 : index
      %swap3A_1469 = tpu.vector_load %arg20[%swap3A, %swap3A_1468] {strides = array<i32>} : memref<48x64xf32, #tpu.memory_space<vmem>>, vector<1x16xf32>,
      %swap3A_1470 = vector.shape_cast %swap3A_1469 : vector<1x16xf32> to vector<16xf32>
      %swap3A_1471 = vector.shape_cast %broadcast_in_dim3A_4 : vector<16xf32> to vector<1x16xf32>
      tpu.vector_store %arg20[%swap3A, %swap3A_1468], %swap3A_1471 {strides = array<i32>} : memref<48x64xf32, #tpu.memory_space<vmem>>, vector<1x16xf32>,
      %swap3A_1472 = arith.index_cast %scan3A_1467 : i32 to index
      %swap3A_1473 = arith.constant 16 : index
      %swap3A_1474 = tpu.vector_load %arg20[%swap3A_1472, %swap3A_1473] {strides = array<i32>} : memref<48x64xf32, #tpu.memory_space<vmem>>, vector<1x16xf32>,
      %swap3A_1475 = vector.shape_cast %swap3A_1474 : vector<1x16xf32> to vector<16xf32>
      %swap3A_1476 = vector.shape_cast %broadcast_in_dim3A_4 : vector<16xf32> to vector<1x16xf32>
      tpu.vector_store %arg20[%swap3A_1472, %swap3A_1473], %swap3A_1476 {strides = array<i32>} : memref<48x64xf32, #tpu.memory_space<vmem>>, vector<1x16xf32>,
      %swap3A_1477 = arith.index_cast %scan3A_1467 : i32 to index
      %swap3A_1478 = arith.constant 32 : index
      %swap3A_1479 = tpu.vector_load %arg20[%swap3A_1477, %swap3A_1478] {strides = array<i32>} : memref<48x64xf32, #tpu.memory_space<vmem>>, vector<1x16xf32>,
      %swap3A_1480 = vector.shape_cast %swap3A_1479 : vector<1x16xf32> to vector<16xf32>
      %swap3A_1481 = vector.shape_cast %broadcast_in_dim3A_4 : vector<16xf32> to vector<1x16xf32>
      tpu.vector_store %arg20[%swap3A_1477, %swap3A_1478], %swap3A_1481 {strides = array<i32>} : memref<48x64xf32, #tpu.memory_space<vmem>>, vector<1x16xf32>,
      %swap3A_1482 = arith.index_cast %scan3A_1467 : i32 to index
      %swap3A_1483 = arith.constant 48 : index
      %swap3A_1484 = tpu.vector_load %arg20[%swap3A_1482, %swap3A_1483] {strides = array<i32>} : memref<48x64xf32, #tpu.memory_space<vmem>>, vector<1x16xf32>,
      %swap3A_1485 = vector.shape_cast %swap3A_1484 : vector<1x16xf32> to vector<16xf32>
      %swap3A_1486 = vector.shape_cast %broadcast_in_dim3A_4 : vector<16xf32> to vector<1x16xf32>
      tpu.vector_store %arg20[%swap3A_1482, %swap3A_1483], %swap3A_1486 {strides = array<i32>} : memref<48x64xf32, #tpu.memory_space<vmem>>, vector<1x16xf32>,
    }
    %scan3A_9 = arith.constant 48 : i32
    %eq3A_10 = arith.constant 0 : i32
    %eq3A_11 = arith.cmpi eq, %arg0, %eq3A_10 : i32
    %convert_element_type3A = arith.extui %eq3A_11 : i1 to i32
    %cond3A = arith.constant 0 : i32
    %cond3A_12 = arith.cmpi ne, %convert_element_type3A, %cond3A : i32
    scf.if %cond3A_12 {
      "tpu.region"() ({
        %run_scoped3A_1470 = tpu.sem_alloc : memref<!tpu.dma_semaphore, #tpu.memory_space<semaphore_mem>>
        %dma_start3A_1471 = arith.constant 0 : i32
        %dma_start3A_1472 = tpu.memref_slice %arg21[%mul3A_2, %dma_start3A_1471] : memref<10000x64xf32, #tpu.memory_space<vmem_shared>> -> memref<624x64xf32, #tpu.memory_space<vmem_shared>>
        %dma_start3A_1473 = arith.constant 0 : i32
        %dma_start3A_1474 = tpu.memref_slice %arg5[%mul3A_2, %dma_start3A_1473] : memref<10000x128xf32, #tpu.memory_space<hbm>> -> memref<624x64xf32, #tpu.memory_space<hbm>>
        tpu.enqueue_dma source(%dma_start3A_1474 : memref<624x64xf32, #tpu.memory_space<hbm>>) target(%dma_start3A_1472 : memref<624x64xf32, #tpu.memory_space<vmem_shared>>) target_semaphore(%run_scoped3A_1470 : memref<!tpu.dma_semaphore, #tpu.memory_space<semaphore_mem>>)
        %dma_wait3A_1475 = arith.constant 0 : i32
        %dma_wait3A_1476 = tpu.memref_slice %arg21[%mul3A_2, %dma_wait3A_1475] : memref<10000x64xf32, #tpu.memory_space<vmem_shared>> -> memref<624x64xf32, #tpu.memory_space<vmem_shared>>
        %dma_wait3A_1477 = arith.constant 0 : i32
        %dma_wait3A_1478 = tpu.memref_slice %arg5[%mul3A_2, %dma_wait3A_1477] : memref<10000x128xf32, #tpu.memory_space<hbm>> -> memref<624x64xf32, #tpu.memory_space<hbm>>
        tpu.wait_dma2 semaphore(%run_scoped3A_1470 : memref<!tpu.dma_semaphore, #tpu.memory_space<semaphore_mem>>) src(%dma_wait3A_1478 : memref<624x64xf32, #tpu.memory_space<hbm>>) dst(%dma_wait3A_1476 : memref<624x64xf32, #tpu.memory_space<vmem_shared>>)
        tpu.yield
      }) : () -> ()
      %convert_element_type3A_1467 = arith.extui %eq3A_3 : i1 to i32
      %cond3A_1468 = arith.constant 0 : i32
      %cond3A_1469 = arith.cmpi ne, %convert_element_type3A_1467, %cond3A_1468 : i32
      scf.if %cond3A_1469 {
        "tpu.region"() ({
          %run_scoped3A_1470 = tpu.sem_alloc : memref<!tpu.dma_semaphore, #tpu.memory_space<semaphore_mem>>
          %dma_start3A_1471 = arith.constant 9984 : i32
          %dma_start3A_1472 = arith.constant 0 : i32
          %dma_start3A_1473 = tpu.memref_slice %arg21[%dma_start3A_1471, %dma_start3A_1472] : memref<10000x64xf32, #tpu.memory_space<vmem_shared>> -> memref<16x64xf32, #tpu.memory_space<vmem_shared>>
          %dma_start3A_1474 = arith.constant 9984 : i32
          %dma_start3A_1475 = arith.constant 0 : i32
          %dma_start3A_1476 = tpu.memref_slice %arg5[%dma_start3A_1474, %dma_start3A_1475] : memref<10000x128xf32, #tpu.memory_space<hbm>> -> memref<16x64xf32, #tpu.memory_space<hbm>>
          tpu.enqueue_dma source(%dma_start3A_1476 : memref<16x64xf32, #tpu.memory_space<hbm>>) target(%dma_start3A_1473 : memref<16x64xf32, #tpu.memory_space<vmem_shared>>) target_semaphore(%run_scoped3A_1470 : memref<!tpu.dma_semaphore, #tpu.memory_space<semaphore_mem>>)
          %dma_wait3A_1477 = arith.constant 9984 : i32
          %dma_wait3A_1478 = arith.constant 0 : i32
          %dma_wait3A_1479 = tpu.memref_slice %arg21[%dma_wait3A_1477, %dma_wait3A_1478] : memref<10000x64xf32, #tpu.memory_space<vmem_shared>> -> memref<16x64xf32, #tpu.memory_space<vmem_shared>>
          %dma_wait3A_1480 = arith.constant 9984 : i32
          %dma_wait3A_1481 = arith.constant 0 : i32
          %dma_wait3A_1482 = tpu.memref_slice %arg5[%dma_wait3A_1480, %dma_wait3A_1481] : memref<10000x128xf32, #tpu.memory_space<hbm>> -> memref<16x64xf32, #tpu.memory_space<hbm>>
          tpu.wait_dma2 semaphore(%run_scoped3A_1470 : memref<!tpu.dma_semaphore, #tpu.memory_space<semaphore_mem>>) src(%dma_wait3A_1482 : memref<16x64xf32, #tpu.memory_space<hbm>>) dst(%dma_wait3A_1479 : memref<16x64xf32, #tpu.memory_space<vmem_shared>>)
          tpu.yield
        }) : () -> ()
      } else {
      }
    } else {
    }
    %ne3A = arith.constant 0 : i32
    %ne3A_13 = arith.cmpi ne, %arg0, %ne3A : i32
    %convert_element_type3A_14 = arith.extui %ne3A_13 : i1 to i32
    %cond3A_15 = arith.constant 0 : i32
    %cond3A_16 = arith.cmpi ne, %convert_element_type3A_14, %cond3A_15 : i32
    scf.if %cond3A_16 {
      %add3A_1467 = arith.constant 0 : i32
      %add3A_1468 = arith.addi %mul3A_2, %add3A_1467 : i32
      "tpu.region"() ({
        %run_scoped3A_1496 = tpu.sem_alloc : memref<!tpu.dma_semaphore, #tpu.memory_space<semaphore_mem>>
        %dma_start3A_1497 = arith.constant 0 : i32
        %dma_start3A_1498 = tpu.memref_slice %arg21[%add3A_1468, %dma_start3A_1497] : memref<10000x64xf32, #tpu.memory_space<vmem_shared>> -> memref<48x64xf32, #tpu.memory_space<vmem_shared>>
        %dma_start3A_1499 = arith.constant 0 : i32
        %dma_start3A_1500 = tpu.memref_slice %arg21[%add3A_1468, %dma_start3A_1499] : memref<10000x64xf32, #tpu.memory_space<vmem_shared>> -> memref<48x64xf32, #tpu.memory_space<vmem_shared>>
        tpu.enqueue_dma source(%arg20 : memref<48x64xf32, #tpu.memory_space<vmem>>) target(%dma_start3A_1500 : memref<48x64xf32, #tpu.memory_space<vmem_shared>>) target_semaphore(%run_scoped3A_1496 : memref<!tpu.dma_semaphore, #tpu.memory_space<semaphore_mem>>)
        %dma_wait3A_1501 = arith.constant 0 : i32
        %dma_wait3A_1502 = tpu.memref_slice %arg21[%add3A_1468, %dma_wait3A_1501] : memref<10000x64xf32, #tpu.memory_space<vmem_shared>> -> memref<48x64xf32, #tpu.memory_space<vmem_shared>>
        %dma_wait3A_1503 = arith.constant 0 : i32
        %dma_wait3A_1504 = tpu.memref_slice %arg21[%add3A_1468, %dma_wait3A_1503] : memref<10000x64xf32, #tpu.memory_space<vmem_shared>> -> memref<48x64xf32, #tpu.memory_space<vmem_shared>>
        tpu.wait_dma2 semaphore(%run_scoped3A_1496 : memref<!tpu.dma_semaphore, #tpu.memory_space<semaphore_mem>>) src(%arg20 : memref<48x64xf32, #tpu.memory_space<vmem>>) dst(%dma_wait3A_1504 : memref<48x64xf32, #tpu.memory_space<vmem_shared>>)
        tpu.yield
      }) : () -> ()
      %add3A_1469 = arith.constant 48 : i32
      %add3A_1470 = arith.addi %mul3A_2, %add3A_1469 : i32
      "tpu.region"() ({
        %run_scoped3A_1496 = tpu.sem_alloc : memref<!tpu.dma_semaphore, #tpu.memory_space<semaphore_mem>>
        %dma_start3A_1497 = arith.constant 0 : i32
        %dma_start3A_1498 = tpu.memref_slice %arg21[%add3A_1470, %dma_start3A_1497] : memref<10000x64xf32, #tpu.memory_space<vmem_shared>> -> memref<48x64xf32, #tpu.memory_space<vmem_shared>>
        %dma_start3A_1499 = arith.constant 0 : i32
        %dma_start3A_1500 = tpu.memref_slice %arg21[%add3A_1470, %dma_start3A_1499] : memref<10000x64xf32, #tpu.memory_space<vmem_shared>> -> memref<48x64xf32, #tpu.memory_space<vmem_shared>>
        tpu.enqueue_dma source(%arg20 : memref<48x64xf32, #tpu.memory_space<vmem>>) target(%dma_start3A_1500 : memref<48x64xf32, #tpu.memory_space<vmem_shared>>) target_semaphore(%run_scoped3A_1496 : memref<!tpu.dma_semaphore, #tpu.memory_space<semaphore_mem>>)
        %dma_wait3A_1501 = arith.constant 0 : i32
        %dma_wait3A_1502 = tpu.memref_slice %arg21[%add3A_1470, %dma_wait3A_1501] : memref<10000x64xf32, #tpu.memory_space<vmem_shared>> -> memref<48x64xf32, #tpu.memory_space<vmem_shared>>
        %dma_wait3A_1503 = arith.constant 0 : i32
        %dma_wait3A_1504 = tpu.memref_slice %arg21[%add3A_1470, %dma_wait3A_1503] : memref<10000x64xf32, #tpu.memory_space<vmem_shared>> -> memref<48x64xf32, #tpu.memory_space<vmem_shared>>
        tpu.wait_dma2 semaphore(%run_scoped3A_1496 : memref<!tpu.dma_semaphore, #tpu.memory_space<semaphore_mem>>) src(%arg20 : memref<48x64xf32, #tpu.memory_space<vmem>>) dst(%dma_wait3A_1504 : memref<48x64xf32, #tpu.memory_space<vmem_shared>>)
        tpu.yield
      }) : () -> ()
      %add3A_1471 = arith.constant 96 : i32
      %add3A_1472 = arith.addi %mul3A_2, %add3A_1471 : i32
      "tpu.region"() ({
        %run_scoped3A_1496 = tpu.sem_alloc : memref<!tpu.dma_semaphore, #tpu.memory_space<semaphore_mem>>
        %dma_start3A_1497 = arith.constant 0 : i32
        %dma_start3A_1498 = tpu.memref_slice %arg21[%add3A_1472, %dma_start3A_1497] : memref<10000x64xf32, #tpu.memory_space<vmem_shared>> -> memref<48x64xf32, #tpu.memory_space<vmem_shared>>
        %dma_start3A_1499 = arith.constant 0 : i32
        %dma_start3A_1500 = tpu.memref_slice %arg21[%add3A_1472, %dma_start3A_1499] : memref<10000x64xf32, #tpu.memory_space<vmem_shared>> -> memref<48x64xf32, #tpu.memory_space<vmem_shared>>
        tpu.enqueue_dma source(%arg20 : memref<48x64xf32, #tpu.memory_space<vmem>>) target(%dma_start3A_1500 : memref<48x64xf32, #tpu.memory_space<vmem_shared>>) target_semaphore(%run_scoped3A_1496 : memref<!tpu.dma_semaphore, #tpu.memory_space<semaphore_mem>>)
        %dma_wait3A_1501 = arith.constant 0 : i32
        %dma_wait3A_1502 = tpu.memref_slice %arg21[%add3A_1472, %dma_wait3A_1501] : memref<10000x64xf32, #tpu.memory_space<vmem_shared>> -> memref<48x64xf32, #tpu.memory_space<vmem_shared>>
        %dma_wait3A_1503 = arith.constant 0 : i32
        %dma_wait3A_1504 = tpu.memref_slice %arg21[%add3A_1472, %dma_wait3A_1503] : memref<10000x64xf32, #tpu.memory_space<vmem_shared>> -> memref<48x64xf32, #tpu.memory_space<vmem_shared>>
        tpu.wait_dma2 semaphore(%run_scoped3A_1496 : memref<!tpu.dma_semaphore, #tpu.memory_space<semaphore_mem>>) src(%arg20 : memref<48x64xf32, #tpu.memory_space<vmem>>) dst(%dma_wait3A_1504 : memref<48x64xf32, #tpu.memory_space<vmem_shared>>)
        tpu.yield
      }) : () -> ()
      %add3A_1473 = arith.constant 144 : i32
      %add3A_1474 = arith.addi %mul3A_2, %add3A_1473 : i32
      "tpu.region"() ({
        %run_scoped3A_1496 = tpu.sem_alloc : memref<!tpu.dma_semaphore, #tpu.memory_space<semaphore_mem>>
        %dma_start3A_1497 = arith.constant 0 : i32
        %dma_start3A_1498 = tpu.memref_slice %arg21[%add3A_1474, %dma_start3A_1497] : memref<10000x64xf32, #tpu.memory_space<vmem_shared>> -> memref<48x64xf32, #tpu.memory_space<vmem_shared>>
        %dma_start3A_1499 = arith.constant 0 : i32
        %dma_start3A_1500 = tpu.memref_slice %arg21[%add3A_1474, %dma_start3A_1499] : memref<10000x64xf32, #tpu.memory_space<vmem_shared>> -> memref<48x64xf32, #tpu.memory_space<vmem_shared>>
        tpu.enqueue_dma source(%arg20 : memref<48x64xf32, #tpu.memory_space<vmem>>) target(%dma_start3A_1500 : memref<48x64xf32, #tpu.memory_space<vmem_shared>>) target_semaphore(%run_scoped3A_1496 : memref<!tpu.dma_semaphore, #tpu.memory_space<semaphore_mem>>)
        %dma_wait3A_1501 = arith.constant 0 : i32
        %dma_wait3A_1502 = tpu.memref_slice %arg21[%add3A_1474, %dma_wait3A_1501] : memref<10000x64xf32, #tpu.memory_space<vmem_shared>> -> memref<48x64xf32, #tpu.memory_space<vmem_shared>>
        %dma_wait3A_1503 = arith.constant 0 : i32
        %dma_wait3A_1504 = tpu.memref_slice %arg21[%add3A_1474, %dma_wait3A_1503] : memref<10000x64xf32, #tpu.memory_space<vmem_shared>> -> memref<48x64xf32, #tpu.memory_space<vmem_shared>>
        tpu.wait_dma2 semaphore(%run_scoped3A_1496 : memref<!tpu.dma_semaphore, #tpu.memory_space<semaphore_mem>>) src(%arg20 : memref<48x64xf32, #tpu.memory_space<vmem>>) dst(%dma_wait3A_1504 : memref<48x64xf32, #tpu.memory_space<vmem_shared>>)
        tpu.yield
      }) : () -> ()
      %add3A_1475 = arith.constant 192 : i32
      %add3A_1476 = arith.addi %mul3A_2, %add3A_1475 : i32
      "tpu.region"() ({
        %run_scoped3A_1496 = tpu.sem_alloc : memref<!tpu.dma_semaphore, #tpu.memory_space<semaphore_mem>>
        %dma_start3A_1497 = arith.constant 0 : i32
        %dma_start3A_1498 = tpu.memref_slice %arg21[%add3A_1476, %dma_start3A_1497] : memref<10000x64xf32, #tpu.memory_space<vmem_shared>> -> memref<48x64xf32, #tpu.memory_space<vmem_shared>>
        %dma_start3A_1499 = arith.constant 0 : i32
        %dma_start3A_1500 = tpu.memref_slice %arg21[%add3A_1476, %dma_start3A_1499] : memref<10000x64xf32, #tpu.memory_space<vmem_shared>> -> memref<48x64xf32, #tpu.memory_space<vmem_shared>>
        tpu.enqueue_dma source(%arg20 : memref<48x64xf32, #tpu.memory_space<vmem>>) target(%dma_start3A_1500 : memref<48x64xf32, #tpu.memory_space<vmem_shared>>) target_semaphore(%run_scoped3A_1496 : memref<!tpu.dma_semaphore, #tpu.memory_space<semaphore_mem>>)
        %dma_wait3A_1501 = arith.constant 0 : i32
        %dma_wait3A_1502 = tpu.memref_slice %arg21[%add3A_1476, %dma_wait3A_1501] : memref<10000x64xf32, #tpu.memory_space<vmem_shared>> -> memref<48x64xf32, #tpu.memory_space<vmem_shared>>
        %dma_wait3A_1503 = arith.constant 0 : i32
        %dma_wait3A_1504 = tpu.memref_slice %arg21[%add3A_1476, %dma_wait3A_1503] : memref<10000x64xf32, #tpu.memory_space<vmem_shared>> -> memref<48x64xf32, #tpu.memory_space<vmem_shared>>
        tpu.wait_dma2 semaphore(%run_scoped3A_1496 : memref<!tpu.dma_semaphore, #tpu.memory_space<semaphore_mem>>) src(%arg20 : memref<48x64xf32, #tpu.memory_space<vmem>>) dst(%dma_wait3A_1504 : memref<48x64xf32, #tpu.memory_space<vmem_shared>>)
        tpu.yield
      }) : () -> ()
      %add3A_1477 = arith.constant 240 : i32
      %add3A_1478 = arith.addi %mul3A_2, %add3A_1477 : i32
      "tpu.region"() ({
        %run_scoped3A_1496 = tpu.sem_alloc : memref<!tpu.dma_semaphore, #tpu.memory_space<semaphore_mem>>
        %dma_start3A_1497 = arith.constant 0 : i32
        %dma_start3A_1498 = tpu.memref_slice %arg21[%add3A_1478, %dma_start3A_1497] : memref<10000x64xf32, #tpu.memory_space<vmem_shared>> -> memref<48x64xf32, #tpu.memory_space<vmem_shared>>
        %dma_start3A_1499 = arith.constant 0 : i32
        %dma_start3A_1500 = tpu.memref_slice %arg21[%add3A_1478, %dma_start3A_1499] : memref<10000x64xf32, #tpu.memory_space<vmem_shared>> -> memref<48x64xf32, #tpu.memory_space<vmem_shared>>
        tpu.enqueue_dma source(%arg20 : memref<48x64xf32, #tpu.memory_space<vmem>>) target(%dma_start3A_1500 : memref<48x64xf32, #tpu.memory_space<vmem_shared>>) target_semaphore(%run_scoped3A_1496 : memref<!tpu.dma_semaphore, #tpu.memory_space<semaphore_mem>>)
        %dma_wait3A_1501 = arith.constant 0 : i32
        %dma_wait3A_1502 = tpu.memref_slice %arg21[%add3A_1478, %dma_wait3A_1501] : memref<10000x64xf32, #tpu.memory_space<vmem_shared>> -> memref<48x64xf32, #tpu.memory_space<vmem_shared>>
        %dma_wait3A_1503 = arith.constant 0 : i32
        %dma_wait3A_1504 = tpu.memref_slice %arg21[%add3A_1478, %dma_wait3A_1503] : memref<10000x64xf32, #tpu.memory_space<vmem_shared>> -> memref<48x64xf32, #tpu.memory_space<vmem_shared>>
        tpu.wait_dma2 semaphore(%run_scoped3A_1496 : memref<!tpu.dma_semaphore, #tpu.memory_space<semaphore_mem>>) src(%arg20 : memref<48x64xf32, #tpu.memory_space<vmem>>) dst(%dma_wait3A_1504 : memref<48x64xf32, #tpu.memory_space<vmem_shared>>)
        tpu.yield
      }) : () -> ()
      %add3A_1479 = arith.constant 288 : i32
      %add3A_1480 = arith.addi %mul3A_2, %add3A_1479 : i32
      "tpu.region"() ({
        %run_scoped3A_1496 = tpu.sem_alloc : memref<!tpu.dma_semaphore, #tpu.memory_space<semaphore_mem>>
        %dma_start3A_1497 = arith.constant 0 : i32
        %dma_start3A_1498 = tpu.memref_slice %arg21[%add3A_1480, %dma_start3A_1497] : memref<10000x64xf32, #tpu.memory_space<vmem_shared>> -> memref<48x64xf32, #tpu.memory_space<vmem_shared>>
        %dma_start3A_1499 = arith.constant 0 : i32
        %dma_start3A_1500 = tpu.memref_slice %arg21[%add3A_1480, %dma_start3A_1499] : memref<10000x64xf32, #tpu.memory_space<vmem_shared>> -> memref<48x64xf32, #tpu.memory_space<vmem_shared>>
        tpu.enqueue_dma source(%arg20 : memref<48x64xf32, #tpu.memory_space<vmem>>) target(%dma_start3A_1500 : memref<48x64xf32, #tpu.memory_space<vmem_shared>>) target_semaphore(%run_scoped3A_1496 : memref<!tpu.dma_semaphore, #tpu.memory_space<semaphore_mem>>)
        %dma_wait3A_1501 = arith.constant 0 : i32
        %dma_wait3A_1502 = tpu.memref_slice %arg21[%add3A_1480, %dma_wait3A_1501] : memref<10000x64xf32, #tpu.memory_space<vmem_shared>> -> memref<48x64xf32, #tpu.memory_space<vmem_shared>>
        %dma_wait3A_1503 = arith.constant 0 : i32
        %dma_wait3A_1504 = tpu.memref_slice %arg21[%add3A_1480, %dma_wait3A_1503] : memref<10000x64xf32, #tpu.memory_space<vmem_shared>> -> memref<48x64xf32, #tpu.memory_space<vmem_shared>>
        tpu.wait_dma2 semaphore(%run_scoped3A_1496 : memref<!tpu.dma_semaphore, #tpu.memory_space<semaphore_mem>>) src(%arg20 : memref<48x64xf32, #tpu.memory_space<vmem>>) dst(%dma_wait3A_1504 : memref<48x64xf32, #tpu.memory_space<vmem_shared>>)
        tpu.yield
      }) : () -> ()
      %add3A_1481 = arith.constant 336 : i32
      %add3A_1482 = arith.addi %mul3A_2, %add3A_1481 : i32
      "tpu.region"() ({
        %run_scoped3A_1496 = tpu.sem_alloc : memref<!tpu.dma_semaphore, #tpu.memory_space<semaphore_mem>>
        %dma_start3A_1497 = arith.constant 0 : i32
        %dma_start3A_1498 = tpu.memref_slice %arg21[%add3A_1482, %dma_start3A_1497] : memref<10000x64xf32, #tpu.memory_space<vmem_shared>> -> memref<48x64xf32, #tpu.memory_space<vmem_shared>>
        %dma_start3A_1499 = arith.constant 0 : i32
        %dma_start3A_1500 = tpu.memref_slice %arg21[%add3A_1482, %dma_start3A_1499] : memref<10000x64xf32, #tpu.memory_space<vmem_shared>> -> memref<48x64xf32, #tpu.memory_space<vmem_shared>>
        tpu.enqueue_dma source(%arg20 : memref<48x64xf32, #tpu.memory_space<vmem>>) target(%dma_start3A_1500 : memref<48x64xf32, #tpu.memory_space<vmem_shared>>) target_semaphore(%run_scoped3A_1496 : memref<!tpu.dma_semaphore, #tpu.memory_space<semaphore_mem>>)
        %dma_wait3A_1501 = arith.constant 0 : i32
        %dma_wait3A_1502 = tpu.memref_slice %arg21[%add3A_1482, %dma_wait3A_1501] : memref<10000x64xf32, #tpu.memory_space<vmem_shared>> -> memref<48x64xf32, #tpu.memory_space<vmem_shared>>
        %dma_wait3A_1503 = arith.constant 0 : i32
        %dma_wait3A_1504 = tpu.memref_slice %arg21[%add3A_1482, %dma_wait3A_1503] : memref<10000x64xf32, #tpu.memory_space<vmem_shared>> -> memref<48x64xf32, #tpu.memory_space<vmem_shared>>
        tpu.wait_dma2 semaphore(%run_scoped3A_1496 : memref<!tpu.dma_semaphore, #tpu.memory_space<semaphore_mem>>) src(%arg20 : memref<48x64xf32, #tpu.memory_space<vmem>>) dst(%dma_wait3A_1504 : memref<48x64xf32, #tpu.memory_space<vmem_shared>>)
        tpu.yield
      }) : () -> ()
      %add3A_1483 = arith.constant 384 : i32
      %add3A_1484 = arith.addi %mul3A_2, %add3A_1483 : i32
      "tpu.region"() ({
        %run_scoped3A_1496 = tpu.sem_alloc : memref<!tpu.dma_semaphore, #tpu.memory_space<semaphore_mem>>
        %dma_start3A_1497 = arith.constant 0 : i32
        %dma_start3A_1498 = tpu.memref_slice %arg21[%add3A_1484, %dma_start3A_1497] : memref<10000x64xf32, #tpu.memory_space<vmem_shared>> -> memref<48x64xf32, #tpu.memory_space<vmem_shared>>
        %dma_start3A_1499 = arith.constant 0 : i32
        %dma_start3A_1500 = tpu.memref_slice %arg21[%add3A_1484, %dma_start3A_1499] : memref<10000x64xf32, #tpu.memory_space<vmem_shared>> -> memref<48x64xf32, #tpu.memory_space<vmem_shared>>
        tpu.enqueue_dma source(%arg20 : memref<48x64xf32, #tpu.memory_space<vmem>>) target(%dma_start3A_1500 : memref<48x64xf32, #tpu.memory_space<vmem_shared>>) target_semaphore(%run_scoped3A_1496 : memref<!tpu.dma_semaphore, #tpu.memory_space<semaphore_mem>>)
        %dma_wait3A_1501 = arith.constant 0 : i32
        %dma_wait3A_1502 = tpu.memref_slice %arg21[%add3A_1484, %dma_wait3A_1501] : memref<10000x64xf32, #tpu.memory_space<vmem_shared>> -> memref<48x64xf32, #tpu.memory_space<vmem_shared>>
        %dma_wait3A_1503 = arith.constant 0 : i32
        %dma_wait3A_1504 = tpu.memref_slice %arg21[%add3A_1484, %dma_wait3A_1503] : memref<10000x64xf32, #tpu.memory_space<vmem_shared>> -> memref<48x64xf32, #tpu.memory_space<vmem_shared>>
        tpu.wait_dma2 semaphore(%run_scoped3A_1496 : memref<!tpu.dma_semaphore, #tpu.memory_space<semaphore_mem>>) src(%arg20 : memref<48x64xf32, #tpu.memory_space<vmem>>) dst(%dma_wait3A_1504 : memref<48x64xf32, #tpu.memory_space<vmem_shared>>)
        tpu.yield
      }) : () -> ()
      %add3A_1485 = arith.constant 432 : i32
      %add3A_1486 = arith.addi %mul3A_2, %add3A_1485 : i32
      "tpu.region"() ({
        %run_scoped3A_1496 = tpu.sem_alloc : memref<!tpu.dma_semaphore, #tpu.memory_space<semaphore_mem>>
        %dma_start3A_1497 = arith.constant 0 : i32
        %dma_start3A_1498 = tpu.memref_slice %arg21[%add3A_1486, %dma_start3A_1497] : memref<10000x64xf32, #tpu.memory_space<vmem_shared>> -> memref<48x64xf32, #tpu.memory_space<vmem_shared>>
        %dma_start3A_1499 = arith.constant 0 : i32
        %dma_start3A_1500 = tpu.memref_slice %arg21[%add3A_1486, %dma_start3A_1499] : memref<10000x64xf32, #tpu.memory_space<vmem_shared>> -> memref<48x64xf32, #tpu.memory_space<vmem_shared>>
        tpu.enqueue_dma source(%arg20 : memref<48x64xf32, #tpu.memory_space<vmem>>) target(%dma_start3A_1500 : memref<48x64xf32, #tpu.memory_space<vmem_shared>>) target_semaphore(%run_scoped3A_1496 : memref<!tpu.dma_semaphore, #tpu.memory_space<semaphore_mem>>)
        %dma_wait3A_1501 = arith.constant 0 : i32
        %dma_wait3A_1502 = tpu.memref_slice %arg21[%add3A_1486, %dma_wait3A_1501] : memref<10000x64xf32, #tpu.memory_space<vmem_shared>> -> memref<48x64xf32, #tpu.memory_space<vmem_shared>>
        %dma_wait3A_1503 = arith.constant 0 : i32
        %dma_wait3A_1504 = tpu.memref_slice %arg21[%add3A_1486, %dma_wait3A_1503] : memref<10000x64xf32, #tpu.memory_space<vmem_shared>> -> memref<48x64xf32, #tpu.memory_space<vmem_shared>>
        tpu.wait_dma2 semaphore(%run_scoped3A_1496 : memref<!tpu.dma_semaphore, #tpu.memory_space<semaphore_mem>>) src(%arg20 : memref<48x64xf32, #tpu.memory_space<vmem>>) dst(%dma_wait3A_1504 : memref<48x64xf32, #tpu.memory_space<vmem_shared>>)
        tpu.yield
      }) : () -> ()
      %add3A_1487 = arith.constant 480 : i32
      %add3A_1488 = arith.addi %mul3A_2, %add3A_1487 : i32
      "tpu.region"() ({
        %run_scoped3A_1496 = tpu.sem_alloc : memref<!tpu.dma_semaphore, #tpu.memory_space<semaphore_mem>>
        %dma_start3A_1497 = arith.constant 0 : i32
        %dma_start3A_1498 = tpu.memref_slice %arg21[%add3A_1488, %dma_start3A_1497] : memref<10000x64xf32, #tpu.memory_space<vmem_shared>> -> memref<48x64xf32, #tpu.memory_space<vmem_shared>>
        %dma_start3A_1499 = arith.constant 0 : i32
        %dma_start3A_1500 = tpu.memref_slice %arg21[%add3A_1488, %dma_start3A_1499] : memref<10000x64xf32, #tpu.memory_space<vmem_shared>> -> memref<48x64xf32, #tpu.memory_space<vmem_shared>>
        tpu.enqueue_dma source(%arg20 : memref<48x64xf32, #tpu.memory_space<vmem>>) target(%dma_start3A_1500 : memref<48x64xf32, #tpu.memory_space<vmem_shared>>) target_semaphore(%run_scoped3A_1496 : memref<!tpu.dma_semaphore, #tpu.memory_space<semaphore_mem>>)
        %dma_wait3A_1501 = arith.constant 0 : i32
        %dma_wait3A_1502 = tpu.memref_slice %arg21[%add3A_1488, %dma_wait3A_1501] : memref<10000x64xf32, #tpu.memory_space<vmem_shared>> -> memref<48x64xf32, #tpu.memory_space<vmem_shared>>
        %dma_wait3A_1503 = arith.constant 0 : i32
        %dma_wait3A_1504 = tpu.memref_slice %arg21[%add3A_1488, %dma_wait3A_1503] : memref<10000x64xf32, #tpu.memory_space<vmem_shared>> -> memref<48x64xf32, #tpu.memory_space<vmem_shared>>
        tpu.wait_dma2 semaphore(%run_scoped3A_1496 : memref<!tpu.dma_semaphore, #tpu.memory_space<semaphore_mem>>) src(%arg20 : memref<48x64xf32, #tpu.memory_space<vmem>>) dst(%dma_wait3A_1504 : memref<48x64xf32, #tpu.memory_space<vmem_shared>>)
        tpu.yield
      }) : () -> ()
      %add3A_1489 = arith.constant 528 : i32
      %add3A_1490 = arith.addi %mul3A_2, %add3A_1489 : i32
      "tpu.region"() ({
        %run_scoped3A_1496 = tpu.sem_alloc : memref<!tpu.dma_semaphore, #tpu.memory_space<semaphore_mem>>
        %dma_start3A_1497 = arith.constant 0 : i32
        %dma_start3A_1498 = tpu.memref_slice %arg21[%add3A_1490, %dma_start3A_1497] : memref<10000x64xf32, #tpu.memory_space<vmem_shared>> -> memref<48x64xf32, #tpu.memory_space<vmem_shared>>
        %dma_start3A_1499 = arith.constant 0 : i32
        %dma_start3A_1500 = tpu.memref_slice %arg21[%add3A_1490, %dma_start3A_1499] : memref<10000x64xf32, #tpu.memory_space<vmem_shared>> -> memref<48x64xf32, #tpu.memory_space<vmem_shared>>
        tpu.enqueue_dma source(%arg20 : memref<48x64xf32, #tpu.memory_space<vmem>>) target(%dma_start3A_1500 : memref<48x64xf32, #tpu.memory_space<vmem_shared>>) target_semaphore(%run_scoped3A_1496 : memref<!tpu.dma_semaphore, #tpu.memory_space<semaphore_mem>>)
        %dma_wait3A_1501 = arith.constant 0 : i32
        %dma_wait3A_1502 = tpu.memref_slice %arg21[%add3A_1490, %dma_wait3A_1501] : memref<10000x64xf32, #tpu.memory_space<vmem_shared>> -> memref<48x64xf32, #tpu.memory_space<vmem_shared>>
        %dma_wait3A_1503 = arith.constant 0 : i32
        %dma_wait3A_1504 = tpu.memref_slice %arg21[%add3A_1490, %dma_wait3A_1503] : memref<10000x64xf32, #tpu.memory_space<vmem_shared>> -> memref<48x64xf32, #tpu.memory_space<vmem_shared>>
        tpu.wait_dma2 semaphore(%run_scoped3A_1496 : memref<!tpu.dma_semaphore, #tpu.memory_space<semaphore_mem>>) src(%arg20 : memref<48x64xf32, #tpu.memory_space<vmem>>) dst(%dma_wait3A_1504 : memref<48x64xf32, #tpu.memory_space<vmem_shared>>)
        tpu.yield
      }) : () -> ()
      %add3A_1491 = arith.constant 576 : i32
      %add3A_1492 = arith.addi %mul3A_2, %add3A_1491 : i32
      "tpu.region"() ({
        %run_scoped3A_1496 = tpu.sem_alloc : memref<!tpu.dma_semaphore, #tpu.memory_space<semaphore_mem>>
        %dma_start3A_1497 = arith.constant 0 : i32
        %dma_start3A_1498 = tpu.memref_slice %arg21[%add3A_1492, %dma_start3A_1497] : memref<10000x64xf32, #tpu.memory_space<vmem_shared>> -> memref<48x64xf32, #tpu.memory_space<vmem_shared>>
        %dma_start3A_1499 = arith.constant 0 : i32
        %dma_start3A_1500 = tpu.memref_slice %arg21[%add3A_1492, %dma_start3A_1499] : memref<10000x64xf32, #tpu.memory_space<vmem_shared>> -> memref<48x64xf32, #tpu.memory_space<vmem_shared>>
        tpu.enqueue_dma source(%arg20 : memref<48x64xf32, #tpu.memory_space<vmem>>) target(%dma_start3A_1500 : memref<48x64xf32, #tpu.memory_space<vmem_shared>>) target_semaphore(%run_scoped3A_1496 : memref<!tpu.dma_semaphore, #tpu.memory_space<semaphore_mem>>)
        %dma_wait3A_1501 = arith.constant 0 : i32
        %dma_wait3A_1502 = tpu.memref_slice %arg21[%add3A_1492, %dma_wait3A_1501] : memref<10000x64xf32, #tpu.memory_space<vmem_shared>> -> memref<48x64xf32, #tpu.memory_space<vmem_shared>>
        %dma_wait3A_1503 = arith.constant 0 : i32
        %dma_wait3A_1504 = tpu.memref_slice %arg21[%add3A_1492, %dma_wait3A_1503] : memref<10000x64xf32, #tpu.memory_space<vmem_shared>> -> memref<48x64xf32, #tpu.memory_space<vmem_shared>>
        tpu.wait_dma2 semaphore(%run_scoped3A_1496 : memref<!tpu.dma_semaphore, #tpu.memory_space<semaphore_mem>>) src(%arg20 : memref<48x64xf32, #tpu.memory_space<vmem>>) dst(%dma_wait3A_1504 : memref<48x64xf32, #tpu.memory_space<vmem_shared>>)
        tpu.yield
      }) : () -> ()
      %convert_element_type3A_1493 = arith.extui %eq3A_3 : i1 to i32
      %cond3A_1494 = arith.constant 0 : i32
      %cond3A_1495 = arith.cmpi ne, %convert_element_type3A_1493, %cond3A_1494 : i32
      scf.if %cond3A_1495 {
        "tpu.region"() ({
          %run_scoped3A_1496 = tpu.sem_alloc : memref<!tpu.dma_semaphore, #tpu.memory_space<semaphore_mem>>
          %dma_start3A_1497 = arith.constant 0 : i32
          %dma_start3A_1498 = arith.constant 0 : i32
          %dma_start3A_1499 = tpu.memref_slice %arg20[%dma_start3A_1497, %dma_start3A_1498] : memref<48x64xf32, #tpu.memory_space<vmem>> -> memref<16x64xf32, #tpu.memory_space<vmem>>
          %dma_start3A_1500 = arith.constant 9984 : i32
          %dma_start3A_1501 = arith.constant 0 : i32
          %dma_start3A_1502 = tpu.memref_slice %arg21[%dma_start3A_1500, %dma_start3A_1501] : memref<10000x64xf32, #tpu.memory_space<vmem_shared>> -> memref<16x64xf32, #tpu.memory_space<vmem_shared>>
          %dma_start3A_1503 = arith.constant 9984 : i32
          %dma_start3A_1504 = arith.constant 0 : i32
          %dma_start3A_1505 = tpu.memref_slice %arg21[%dma_start3A_1503, %dma_start3A_1504] : memref<10000x64xf32, #tpu.memory_space<vmem_shared>> -> memref<16x64xf32, #tpu.memory_space<vmem_shared>>
          %dma_start3A_1506 = arith.constant 0 : i32
          %dma_start3A_1507 = arith.constant 0 : i32
          %dma_start3A_1508 = tpu.memref_slice %arg20[%dma_start3A_1506, %dma_start3A_1507] : memref<48x64xf32, #tpu.memory_space<vmem>> -> memref<16x64xf32, #tpu.memory_space<vmem>>
          tpu.enqueue_dma source(%dma_start3A_1508 : memref<16x64xf32, #tpu.memory_space<vmem>>) target(%dma_start3A_1505 : memref<16x64xf32, #tpu.memory_space<vmem_shared>>) target_semaphore(%run_scoped3A_1496 : memref<!tpu.dma_semaphore, #tpu.memory_space<semaphore_mem>>)
          %dma_wait3A_1509 = arith.constant 0 : i32
          %dma_wait3A_1510 = arith.constant 0 : i32
          %dma_wait3A_1511 = tpu.memref_slice %arg20[%dma_wait3A_1509, %dma_wait3A_1510] : memref<48x64xf32, #tpu.memory_space<vmem>> -> memref<16x64xf32, #tpu.memory_space<vmem>>
          %dma_wait3A_1512 = arith.constant 9984 : i32
          %dma_wait3A_1513 = arith.constant 0 : i32
          %dma_wait3A_1514 = tpu.memref_slice %arg21[%dma_wait3A_1512, %dma_wait3A_1513] : memref<10000x64xf32, #tpu.memory_space<vmem_shared>> -> memref<16x64xf32, #tpu.memory_space<vmem_shared>>
          %dma_wait3A_1515 = arith.constant 9984 : i32
          %dma_wait3A_1516 = arith.constant 0 : i32
          %dma_wait3A_1517 = tpu.memref_slice %arg21[%dma_wait3A_1515, %dma_wait3A_1516] : memref<10000x64xf32, #tpu.memory_space<vmem_shared>> -> memref<16x64xf32, #tpu.memory_space<vmem_shared>>
          %dma_wait3A_1518 = arith.constant 0 : i32
          %dma_wait3A_1519 = arith.constant 0 : i32
          %dma_wait3A_1520 = tpu.memref_slice %arg20[%dma_wait3A_1518, %dma_wait3A_1519] : memref<48x64xf32, #tpu.memory_space<vmem>> -> memref<16x64xf32, #tpu.memory_space<vmem>>
          tpu.wait_dma2 semaphore(%run_scoped3A_1496 : memref<!tpu.dma_semaphore, #tpu.memory_space<semaphore_mem>>) src(%dma_wait3A_1520 : memref<16x64xf32, #tpu.memory_space<vmem>>) dst(%dma_wait3A_1517 : memref<16x64xf32, #tpu.memory_space<vmem_shared>>)
          tpu.yield
        }) : () -> ()
      } else {
      }
    } else {
    }
    %mul3A_17 = arith.constant 125 : i32
    %mul3A_18 = arith.muli %add3A, %mul3A_17 : i32
    %run_scoped3A = arith.constant 0 : i32
    "tpu.region"() ({
      %run_scoped3A_1467 = tpu.sem_alloc : memref<!tpu.dma_semaphore, #tpu.memory_space<semaphore_mem>>
      %dma_start3A_1468 = arith.constant 0 : i32
      %dma_start3A_1469 = tpu.memref_slice %arg3[%run_scoped3A, %mul3A_18, %dma_start3A_1468] : memref<2x4000x80xi32, #tpu.memory_space<hbm>> -> memref<1x125x80xi32, #tpu.memory_space<hbm>>
      %dma_start3A_1470 = tpu.memref_squeeze %dma_start3A_1469 : memref<1x125x80xi32, #tpu.memory_space<hbm>> -> memref<125x80xi32, #tpu.memory_space<hbm>>
      %dma_start3A_1471 = arith.constant 0 : i32
      %dma_start3A_1472 = tpu.memref_slice %arg3[%run_scoped3A, %mul3A_18, %dma_start3A_1471] : memref<2x4000x80xi32, #tpu.memory_space<hbm>> -> memref<1x125x80xi32, #tpu.memory_space<hbm>>
      %dma_start3A_1473 = tpu.memref_squeeze %dma_start3A_1472 : memref<1x125x80xi32, #tpu.memory_space<hbm>> -> memref<125x80xi32, #tpu.memory_space<hbm>>
      tpu.enqueue_dma source(%dma_start3A_1473 : memref<125x80xi32, #tpu.memory_space<hbm>>) target(%arg7 : memref<125x80xi32, #tpu.memory_space<vmem>>) target_semaphore(%run_scoped3A_1467 : memref<!tpu.dma_semaphore, #tpu.memory_space<semaphore_mem>>)
      %dma_wait3A_1474 = arith.constant 0 : i32
      %dma_wait3A_1475 = tpu.memref_slice %arg3[%run_scoped3A, %mul3A_18, %dma_wait3A_1474] : memref<2x4000x80xi32, #tpu.memory_space<hbm>> -> memref<1x125x80xi32, #tpu.memory_space<hbm>>
      %dma_wait3A_1476 = tpu.memref_squeeze %dma_wait3A_1475 : memref<1x125x80xi32, #tpu.memory_space<hbm>> -> memref<125x80xi32, #tpu.memory_space<hbm>>
      %dma_wait3A_1477 = arith.constant 0 : i32
      %dma_wait3A_1478 = tpu.memref_slice %arg3[%run_scoped3A, %mul3A_18, %dma_wait3A_1477] : memref<2x4000x80xi32, #tpu.memory_space<hbm>> -> memref<1x125x80xi32, #tpu.memory_space<hbm>>
      %dma_wait3A_1479 = tpu.memref_squeeze %dma_wait3A_1478 : memref<1x125x80xi32, #tpu.memory_space<hbm>> -> memref<125x80xi32, #tpu.memory_space<hbm>>
      tpu.wait_dma2 semaphore(%run_scoped3A_1467 : memref<!tpu.dma_semaphore, #tpu.memory_space<semaphore_mem>>) src(%dma_wait3A_1479 : memref<125x80xi32, #tpu.memory_space<hbm>>) dst(%arg7 : memref<125x80xi32, #tpu.memory_space<vmem>>)
      tpu.yield
    }) : () -> ()
    "tpu.region"() ({
      %run_scoped3A_1467 = tpu.sem_alloc : memref<!tpu.dma_semaphore, #tpu.memory_space<semaphore_mem>>
      %dma_start3A_1468 = arith.constant 0 : i32
      %dma_start3A_1469 = tpu.memref_slice %arg4[%mul3A_18, %dma_start3A_1468] : memref<4000x80xi32, #tpu.memory_space<hbm>> -> memref<125x80xi32, #tpu.memory_space<hbm>>
      %dma_start3A_1470 = arith.constant 0 : i32
      %dma_start3A_1471 = tpu.memref_slice %arg4[%mul3A_18, %dma_start3A_1470] : memref<4000x80xi32, #tpu.memory_space<hbm>> -> memref<125x80xi32, #tpu.memory_space<hbm>>
      tpu.enqueue_dma source(%dma_start3A_1471 : memref<125x80xi32, #tpu.memory_space<hbm>>) target(%arg8 : memref<125x80xi32, #tpu.memory_space<vmem>>) target_semaphore(%run_scoped3A_1467 : memref<!tpu.dma_semaphore, #tpu.memory_space<semaphore_mem>>)
      %dma_wait3A_1472 = arith.constant 0 : i32
      %dma_wait3A_1473 = tpu.memref_slice %arg4[%mul3A_18, %dma_wait3A_1472] : memref<4000x80xi32, #tpu.memory_space<hbm>> -> memref<125x80xi32, #tpu.memory_space<hbm>>
      %dma_wait3A_1474 = arith.constant 0 : i32
      %dma_wait3A_1475 = tpu.memref_slice %arg4[%mul3A_18, %dma_wait3A_1474] : memref<4000x80xi32, #tpu.memory_space<hbm>> -> memref<125x80xi32, #tpu.memory_space<hbm>>
      tpu.wait_dma2 semaphore(%run_scoped3A_1467 : memref<!tpu.dma_semaphore, #tpu.memory_space<semaphore_mem>>) src(%dma_wait3A_1475 : memref<125x80xi32, #tpu.memory_space<hbm>>) dst(%arg8 : memref<125x80xi32, #tpu.memory_space<vmem>>)
      tpu.yield
    }) : () -> ()
    %run_scoped3A_19 = arith.constant 1 : i32
    "tpu.region"() ({
      %run_scoped3A_1467 = tpu.sem_alloc : memref<!tpu.dma_semaphore, #tpu.memory_space<semaphore_mem>>
      %dma_start3A_1468 = arith.constant 0 : i32
      %dma_start3A_1469 = tpu.memref_slice %arg3[%run_scoped3A_19, %mul3A_18, %dma_start3A_1468] : memref<2x4000x80xi32, #tpu.memory_space<hbm>> -> memref<1x125x80xi32, #tpu.memory_space<hbm>>
      %dma_start3A_1470 = tpu.memref_squeeze %dma_start3A_1469 : memref<1x125x80xi32, #tpu.memory_space<hbm>> -> memref<125x80xi32, #tpu.memory_space<hbm>>
      %dma_start3A_1471 = arith.constant 0 : i32
      %dma_start3A_1472 = tpu.memref_slice %arg3[%run_scoped3A_19, %mul3A_18, %dma_start3A_1471] : memref<2x4000x80xi32, #tpu.memory_space<hbm>> -> memref<1x125x80xi32, #tpu.memory_space<hbm>>
      %dma_start3A_1473 = tpu.memref_squeeze %dma_start3A_1472 : memref<1x125x80xi32, #tpu.memory_space<hbm>> -> memref<125x80xi32, #tpu.memory_space<hbm>>
      tpu.enqueue_dma source(%dma_start3A_1473 : memref<125x80xi32, #tpu.memory_space<hbm>>) target(%arg9 : memref<125x80xi32, #tpu.memory_space<vmem>>) target_semaphore(%run_scoped3A_1467 : memref<!tpu.dma_semaphore, #tpu.memory_space<semaphore_mem>>)
      %dma_wait3A_1474 = arith.constant 0 : i32
      %dma_wait3A_1475 = tpu.memref_slice %arg3[%run_scoped3A_19, %mul3A_18, %dma_wait3A_1474] : memref<2x4000x80xi32, #tpu.memory_space<hbm>> -> memref<1x125x80xi32, #tpu.memory_space<hbm>>
      %dma_wait3A_1476 = tpu.memref_squeeze %dma_wait3A_1475 : memref<1x125x80xi32, #tpu.memory_space<hbm>> -> memref<125x80xi32, #tpu.memory_space<hbm>>
      %dma_wait3A_1477 = arith.constant 0 : i32
      %dma_wait3A_1478 = tpu.memref_slice %arg3[%run_scoped3A_19, %mul3A_18, %dma_wait3A_1477] : memref<2x4000x80xi32, #tpu.memory_space<hbm>> -> memref<1x125x80xi32, #tpu.memory_space<hbm>>
      %dma_wait3A_1479 = tpu.memref_squeeze %dma_wait3A_1478 : memref<1x125x80xi32, #tpu.memory_space<hbm>> -> memref<125x80xi32, #tpu.memory_space<hbm>>
      tpu.wait_dma2 semaphore(%run_scoped3A_1467 : memref<!tpu.dma_semaphore, #tpu.memory_space<semaphore_mem>>) src(%dma_wait3A_1479 : memref<125x80xi32, #tpu.memory_space<hbm>>) dst(%arg9 : memref<125x80xi32, #tpu.memory_space<vmem>>)
      tpu.yield
    }) : () -> ()
    %scan3A_20 = arith.constant 0 : i32
    %scan3A_21 = arith.constant 0 : i32
    %scan3A_22 = arith.constant 125 : i32
    %scan3A_23 = arith.addi %scan3A_21, %scan3A_22 : i32
    %scan3A_24 = arith.constant 1 : i32
    scf.for %scan3A_1467 = %scan3A_21 to %scan3A_23 step %scan3A_24  : i32 {
      %get3A = arith.index_cast %scan3A_1467 : i32 to index
      %get3A_1468 = arith.constant 0 : index
      %get3A_1469 = tpu.vector_load %arg7[%get3A, %get3A_1468] {strides = array<i32>} : memref<125x80xi32, #tpu.memory_space<vmem>>, vector<1x16xi32>,
      %get3A_1470 = vector.shape_cast %get3A_1469 : vector<1x16xi32> to vector<16xi32>
      %get3A_1471 = arith.index_cast %scan3A_1467 : i32 to index
      %get3A_1472 = arith.constant 0 : index
      %get3A_1473 = tpu.vector_load %arg8[%get3A_1471, %get3A_1472] {strides = array<i32>} : memref<125x80xi32, #tpu.memory_space<vmem>>, vector<1x16xi32>,
      %get3A_1474 = vector.shape_cast %get3A_1473 : vector<1x16xi32> to vector<16xi32>
      %shift_right_arithmetic3A = arith.constant 3 : i32
      %shift_right_arithmetic3A_1475 = vector.broadcast %shift_right_arithmetic3A : i32 to vector<16xi32>
      %shift_right_arithmetic3A_1476 = arith.shrsi %get3A_1470, %shift_right_arithmetic3A_1475 : vector<16xi32>
      %mul3A_1477 = arith.constant 128 : i32
      %mul3A_1478 = vector.broadcast %mul3A_1477 : i32 to vector<16xi32>
      %mul3A_1479 = arith.muli %shift_right_arithmetic3A_1476, %mul3A_1478 : vector<16xi32>
      %mul3A_1480 = arith.constant 16 : i32
      %mul3A_1481 = vector.broadcast %mul3A_1480 : i32 to vector<16xi32>
      %mul3A_1482 = arith.muli %get3A_1474, %mul3A_1481 : vector<16xi32>
      %add3A_1483 = arith.addi %mul3A_1479, %mul3A_1482 : vector<16xi32>
      %and3A = arith.constant 7 : i32
      %and3A_1484 = vector.broadcast %and3A : i32 to vector<16xi32>
      %and3A_1485 = arith.andi %get3A_1470, %and3A_1484 : vector<16xi32>
      %mul3A_1486 = arith.constant 2 : i32
      %mul3A_1487 = vector.broadcast %mul3A_1486 : i32 to vector<16xi32>
      %mul3A_1488 = arith.muli %and3A_1485, %mul3A_1487 : vector<16xi32>
      %add3A_1489 = arith.addi %add3A_1483, %mul3A_1488 : vector<16xi32>
      %swap3A = arith.index_cast %scan3A_1467 : i32 to index
      %swap3A_1490 = arith.constant 0 : index
      %swap3A_1491 = tpu.vector_load %arg7[%swap3A, %swap3A_1490] {strides = array<i32>} : memref<125x80xi32, #tpu.memory_space<vmem>>, vector<1x16xi32>,
      %swap3A_1492 = vector.shape_cast %swap3A_1491 : vector<1x16xi32> to vector<16xi32>
      %swap3A_1493 = vector.shape_cast %add3A_1489 : vector<16xi32> to vector<1x16xi32>
      tpu.vector_store %arg7[%swap3A, %swap3A_1490], %swap3A_1493 {strides = array<i32>} : memref<125x80xi32, #tpu.memory_space<vmem>>, vector<1x16xi32>,
      %get3A_1494 = arith.index_cast %scan3A_1467 : i32 to index
      %get3A_1495 = arith.constant 16 : index
      %get3A_1496 = tpu.vector_load %arg7[%get3A_1494, %get3A_1495] {strides = array<i32>} : memref<125x80xi32, #tpu.memory_space<vmem>>, vector<1x16xi32>,
      %get3A_1497 = vector.shape_cast %get3A_1496 : vector<1x16xi32> to vector<16xi32>
      %get3A_1498 = arith.index_cast %scan3A_1467 : i32 to index
      %get3A_1499 = arith.constant 16 : index
      %get3A_1500 = tpu.vector_load %arg8[%get3A_1498, %get3A_1499] {strides = array<i32>} : memref<125x80xi32, #tpu.memory_space<vmem>>, vector<1x16xi32>,
      %get3A_1501 = vector.shape_cast %get3A_1500 : vector<1x16xi32> to vector<16xi32>
      %shift_right_arithmetic3A_1502 = arith.constant 3 : i32
      %shift_right_arithmetic3A_1503 = vector.broadcast %shift_right_arithmetic3A_1502 : i32 to vector<16xi32>
      %shift_right_arithmetic3A_1504 = arith.shrsi %get3A_1497, %shift_right_arithmetic3A_1503 : vector<16xi32>
      %mul3A_1505 = arith.constant 128 : i32
      %mul3A_1506 = vector.broadcast %mul3A_1505 : i32 to vector<16xi32>
      %mul3A_1507 = arith.muli %shift_right_arithmetic3A_1504, %mul3A_1506 : vector<16xi32>
      %mul3A_1508 = arith.constant 16 : i32
      %mul3A_1509 = vector.broadcast %mul3A_1508 : i32 to vector<16xi32>
      %mul3A_1510 = arith.muli %get3A_1501, %mul3A_1509 : vector<16xi32>
      %add3A_1511 = arith.addi %mul3A_1507, %mul3A_1510 : vector<16xi32>
      %and3A_1512 = arith.constant 7 : i32
      %and3A_1513 = vector.broadcast %and3A_1512 : i32 to vector<16xi32>
      %and3A_1514 = arith.andi %get3A_1497, %and3A_1513 : vector<16xi32>
      %mul3A_1515 = arith.constant 2 : i32
      %mul3A_1516 = vector.broadcast %mul3A_1515 : i32 to vector<16xi32>
      %mul3A_1517 = arith.muli %and3A_1514, %mul3A_1516 : vector<16xi32>
      %add3A_1518 = arith.addi %add3A_1511, %mul3A_1517 : vector<16xi32>
      %swap3A_1519 = arith.index_cast %scan3A_1467 : i32 to index
      %swap3A_1520 = arith.constant 16 : index
      %swap3A_1521 = tpu.vector_load %arg7[%swap3A_1519, %swap3A_1520] {strides = array<i32>} : memref<125x80xi32, #tpu.memory_space<vmem>>, vector<1x16xi32>,
      %swap3A_1522 = vector.shape_cast %swap3A_1521 : vector<1x16xi32> to vector<16xi32>
      %swap3A_1523 = vector.shape_cast %add3A_1518 : vector<16xi32> to vector<1x16xi32>
      tpu.vector_store %arg7[%swap3A_1519, %swap3A_1520], %swap3A_1523 {strides = array<i32>} : memref<125x80xi32, #tpu.memory_space<vmem>>, vector<1x16xi32>,
      %get3A_1524 = arith.index_cast %scan3A_1467 : i32 to index
      %get3A_1525 = arith.constant 32 : index
      %get3A_1526 = tpu.vector_load %arg7[%get3A_1524, %get3A_1525] {strides = array<i32>} : memref<125x80xi32, #tpu.memory_space<vmem>>, vector<1x16xi32>,
      %get3A_1527 = vector.shape_cast %get3A_1526 : vector<1x16xi32> to vector<16xi32>
      %get3A_1528 = arith.index_cast %scan3A_1467 : i32 to index
      %get3A_1529 = arith.constant 32 : index
      %get3A_1530 = tpu.vector_load %arg8[%get3A_1528, %get3A_1529] {strides = array<i32>} : memref<125x80xi32, #tpu.memory_space<vmem>>, vector<1x16xi32>,
      %get3A_1531 = vector.shape_cast %get3A_1530 : vector<1x16xi32> to vector<16xi32>
      %shift_right_arithmetic3A_1532 = arith.constant 3 : i32
      %shift_right_arithmetic3A_1533 = vector.broadcast %shift_right_arithmetic3A_1532 : i32 to vector<16xi32>
      %shift_right_arithmetic3A_1534 = arith.shrsi %get3A_1527, %shift_right_arithmetic3A_1533 : vector<16xi32>
      %mul3A_1535 = arith.constant 128 : i32
      %mul3A_1536 = vector.broadcast %mul3A_1535 : i32 to vector<16xi32>
      %mul3A_1537 = arith.muli %shift_right_arithmetic3A_1534, %mul3A_1536 : vector<16xi32>
      %mul3A_1538 = arith.constant 16 : i32
      %mul3A_1539 = vector.broadcast %mul3A_1538 : i32 to vector<16xi32>
      %mul3A_1540 = arith.muli %get3A_1531, %mul3A_1539 : vector<16xi32>
      %add3A_1541 = arith.addi %mul3A_1537, %mul3A_1540 : vector<16xi32>
      %and3A_1542 = arith.constant 7 : i32
      %and3A_1543 = vector.broadcast %and3A_1542 : i32 to vector<16xi32>
      %and3A_1544 = arith.andi %get3A_1527, %and3A_1543 : vector<16xi32>
      %mul3A_1545 = arith.constant 2 : i32
      %mul3A_1546 = vector.broadcast %mul3A_1545 : i32 to vector<16xi32>
      %mul3A_1547 = arith.muli %and3A_1544, %mul3A_1546 : vector<16xi32>
      %add3A_1548 = arith.addi %add3A_1541, %mul3A_1547 : vector<16xi32>
      %swap3A_1549 = arith.index_cast %scan3A_1467 : i32 to index
      %swap3A_1550 = arith.constant 32 : index
      %swap3A_1551 = tpu.vector_load %arg7[%swap3A_1549, %swap3A_1550] {strides = array<i32>} : memref<125x80xi32, #tpu.memory_space<vmem>>, vector<1x16xi32>,
      %swap3A_1552 = vector.shape_cast %swap3A_1551 : vector<1x16xi32> to vector<16xi32>
      %swap3A_1553 = vector.shape_cast %add3A_1548 : vector<16xi32> to vector<1x16xi32>
      tpu.vector_store %arg7[%swap3A_1549, %swap3A_1550], %swap3A_1553 {strides = array<i32>} : memref<125x80xi32, #tpu.memory_space<vmem>>, vector<1x16xi32>,
      %get3A_1554 = arith.index_cast %scan3A_1467 : i32 to index
      %get3A_1555 = arith.constant 48 : index
      %get3A_1556 = tpu.vector_load %arg7[%get3A_1554, %get3A_1555] {strides = array<i32>} : memref<125x80xi32, #tpu.memory_space<vmem>>, vector<1x16xi32>,
      %get3A_1557 = vector.shape_cast %get3A_1556 : vector<1x16xi32> to vector<16xi32>
      %get3A_1558 = arith.index_cast %scan3A_1467 : i32 to index
      %get3A_1559 = arith.constant 48 : index
      %get3A_1560 = tpu.vector_load %arg8[%get3A_1558, %get3A_1559] {strides = array<i32>} : memref<125x80xi32, #tpu.memory_space<vmem>>, vector<1x16xi32>,
      %get3A_1561 = vector.shape_cast %get3A_1560 : vector<1x16xi32> to vector<16xi32>
      %shift_right_arithmetic3A_1562 = arith.constant 3 : i32
      %shift_right_arithmetic3A_1563 = vector.broadcast %shift_right_arithmetic3A_1562 : i32 to vector<16xi32>
      %shift_right_arithmetic3A_1564 = arith.shrsi %get3A_1557, %shift_right_arithmetic3A_1563 : vector<16xi32>
      %mul3A_1565 = arith.constant 128 : i32
      %mul3A_1566 = vector.broadcast %mul3A_1565 : i32 to vector<16xi32>
      %mul3A_1567 = arith.muli %shift_right_arithmetic3A_1564, %mul3A_1566 : vector<16xi32>
      %mul3A_1568 = arith.constant 16 : i32
      %mul3A_1569 = vector.broadcast %mul3A_1568 : i32 to vector<16xi32>
      %mul3A_1570 = arith.muli %get3A_1561, %mul3A_1569 : vector<16xi32>
      %add3A_1571 = arith.addi %mul3A_1567, %mul3A_1570 : vector<16xi32>
      %and3A_1572 = arith.constant 7 : i32
      %and3A_1573 = vector.broadcast %and3A_1572 : i32 to vector<16xi32>
      %and3A_1574 = arith.andi %get3A_1557, %and3A_1573 : vector<16xi32>
      %mul3A_1575 = arith.constant 2 : i32
      %mul3A_1576 = vector.broadcast %mul3A_1575 : i32 to vector<16xi32>
      %mul3A_1577 = arith.muli %and3A_1574, %mul3A_1576 : vector<16xi32>
      %add3A_1578 = arith.addi %add3A_1571, %mul3A_1577 : vector<16xi32>
      %swap3A_1579 = arith.index_cast %scan3A_1467 : i32 to index
      %swap3A_1580 = arith.constant 48 : index
      %swap3A_1581 = tpu.vector_load %arg7[%swap3A_1579, %swap3A_1580] {strides = array<i32>} : memref<125x80xi32, #tpu.memory_space<vmem>>, vector<1x16xi32>,
      %swap3A_1582 = vector.shape_cast %swap3A_1581 : vector<1x16xi32> to vector<16xi32>
      %swap3A_1583 = vector.shape_cast %add3A_1578 : vector<16xi32> to vector<1x16xi32>
      tpu.vector_store %arg7[%swap3A_1579, %swap3A_1580], %swap3A_1583 {strides = array<i32>} : memref<125x80xi32, #tpu.memory_space<vmem>>, vector<1x16xi32>,
      %get3A_1584 = arith.index_cast %scan3A_1467 : i32 to index
      %get3A_1585 = arith.constant 64 : index
      %get3A_1586 = tpu.vector_load %arg7[%get3A_1584, %get3A_1585] {strides = array<i32>} : memref<125x80xi32, #tpu.memory_space<vmem>>, vector<1x16xi32>,
      %get3A_1587 = vector.shape_cast %get3A_1586 : vector<1x16xi32> to vector<16xi32>
      %get3A_1588 = arith.index_cast %scan3A_1467 : i32 to index
      %get3A_1589 = arith.constant 64 : index
      %get3A_1590 = tpu.vector_load %arg8[%get3A_1588, %get3A_1589] {strides = array<i32>} : memref<125x80xi32, #tpu.memory_space<vmem>>, vector<1x16xi32>,
      %get3A_1591 = vector.shape_cast %get3A_1590 : vector<1x16xi32> to vector<16xi32>
      %shift_right_arithmetic3A_1592 = arith.constant 3 : i32
      %shift_right_arithmetic3A_1593 = vector.broadcast %shift_right_arithmetic3A_1592 : i32 to vector<16xi32>
      %shift_right_arithmetic3A_1594 = arith.shrsi %get3A_1587, %shift_right_arithmetic3A_1593 : vector<16xi32>
      %mul3A_1595 = arith.constant 128 : i32
      %mul3A_1596 = vector.broadcast %mul3A_1595 : i32 to vector<16xi32>
      %mul3A_1597 = arith.muli %shift_right_arithmetic3A_1594, %mul3A_1596 : vector<16xi32>
      %mul3A_1598 = arith.constant 16 : i32
      %mul3A_1599 = vector.broadcast %mul3A_1598 : i32 to vector<16xi32>
      %mul3A_1600 = arith.muli %get3A_1591, %mul3A_1599 : vector<16xi32>
      %add3A_1601 = arith.addi %mul3A_1597, %mul3A_1600 : vector<16xi32>
      %and3A_1602 = arith.constant 7 : i32
      %and3A_1603 = vector.broadcast %and3A_1602 : i32 to vector<16xi32>
      %and3A_1604 = arith.andi %get3A_1587, %and3A_1603 : vector<16xi32>
      %mul3A_1605 = arith.constant 2 : i32
      %mul3A_1606 = vector.broadcast %mul3A_1605 : i32 to vector<16xi32>
      %mul3A_1607 = arith.muli %and3A_1604, %mul3A_1606 : vector<16xi32>
      %add3A_1608 = arith.addi %add3A_1601, %mul3A_1607 : vector<16xi32>
      %swap3A_1609 = arith.index_cast %scan3A_1467 : i32 to index
      %swap3A_1610 = arith.constant 64 : index
      %swap3A_1611 = tpu.vector_load %arg7[%swap3A_1609, %swap3A_1610] {strides = array<i32>} : memref<125x80xi32, #tpu.memory_space<vmem>>, vector<1x16xi32>,
      %swap3A_1612 = vector.shape_cast %swap3A_1611 : vector<1x16xi32> to vector<16xi32>
      %swap3A_1613 = vector.shape_cast %add3A_1608 : vector<16xi32> to vector<1x16xi32>
      tpu.vector_store %arg7[%swap3A_1609, %swap3A_1610], %swap3A_1613 {strides = array<i32>} : memref<125x80xi32, #tpu.memory_space<vmem>>, vector<1x16xi32>,
    }
    %scan3A_25 = arith.constant 125 : i32
    %barrier3A = arith.constant 0 : index
    tpu.barrier barrier_id(%barrier3A)
    %dma_start3A = arith.constant 0 : i32
    %dma_start3A_26 = arith.constant 0 : i32
    %dma_start3A_27 = tpu.memref_slice %arg7[%dma_start3A, %dma_start3A_26] : memref<125x80xi32, #tpu.memory_space<vmem>> -> memref<1x80xi32, #tpu.memory_space<vmem>>
    %dma_start3A_28 = tpu.memref_squeeze %dma_start3A_27 : memref<1x80xi32, #tpu.memory_space<vmem>> -> memref<80xi32, #tpu.memory_space<vmem>>
    %dma_start3A_29 = arith.constant 0 : i32
    %dma_start3A_30 = arith.constant 0 : i32
    %dma_start3A_31 = tpu.memref_slice %arg2[%dma_start3A_29, %dma_start3A_30] : memref<160000x64xf32, #tpu.memory_space<hbm>> -> memref<160000x64xf32, #tpu.memory_space<hbm>>
    tpu.enqueue_indirect_dma source(%dma_start3A_31 : memref<160000x64xf32, #tpu.memory_space<hbm>>) target(%arg10 : memref<80x64xf32, #tpu.memory_space<vmem>>) offsets(%dma_start3A_28 : memref<80xi32, #tpu.memory_space<vmem>>) semaphore(%arg22 : memref<!tpu.dma_semaphore, #tpu.memory_space<semaphore_mem>>)
    %dma_start3A_32 = arith.constant 1 : i32
    %dma_start3A_33 = arith.constant 0 : i32
    %dma_start3A_34 = tpu.memref_slice %arg7[%dma_start3A_32, %dma_start3A_33] : memref<125x80xi32, #tpu.memory_space<vmem>> -> memref<1x80xi32, #tpu.memory_space<vmem>>
    %dma_start3A_35 = tpu.memref_squeeze %dma_start3A_34 : memref<1x80xi32, #tpu.memory_space<vmem>> -> memref<80xi32, #tpu.memory_space<vmem>>
    %dma_start3A_36 = arith.constant 0 : i32
    %dma_start3A_37 = arith.constant 0 : i32
    %dma_start3A_38 = tpu.memref_slice %arg2[%dma_start3A_36, %dma_start3A_37] : memref<160000x64xf32, #tpu.memory_space<hbm>> -> memref<160000x64xf32, #tpu.memory_space<hbm>>
    tpu.enqueue_indirect_dma source(%dma_start3A_38 : memref<160000x64xf32, #tpu.memory_space<hbm>>) target(%arg11 : memref<80x64xf32, #tpu.memory_space<vmem>>) offsets(%dma_start3A_35 : memref<80xi32, #tpu.memory_space<vmem>>) semaphore(%arg23 : memref<!tpu.dma_semaphore, #tpu.memory_space<semaphore_mem>>)
    %dma_start3A_39 = arith.constant 2 : i32
    %dma_start3A_40 = arith.constant 0 : i32
    %dma_start3A_41 = tpu.memref_slice %arg7[%dma_start3A_39, %dma_start3A_40] : memref<125x80xi32, #tpu.memory_space<vmem>> -> memref<1x80xi32, #tpu.memory_space<vmem>>
    %dma_start3A_42 = tpu.memref_squeeze %dma_start3A_41 : memref<1x80xi32, #tpu.memory_space<vmem>> -> memref<80xi32, #tpu.memory_space<vmem>>
    %dma_start3A_43 = arith.constant 0 : i32
    %dma_start3A_44 = arith.constant 0 : i32
    %dma_start3A_45 = tpu.memref_slice %arg2[%dma_start3A_43, %dma_start3A_44] : memref<160000x64xf32, #tpu.memory_space<hbm>> -> memref<160000x64xf32, #tpu.memory_space<hbm>>
    tpu.enqueue_indirect_dma source(%dma_start3A_45 : memref<160000x64xf32, #tpu.memory_space<hbm>>) target(%arg12 : memref<80x64xf32, #tpu.memory_space<vmem>>) offsets(%dma_start3A_42 : memref<80xi32, #tpu.memory_space<vmem>>) semaphore(%arg24 : memref<!tpu.dma_semaphore, #tpu.memory_space<semaphore_mem>>)
    %dma_start3A_46 = arith.constant 3 : i32
    %dma_start3A_47 = arith.constant 0 : i32
    %dma_start3A_48 = tpu.memref_slice %arg7[%dma_start3A_46, %dma_start3A_47] : memref<125x80xi32, #tpu.memory_space<vmem>> -> memref<1x80xi32, #tpu.memory_space<vmem>>
    %dma_start3A_49 = tpu.memref_squeeze %dma_start3A_48 : memref<1x80xi32, #tpu.memory_space<vmem>> -> memref<80xi32, #tpu.memory_space<vmem>>
    %dma_start3A_50 = arith.constant 0 : i32
    %dma_start3A_51 = arith.constant 0 : i32
    %dma_start3A_52 = tpu.memref_slice %arg2[%dma_start3A_50, %dma_start3A_51] : memref<160000x64xf32, #tpu.memory_space<hbm>> -> memref<160000x64xf32, #tpu.memory_space<hbm>>
    tpu.enqueue_indirect_dma source(%dma_start3A_52 : memref<160000x64xf32, #tpu.memory_space<hbm>>) target(%arg13 : memref<80x64xf32, #tpu.memory_space<vmem>>) offsets(%dma_start3A_49 : memref<80xi32, #tpu.memory_space<vmem>>) semaphore(%arg25 : memref<!tpu.dma_semaphore, #tpu.memory_space<semaphore_mem>>)
    %dma_start3A_53 = arith.constant 4 : i32
    %dma_start3A_54 = arith.constant 0 : i32
    %dma_start3A_55 = tpu.memref_slice %arg7[%dma_start3A_53, %dma_start3A_54] : memref<125x80xi32, #tpu.memory_space<vmem>> -> memref<1x80xi32, #tpu.memory_space<vmem>>
    %dma_start3A_56 = tpu.memref_squeeze %dma_start3A_55 : memref<1x80xi32, #tpu.memory_space<vmem>> -> memref<80xi32, #tpu.memory_space<vmem>>
    %dma_start3A_57 = arith.constant 0 : i32
    %dma_start3A_58 = arith.constant 0 : i32
    %dma_start3A_59 = tpu.memref_slice %arg2[%dma_start3A_57, %dma_start3A_58] : memref<160000x64xf32, #tpu.memory_space<hbm>> -> memref<160000x64xf32, #tpu.memory_space<hbm>>
    tpu.enqueue_indirect_dma source(%dma_start3A_59 : memref<160000x64xf32, #tpu.memory_space<hbm>>) target(%arg14 : memref<80x64xf32, #tpu.memory_space<vmem>>) offsets(%dma_start3A_56 : memref<80xi32, #tpu.memory_space<vmem>>) semaphore(%arg26 : memref<!tpu.dma_semaphore, #tpu.memory_space<semaphore_mem>>)
    %dma_start3A_60 = arith.constant 5 : i32
    %dma_start3A_61 = arith.constant 0 : i32
    %dma_start3A_62 = tpu.memref_slice %arg7[%dma_start3A_60, %dma_start3A_61] : memref<125x80xi32, #tpu.memory_space<vmem>> -> memref<1x80xi32, #tpu.memory_space<vmem>>
    %dma_start3A_63 = tpu.memref_squeeze %dma_start3A_62 : memref<1x80xi32, #tpu.memory_space<vmem>> -> memref<80xi32, #tpu.memory_space<vmem>>
    %dma_start3A_64 = arith.constant 0 : i32
    %dma_start3A_65 = arith.constant 0 : i32
    %dma_start3A_66 = tpu.memref_slice %arg2[%dma_start3A_64, %dma_start3A_65] : memref<160000x64xf32, #tpu.memory_space<hbm>> -> memref<160000x64xf32, #tpu.memory_space<hbm>>
    tpu.enqueue_indirect_dma source(%dma_start3A_66 : memref<160000x64xf32, #tpu.memory_space<hbm>>) target(%arg15 : memref<80x64xf32, #tpu.memory_space<vmem>>) offsets(%dma_start3A_63 : memref<80xi32, #tpu.memory_space<vmem>>) semaphore(%arg27 : memref<!tpu.dma_semaphore, #tpu.memory_space<semaphore_mem>>)
    %dma_start3A_67 = arith.constant 6 : i32
    %dma_start3A_68 = arith.constant 0 : i32
    %dma_start3A_69 = tpu.memref_slice %arg7[%dma_start3A_67, %dma_start3A_68] : memref<125x80xi32, #tpu.memory_space<vmem>> -> memref<1x80xi32, #tpu.memory_space<vmem>>
    %dma_start3A_70 = tpu.memref_squeeze %dma_start3A_69 : memref<1x80xi32, #tpu.memory_space<vmem>> -> memref<80xi32, #tpu.memory_space<vmem>>
    %dma_start3A_71 = arith.constant 0 : i32
    %dma_start3A_72 = arith.constant 0 : i32
    %dma_start3A_73 = tpu.memref_slice %arg2[%dma_start3A_71, %dma_start3A_72] : memref<160000x64xf32, #tpu.memory_space<hbm>> -> memref<160000x64xf32, #tpu.memory_space<hbm>>
    tpu.enqueue_indirect_dma source(%dma_start3A_73 : memref<160000x64xf32, #tpu.memory_space<hbm>>) target(%arg16 : memref<80x64xf32, #tpu.memory_space<vmem>>) offsets(%dma_start3A_70 : memref<80xi32, #tpu.memory_space<vmem>>) semaphore(%arg28 : memref<!tpu.dma_semaphore, #tpu.memory_space<semaphore_mem>>)
    %dma_start3A_74 = arith.constant 7 : i32
    %dma_start3A_75 = arith.constant 0 : i32
    %dma_start3A_76 = tpu.memref_slice %arg7[%dma_start3A_74, %dma_start3A_75] : memref<125x80xi32, #tpu.memory_space<vmem>> -> memref<1x80xi32, #tpu.memory_space<vmem>>
    %dma_start3A_77 = tpu.memref_squeeze %dma_start3A_76 : memref<1x80xi32, #tpu.memory_space<vmem>> -> memref<80xi32, #tpu.memory_space<vmem>>
    %dma_start3A_78 = arith.constant 0 : i32
    %dma_start3A_79 = arith.constant 0 : i32
    %dma_start3A_80 = tpu.memref_slice %arg2[%dma_start3A_78, %dma_start3A_79] : memref<160000x64xf32, #tpu.memory_space<hbm>> -> memref<160000x64xf32, #tpu.memory_space<hbm>>
    tpu.enqueue_indirect_dma source(%dma_start3A_80 : memref<160000x64xf32, #tpu.memory_space<hbm>>) target(%arg17 : memref<80x64xf32, #tpu.memory_space<vmem>>) offsets(%dma_start3A_77 : memref<80xi32, #tpu.memory_space<vmem>>) semaphore(%arg29 : memref<!tpu.dma_semaphore, #tpu.memory_space<semaphore_mem>>)
    %dma_wait3A = arith.constant 0 : i32
    %dma_wait3A_81 = arith.constant 0 : i32
    %dma_wait3A_82 = tpu.memref_slice %arg7[%dma_wait3A, %dma_wait3A_81] : memref<125x80xi32, #tpu.memory_space<vmem>> -> memref<1x80xi32, #tpu.memory_space<vmem>>
    %dma_wait3A_83 = tpu.memref_squeeze %dma_wait3A_82 : memref<1x80xi32, #tpu.memory_space<vmem>> -> memref<80xi32, #tpu.memory_space<vmem>>
    %dma_wait3A_84 = arith.constant 0 : i32
    %dma_wait3A_85 = arith.constant 0 : i32
    %dma_wait3A_86 = tpu.memref_slice %arg2[%dma_wait3A_84, %dma_wait3A_85] : memref<160000x64xf32, #tpu.memory_space<hbm>> -> memref<160000x64xf32, #tpu.memory_space<hbm>>
    tpu.wait_indirect_dma semaphore(%arg22 : memref<!tpu.dma_semaphore, #tpu.memory_space<semaphore_mem>>) src(%dma_wait3A_86 : memref<160000x64xf32, #tpu.memory_space<hbm>>) dst(%arg10 : memref<80x64xf32, #tpu.memory_space<vmem>>)
    %dma_start3A_87 = arith.constant 0 : i32
    %dma_start3A_88 = arith.constant 0 : i32
    %dma_start3A_89 = tpu.memref_slice %arg9[%dma_start3A_87, %dma_start3A_88] : memref<125x80xi32, #tpu.memory_space<vmem>> -> memref<1x80xi32, #tpu.memory_space<vmem>>
    %dma_start3A_90 = tpu.memref_squeeze %dma_start3A_89 : memref<1x80xi32, #tpu.memory_space<vmem>> -> memref<80xi32, #tpu.memory_space<vmem>>
    %dma_start3A_91 = arith.constant 0 : i32
    %dma_start3A_92 = arith.constant 0 : i32
    %dma_start3A_93 = tpu.memref_slice %arg21[%dma_start3A_91, %dma_start3A_92] : memref<10000x64xf32, #tpu.memory_space<vmem_shared>> -> memref<10000x64xf32, #tpu.memory_space<vmem_shared>>
    tpu.enqueue_indirect_dma source(%arg10 : memref<80x64xf32, #tpu.memory_space<vmem>>) target(%dma_start3A_93 : memref<10000x64xf32, #tpu.memory_space<vmem_shared>>) offsets(%dma_start3A_90 : memref<80xi32, #tpu.memory_space<vmem>>) semaphore(%arg32 : memref<!tpu.dma_semaphore, #tpu.memory_space<semaphore_mem>>) {add = true}
    %dma_start3A_94 = arith.constant 8 : i32
    %dma_start3A_95 = arith.constant 0 : i32
    %dma_start3A_96 = tpu.memref_slice %arg7[%dma_start3A_94, %dma_start3A_95] : memref<125x80xi32, #tpu.memory_space<vmem>> -> memref<1x80xi32, #tpu.memory_space<vmem>>
    %dma_start3A_97 = tpu.memref_squeeze %dma_start3A_96 : memref<1x80xi32, #tpu.memory_space<vmem>> -> memref<80xi32, #tpu.memory_space<vmem>>
    %dma_start3A_98 = arith.constant 0 : i32
    %dma_start3A_99 = arith.constant 0 : i32
    %dma_start3A_100 = tpu.memref_slice %arg2[%dma_start3A_98, %dma_start3A_99] : memref<160000x64xf32, #tpu.memory_space<hbm>> -> memref<160000x64xf32, #tpu.memory_space<hbm>>
    tpu.enqueue_indirect_dma source(%dma_start3A_100 : memref<160000x64xf32, #tpu.memory_space<hbm>>) target(%arg18 : memref<80x64xf32, #tpu.memory_space<vmem>>) offsets(%dma_start3A_97 : memref<80xi32, #tpu.memory_space<vmem>>) semaphore(%arg30 : memref<!tpu.dma_semaphore, #tpu.memory_space<semaphore_mem>>)
    %dma_wait3A_101 = arith.constant 1 : i32
    %dma_wait3A_102 = arith.constant 0 : i32
    %dma_wait3A_103 = tpu.memref_slice %arg7[%dma_wait3A_101, %dma_wait3A_102] : memref<125x80xi32, #tpu.memory_space<vmem>> -> memref<1x80xi32, #tpu.memory_space<vmem>>
    %dma_wait3A_104 = tpu.memref_squeeze %dma_wait3A_103 : memref<1x80xi32, #tpu.memory_space<vmem>> -> memref<80xi32, #tpu.memory_space<vmem>>
    %dma_wait3A_105 = arith.constant 0 : i32
    %dma_wait3A_106 = arith.constant 0 : i32
    %dma_wait3A_107 = tpu.memref_slice %arg2[%dma_wait3A_105, %dma_wait3A_106] : memref<160000x64xf32, #tpu.memory_space<hbm>> -> memref<160000x64xf32, #tpu.memory_space<hbm>>
    tpu.wait_indirect_dma semaphore(%arg23 : memref<!tpu.dma_semaphore, #tpu.memory_space<semaphore_mem>>) src(%dma_wait3A_107 : memref<160000x64xf32, #tpu.memory_space<hbm>>) dst(%arg11 : memref<80x64xf32, #tpu.memory_space<vmem>>)
    %dma_start3A_108 = arith.constant 1 : i32
    %dma_start3A_109 = arith.constant 0 : i32
    %dma_start3A_110 = tpu.memref_slice %arg9[%dma_start3A_108, %dma_start3A_109] : memref<125x80xi32, #tpu.memory_space<vmem>> -> memref<1x80xi32, #tpu.memory_space<vmem>>
    %dma_start3A_111 = tpu.memref_squeeze %dma_start3A_110 : memref<1x80xi32, #tpu.memory_space<vmem>> -> memref<80xi32, #tpu.memory_space<vmem>>
    %dma_start3A_112 = arith.constant 0 : i32
    %dma_start3A_113 = arith.constant 0 : i32
    %dma_start3A_114 = tpu.memref_slice %arg21[%dma_start3A_112, %dma_start3A_113] : memref<10000x64xf32, #tpu.memory_space<vmem_shared>> -> memref<10000x64xf32, #tpu.memory_space<vmem_shared>>
    tpu.enqueue_indirect_dma source(%arg11 : memref<80x64xf32, #tpu.memory_space<vmem>>) target(%dma_start3A_114 : memref<10000x64xf32, #tpu.memory_space<vmem_shared>>) offsets(%dma_start3A_111 : memref<80xi32, #tpu.memory_space<vmem>>) semaphore(%arg33 : memref<!tpu.dma_semaphore, #tpu.memory_space<semaphore_mem>>) {add = true}
    %dma_start3A_115 = arith.constant 9 : i32
    %dma_start3A_116 = arith.constant 0 : i32
    %dma_start3A_117 = tpu.memref_slice %arg7[%dma_start3A_115, %dma_start3A_116] : memref<125x80xi32, #tpu.memory_space<vmem>> -> memref<1x80xi32, #tpu.memory_space<vmem>>
    %dma_start3A_118 = tpu.memref_squeeze %dma_start3A_117 : memref<1x80xi32, #tpu.memory_space<vmem>> -> memref<80xi32, #tpu.memory_space<vmem>>
    %dma_start3A_119 = arith.constant 0 : i32
    %dma_start3A_120 = arith.constant 0 : i32
    %dma_start3A_121 = tpu.memref_slice %arg2[%dma_start3A_119, %dma_start3A_120] : memref<160000x64xf32, #tpu.memory_space<hbm>> -> memref<160000x64xf32, #tpu.memory_space<hbm>>
    tpu.enqueue_indirect_dma source(%dma_start3A_121 : memref<160000x64xf32, #tpu.memory_space<hbm>>) target(%arg19 : memref<80x64xf32, #tpu.memory_space<vmem>>) offsets(%dma_start3A_118 : memref<80xi32, #tpu.memory_space<vmem>>) semaphore(%arg31 : memref<!tpu.dma_semaphore, #tpu.memory_space<semaphore_mem>>)
    %dma_wait3A_122 = arith.constant 2 : i32
    %dma_wait3A_123 = arith.constant 0 : i32
    %dma_wait3A_124 = tpu.memref_slice %arg7[%dma_wait3A_122, %dma_wait3A_123] : memref<125x80xi32, #tpu.memory_space<vmem>> -> memref<1x80xi32, #tpu.memory_space<vmem>>
    %dma_wait3A_125 = tpu.memref_squeeze %dma_wait3A_124 : memref<1x80xi32, #tpu.memory_space<vmem>> -> memref<80xi32, #tpu.memory_space<vmem>>
    %dma_wait3A_126 = arith.constant 0 : i32
    %dma_wait3A_127 = arith.constant 0 : i32
    %dma_wait3A_128 = tpu.memref_slice %arg2[%dma_wait3A_126, %dma_wait3A_127] : memref<160000x64xf32, #tpu.memory_space<hbm>> -> memref<160000x64xf32, #tpu.memory_space<hbm>>
    tpu.wait_indirect_dma semaphore(%arg24 : memref<!tpu.dma_semaphore, #tpu.memory_space<semaphore_mem>>) src(%dma_wait3A_128 : memref<160000x64xf32, #tpu.memory_space<hbm>>) dst(%arg12 : memref<80x64xf32, #tpu.memory_space<vmem>>)
    %dma_start3A_129 = arith.constant 2 : i32
    %dma_start3A_130 = arith.constant 0 : i32
    %dma_start3A_131 = tpu.memref_slice %arg9[%dma_start3A_129, %dma_start3A_130] : memref<125x80xi32, #tpu.memory_space<vmem>> -> memref<1x80xi32, #tpu.memory_space<vmem>>
    %dma_start3A_132 = tpu.memref_squeeze %dma_start3A_131 : memref<1x80xi32, #tpu.memory_space<vmem>> -> memref<80xi32, #tpu.memory_space<vmem>>
    %dma_start3A_133 = arith.constant 0 : i32
    %dma_start3A_134 = arith.constant 0 : i32
    %dma_start3A_135 = tpu.memref_slice %arg21[%dma_start3A_133, %dma_start3A_134] : memref<10000x64xf32, #tpu.memory_space<vmem_shared>> -> memref<10000x64xf32, #tpu.memory_space<vmem_shared>>
    tpu.enqueue_indirect_dma source(%arg12 : memref<80x64xf32, #tpu.memory_space<vmem>>) target(%dma_start3A_135 : memref<10000x64xf32, #tpu.memory_space<vmem_shared>>) offsets(%dma_start3A_132 : memref<80xi32, #tpu.memory_space<vmem>>) semaphore(%arg34 : memref<!tpu.dma_semaphore, #tpu.memory_space<semaphore_mem>>) {add = true}
    %dma_wait3A_136 = arith.constant 0 : i32
    %dma_wait3A_137 = arith.constant 0 : i32
    %dma_wait3A_138 = tpu.memref_slice %arg9[%dma_wait3A_136, %dma_wait3A_137] : memref<125x80xi32, #tpu.memory_space<vmem>> -> memref<1x80xi32, #tpu.memory_space<vmem>>
    %dma_wait3A_139 = tpu.memref_squeeze %dma_wait3A_138 : memref<1x80xi32, #tpu.memory_space<vmem>> -> memref<80xi32, #tpu.memory_space<vmem>>
    %dma_wait3A_140 = arith.constant 0 : i32
    %dma_wait3A_141 = arith.constant 0 : i32
    %dma_wait3A_142 = tpu.memref_slice %arg21[%dma_wait3A_140, %dma_wait3A_141] : memref<10000x64xf32, #tpu.memory_space<vmem_shared>> -> memref<10000x64xf32, #tpu.memory_space<vmem_shared>>
    tpu.wait_indirect_dma semaphore(%arg32 : memref<!tpu.dma_semaphore, #tpu.memory_space<semaphore_mem>>) src(%arg10 : memref<80x64xf32, #tpu.memory_space<vmem>>) dst(%dma_wait3A_142 : memref<10000x64xf32, #tpu.memory_space<vmem_shared>>)
    %dma_start3A_143 = arith.constant 10 : i32
    %dma_start3A_144 = arith.constant 0 : i32
    %dma_start3A_145 = tpu.memref_slice %arg7[%dma_start3A_143, %dma_start3A_144] : memref<125x80xi32, #tpu.memory_space<vmem>> -> memref<1x80xi32, #tpu.memory_space<vmem>>
    %dma_start3A_146 = tpu.memref_squeeze %dma_start3A_145 : memref<1x80xi32, #tpu.memory_space<vmem>> -> memref<80xi32, #tpu.memory_space<vmem>>
    %dma_start3A_147 = arith.constant 0 : i32
    %dma_start3A_148 = arith.constant 0 : i32
    %dma_start3A_149 = tpu.memref_slice %arg2[%dma_start3A_147, %dma_start3A_148] : memref<160000x64xf32, #tpu.memory_space<hbm>> -> memref<160000x64xf32, #tpu.memory_space<hbm>>
    tpu.enqueue_indirect_dma source(%dma_start3A_149 : memref<160000x64xf32, #tpu.memory_space<hbm>>) target(%arg10 : memref<80x64xf32, #tpu.memory_space<vmem>>) offsets(%dma_start3A_146 : memref<80xi32, #tpu.memory_space<vmem>>) semaphore(%arg22 : memref<!tpu.dma_semaphore, #tpu.memory_space<semaphore_mem>>)
    %dma_wait3A_150 = arith.constant 3 : i32
    %dma_wait3A_151 = arith.constant 0 : i32
    %dma_wait3A_152 = tpu.memref_slice %arg7[%dma_wait3A_150, %dma_wait3A_151] : memref<125x80xi32, #tpu.memory_space<vmem>> -> memref<1x80xi32, #tpu.memory_space<vmem>>
    %dma_wait3A_153 = tpu.memref_squeeze %dma_wait3A_152 : memref<1x80xi32, #tpu.memory_space<vmem>> -> memref<80xi32, #tpu.memory_space<vmem>>
    %dma_wait3A_154 = arith.constant 0 : i32
    %dma_wait3A_155 = arith.constant 0 : i32
    %dma_wait3A_156 = tpu.memref_slice %arg2[%dma_wait3A_154, %dma_wait3A_155] : memref<160000x64xf32, #tpu.memory_space<hbm>> -> memref<160000x64xf32, #tpu.memory_space<hbm>>
    tpu.wait_indirect_dma semaphore(%arg25 : memref<!tpu.dma_semaphore, #tpu.memory_space<semaphore_mem>>) src(%dma_wait3A_156 : memref<160000x64xf32, #tpu.memory_space<hbm>>) dst(%arg13 : memref<80x64xf32, #tpu.memory_space<vmem>>)
    %dma_start3A_157 = arith.constant 3 : i32
    %dma_start3A_158 = arith.constant 0 : i32
    %dma_start3A_159 = tpu.memref_slice %arg9[%dma_start3A_157, %dma_start3A_158] : memref<125x80xi32, #tpu.memory_space<vmem>> -> memref<1x80xi32, #tpu.memory_space<vmem>>
    %dma_start3A_160 = tpu.memref_squeeze %dma_start3A_159 : memref<1x80xi32, #tpu.memory_space<vmem>> -> memref<80xi32, #tpu.memory_space<vmem>>
    %dma_start3A_161 = arith.constant 0 : i32
    %dma_start3A_162 = arith.constant 0 : i32
    %dma_start3A_163 = tpu.memref_slice %arg21[%dma_start3A_161, %dma_start3A_162] : memref<10000x64xf32, #tpu.memory_space<vmem_shared>> -> memref<10000x64xf32, #tpu.memory_space<vmem_shared>>
    tpu.enqueue_indirect_dma source(%arg13 : memref<80x64xf32, #tpu.memory_space<vmem>>) target(%dma_start3A_163 : memref<10000x64xf32, #tpu.memory_space<vmem_shared>>) offsets(%dma_start3A_160 : memref<80xi32, #tpu.memory_space<vmem>>) semaphore(%arg35 : memref<!tpu.dma_semaphore, #tpu.memory_space<semaphore_mem>>) {add = true}
    %dma_wait3A_164 = arith.constant 1 : i32
    %dma_wait3A_165 = arith.constant 0 : i32
    %dma_wait3A_166 = tpu.memref_slice %arg9[%dma_wait3A_164, %dma_wait3A_165] : memref<125x80xi32, #tpu.memory_space<vmem>> -> memref<1x80xi32, #tpu.memory_space<vmem>>
    %dma_wait3A_167 = tpu.memref_squeeze %dma_wait3A_166 : memref<1x80xi32, #tpu.memory_space<vmem>> -> memref<80xi32, #tpu.memory_space<vmem>>
    %dma_wait3A_168 = arith.constant 0 : i32
    %dma_wait3A_169 = arith.constant 0 : i32
    %dma_wait3A_170 = tpu.memref_slice %arg21[%dma_wait3A_168, %dma_wait3A_169] : memref<10000x64xf32, #tpu.memory_space<vmem_shared>> -> memref<10000x64xf32, #tpu.memory_space<vmem_shared>>
    tpu.wait_indirect_dma semaphore(%arg33 : memref<!tpu.dma_semaphore, #tpu.memory_space<semaphore_mem>>) src(%arg11 : memref<80x64xf32, #tpu.memory_space<vmem>>) dst(%dma_wait3A_170 : memref<10000x64xf32, #tpu.memory_space<vmem_shared>>)
    %dma_start3A_171 = arith.constant 11 : i32
    %dma_start3A_172 = arith.constant 0 : i32
    %dma_start3A_173 = tpu.memref_slice %arg7[%dma_start3A_171, %dma_start3A_172] : memref<125x80xi32, #tpu.memory_space<vmem>> -> memref<1x80xi32, #tpu.memory_space<vmem>>
    %dma_start3A_174 = tpu.memref_squeeze %dma_start3A_173 : memref<1x80xi32, #tpu.memory_space<vmem>> -> memref<80xi32, #tpu.memory_space<vmem>>
    %dma_start3A_175 = arith.constant 0 : i32
    %dma_start3A_176 = arith.constant 0 : i32
    %dma_start3A_177 = tpu.memref_slice %arg2[%dma_start3A_175, %dma_start3A_176] : memref<160000x64xf32, #tpu.memory_space<hbm>> -> memref<160000x64xf32, #tpu.memory_space<hbm>>
    tpu.enqueue_indirect_dma source(%dma_start3A_177 : memref<160000x64xf32, #tpu.memory_space<hbm>>) target(%arg11 : memref<80x64xf32, #tpu.memory_space<vmem>>) offsets(%dma_start3A_174 : memref<80xi32, #tpu.memory_space<vmem>>) semaphore(%arg23 : memref<!tpu.dma_semaphore, #tpu.memory_space<semaphore_mem>>)
    %dma_wait3A_178 = arith.constant 4 : i32
    %dma_wait3A_179 = arith.constant 0 : i32
    %dma_wait3A_180 = tpu.memref_slice %arg7[%dma_wait3A_178, %dma_wait3A_179] : memref<125x80xi32, #tpu.memory_space<vmem>> -> memref<1x80xi32, #tpu.memory_space<vmem>>
    %dma_wait3A_181 = tpu.memref_squeeze %dma_wait3A_180 : memref<1x80xi32, #tpu.memory_space<vmem>> -> memref<80xi32, #tpu.memory_space<vmem>>
    %dma_wait3A_182 = arith.constant 0 : i32
    %dma_wait3A_183 = arith.constant 0 : i32
    %dma_wait3A_184 = tpu.memref_slice %arg2[%dma_wait3A_182, %dma_wait3A_183] : memref<160000x64xf32, #tpu.memory_space<hbm>> -> memref<160000x64xf32, #tpu.memory_space<hbm>>
    tpu.wait_indirect_dma semaphore(%arg26 : memref<!tpu.dma_semaphore, #tpu.memory_space<semaphore_mem>>) src(%dma_wait3A_184 : memref<160000x64xf32, #tpu.memory_space<hbm>>) dst(%arg14 : memref<80x64xf32, #tpu.memory_space<vmem>>)
    %dma_start3A_185 = arith.constant 4 : i32
    %dma_start3A_186 = arith.constant 0 : i32
    %dma_start3A_187 = tpu.memref_slice %arg9[%dma_start3A_185, %dma_start3A_186] : memref<125x80xi32, #tpu.memory_space<vmem>> -> memref<1x80xi32, #tpu.memory_space<vmem>>
    %dma_start3A_188 = tpu.memref_squeeze %dma_start3A_187 : memref<1x80xi32, #tpu.memory_space<vmem>> -> memref<80xi32, #tpu.memory_space<vmem>>
    %dma_start3A_189 = arith.constant 0 : i32
    %dma_start3A_190 = arith.constant 0 : i32
    %dma_start3A_191 = tpu.memref_slice %arg21[%dma_start3A_189, %dma_start3A_190] : memref<10000x64xf32, #tpu.memory_space<vmem_shared>> -> memref<10000x64xf32, #tpu.memory_space<vmem_shared>>
    tpu.enqueue_indirect_dma source(%arg14 : memref<80x64xf32, #tpu.memory_space<vmem>>) target(%dma_start3A_191 : memref<10000x64xf32, #tpu.memory_space<vmem_shared>>) offsets(%dma_start3A_188 : memref<80xi32, #tpu.memory_space<vmem>>) semaphore(%arg36 : memref<!tpu.dma_semaphore, #tpu.memory_space<semaphore_mem>>) {add = true}
    %dma_wait3A_192 = arith.constant 2 : i32
    %dma_wait3A_193 = arith.constant 0 : i32
    %dma_wait3A_194 = tpu.memref_slice %arg9[%dma_wait3A_192, %dma_wait3A_193] : memref<125x80xi32, #tpu.memory_space<vmem>> -> memref<1x80xi32, #tpu.memory_space<vmem>>
    %dma_wait3A_195 = tpu.memref_squeeze %dma_wait3A_194 : memref<1x80xi32, #tpu.memory_space<vmem>> -> memref<80xi32, #tpu.memory_space<vmem>>
    %dma_wait3A_196 = arith.constant 0 : i32
    %dma_wait3A_197 = arith.constant 0 : i32
    %dma_wait3A_198 = tpu.memref_slice %arg21[%dma_wait3A_196, %dma_wait3A_197] : memref<10000x64xf32, #tpu.memory_space<vmem_shared>> -> memref<10000x64xf32, #tpu.memory_space<vmem_shared>>
    tpu.wait_indirect_dma semaphore(%arg34 : memref<!tpu.dma_semaphore, #tpu.memory_space<semaphore_mem>>) src(%arg12 : memref<80x64xf32, #tpu.memory_space<vmem>>) dst(%dma_wait3A_198 : memref<10000x64xf32, #tpu.memory_space<vmem_shared>>)
    %dma_start3A_199 = arith.constant 12 : i32
    %dma_start3A_200 = arith.constant 0 : i32
    %dma_start3A_201 = tpu.memref_slice %arg7[%dma_start3A_199, %dma_start3A_200] : memref<125x80xi32, #tpu.memory_space<vmem>> -> memref<1x80xi32, #tpu.memory_space<vmem>>
    %dma_start3A_202 = tpu.memref_squeeze %dma_start3A_201 : memref<1x80xi32, #tpu.memory_space<vmem>> -> memref<80xi32, #tpu.memory_space<vmem>>
    %dma_start3A_203 = arith.constant 0 : i32
    %dma_start3A_204 = arith.constant 0 : i32
    %dma_start3A_205 = tpu.memref_slice %arg2[%dma_start3A_203, %dma_start3A_204] : memref<160000x64xf32, #tpu.memory_space<hbm>> -> memref<160000x64xf32, #tpu.memory_space<hbm>>
    tpu.enqueue_indirect_dma source(%dma_start3A_205 : memref<160000x64xf32, #tpu.memory_space<hbm>>) target(%arg12 : memref<80x64xf32, #tpu.memory_space<vmem>>) offsets(%dma_start3A_202 : memref<80xi32, #tpu.memory_space<vmem>>) semaphore(%arg24 : memref<!tpu.dma_semaphore, #tpu.memory_space<semaphore_mem>>)
    %dma_wait3A_206 = arith.constant 5 : i32
    %dma_wait3A_207 = arith.constant 0 : i32
    %dma_wait3A_208 = tpu.memref_slice %arg7[%dma_wait3A_206, %dma_wait3A_207] : memref<125x80xi32, #tpu.memory_space<vmem>> -> memref<1x80xi32, #tpu.memory_space<vmem>>
    %dma_wait3A_209 = tpu.memref_squeeze %dma_wait3A_208 : memref<1x80xi32, #tpu.memory_space<vmem>> -> memref<80xi32, #tpu.memory_space<vmem>>
    %dma_wait3A_210 = arith.constant 0 : i32
    %dma_wait3A_211 = arith.constant 0 : i32
    %dma_wait3A_212 = tpu.memref_slice %arg2[%dma_wait3A_210, %dma_wait3A_211] : memref<160000x64xf32, #tpu.memory_space<hbm>> -> memref<160000x64xf32, #tpu.memory_space<hbm>>
    tpu.wait_indirect_dma semaphore(%arg27 : memref<!tpu.dma_semaphore, #tpu.memory_space<semaphore_mem>>) src(%dma_wait3A_212 : memref<160000x64xf32, #tpu.memory_space<hbm>>) dst(%arg15 : memref<80x64xf32, #tpu.memory_space<vmem>>)
    %dma_start3A_213 = arith.constant 5 : i32
    %dma_start3A_214 = arith.constant 0 : i32
    %dma_start3A_215 = tpu.memref_slice %arg9[%dma_start3A_213, %dma_start3A_214] : memref<125x80xi32, #tpu.memory_space<vmem>> -> memref<1x80xi32, #tpu.memory_space<vmem>>
    %dma_start3A_216 = tpu.memref_squeeze %dma_start3A_215 : memref<1x80xi32, #tpu.memory_space<vmem>> -> memref<80xi32, #tpu.memory_space<vmem>>
    %dma_start3A_217 = arith.constant 0 : i32
    %dma_start3A_218 = arith.constant 0 : i32
    %dma_start3A_219 = tpu.memref_slice %arg21[%dma_start3A_217, %dma_start3A_218] : memref<10000x64xf32, #tpu.memory_space<vmem_shared>> -> memref<10000x64xf32, #tpu.memory_space<vmem_shared>>
    tpu.enqueue_indirect_dma source(%arg15 : memref<80x64xf32, #tpu.memory_space<vmem>>) target(%dma_start3A_219 : memref<10000x64xf32, #tpu.memory_space<vmem_shared>>) offsets(%dma_start3A_216 : memref<80xi32, #tpu.memory_space<vmem>>) semaphore(%arg37 : memref<!tpu.dma_semaphore, #tpu.memory_space<semaphore_mem>>) {add = true}
    %dma_wait3A_220 = arith.constant 3 : i32
    %dma_wait3A_221 = arith.constant 0 : i32
    %dma_wait3A_222 = tpu.memref_slice %arg9[%dma_wait3A_220, %dma_wait3A_221] : memref<125x80xi32, #tpu.memory_space<vmem>> -> memref<1x80xi32, #tpu.memory_space<vmem>>
    %dma_wait3A_223 = tpu.memref_squeeze %dma_wait3A_222 : memref<1x80xi32, #tpu.memory_space<vmem>> -> memref<80xi32, #tpu.memory_space<vmem>>
    %dma_wait3A_224 = arith.constant 0 : i32
    %dma_wait3A_225 = arith.constant 0 : i32
    %dma_wait3A_226 = tpu.memref_slice %arg21[%dma_wait3A_224, %dma_wait3A_225] : memref<10000x64xf32, #tpu.memory_space<vmem_shared>> -> memref<10000x64xf32, #tpu.memory_space<vmem_shared>>
    tpu.wait_indirect_dma semaphore(%arg35 : memref<!tpu.dma_semaphore, #tpu.memory_space<semaphore_mem>>) src(%arg13 : memref<80x64xf32, #tpu.memory_space<vmem>>) dst(%dma_wait3A_226 : memref<10000x64xf32, #tpu.memory_space<vmem_shared>>)
    %dma_start3A_227 = arith.constant 13 : i32
    %dma_start3A_228 = arith.constant 0 : i32
    %dma_start3A_229 = tpu.memref_slice %arg7[%dma_start3A_227, %dma_start3A_228] : memref<125x80xi32, #tpu.memory_space<vmem>> -> memref<1x80xi32, #tpu.memory_space<vmem>>
    %dma_start3A_230 = tpu.memref_squeeze %dma_start3A_229 : memref<1x80xi32, #tpu.memory_space<vmem>> -> memref<80xi32, #tpu.memory_space<vmem>>
    %dma_start3A_231 = arith.constant 0 : i32
    %dma_start3A_232 = arith.constant 0 : i32
    %dma_start3A_233 = tpu.memref_slice %arg2[%dma_start3A_231, %dma_start3A_232] : memref<160000x64xf32, #tpu.memory_space<hbm>> -> memref<160000x64xf32, #tpu.memory_space<hbm>>
    tpu.enqueue_indirect_dma source(%dma_start3A_233 : memref<160000x64xf32, #tpu.memory_space<hbm>>) target(%arg13 : memref<80x64xf32, #tpu.memory_space<vmem>>) offsets(%dma_start3A_230 : memref<80xi32, #tpu.memory_space<vmem>>) semaphore(%arg25 : memref<!tpu.dma_semaphore, #tpu.memory_space<semaphore_mem>>)
    %dma_wait3A_234 = arith.constant 6 : i32
    %dma_wait3A_235 = arith.constant 0 : i32
    %dma_wait3A_236 = tpu.memref_slice %arg7[%dma_wait3A_234, %dma_wait3A_235] : memref<125x80xi32, #tpu.memory_space<vmem>> -> memref<1x80xi32, #tpu.memory_space<vmem>>
    %dma_wait3A_237 = tpu.memref_squeeze %dma_wait3A_236 : memref<1x80xi32, #tpu.memory_space<vmem>> -> memref<80xi32, #tpu.memory_space<vmem>>
    %dma_wait3A_238 = arith.constant 0 : i32
    %dma_wait3A_239 = arith.constant 0 : i32
    %dma_wait3A_240 = tpu.memref_slice %arg2[%dma_wait3A_238, %dma_wait3A_239] : memref<160000x64xf32, #tpu.memory_space<hbm>> -> memref<160000x64xf32, #tpu.memory_space<hbm>>
    tpu.wait_indirect_dma semaphore(%arg28 : memref<!tpu.dma_semaphore, #tpu.memory_space<semaphore_mem>>) src(%dma_wait3A_240 : memref<160000x64xf32, #tpu.memory_space<hbm>>) dst(%arg16 : memref<80x64xf32, #tpu.memory_space<vmem>>)
    %dma_start3A_241 = arith.constant 6 : i32
    %dma_start3A_242 = arith.constant 0 : i32
    %dma_start3A_243 = tpu.memref_slice %arg9[%dma_start3A_241, %dma_start3A_242] : memref<125x80xi32, #tpu.memory_space<vmem>> -> memref<1x80xi32, #tpu.memory_space<vmem>>
    %dma_start3A_244 = tpu.memref_squeeze %dma_start3A_243 : memref<1x80xi32, #tpu.memory_space<vmem>> -> memref<80xi32, #tpu.memory_space<vmem>>
    %dma_start3A_245 = arith.constant 0 : i32
    %dma_start3A_246 = arith.constant 0 : i32
    %dma_start3A_247 = tpu.memref_slice %arg21[%dma_start3A_245, %dma_start3A_246] : memref<10000x64xf32, #tpu.memory_space<vmem_shared>> -> memref<10000x64xf32, #tpu.memory_space<vmem_shared>>
    tpu.enqueue_indirect_dma source(%arg16 : memref<80x64xf32, #tpu.memory_space<vmem>>) target(%dma_start3A_247 : memref<10000x64xf32, #tpu.memory_space<vmem_shared>>) offsets(%dma_start3A_244 : memref<80xi32, #tpu.memory_space<vmem>>) semaphore(%arg38 : memref<!tpu.dma_semaphore, #tpu.memory_space<semaphore_mem>>) {add = true}
    %dma_wait3A_248 = arith.constant 4 : i32
    %dma_wait3A_249 = arith.constant 0 : i32
    %dma_wait3A_250 = tpu.memref_slice %arg9[%dma_wait3A_248, %dma_wait3A_249] : memref<125x80xi32, #tpu.memory_space<vmem>> -> memref<1x80xi32, #tpu.memory_space<vmem>>
    %dma_wait3A_251 = tpu.memref_squeeze %dma_wait3A_250 : memref<1x80xi32, #tpu.memory_space<vmem>> -> memref<80xi32, #tpu.memory_space<vmem>>
    %dma_wait3A_252 = arith.constant 0 : i32
    %dma_wait3A_253 = arith.constant 0 : i32
    %dma_wait3A_254 = tpu.memref_slice %arg21[%dma_wait3A_252, %dma_wait3A_253] : memref<10000x64xf32, #tpu.memory_space<vmem_shared>> -> memref<10000x64xf32, #tpu.memory_space<vmem_shared>>
    tpu.wait_indirect_dma semaphore(%arg36 : memref<!tpu.dma_semaphore, #tpu.memory_space<semaphore_mem>>) src(%arg14 : memref<80x64xf32, #tpu.memory_space<vmem>>) dst(%dma_wait3A_254 : memref<10000x64xf32, #tpu.memory_space<vmem_shared>>)
    %dma_start3A_255 = arith.constant 14 : i32
    %dma_start3A_256 = arith.constant 0 : i32
    %dma_start3A_257 = tpu.memref_slice %arg7[%dma_start3A_255, %dma_start3A_256] : memref<125x80xi32, #tpu.memory_space<vmem>> -> memref<1x80xi32, #tpu.memory_space<vmem>>
    %dma_start3A_258 = tpu.memref_squeeze %dma_start3A_257 : memref<1x80xi32, #tpu.memory_space<vmem>> -> memref<80xi32, #tpu.memory_space<vmem>>
    %dma_start3A_259 = arith.constant 0 : i32
    %dma_start3A_260 = arith.constant 0 : i32
    %dma_start3A_261 = tpu.memref_slice %arg2[%dma_start3A_259, %dma_start3A_260] : memref<160000x64xf32, #tpu.memory_space<hbm>> -> memref<160000x64xf32, #tpu.memory_space<hbm>>
    tpu.enqueue_indirect_dma source(%dma_start3A_261 : memref<160000x64xf32, #tpu.memory_space<hbm>>) target(%arg14 : memref<80x64xf32, #tpu.memory_space<vmem>>) offsets(%dma_start3A_258 : memref<80xi32, #tpu.memory_space<vmem>>) semaphore(%arg26 : memref<!tpu.dma_semaphore, #tpu.memory_space<semaphore_mem>>)
    %dma_wait3A_262 = arith.constant 7 : i32
    %dma_wait3A_263 = arith.constant 0 : i32
    %dma_wait3A_264 = tpu.memref_slice %arg7[%dma_wait3A_262, %dma_wait3A_263] : memref<125x80xi32, #tpu.memory_space<vmem>> -> memref<1x80xi32, #tpu.memory_space<vmem>>
    %dma_wait3A_265 = tpu.memref_squeeze %dma_wait3A_264 : memref<1x80xi32, #tpu.memory_space<vmem>> -> memref<80xi32, #tpu.memory_space<vmem>>
    %dma_wait3A_266 = arith.constant 0 : i32
    %dma_wait3A_267 = arith.constant 0 : i32
    %dma_wait3A_268 = tpu.memref_slice %arg2[%dma_wait3A_266, %dma_wait3A_267] : memref<160000x64xf32, #tpu.memory_space<hbm>> -> memref<160000x64xf32, #tpu.memory_space<hbm>>
    tpu.wait_indirect_dma semaphore(%arg29 : memref<!tpu.dma_semaphore, #tpu.memory_space<semaphore_mem>>) src(%dma_wait3A_268 : memref<160000x64xf32, #tpu.memory_space<hbm>>) dst(%arg17 : memref<80x64xf32, #tpu.memory_space<vmem>>)
    %dma_start3A_269 = arith.constant 7 : i32
    %dma_start3A_270 = arith.constant 0 : i32
    %dma_start3A_271 = tpu.memref_slice %arg9[%dma_start3A_269, %dma_start3A_270] : memref<125x80xi32, #tpu.memory_space<vmem>> -> memref<1x80xi32, #tpu.memory_space<vmem>>
    %dma_start3A_272 = tpu.memref_squeeze %dma_start3A_271 : memref<1x80xi32, #tpu.memory_space<vmem>> -> memref<80xi32, #tpu.memory_space<vmem>>
    %dma_start3A_273 = arith.constant 0 : i32
    %dma_start3A_274 = arith.constant 0 : i32
    %dma_start3A_275 = tpu.memref_slice %arg21[%dma_start3A_273, %dma_start3A_274] : memref<10000x64xf32, #tpu.memory_space<vmem_shared>> -> memref<10000x64xf32, #tpu.memory_space<vmem_shared>>
    tpu.enqueue_indirect_dma source(%arg17 : memref<80x64xf32, #tpu.memory_space<vmem>>) target(%dma_start3A_275 : memref<10000x64xf32, #tpu.memory_space<vmem_shared>>) offsets(%dma_start3A_272 : memref<80xi32, #tpu.memory_space<vmem>>) semaphore(%arg39 : memref<!tpu.dma_semaphore, #tpu.memory_space<semaphore_mem>>) {add = true}
    %dma_wait3A_276 = arith.constant 5 : i32
    %dma_wait3A_277 = arith.constant 0 : i32
    %dma_wait3A_278 = tpu.memref_slice %arg9[%dma_wait3A_276, %dma_wait3A_277] : memref<125x80xi32, #tpu.memory_space<vmem>> -> memref<1x80xi32, #tpu.memory_space<vmem>>
    %dma_wait3A_279 = tpu.memref_squeeze %dma_wait3A_278 : memref<1x80xi32, #tpu.memory_space<vmem>> -> memref<80xi32, #tpu.memory_space<vmem>>
    %dma_wait3A_280 = arith.constant 0 : i32
    %dma_wait3A_281 = arith.constant 0 : i32
    %dma_wait3A_282 = tpu.memref_slice %arg21[%dma_wait3A_280, %dma_wait3A_281] : memref<10000x64xf32, #tpu.memory_space<vmem_shared>> -> memref<10000x64xf32, #tpu.memory_space<vmem_shared>>
    tpu.wait_indirect_dma semaphore(%arg37 : memref<!tpu.dma_semaphore, #tpu.memory_space<semaphore_mem>>) src(%arg15 : memref<80x64xf32, #tpu.memory_space<vmem>>) dst(%dma_wait3A_282 : memref<10000x64xf32, #tpu.memory_space<vmem_shared>>)
    %dma_start3A_283 = arith.constant 15 : i32
    %dma_start3A_284 = arith.constant 0 : i32
    %dma_start3A_285 = tpu.memref_slice %arg7[%dma_start3A_283, %dma_start3A_284] : memref<125x80xi32, #tpu.memory_space<vmem>> -> memref<1x80xi32, #tpu.memory_space<vmem>>
    %dma_start3A_286 = tpu.memref_squeeze %dma_start3A_285 : memref<1x80xi32, #tpu.memory_space<vmem>> -> memref<80xi32, #tpu.memory_space<vmem>>
    %dma_start3A_287 = arith.constant 0 : i32
    %dma_start3A_288 = arith.constant 0 : i32
    %dma_start3A_289 = tpu.memref_slice %arg2[%dma_start3A_287, %dma_start3A_288] : memref<160000x64xf32, #tpu.memory_space<hbm>> -> memref<160000x64xf32, #tpu.memory_space<hbm>>
    tpu.enqueue_indirect_dma source(%dma_start3A_289 : memref<160000x64xf32, #tpu.memory_space<hbm>>) target(%arg15 : memref<80x64xf32, #tpu.memory_space<vmem>>) offsets(%dma_start3A_286 : memref<80xi32, #tpu.memory_space<vmem>>) semaphore(%arg27 : memref<!tpu.dma_semaphore, #tpu.memory_space<semaphore_mem>>)
    %dma_wait3A_290 = arith.constant 8 : i32
    %dma_wait3A_291 = arith.constant 0 : i32
    %dma_wait3A_292 = tpu.memref_slice %arg7[%dma_wait3A_290, %dma_wait3A_291] : memref<125x80xi32, #tpu.memory_space<vmem>> -> memref<1x80xi32, #tpu.memory_space<vmem>>
    %dma_wait3A_293 = tpu.memref_squeeze %dma_wait3A_292 : memref<1x80xi32, #tpu.memory_space<vmem>> -> memref<80xi32, #tpu.memory_space<vmem>>
    %dma_wait3A_294 = arith.constant 0 : i32
    %dma_wait3A_295 = arith.constant 0 : i32
    %dma_wait3A_296 = tpu.memref_slice %arg2[%dma_wait3A_294, %dma_wait3A_295] : memref<160000x64xf32, #tpu.memory_space<hbm>> -> memref<160000x64xf32, #tpu.memory_space<hbm>>
    tpu.wait_indirect_dma semaphore(%arg30 : memref<!tpu.dma_semaphore, #tpu.memory_space<semaphore_mem>>) src(%dma_wait3A_296 : memref<160000x64xf32, #tpu.memory_space<hbm>>) dst(%arg18 : memref<80x64xf32, #tpu.memory_space<vmem>>)
    %dma_start3A_297 = arith.constant 8 : i32
    %dma_start3A_298 = arith.constant 0 : i32
    %dma_start3A_299 = tpu.memref_slice %arg9[%dma_start3A_297, %dma_start3A_298] : memref<125x80xi32, #tpu.memory_space<vmem>> -> memref<1x80xi32, #tpu.memory_space<vmem>>
    %dma_start3A_300 = tpu.memref_squeeze %dma_start3A_299 : memref<1x80xi32, #tpu.memory_space<vmem>> -> memref<80xi32, #tpu.memory_space<vmem>>
    %dma_start3A_301 = arith.constant 0 : i32
    %dma_start3A_302 = arith.constant 0 : i32
    %dma_start3A_303 = tpu.memref_slice %arg21[%dma_start3A_301, %dma_start3A_302] : memref<10000x64xf32, #tpu.memory_space<vmem_shared>> -> memref<10000x64xf32, #tpu.memory_space<vmem_shared>>
    tpu.enqueue_indirect_dma source(%arg18 : memref<80x64xf32, #tpu.memory_space<vmem>>) target(%dma_start3A_303 : memref<10000x64xf32, #tpu.memory_space<vmem_shared>>) offsets(%dma_start3A_300 : memref<80xi32, #tpu.memory_space<vmem>>) semaphore(%arg40 : memref<!tpu.dma_semaphore, #tpu.memory_space<semaphore_mem>>) {add = true}
    %dma_wait3A_304 = arith.constant 6 : i32
    %dma_wait3A_305 = arith.constant 0 : i32
    %dma_wait3A_306 = tpu.memref_slice %arg9[%dma_wait3A_304, %dma_wait3A_305] : memref<125x80xi32, #tpu.memory_space<vmem>> -> memref<1x80xi32, #tpu.memory_space<vmem>>
    %dma_wait3A_307 = tpu.memref_squeeze %dma_wait3A_306 : memref<1x80xi32, #tpu.memory_space<vmem>> -> memref<80xi32, #tpu.memory_space<vmem>>
    %dma_wait3A_308 = arith.constant 0 : i32
    %dma_wait3A_309 = arith.constant 0 : i32
    %dma_wait3A_310 = tpu.memref_slice %arg21[%dma_wait3A_308, %dma_wait3A_309] : memref<10000x64xf32, #tpu.memory_space<vmem_shared>> -> memref<10000x64xf32, #tpu.memory_space<vmem_shared>>
    tpu.wait_indirect_dma semaphore(%arg38 : memref<!tpu.dma_semaphore, #tpu.memory_space<semaphore_mem>>) src(%arg16 : memref<80x64xf32, #tpu.memory_space<vmem>>) dst(%dma_wait3A_310 : memref<10000x64xf32, #tpu.memory_space<vmem_shared>>)
    %dma_start3A_311 = arith.constant 16 : i32
    %dma_start3A_312 = arith.constant 0 : i32
    %dma_start3A_313 = tpu.memref_slice %arg7[%dma_start3A_311, %dma_start3A_312] : memref<125x80xi32, #tpu.memory_space<vmem>> -> memref<1x80xi32, #tpu.memory_space<vmem>>
    %dma_start3A_314 = tpu.memref_squeeze %dma_start3A_313 : memref<1x80xi32, #tpu.memory_space<vmem>> -> memref<80xi32, #tpu.memory_space<vmem>>
    %dma_start3A_315 = arith.constant 0 : i32
    %dma_start3A_316 = arith.constant 0 : i32
    %dma_start3A_317 = tpu.memref_slice %arg2[%dma_start3A_315, %dma_start3A_316] : memref<160000x64xf32, #tpu.memory_space<hbm>> -> memref<160000x64xf32, #tpu.memory_space<hbm>>
    tpu.enqueue_indirect_dma source(%dma_start3A_317 : memref<160000x64xf32, #tpu.memory_space<hbm>>) target(%arg16 : memref<80x64xf32, #tpu.memory_space<vmem>>) offsets(%dma_start3A_314 : memref<80xi32, #tpu.memory_space<vmem>>) semaphore(%arg28 : memref<!tpu.dma_semaphore, #tpu.memory_space<semaphore_mem>>)
    %dma_wait3A_318 = arith.constant 9 : i32
    %dma_wait3A_319 = arith.constant 0 : i32
    %dma_wait3A_320 = tpu.memref_slice %arg7[%dma_wait3A_318, %dma_wait3A_319] : memref<125x80xi32, #tpu.memory_space<vmem>> -> memref<1x80xi32, #tpu.memory_space<vmem>>
    %dma_wait3A_321 = tpu.memref_squeeze %dma_wait3A_320 : memref<1x80xi32, #tpu.memory_space<vmem>> -> memref<80xi32, #tpu.memory_space<vmem>>
    %dma_wait3A_322 = arith.constant 0 : i32
    %dma_wait3A_323 = arith.constant 0 : i32
    %dma_wait3A_324 = tpu.memref_slice %arg2[%dma_wait3A_322, %dma_wait3A_323] : memref<160000x64xf32, #tpu.memory_space<hbm>> -> memref<160000x64xf32, #tpu.memory_space<hbm>>
    tpu.wait_indirect_dma semaphore(%arg31 : memref<!tpu.dma_semaphore, #tpu.memory_space<semaphore_mem>>) src(%dma_wait3A_324 : memref<160000x64xf32, #tpu.memory_space<hbm>>) dst(%arg19 : memref<80x64xf32, #tpu.memory_space<vmem>>)
    %dma_start3A_325 = arith.constant 9 : i32
    %dma_start3A_326 = arith.constant 0 : i32
    %dma_start3A_327 = tpu.memref_slice %arg9[%dma_start3A_325, %dma_start3A_326] : memref<125x80xi32, #tpu.memory_space<vmem>> -> memref<1x80xi32, #tpu.memory_space<vmem>>
    %dma_start3A_328 = tpu.memref_squeeze %dma_start3A_327 : memref<1x80xi32, #tpu.memory_space<vmem>> -> memref<80xi32, #tpu.memory_space<vmem>>
    %dma_start3A_329 = arith.constant 0 : i32
    %dma_start3A_330 = arith.constant 0 : i32
    %dma_start3A_331 = tpu.memref_slice %arg21[%dma_start3A_329, %dma_start3A_330] : memref<10000x64xf32, #tpu.memory_space<vmem_shared>> -> memref<10000x64xf32, #tpu.memory_space<vmem_shared>>
    tpu.enqueue_indirect_dma source(%arg19 : memref<80x64xf32, #tpu.memory_space<vmem>>) target(%dma_start3A_331 : memref<10000x64xf32, #tpu.memory_space<vmem_shared>>) offsets(%dma_start3A_328 : memref<80xi32, #tpu.memory_space<vmem>>) semaphore(%arg41 : memref<!tpu.dma_semaphore, #tpu.memory_space<semaphore_mem>>) {add = true}
    %dma_wait3A_332 = arith.constant 7 : i32
    %dma_wait3A_333 = arith.constant 0 : i32
    %dma_wait3A_334 = tpu.memref_slice %arg9[%dma_wait3A_332, %dma_wait3A_333] : memref<125x80xi32, #tpu.memory_space<vmem>> -> memref<1x80xi32, #tpu.memory_space<vmem>>
    %dma_wait3A_335 = tpu.memref_squeeze %dma_wait3A_334 : memref<1x80xi32, #tpu.memory_space<vmem>> -> memref<80xi32, #tpu.memory_space<vmem>>
    %dma_wait3A_336 = arith.constant 0 : i32
    %dma_wait3A_337 = arith.constant 0 : i32
    %dma_wait3A_338 = tpu.memref_slice %arg21[%dma_wait3A_336, %dma_wait3A_337] : memref<10000x64xf32, #tpu.memory_space<vmem_shared>> -> memref<10000x64xf32, #tpu.memory_space<vmem_shared>>
    tpu.wait_indirect_dma semaphore(%arg39 : memref<!tpu.dma_semaphore, #tpu.memory_space<semaphore_mem>>) src(%arg17 : memref<80x64xf32, #tpu.memory_space<vmem>>) dst(%dma_wait3A_338 : memref<10000x64xf32, #tpu.memory_space<vmem_shared>>)
    %dma_start3A_339 = arith.constant 17 : i32
    %dma_start3A_340 = arith.constant 0 : i32
    %dma_start3A_341 = tpu.memref_slice %arg7[%dma_start3A_339, %dma_start3A_340] : memref<125x80xi32, #tpu.memory_space<vmem>> -> memref<1x80xi32, #tpu.memory_space<vmem>>
    %dma_start3A_342 = tpu.memref_squeeze %dma_start3A_341 : memref<1x80xi32, #tpu.memory_space<vmem>> -> memref<80xi32, #tpu.memory_space<vmem>>
    %dma_start3A_343 = arith.constant 0 : i32
    %dma_start3A_344 = arith.constant 0 : i32
    %dma_start3A_345 = tpu.memref_slice %arg2[%dma_start3A_343, %dma_start3A_344] : memref<160000x64xf32, #tpu.memory_space<hbm>> -> memref<160000x64xf32, #tpu.memory_space<hbm>>
    tpu.enqueue_indirect_dma source(%dma_start3A_345 : memref<160000x64xf32, #tpu.memory_space<hbm>>) target(%arg17 : memref<80x64xf32, #tpu.memory_space<vmem>>) offsets(%dma_start3A_342 : memref<80xi32, #tpu.memory_space<vmem>>) semaphore(%arg29 : memref<!tpu.dma_semaphore, #tpu.memory_space<semaphore_mem>>)
    %scan3A_346 = arith.constant 0 : i32
    %scan3A_347 = arith.constant 1 : i32
    %scan3A_348 = arith.constant 10 : i32
    %scan3A_349 = arith.addi %scan3A_347, %scan3A_348 : i32
    %scan3A_350 = arith.constant 1 : i32
    scf.for %scan3A_1467 = %scan3A_347 to %scan3A_349 step %scan3A_350  : i32 {
      %mul3A_1468 = arith.constant 10 : i32
      %mul3A_1469 = arith.muli %scan3A_1467, %mul3A_1468 : i32
      %add3A_1470 = arith.constant 0 : i32
      %add3A_1471 = arith.addi %mul3A_1469, %add3A_1470 : i32
      %dma_wait3A_1472 = arith.constant 0 : i32
      %dma_wait3A_1473 = tpu.memref_slice %arg7[%add3A_1471, %dma_wait3A_1472] : memref<125x80xi32, #tpu.memory_space<vmem>> -> memref<1x80xi32, #tpu.memory_space<vmem>>
      %dma_wait3A_1474 = tpu.memref_squeeze %dma_wait3A_1473 : memref<1x80xi32, #tpu.memory_space<vmem>> -> memref<80xi32, #tpu.memory_space<vmem>>
      %dma_wait3A_1475 = arith.constant 0 : i32
      %dma_wait3A_1476 = arith.constant 0 : i32
      %dma_wait3A_1477 = tpu.memref_slice %arg2[%dma_wait3A_1475, %dma_wait3A_1476] : memref<160000x64xf32, #tpu.memory_space<hbm>> -> memref<160000x64xf32, #tpu.memory_space<hbm>>
      tpu.wait_indirect_dma semaphore(%arg22 : memref<!tpu.dma_semaphore, #tpu.memory_space<semaphore_mem>>) src(%dma_wait3A_1477 : memref<160000x64xf32, #tpu.memory_space<hbm>>) dst(%arg10 : memref<80x64xf32, #tpu.memory_space<vmem>>)
      %dma_start3A_1478 = arith.constant 0 : i32
      %dma_start3A_1479 = tpu.memref_slice %arg9[%add3A_1471, %dma_start3A_1478] : memref<125x80xi32, #tpu.memory_space<vmem>> -> memref<1x80xi32, #tpu.memory_space<vmem>>
      %dma_start3A_1480 = tpu.memref_squeeze %dma_start3A_1479 : memref<1x80xi32, #tpu.memory_space<vmem>> -> memref<80xi32, #tpu.memory_space<vmem>>
      %dma_start3A_1481 = arith.constant 0 : i32
      %dma_start3A_1482 = arith.constant 0 : i32
      %dma_start3A_1483 = tpu.memref_slice %arg21[%dma_start3A_1481, %dma_start3A_1482] : memref<10000x64xf32, #tpu.memory_space<vmem_shared>> -> memref<10000x64xf32, #tpu.memory_space<vmem_shared>>
      tpu.enqueue_indirect_dma source(%arg10 : memref<80x64xf32, #tpu.memory_space<vmem>>) target(%dma_start3A_1483 : memref<10000x64xf32, #tpu.memory_space<vmem_shared>>) offsets(%dma_start3A_1480 : memref<80xi32, #tpu.memory_space<vmem>>) semaphore(%arg32 : memref<!tpu.dma_semaphore, #tpu.memory_space<semaphore_mem>>) {add = true}
      %sub3A = arith.constant 2 : i32
      %sub3A_1484 = arith.subi %add3A_1471, %sub3A : i32
      %dma_wait3A_1485 = arith.constant 0 : i32
      %dma_wait3A_1486 = tpu.memref_slice %arg9[%sub3A_1484, %dma_wait3A_1485] : memref<125x80xi32, #tpu.memory_space<vmem>> -> memref<1x80xi32, #tpu.memory_space<vmem>>
      %dma_wait3A_1487 = tpu.memref_squeeze %dma_wait3A_1486 : memref<1x80xi32, #tpu.memory_space<vmem>> -> memref<80xi32, #tpu.memory_space<vmem>>
      %dma_wait3A_1488 = arith.constant 0 : i32
      %dma_wait3A_1489 = arith.constant 0 : i32
      %dma_wait3A_1490 = tpu.memref_slice %arg21[%dma_wait3A_1488, %dma_wait3A_1489] : memref<10000x64xf32, #tpu.memory_space<vmem_shared>> -> memref<10000x64xf32, #tpu.memory_space<vmem_shared>>
      tpu.wait_indirect_dma semaphore(%arg40 : memref<!tpu.dma_semaphore, #tpu.memory_space<semaphore_mem>>) src(%arg18 : memref<80x64xf32, #tpu.memory_space<vmem>>) dst(%dma_wait3A_1490 : memref<10000x64xf32, #tpu.memory_space<vmem_shared>>)
      %add3A_1491 = arith.constant 8 : i32
      %add3A_1492 = arith.addi %add3A_1471, %add3A_1491 : i32
      %dma_start3A_1493 = arith.constant 0 : i32
      %dma_start3A_1494 = tpu.memref_slice %arg7[%add3A_1492, %dma_start3A_1493] : memref<125x80xi32, #tpu.memory_space<vmem>> -> memref<1x80xi32, #tpu.memory_space<vmem>>
      %dma_start3A_1495 = tpu.memref_squeeze %dma_start3A_1494 : memref<1x80xi32, #tpu.memory_space<vmem>> -> memref<80xi32, #tpu.memory_space<vmem>>
      %dma_start3A_1496 = arith.constant 0 : i32
      %dma_start3A_1497 = arith.constant 0 : i32
      %dma_start3A_1498 = tpu.memref_slice %arg2[%dma_start3A_1496, %dma_start3A_1497] : memref<160000x64xf32, #tpu.memory_space<hbm>> -> memref<160000x64xf32, #tpu.memory_space<hbm>>
      tpu.enqueue_indirect_dma source(%dma_start3A_1498 : memref<160000x64xf32, #tpu.memory_space<hbm>>) target(%arg18 : memref<80x64xf32, #tpu.memory_space<vmem>>) offsets(%dma_start3A_1495 : memref<80xi32, #tpu.memory_space<vmem>>) semaphore(%arg30 : memref<!tpu.dma_semaphore, #tpu.memory_space<semaphore_mem>>)
      %add3A_1499 = arith.constant 1 : i32
      %add3A_1500 = arith.addi %mul3A_1469, %add3A_1499 : i32
      %dma_wait3A_1501 = arith.constant 0 : i32
      %dma_wait3A_1502 = tpu.memref_slice %arg7[%add3A_1500, %dma_wait3A_1501] : memref<125x80xi32, #tpu.memory_space<vmem>> -> memref<1x80xi32, #tpu.memory_space<vmem>>
      %dma_wait3A_1503 = tpu.memref_squeeze %dma_wait3A_1502 : memref<1x80xi32, #tpu.memory_space<vmem>> -> memref<80xi32, #tpu.memory_space<vmem>>
      %dma_wait3A_1504 = arith.constant 0 : i32
      %dma_wait3A_1505 = arith.constant 0 : i32
      %dma_wait3A_1506 = tpu.memref_slice %arg2[%dma_wait3A_1504, %dma_wait3A_1505] : memref<160000x64xf32, #tpu.memory_space<hbm>> -> memref<160000x64xf32, #tpu.memory_space<hbm>>
      tpu.wait_indirect_dma semaphore(%arg23 : memref<!tpu.dma_semaphore, #tpu.memory_space<semaphore_mem>>) src(%dma_wait3A_1506 : memref<160000x64xf32, #tpu.memory_space<hbm>>) dst(%arg11 : memref<80x64xf32, #tpu.memory_space<vmem>>)
      %dma_start3A_1507 = arith.constant 0 : i32
      %dma_start3A_1508 = tpu.memref_slice %arg9[%add3A_1500, %dma_start3A_1507] : memref<125x80xi32, #tpu.memory_space<vmem>> -> memref<1x80xi32, #tpu.memory_space<vmem>>
      %dma_start3A_1509 = tpu.memref_squeeze %dma_start3A_1508 : memref<1x80xi32, #tpu.memory_space<vmem>> -> memref<80xi32, #tpu.memory_space<vmem>>
      %dma_start3A_1510 = arith.constant 0 : i32
      %dma_start3A_1511 = arith.constant 0 : i32
      %dma_start3A_1512 = tpu.memref_slice %arg21[%dma_start3A_1510, %dma_start3A_1511] : memref<10000x64xf32, #tpu.memory_space<vmem_shared>> -> memref<10000x64xf32, #tpu.memory_space<vmem_shared>>
      tpu.enqueue_indirect_dma source(%arg11 : memref<80x64xf32, #tpu.memory_space<vmem>>) target(%dma_start3A_1512 : memref<10000x64xf32, #tpu.memory_space<vmem_shared>>) offsets(%dma_start3A_1509 : memref<80xi32, #tpu.memory_space<vmem>>) semaphore(%arg33 : memref<!tpu.dma_semaphore, #tpu.memory_space<semaphore_mem>>) {add = true}
      %sub3A_1513 = arith.constant 2 : i32
      %sub3A_1514 = arith.subi %add3A_1500, %sub3A_1513 : i32
      %dma_wait3A_1515 = arith.constant 0 : i32
      %dma_wait3A_1516 = tpu.memref_slice %arg9[%sub3A_1514, %dma_wait3A_1515] : memref<125x80xi32, #tpu.memory_space<vmem>> -> memref<1x80xi32, #tpu.memory_space<vmem>>
      %dma_wait3A_1517 = tpu.memref_squeeze %dma_wait3A_1516 : memref<1x80xi32, #tpu.memory_space<vmem>> -> memref<80xi32, #tpu.memory_space<vmem>>
      %dma_wait3A_1518 = arith.constant 0 : i32
      %dma_wait3A_1519 = arith.constant 0 : i32
      %dma_wait3A_1520 = tpu.memref_slice %arg21[%dma_wait3A_1518, %dma_wait3A_1519] : memref<10000x64xf32, #tpu.memory_space<vmem_shared>> -> memref<10000x64xf32, #tpu.memory_space<vmem_shared>>
      tpu.wait_indirect_dma semaphore(%arg41 : memref<!tpu.dma_semaphore, #tpu.memory_space<semaphore_mem>>) src(%arg19 : memref<80x64xf32, #tpu.memory_space<vmem>>) dst(%dma_wait3A_1520 : memref<10000x64xf32, #tpu.memory_space<vmem_shared>>)
      %add3A_1521 = arith.constant 8 : i32
      %add3A_1522 = arith.addi %add3A_1500, %add3A_1521 : i32
      %dma_start3A_1523 = arith.constant 0 : i32
      %dma_start3A_1524 = tpu.memref_slice %arg7[%add3A_1522, %dma_start3A_1523] : memref<125x80xi32, #tpu.memory_space<vmem>> -> memref<1x80xi32, #tpu.memory_space<vmem>>
      %dma_start3A_1525 = tpu.memref_squeeze %dma_start3A_1524 : memref<1x80xi32, #tpu.memory_space<vmem>> -> memref<80xi32, #tpu.memory_space<vmem>>
      %dma_start3A_1526 = arith.constant 0 : i32
      %dma_start3A_1527 = arith.constant 0 : i32
      %dma_start3A_1528 = tpu.memref_slice %arg2[%dma_start3A_1526, %dma_start3A_1527] : memref<160000x64xf32, #tpu.memory_space<hbm>> -> memref<160000x64xf32, #tpu.memory_space<hbm>>
      tpu.enqueue_indirect_dma source(%dma_start3A_1528 : memref<160000x64xf32, #tpu.memory_space<hbm>>) target(%arg19 : memref<80x64xf32, #tpu.memory_space<vmem>>) offsets(%dma_start3A_1525 : memref<80xi32, #tpu.memory_space<vmem>>) semaphore(%arg31 : memref<!tpu.dma_semaphore, #tpu.memory_space<semaphore_mem>>)
      %add3A_1529 = arith.constant 2 : i32
      %add3A_1530 = arith.addi %mul3A_1469, %add3A_1529 : i32
      %dma_wait3A_1531 = arith.constant 0 : i32
      %dma_wait3A_1532 = tpu.memref_slice %arg7[%add3A_1530, %dma_wait3A_1531] : memref<125x80xi32, #tpu.memory_space<vmem>> -> memref<1x80xi32, #tpu.memory_space<vmem>>
      %dma_wait3A_1533 = tpu.memref_squeeze %dma_wait3A_1532 : memref<1x80xi32, #tpu.memory_space<vmem>> -> memref<80xi32, #tpu.memory_space<vmem>>
      %dma_wait3A_1534 = arith.constant 0 : i32
      %dma_wait3A_1535 = arith.constant 0 : i32
      %dma_wait3A_1536 = tpu.memref_slice %arg2[%dma_wait3A_1534, %dma_wait3A_1535] : memref<160000x64xf32, #tpu.memory_space<hbm>> -> memref<160000x64xf32, #tpu.memory_space<hbm>>
      tpu.wait_indirect_dma semaphore(%arg24 : memref<!tpu.dma_semaphore, #tpu.memory_space<semaphore_mem>>) src(%dma_wait3A_1536 : memref<160000x64xf32, #tpu.memory_space<hbm>>) dst(%arg12 : memref<80x64xf32, #tpu.memory_space<vmem>>)
      %dma_start3A_1537 = arith.constant 0 : i32
      %dma_start3A_1538 = tpu.memref_slice %arg9[%add3A_1530, %dma_start3A_1537] : memref<125x80xi32, #tpu.memory_space<vmem>> -> memref<1x80xi32, #tpu.memory_space<vmem>>
      %dma_start3A_1539 = tpu.memref_squeeze %dma_start3A_1538 : memref<1x80xi32, #tpu.memory_space<vmem>> -> memref<80xi32, #tpu.memory_space<vmem>>
      %dma_start3A_1540 = arith.constant 0 : i32
      %dma_start3A_1541 = arith.constant 0 : i32
      %dma_start3A_1542 = tpu.memref_slice %arg21[%dma_start3A_1540, %dma_start3A_1541] : memref<10000x64xf32, #tpu.memory_space<vmem_shared>> -> memref<10000x64xf32, #tpu.memory_space<vmem_shared>>
      tpu.enqueue_indirect_dma source(%arg12 : memref<80x64xf32, #tpu.memory_space<vmem>>) target(%dma_start3A_1542 : memref<10000x64xf32, #tpu.memory_space<vmem_shared>>) offsets(%dma_start3A_1539 : memref<80xi32, #tpu.memory_space<vmem>>) semaphore(%arg34 : memref<!tpu.dma_semaphore, #tpu.memory_space<semaphore_mem>>) {add = true}
      %sub3A_1543 = arith.constant 2 : i32
      %sub3A_1544 = arith.subi %add3A_1530, %sub3A_1543 : i32
      %dma_wait3A_1545 = arith.constant 0 : i32
      %dma_wait3A_1546 = tpu.memref_slice %arg9[%sub3A_1544, %dma_wait3A_1545] : memref<125x80xi32, #tpu.memory_space<vmem>> -> memref<1x80xi32, #tpu.memory_space<vmem>>
      %dma_wait3A_1547 = tpu.memref_squeeze %dma_wait3A_1546 : memref<1x80xi32, #tpu.memory_space<vmem>> -> memref<80xi32, #tpu.memory_space<vmem>>
      %dma_wait3A_1548 = arith.constant 0 : i32
      %dma_wait3A_1549 = arith.constant 0 : i32
      %dma_wait3A_1550 = tpu.memref_slice %arg21[%dma_wait3A_1548, %dma_wait3A_1549] : memref<10000x64xf32, #tpu.memory_space<vmem_shared>> -> memref<10000x64xf32, #tpu.memory_space<vmem_shared>>
      tpu.wait_indirect_dma semaphore(%arg32 : memref<!tpu.dma_semaphore, #tpu.memory_space<semaphore_mem>>) src(%arg10 : memref<80x64xf32, #tpu.memory_space<vmem>>) dst(%dma_wait3A_1550 : memref<10000x64xf32, #tpu.memory_space<vmem_shared>>)
      %add3A_1551 = arith.constant 8 : i32
      %add3A_1552 = arith.addi %add3A_1530, %add3A_1551 : i32
      %dma_start3A_1553 = arith.constant 0 : i32
      %dma_start3A_1554 = tpu.memref_slice %arg7[%add3A_1552, %dma_start3A_1553] : memref<125x80xi32, #tpu.memory_space<vmem>> -> memref<1x80xi32, #tpu.memory_space<vmem>>
      %dma_start3A_1555 = tpu.memref_squeeze %dma_start3A_1554 : memref<1x80xi32, #tpu.memory_space<vmem>> -> memref<80xi32, #tpu.memory_space<vmem>>
      %dma_start3A_1556 = arith.constant 0 : i32
      %dma_start3A_1557 = arith.constant 0 : i32
      %dma_start3A_1558 = tpu.memref_slice %arg2[%dma_start3A_1556, %dma_start3A_1557] : memref<160000x64xf32, #tpu.memory_space<hbm>> -> memref<160000x64xf32, #tpu.memory_space<hbm>>
      tpu.enqueue_indirect_dma source(%dma_start3A_1558 : memref<160000x64xf32, #tpu.memory_space<hbm>>) target(%arg10 : memref<80x64xf32, #tpu.memory_space<vmem>>) offsets(%dma_start3A_1555 : memref<80xi32, #tpu.memory_space<vmem>>) semaphore(%arg22 : memref<!tpu.dma_semaphore, #tpu.memory_space<semaphore_mem>>)
      %add3A_1559 = arith.constant 3 : i32
      %add3A_1560 = arith.addi %mul3A_1469, %add3A_1559 : i32
      %dma_wait3A_1561 = arith.constant 0 : i32
      %dma_wait3A_1562 = tpu.memref_slice %arg7[%add3A_1560, %dma_wait3A_1561] : memref<125x80xi32, #tpu.memory_space<vmem>> -> memref<1x80xi32, #tpu.memory_space<vmem>>
      %dma_wait3A_1563 = tpu.memref_squeeze %dma_wait3A_1562 : memref<1x80xi32, #tpu.memory_space<vmem>> -> memref<80xi32, #tpu.memory_space<vmem>>
      %dma_wait3A_1564 = arith.constant 0 : i32
      %dma_wait3A_1565 = arith.constant 0 : i32
      %dma_wait3A_1566 = tpu.memref_slice %arg2[%dma_wait3A_1564, %dma_wait3A_1565] : memref<160000x64xf32, #tpu.memory_space<hbm>> -> memref<160000x64xf32, #tpu.memory_space<hbm>>
      tpu.wait_indirect_dma semaphore(%arg25 : memref<!tpu.dma_semaphore, #tpu.memory_space<semaphore_mem>>) src(%dma_wait3A_1566 : memref<160000x64xf32, #tpu.memory_space<hbm>>) dst(%arg13 : memref<80x64xf32, #tpu.memory_space<vmem>>)
      %dma_start3A_1567 = arith.constant 0 : i32
      %dma_start3A_1568 = tpu.memref_slice %arg9[%add3A_1560, %dma_start3A_1567] : memref<125x80xi32, #tpu.memory_space<vmem>> -> memref<1x80xi32, #tpu.memory_space<vmem>>
      %dma_start3A_1569 = tpu.memref_squeeze %dma_start3A_1568 : memref<1x80xi32, #tpu.memory_space<vmem>> -> memref<80xi32, #tpu.memory_space<vmem>>
      %dma_start3A_1570 = arith.constant 0 : i32
      %dma_start3A_1571 = arith.constant 0 : i32
      %dma_start3A_1572 = tpu.memref_slice %arg21[%dma_start3A_1570, %dma_start3A_1571] : memref<10000x64xf32, #tpu.memory_space<vmem_shared>> -> memref<10000x64xf32, #tpu.memory_space<vmem_shared>>
      tpu.enqueue_indirect_dma source(%arg13 : memref<80x64xf32, #tpu.memory_space<vmem>>) target(%dma_start3A_1572 : memref<10000x64xf32, #tpu.memory_space<vmem_shared>>) offsets(%dma_start3A_1569 : memref<80xi32, #tpu.memory_space<vmem>>) semaphore(%arg35 : memref<!tpu.dma_semaphore, #tpu.memory_space<semaphore_mem>>) {add = true}
      %sub3A_1573 = arith.constant 2 : i32
      %sub3A_1574 = arith.subi %add3A_1560, %sub3A_1573 : i32
      %dma_wait3A_1575 = arith.constant 0 : i32
      %dma_wait3A_1576 = tpu.memref_slice %arg9[%sub3A_1574, %dma_wait3A_1575] : memref<125x80xi32, #tpu.memory_space<vmem>> -> memref<1x80xi32, #tpu.memory_space<vmem>>
      %dma_wait3A_1577 = tpu.memref_squeeze %dma_wait3A_1576 : memref<1x80xi32, #tpu.memory_space<vmem>> -> memref<80xi32, #tpu.memory_space<vmem>>
      %dma_wait3A_1578 = arith.constant 0 : i32
      %dma_wait3A_1579 = arith.constant 0 : i32
      %dma_wait3A_1580 = tpu.memref_slice %arg21[%dma_wait3A_1578, %dma_wait3A_1579] : memref<10000x64xf32, #tpu.memory_space<vmem_shared>> -> memref<10000x64xf32, #tpu.memory_space<vmem_shared>>
      tpu.wait_indirect_dma semaphore(%arg33 : memref<!tpu.dma_semaphore, #tpu.memory_space<semaphore_mem>>) src(%arg11 : memref<80x64xf32, #tpu.memory_space<vmem>>) dst(%dma_wait3A_1580 : memref<10000x64xf32, #tpu.memory_space<vmem_shared>>)
      %add3A_1581 = arith.constant 8 : i32
      %add3A_1582 = arith.addi %add3A_1560, %add3A_1581 : i32
      %dma_start3A_1583 = arith.constant 0 : i32
      %dma_start3A_1584 = tpu.memref_slice %arg7[%add3A_1582, %dma_start3A_1583] : memref<125x80xi32, #tpu.memory_space<vmem>> -> memref<1x80xi32, #tpu.memory_space<vmem>>
      %dma_start3A_1585 = tpu.memref_squeeze %dma_start3A_1584 : memref<1x80xi32, #tpu.memory_space<vmem>> -> memref<80xi32, #tpu.memory_space<vmem>>
      %dma_start3A_1586 = arith.constant 0 : i32
      %dma_start3A_1587 = arith.constant 0 : i32
      %dma_start3A_1588 = tpu.memref_slice %arg2[%dma_start3A_1586, %dma_start3A_1587] : memref<160000x64xf32, #tpu.memory_space<hbm>> -> memref<160000x64xf32, #tpu.memory_space<hbm>>
      tpu.enqueue_indirect_dma source(%dma_start3A_1588 : memref<160000x64xf32, #tpu.memory_space<hbm>>) target(%arg11 : memref<80x64xf32, #tpu.memory_space<vmem>>) offsets(%dma_start3A_1585 : memref<80xi32, #tpu.memory_space<vmem>>) semaphore(%arg23 : memref<!tpu.dma_semaphore, #tpu.memory_space<semaphore_mem>>)
      %add3A_1589 = arith.constant 4 : i32
      %add3A_1590 = arith.addi %mul3A_1469, %add3A_1589 : i32
      %dma_wait3A_1591 = arith.constant 0 : i32
      %dma_wait3A_1592 = tpu.memref_slice %arg7[%add3A_1590, %dma_wait3A_1591] : memref<125x80xi32, #tpu.memory_space<vmem>> -> memref<1x80xi32, #tpu.memory_space<vmem>>
      %dma_wait3A_1593 = tpu.memref_squeeze %dma_wait3A_1592 : memref<1x80xi32, #tpu.memory_space<vmem>> -> memref<80xi32, #tpu.memory_space<vmem>>
      %dma_wait3A_1594 = arith.constant 0 : i32
      %dma_wait3A_1595 = arith.constant 0 : i32
      %dma_wait3A_1596 = tpu.memref_slice %arg2[%dma_wait3A_1594, %dma_wait3A_1595] : memref<160000x64xf32, #tpu.memory_space<hbm>> -> memref<160000x64xf32, #tpu.memory_space<hbm>>
      tpu.wait_indirect_dma semaphore(%arg26 : memref<!tpu.dma_semaphore, #tpu.memory_space<semaphore_mem>>) src(%dma_wait3A_1596 : memref<160000x64xf32, #tpu.memory_space<hbm>>) dst(%arg14 : memref<80x64xf32, #tpu.memory_space<vmem>>)
      %dma_start3A_1597 = arith.constant 0 : i32
      %dma_start3A_1598 = tpu.memref_slice %arg9[%add3A_1590, %dma_start3A_1597] : memref<125x80xi32, #tpu.memory_space<vmem>> -> memref<1x80xi32, #tpu.memory_space<vmem>>
      %dma_start3A_1599 = tpu.memref_squeeze %dma_start3A_1598 : memref<1x80xi32, #tpu.memory_space<vmem>> -> memref<80xi32, #tpu.memory_space<vmem>>
      %dma_start3A_1600 = arith.constant 0 : i32
      %dma_start3A_1601 = arith.constant 0 : i32
      %dma_start3A_1602 = tpu.memref_slice %arg21[%dma_start3A_1600, %dma_start3A_1601] : memref<10000x64xf32, #tpu.memory_space<vmem_shared>> -> memref<10000x64xf32, #tpu.memory_space<vmem_shared>>
      tpu.enqueue_indirect_dma source(%arg14 : memref<80x64xf32, #tpu.memory_space<vmem>>) target(%dma_start3A_1602 : memref<10000x64xf32, #tpu.memory_space<vmem_shared>>) offsets(%dma_start3A_1599 : memref<80xi32, #tpu.memory_space<vmem>>) semaphore(%arg36 : memref<!tpu.dma_semaphore, #tpu.memory_space<semaphore_mem>>) {add = true}
      %sub3A_1603 = arith.constant 2 : i32
      %sub3A_1604 = arith.subi %add3A_1590, %sub3A_1603 : i32
      %dma_wait3A_1605 = arith.constant 0 : i32
      %dma_wait3A_1606 = tpu.memref_slice %arg9[%sub3A_1604, %dma_wait3A_1605] : memref<125x80xi32, #tpu.memory_space<vmem>> -> memref<1x80xi32, #tpu.memory_space<vmem>>
      %dma_wait3A_1607 = tpu.memref_squeeze %dma_wait3A_1606 : memref<1x80xi32, #tpu.memory_space<vmem>> -> memref<80xi32, #tpu.memory_space<vmem>>
      %dma_wait3A_1608 = arith.constant 0 : i32
      %dma_wait3A_1609 = arith.constant 0 : i32
      %dma_wait3A_1610 = tpu.memref_slice %arg21[%dma_wait3A_1608, %dma_wait3A_1609] : memref<10000x64xf32, #tpu.memory_space<vmem_shared>> -> memref<10000x64xf32, #tpu.memory_space<vmem_shared>>
      tpu.wait_indirect_dma semaphore(%arg34 : memref<!tpu.dma_semaphore, #tpu.memory_space<semaphore_mem>>) src(%arg12 : memref<80x64xf32, #tpu.memory_space<vmem>>) dst(%dma_wait3A_1610 : memref<10000x64xf32, #tpu.memory_space<vmem_shared>>)
      %add3A_1611 = arith.constant 8 : i32
      %add3A_1612 = arith.addi %add3A_1590, %add3A_1611 : i32
      %dma_start3A_1613 = arith.constant 0 : i32
      %dma_start3A_1614 = tpu.memref_slice %arg7[%add3A_1612, %dma_start3A_1613] : memref<125x80xi32, #tpu.memory_space<vmem>> -> memref<1x80xi32, #tpu.memory_space<vmem>>
      %dma_start3A_1615 = tpu.memref_squeeze %dma_start3A_1614 : memref<1x80xi32, #tpu.memory_space<vmem>> -> memref<80xi32, #tpu.memory_space<vmem>>
      %dma_start3A_1616 = arith.constant 0 : i32
      %dma_start3A_1617 = arith.constant 0 : i32
      %dma_start3A_1618 = tpu.memref_slice %arg2[%dma_start3A_1616, %dma_start3A_1617] : memref<160000x64xf32, #tpu.memory_space<hbm>> -> memref<160000x64xf32, #tpu.memory_space<hbm>>
      tpu.enqueue_indirect_dma source(%dma_start3A_1618 : memref<160000x64xf32, #tpu.memory_space<hbm>>) target(%arg12 : memref<80x64xf32, #tpu.memory_space<vmem>>) offsets(%dma_start3A_1615 : memref<80xi32, #tpu.memory_space<vmem>>) semaphore(%arg24 : memref<!tpu.dma_semaphore, #tpu.memory_space<semaphore_mem>>)
      %add3A_1619 = arith.constant 5 : i32
      %add3A_1620 = arith.addi %mul3A_1469, %add3A_1619 : i32
      %dma_wait3A_1621 = arith.constant 0 : i32
      %dma_wait3A_1622 = tpu.memref_slice %arg7[%add3A_1620, %dma_wait3A_1621] : memref<125x80xi32, #tpu.memory_space<vmem>> -> memref<1x80xi32, #tpu.memory_space<vmem>>
      %dma_wait3A_1623 = tpu.memref_squeeze %dma_wait3A_1622 : memref<1x80xi32, #tpu.memory_space<vmem>> -> memref<80xi32, #tpu.memory_space<vmem>>
      %dma_wait3A_1624 = arith.constant 0 : i32
      %dma_wait3A_1625 = arith.constant 0 : i32
      %dma_wait3A_1626 = tpu.memref_slice %arg2[%dma_wait3A_1624, %dma_wait3A_1625] : memref<160000x64xf32, #tpu.memory_space<hbm>> -> memref<160000x64xf32, #tpu.memory_space<hbm>>
      tpu.wait_indirect_dma semaphore(%arg27 : memref<!tpu.dma_semaphore, #tpu.memory_space<semaphore_mem>>) src(%dma_wait3A_1626 : memref<160000x64xf32, #tpu.memory_space<hbm>>) dst(%arg15 : memref<80x64xf32, #tpu.memory_space<vmem>>)
      %dma_start3A_1627 = arith.constant 0 : i32
      %dma_start3A_1628 = tpu.memref_slice %arg9[%add3A_1620, %dma_start3A_1627] : memref<125x80xi32, #tpu.memory_space<vmem>> -> memref<1x80xi32, #tpu.memory_space<vmem>>
      %dma_start3A_1629 = tpu.memref_squeeze %dma_start3A_1628 : memref<1x80xi32, #tpu.memory_space<vmem>> -> memref<80xi32, #tpu.memory_space<vmem>>
      %dma_start3A_1630 = arith.constant 0 : i32
      %dma_start3A_1631 = arith.constant 0 : i32
      %dma_start3A_1632 = tpu.memref_slice %arg21[%dma_start3A_1630, %dma_start3A_1631] : memref<10000x64xf32, #tpu.memory_space<vmem_shared>> -> memref<10000x64xf32, #tpu.memory_space<vmem_shared>>
      tpu.enqueue_indirect_dma source(%arg15 : memref<80x64xf32, #tpu.memory_space<vmem>>) target(%dma_start3A_1632 : memref<10000x64xf32, #tpu.memory_space<vmem_shared>>) offsets(%dma_start3A_1629 : memref<80xi32, #tpu.memory_space<vmem>>) semaphore(%arg37 : memref<!tpu.dma_semaphore, #tpu.memory_space<semaphore_mem>>) {add = true}
      %sub3A_1633 = arith.constant 2 : i32
      %sub3A_1634 = arith.subi %add3A_1620, %sub3A_1633 : i32
      %dma_wait3A_1635 = arith.constant 0 : i32
      %dma_wait3A_1636 = tpu.memref_slice %arg9[%sub3A_1634, %dma_wait3A_1635] : memref<125x80xi32, #tpu.memory_space<vmem>> -> memref<1x80xi32, #tpu.memory_space<vmem>>
      %dma_wait3A_1637 = tpu.memref_squeeze %dma_wait3A_1636 : memref<1x80xi32, #tpu.memory_space<vmem>> -> memref<80xi32, #tpu.memory_space<vmem>>
      %dma_wait3A_1638 = arith.constant 0 : i32
      %dma_wait3A_1639 = arith.constant 0 : i32
      %dma_wait3A_1640 = tpu.memref_slice %arg21[%dma_wait3A_1638, %dma_wait3A_1639] : memref<10000x64xf32, #tpu.memory_space<vmem_shared>> -> memref<10000x64xf32, #tpu.memory_space<vmem_shared>>
      tpu.wait_indirect_dma semaphore(%arg35 : memref<!tpu.dma_semaphore, #tpu.memory_space<semaphore_mem>>) src(%arg13 : memref<80x64xf32, #tpu.memory_space<vmem>>) dst(%dma_wait3A_1640 : memref<10000x64xf32, #tpu.memory_space<vmem_shared>>)
      %add3A_1641 = arith.constant 8 : i32
      %add3A_1642 = arith.addi %add3A_1620, %add3A_1641 : i32
      %dma_start3A_1643 = arith.constant 0 : i32
      %dma_start3A_1644 = tpu.memref_slice %arg7[%add3A_1642, %dma_start3A_1643] : memref<125x80xi32, #tpu.memory_space<vmem>> -> memref<1x80xi32, #tpu.memory_space<vmem>>
      %dma_start3A_1645 = tpu.memref_squeeze %dma_start3A_1644 : memref<1x80xi32, #tpu.memory_space<vmem>> -> memref<80xi32, #tpu.memory_space<vmem>>
      %dma_start3A_1646 = arith.constant 0 : i32
      %dma_start3A_1647 = arith.constant 0 : i32
      %dma_start3A_1648 = tpu.memref_slice %arg2[%dma_start3A_1646, %dma_start3A_1647] : memref<160000x64xf32, #tpu.memory_space<hbm>> -> memref<160000x64xf32, #tpu.memory_space<hbm>>
      tpu.enqueue_indirect_dma source(%dma_start3A_1648 : memref<160000x64xf32, #tpu.memory_space<hbm>>) target(%arg13 : memref<80x64xf32, #tpu.memory_space<vmem>>) offsets(%dma_start3A_1645 : memref<80xi32, #tpu.memory_space<vmem>>) semaphore(%arg25 : memref<!tpu.dma_semaphore, #tpu.memory_space<semaphore_mem>>)
      %add3A_1649 = arith.constant 6 : i32
      %add3A_1650 = arith.addi %mul3A_1469, %add3A_1649 : i32
      %dma_wait3A_1651 = arith.constant 0 : i32
      %dma_wait3A_1652 = tpu.memref_slice %arg7[%add3A_1650, %dma_wait3A_1651] : memref<125x80xi32, #tpu.memory_space<vmem>> -> memref<1x80xi32, #tpu.memory_space<vmem>>
      %dma_wait3A_1653 = tpu.memref_squeeze %dma_wait3A_1652 : memref<1x80xi32, #tpu.memory_space<vmem>> -> memref<80xi32, #tpu.memory_space<vmem>>
      %dma_wait3A_1654 = arith.constant 0 : i32
      %dma_wait3A_1655 = arith.constant 0 : i32
      %dma_wait3A_1656 = tpu.memref_slice %arg2[%dma_wait3A_1654, %dma_wait3A_1655] : memref<160000x64xf32, #tpu.memory_space<hbm>> -> memref<160000x64xf32, #tpu.memory_space<hbm>>
      tpu.wait_indirect_dma semaphore(%arg28 : memref<!tpu.dma_semaphore, #tpu.memory_space<semaphore_mem>>) src(%dma_wait3A_1656 : memref<160000x64xf32, #tpu.memory_space<hbm>>) dst(%arg16 : memref<80x64xf32, #tpu.memory_space<vmem>>)
      %dma_start3A_1657 = arith.constant 0 : i32
      %dma_start3A_1658 = tpu.memref_slice %arg9[%add3A_1650, %dma_start3A_1657] : memref<125x80xi32, #tpu.memory_space<vmem>> -> memref<1x80xi32, #tpu.memory_space<vmem>>
      %dma_start3A_1659 = tpu.memref_squeeze %dma_start3A_1658 : memref<1x80xi32, #tpu.memory_space<vmem>> -> memref<80xi32, #tpu.memory_space<vmem>>
      %dma_start3A_1660 = arith.constant 0 : i32
      %dma_start3A_1661 = arith.constant 0 : i32
      %dma_start3A_1662 = tpu.memref_slice %arg21[%dma_start3A_1660, %dma_start3A_1661] : memref<10000x64xf32, #tpu.memory_space<vmem_shared>> -> memref<10000x64xf32, #tpu.memory_space<vmem_shared>>
      tpu.enqueue_indirect_dma source(%arg16 : memref<80x64xf32, #tpu.memory_space<vmem>>) target(%dma_start3A_1662 : memref<10000x64xf32, #tpu.memory_space<vmem_shared>>) offsets(%dma_start3A_1659 : memref<80xi32, #tpu.memory_space<vmem>>) semaphore(%arg38 : memref<!tpu.dma_semaphore, #tpu.memory_space<semaphore_mem>>) {add = true}
      %sub3A_1663 = arith.constant 2 : i32
      %sub3A_1664 = arith.subi %add3A_1650, %sub3A_1663 : i32
      %dma_wait3A_1665 = arith.constant 0 : i32
      %dma_wait3A_1666 = tpu.memref_slice %arg9[%sub3A_1664, %dma_wait3A_1665] : memref<125x80xi32, #tpu.memory_space<vmem>> -> memref<1x80xi32, #tpu.memory_space<vmem>>
      %dma_wait3A_1667 = tpu.memref_squeeze %dma_wait3A_1666 : memref<1x80xi32, #tpu.memory_space<vmem>> -> memref<80xi32, #tpu.memory_space<vmem>>
      %dma_wait3A_1668 = arith.constant 0 : i32
      %dma_wait3A_1669 = arith.constant 0 : i32
      %dma_wait3A_1670 = tpu.memref_slice %arg21[%dma_wait3A_1668, %dma_wait3A_1669] : memref<10000x64xf32, #tpu.memory_space<vmem_shared>> -> memref<10000x64xf32, #tpu.memory_space<vmem_shared>>
      tpu.wait_indirect_dma semaphore(%arg36 : memref<!tpu.dma_semaphore, #tpu.memory_space<semaphore_mem>>) src(%arg14 : memref<80x64xf32, #tpu.memory_space<vmem>>) dst(%dma_wait3A_1670 : memref<10000x64xf32, #tpu.memory_space<vmem_shared>>)
      %add3A_1671 = arith.constant 8 : i32
      %add3A_1672 = arith.addi %add3A_1650, %add3A_1671 : i32
      %dma_start3A_1673 = arith.constant 0 : i32
      %dma_start3A_1674 = tpu.memref_slice %arg7[%add3A_1672, %dma_start3A_1673] : memref<125x80xi32, #tpu.memory_space<vmem>> -> memref<1x80xi32, #tpu.memory_space<vmem>>
      %dma_start3A_1675 = tpu.memref_squeeze %dma_start3A_1674 : memref<1x80xi32, #tpu.memory_space<vmem>> -> memref<80xi32, #tpu.memory_space<vmem>>
      %dma_start3A_1676 = arith.constant 0 : i32
      %dma_start3A_1677 = arith.constant 0 : i32
      %dma_start3A_1678 = tpu.memref_slice %arg2[%dma_start3A_1676, %dma_start3A_1677] : memref<160000x64xf32, #tpu.memory_space<hbm>> -> memref<160000x64xf32, #tpu.memory_space<hbm>>
      tpu.enqueue_indirect_dma source(%dma_start3A_1678 : memref<160000x64xf32, #tpu.memory_space<hbm>>) target(%arg14 : memref<80x64xf32, #tpu.memory_space<vmem>>) offsets(%dma_start3A_1675 : memref<80xi32, #tpu.memory_space<vmem>>) semaphore(%arg26 : memref<!tpu.dma_semaphore, #tpu.memory_space<semaphore_mem>>)
      %add3A_1679 = arith.constant 7 : i32
      %add3A_1680 = arith.addi %mul3A_1469, %add3A_1679 : i32
      %dma_wait3A_1681 = arith.constant 0 : i32
      %dma_wait3A_1682 = tpu.memref_slice %arg7[%add3A_1680, %dma_wait3A_1681] : memref<125x80xi32, #tpu.memory_space<vmem>> -> memref<1x80xi32, #tpu.memory_space<vmem>>
      %dma_wait3A_1683 = tpu.memref_squeeze %dma_wait3A_1682 : memref<1x80xi32, #tpu.memory_space<vmem>> -> memref<80xi32, #tpu.memory_space<vmem>>
      %dma_wait3A_1684 = arith.constant 0 : i32
      %dma_wait3A_1685 = arith.constant 0 : i32
      %dma_wait3A_1686 = tpu.memref_slice %arg2[%dma_wait3A_1684, %dma_wait3A_1685] : memref<160000x64xf32, #tpu.memory_space<hbm>> -> memref<160000x64xf32, #tpu.memory_space<hbm>>
      tpu.wait_indirect_dma semaphore(%arg29 : memref<!tpu.dma_semaphore, #tpu.memory_space<semaphore_mem>>) src(%dma_wait3A_1686 : memref<160000x64xf32, #tpu.memory_space<hbm>>) dst(%arg17 : memref<80x64xf32, #tpu.memory_space<vmem>>)
      %dma_start3A_1687 = arith.constant 0 : i32
      %dma_start3A_1688 = tpu.memref_slice %arg9[%add3A_1680, %dma_start3A_1687] : memref<125x80xi32, #tpu.memory_space<vmem>> -> memref<1x80xi32, #tpu.memory_space<vmem>>
      %dma_start3A_1689 = tpu.memref_squeeze %dma_start3A_1688 : memref<1x80xi32, #tpu.memory_space<vmem>> -> memref<80xi32, #tpu.memory_space<vmem>>
      %dma_start3A_1690 = arith.constant 0 : i32
      %dma_start3A_1691 = arith.constant 0 : i32
      %dma_start3A_1692 = tpu.memref_slice %arg21[%dma_start3A_1690, %dma_start3A_1691] : memref<10000x64xf32, #tpu.memory_space<vmem_shared>> -> memref<10000x64xf32, #tpu.memory_space<vmem_shared>>
      tpu.enqueue_indirect_dma source(%arg17 : memref<80x64xf32, #tpu.memory_space<vmem>>) target(%dma_start3A_1692 : memref<10000x64xf32, #tpu.memory_space<vmem_shared>>) offsets(%dma_start3A_1689 : memref<80xi32, #tpu.memory_space<vmem>>) semaphore(%arg39 : memref<!tpu.dma_semaphore, #tpu.memory_space<semaphore_mem>>) {add = true}
      %sub3A_1693 = arith.constant 2 : i32
      %sub3A_1694 = arith.subi %add3A_1680, %sub3A_1693 : i32
      %dma_wait3A_1695 = arith.constant 0 : i32
      %dma_wait3A_1696 = tpu.memref_slice %arg9[%sub3A_1694, %dma_wait3A_1695] : memref<125x80xi32, #tpu.memory_space<vmem>> -> memref<1x80xi32, #tpu.memory_space<vmem>>
      %dma_wait3A_1697 = tpu.memref_squeeze %dma_wait3A_1696 : memref<1x80xi32, #tpu.memory_space<vmem>> -> memref<80xi32, #tpu.memory_space<vmem>>
      %dma_wait3A_1698 = arith.constant 0 : i32
      %dma_wait3A_1699 = arith.constant 0 : i32
      %dma_wait3A_1700 = tpu.memref_slice %arg21[%dma_wait3A_1698, %dma_wait3A_1699] : memref<10000x64xf32, #tpu.memory_space<vmem_shared>> -> memref<10000x64xf32, #tpu.memory_space<vmem_shared>>
      tpu.wait_indirect_dma semaphore(%arg37 : memref<!tpu.dma_semaphore, #tpu.memory_space<semaphore_mem>>) src(%arg15 : memref<80x64xf32, #tpu.memory_space<vmem>>) dst(%dma_wait3A_1700 : memref<10000x64xf32, #tpu.memory_space<vmem_shared>>)
      %add3A_1701 = arith.constant 8 : i32
      %add3A_1702 = arith.addi %add3A_1680, %add3A_1701 : i32
      %dma_start3A_1703 = arith.constant 0 : i32
      %dma_start3A_1704 = tpu.memref_slice %arg7[%add3A_1702, %dma_start3A_1703] : memref<125x80xi32, #tpu.memory_space<vmem>> -> memref<1x80xi32, #tpu.memory_space<vmem>>
      %dma_start3A_1705 = tpu.memref_squeeze %dma_start3A_1704 : memref<1x80xi32, #tpu.memory_space<vmem>> -> memref<80xi32, #tpu.memory_space<vmem>>
      %dma_start3A_1706 = arith.constant 0 : i32
      %dma_start3A_1707 = arith.constant 0 : i32
      %dma_start3A_1708 = tpu.memref_slice %arg2[%dma_start3A_1706, %dma_start3A_1707] : memref<160000x64xf32, #tpu.memory_space<hbm>> -> memref<160000x64xf32, #tpu.memory_space<hbm>>
      tpu.enqueue_indirect_dma source(%dma_start3A_1708 : memref<160000x64xf32, #tpu.memory_space<hbm>>) target(%arg15 : memref<80x64xf32, #tpu.memory_space<vmem>>) offsets(%dma_start3A_1705 : memref<80xi32, #tpu.memory_space<vmem>>) semaphore(%arg27 : memref<!tpu.dma_semaphore, #tpu.memory_space<semaphore_mem>>)
      %add3A_1709 = arith.constant 8 : i32
      %add3A_1710 = arith.addi %mul3A_1469, %add3A_1709 : i32
      %dma_wait3A_1711 = arith.constant 0 : i32
      %dma_wait3A_1712 = tpu.memref_slice %arg7[%add3A_1710, %dma_wait3A_1711] : memref<125x80xi32, #tpu.memory_space<vmem>> -> memref<1x80xi32, #tpu.memory_space<vmem>>
      %dma_wait3A_1713 = tpu.memref_squeeze %dma_wait3A_1712 : memref<1x80xi32, #tpu.memory_space<vmem>> -> memref<80xi32, #tpu.memory_space<vmem>>
      %dma_wait3A_1714 = arith.constant 0 : i32
      %dma_wait3A_1715 = arith.constant 0 : i32
      %dma_wait3A_1716 = tpu.memref_slice %arg2[%dma_wait3A_1714, %dma_wait3A_1715] : memref<160000x64xf32, #tpu.memory_space<hbm>> -> memref<160000x64xf32, #tpu.memory_space<hbm>>
      tpu.wait_indirect_dma semaphore(%arg30 : memref<!tpu.dma_semaphore, #tpu.memory_space<semaphore_mem>>) src(%dma_wait3A_1716 : memref<160000x64xf32, #tpu.memory_space<hbm>>) dst(%arg18 : memref<80x64xf32, #tpu.memory_space<vmem>>)
      %dma_start3A_1717 = arith.constant 0 : i32
      %dma_start3A_1718 = tpu.memref_slice %arg9[%add3A_1710, %dma_start3A_1717] : memref<125x80xi32, #tpu.memory_space<vmem>> -> memref<1x80xi32, #tpu.memory_space<vmem>>
      %dma_start3A_1719 = tpu.memref_squeeze %dma_start3A_1718 : memref<1x80xi32, #tpu.memory_space<vmem>> -> memref<80xi32, #tpu.memory_space<vmem>>
      %dma_start3A_1720 = arith.constant 0 : i32
      %dma_start3A_1721 = arith.constant 0 : i32
      %dma_start3A_1722 = tpu.memref_slice %arg21[%dma_start3A_1720, %dma_start3A_1721] : memref<10000x64xf32, #tpu.memory_space<vmem_shared>> -> memref<10000x64xf32, #tpu.memory_space<vmem_shared>>
      tpu.enqueue_indirect_dma source(%arg18 : memref<80x64xf32, #tpu.memory_space<vmem>>) target(%dma_start3A_1722 : memref<10000x64xf32, #tpu.memory_space<vmem_shared>>) offsets(%dma_start3A_1719 : memref<80xi32, #tpu.memory_space<vmem>>) semaphore(%arg40 : memref<!tpu.dma_semaphore, #tpu.memory_space<semaphore_mem>>) {add = true}
      %sub3A_1723 = arith.constant 2 : i32
      %sub3A_1724 = arith.subi %add3A_1710, %sub3A_1723 : i32
      %dma_wait3A_1725 = arith.constant 0 : i32
      %dma_wait3A_1726 = tpu.memref_slice %arg9[%sub3A_1724, %dma_wait3A_1725] : memref<125x80xi32, #tpu.memory_space<vmem>> -> memref<1x80xi32, #tpu.memory_space<vmem>>
      %dma_wait3A_1727 = tpu.memref_squeeze %dma_wait3A_1726 : memref<1x80xi32, #tpu.memory_space<vmem>> -> memref<80xi32, #tpu.memory_space<vmem>>
      %dma_wait3A_1728 = arith.constant 0 : i32
      %dma_wait3A_1729 = arith.constant 0 : i32
      %dma_wait3A_1730 = tpu.memref_slice %arg21[%dma_wait3A_1728, %dma_wait3A_1729] : memref<10000x64xf32, #tpu.memory_space<vmem_shared>> -> memref<10000x64xf32, #tpu.memory_space<vmem_shared>>
      tpu.wait_indirect_dma semaphore(%arg38 : memref<!tpu.dma_semaphore, #tpu.memory_space<semaphore_mem>>) src(%arg16 : memref<80x64xf32, #tpu.memory_space<vmem>>) dst(%dma_wait3A_1730 : memref<10000x64xf32, #tpu.memory_space<vmem_shared>>)
      %add3A_1731 = arith.constant 8 : i32
      %add3A_1732 = arith.addi %add3A_1710, %add3A_1731 : i32
      %dma_start3A_1733 = arith.constant 0 : i32
      %dma_start3A_1734 = tpu.memref_slice %arg7[%add3A_1732, %dma_start3A_1733] : memref<125x80xi32, #tpu.memory_space<vmem>> -> memref<1x80xi32, #tpu.memory_space<vmem>>
      %dma_start3A_1735 = tpu.memref_squeeze %dma_start3A_1734 : memref<1x80xi32, #tpu.memory_space<vmem>> -> memref<80xi32, #tpu.memory_space<vmem>>
      %dma_start3A_1736 = arith.constant 0 : i32
      %dma_start3A_1737 = arith.constant 0 : i32
      %dma_start3A_1738 = tpu.memref_slice %arg2[%dma_start3A_1736, %dma_start3A_1737] : memref<160000x64xf32, #tpu.memory_space<hbm>> -> memref<160000x64xf32, #tpu.memory_space<hbm>>
      tpu.enqueue_indirect_dma source(%dma_start3A_1738 : memref<160000x64xf32, #tpu.memory_space<hbm>>) target(%arg16 : memref<80x64xf32, #tpu.memory_space<vmem>>) offsets(%dma_start3A_1735 : memref<80xi32, #tpu.memory_space<vmem>>) semaphore(%arg28 : memref<!tpu.dma_semaphore, #tpu.memory_space<semaphore_mem>>)
      %add3A_1739 = arith.constant 9 : i32
      %add3A_1740 = arith.addi %mul3A_1469, %add3A_1739 : i32
      %dma_wait3A_1741 = arith.constant 0 : i32
      %dma_wait3A_1742 = tpu.memref_slice %arg7[%add3A_1740, %dma_wait3A_1741] : memref<125x80xi32, #tpu.memory_space<vmem>> -> memref<1x80xi32, #tpu.memory_space<vmem>>
      %dma_wait3A_1743 = tpu.memref_squeeze %dma_wait3A_1742 : memref<1x80xi32, #tpu.memory_space<vmem>> -> memref<80xi32, #tpu.memory_space<vmem>>
      %dma_wait3A_1744 = arith.constant 0 : i32
      %dma_wait3A_1745 = arith.constant 0 : i32
      %dma_wait3A_1746 = tpu.memref_slice %arg2[%dma_wait3A_1744, %dma_wait3A_1745] : memref<160000x64xf32, #tpu.memory_space<hbm>> -> memref<160000x64xf32, #tpu.memory_space<hbm>>
      tpu.wait_indirect_dma semaphore(%arg31 : memref<!tpu.dma_semaphore, #tpu.memory_space<semaphore_mem>>) src(%dma_wait3A_1746 : memref<160000x64xf32, #tpu.memory_space<hbm>>) dst(%arg19 : memref<80x64xf32, #tpu.memory_space<vmem>>)
      %dma_start3A_1747 = arith.constant 0 : i32
      %dma_start3A_1748 = tpu.memref_slice %arg9[%add3A_1740, %dma_start3A_1747] : memref<125x80xi32, #tpu.memory_space<vmem>> -> memref<1x80xi32, #tpu.memory_space<vmem>>
      %dma_start3A_1749 = tpu.memref_squeeze %dma_start3A_1748 : memref<1x80xi32, #tpu.memory_space<vmem>> -> memref<80xi32, #tpu.memory_space<vmem>>
      %dma_start3A_1750 = arith.constant 0 : i32
      %dma_start3A_1751 = arith.constant 0 : i32
      %dma_start3A_1752 = tpu.memref_slice %arg21[%dma_start3A_1750, %dma_start3A_1751] : memref<10000x64xf32, #tpu.memory_space<vmem_shared>> -> memref<10000x64xf32, #tpu.memory_space<vmem_shared>>
      tpu.enqueue_indirect_dma source(%arg19 : memref<80x64xf32, #tpu.memory_space<vmem>>) target(%dma_start3A_1752 : memref<10000x64xf32, #tpu.memory_space<vmem_shared>>) offsets(%dma_start3A_1749 : memref<80xi32, #tpu.memory_space<vmem>>) semaphore(%arg41 : memref<!tpu.dma_semaphore, #tpu.memory_space<semaphore_mem>>) {add = true}
      %sub3A_1753 = arith.constant 2 : i32
      %sub3A_1754 = arith.subi %add3A_1740, %sub3A_1753 : i32
      %dma_wait3A_1755 = arith.constant 0 : i32
      %dma_wait3A_1756 = tpu.memref_slice %arg9[%sub3A_1754, %dma_wait3A_1755] : memref<125x80xi32, #tpu.memory_space<vmem>> -> memref<1x80xi32, #tpu.memory_space<vmem>>
      %dma_wait3A_1757 = tpu.memref_squeeze %dma_wait3A_1756 : memref<1x80xi32, #tpu.memory_space<vmem>> -> memref<80xi32, #tpu.memory_space<vmem>>
      %dma_wait3A_1758 = arith.constant 0 : i32
      %dma_wait3A_1759 = arith.constant 0 : i32
      %dma_wait3A_1760 = tpu.memref_slice %arg21[%dma_wait3A_1758, %dma_wait3A_1759] : memref<10000x64xf32, #tpu.memory_space<vmem_shared>> -> memref<10000x64xf32, #tpu.memory_space<vmem_shared>>
      tpu.wait_indirect_dma semaphore(%arg39 : memref<!tpu.dma_semaphore, #tpu.memory_space<semaphore_mem>>) src(%arg17 : memref<80x64xf32, #tpu.memory_space<vmem>>) dst(%dma_wait3A_1760 : memref<10000x64xf32, #tpu.memory_space<vmem_shared>>)
      %add3A_1761 = arith.constant 8 : i32
      %add3A_1762 = arith.addi %add3A_1740, %add3A_1761 : i32
      %dma_start3A_1763 = arith.constant 0 : i32
      %dma_start3A_1764 = tpu.memref_slice %arg7[%add3A_1762, %dma_start3A_1763] : memref<125x80xi32, #tpu.memory_space<vmem>> -> memref<1x80xi32, #tpu.memory_space<vmem>>
      %dma_start3A_1765 = tpu.memref_squeeze %dma_start3A_1764 : memref<1x80xi32, #tpu.memory_space<vmem>> -> memref<80xi32, #tpu.memory_space<vmem>>
      %dma_start3A_1766 = arith.constant 0 : i32
      %dma_start3A_1767 = arith.constant 0 : i32
      %dma_start3A_1768 = tpu.memref_slice %arg2[%dma_start3A_1766, %dma_start3A_1767] : memref<160000x64xf32, #tpu.memory_space<hbm>> -> memref<160000x64xf32, #tpu.memory_space<hbm>>
      tpu.enqueue_indirect_dma source(%dma_start3A_1768 : memref<160000x64xf32, #tpu.memory_space<hbm>>) target(%arg17 : memref<80x64xf32, #tpu.memory_space<vmem>>) offsets(%dma_start3A_1765 : memref<80xi32, #tpu.memory_space<vmem>>) semaphore(%arg29 : memref<!tpu.dma_semaphore, #tpu.memory_space<semaphore_mem>>)
    }
    %scan3A_351 = arith.constant 10 : i32
    %dma_wait3A_352 = arith.constant 110 : i32
    %dma_wait3A_353 = arith.constant 0 : i32
    %dma_wait3A_354 = tpu.memref_slice %arg7[%dma_wait3A_352, %dma_wait3A_353] : memref<125x80xi32, #tpu.memory_space<vmem>> -> memref<1x80xi32, #tpu.memory_space<vmem>>
    %dma_wait3A_355 = tpu.memref_squeeze %dma_wait3A_354 : memref<1x80xi32, #tpu.memory_space<vmem>> -> memref<80xi32, #tpu.memory_space<vmem>>
    %dma_wait3A_356 = arith.constant 0 : i32
    %dma_wait3A_357 = arith.constant 0 : i32
    %dma_wait3A_358 = tpu.memref_slice %arg2[%dma_wait3A_356, %dma_wait3A_357] : memref<160000x64xf32, #tpu.memory_space<hbm>> -> memref<160000x64xf32, #tpu.memory_space<hbm>>
    tpu.wait_indirect_dma semaphore(%arg22 : memref<!tpu.dma_semaphore, #tpu.memory_space<semaphore_mem>>) src(%dma_wait3A_358 : memref<160000x64xf32, #tpu.memory_space<hbm>>) dst(%arg10 : memref<80x64xf32, #tpu.memory_space<vmem>>)
    %dma_start3A_359 = arith.constant 110 : i32
    %dma_start3A_360 = arith.constant 0 : i32
    %dma_start3A_361 = tpu.memref_slice %arg9[%dma_start3A_359, %dma_start3A_360] : memref<125x80xi32, #tpu.memory_space<vmem>> -> memref<1x80xi32, #tpu.memory_space<vmem>>
    %dma_start3A_362 = tpu.memref_squeeze %dma_start3A_361 : memref<1x80xi32, #tpu.memory_space<vmem>> -> memref<80xi32, #tpu.memory_space<vmem>>
    %dma_start3A_363 = arith.constant 0 : i32
    %dma_start3A_364 = arith.constant 0 : i32
    %dma_start3A_365 = tpu.memref_slice %arg21[%dma_start3A_363, %dma_start3A_364] : memref<10000x64xf32, #tpu.memory_space<vmem_shared>> -> memref<10000x64xf32, #tpu.memory_space<vmem_shared>>
    tpu.enqueue_indirect_dma source(%arg10 : memref<80x64xf32, #tpu.memory_space<vmem>>) target(%dma_start3A_365 : memref<10000x64xf32, #tpu.memory_space<vmem_shared>>) offsets(%dma_start3A_362 : memref<80xi32, #tpu.memory_space<vmem>>) semaphore(%arg32 : memref<!tpu.dma_semaphore, #tpu.memory_space<semaphore_mem>>) {add = true}
    %dma_wait3A_366 = arith.constant 108 : i32
    %dma_wait3A_367 = arith.constant 0 : i32
    %dma_wait3A_368 = tpu.memref_slice %arg9[%dma_wait3A_366, %dma_wait3A_367] : memref<125x80xi32, #tpu.memory_space<vmem>> -> memref<1x80xi32, #tpu.memory_space<vmem>>
    %dma_wait3A_369 = tpu.memref_squeeze %dma_wait3A_368 : memref<1x80xi32, #tpu.memory_space<vmem>> -> memref<80xi32, #tpu.memory_space<vmem>>
    %dma_wait3A_370 = arith.constant 0 : i32
    %dma_wait3A_371 = arith.constant 0 : i32
    %dma_wait3A_372 = tpu.memref_slice %arg21[%dma_wait3A_370, %dma_wait3A_371] : memref<10000x64xf32, #tpu.memory_space<vmem_shared>> -> memref<10000x64xf32, #tpu.memory_space<vmem_shared>>
    tpu.wait_indirect_dma semaphore(%arg40 : memref<!tpu.dma_semaphore, #tpu.memory_space<semaphore_mem>>) src(%arg18 : memref<80x64xf32, #tpu.memory_space<vmem>>) dst(%dma_wait3A_372 : memref<10000x64xf32, #tpu.memory_space<vmem_shared>>)
    %dma_start3A_373 = arith.constant 118 : i32
    %dma_start3A_374 = arith.constant 0 : i32
    %dma_start3A_375 = tpu.memref_slice %arg7[%dma_start3A_373, %dma_start3A_374] : memref<125x80xi32, #tpu.memory_space<vmem>> -> memref<1x80xi32, #tpu.memory_space<vmem>>
    %dma_start3A_376 = tpu.memref_squeeze %dma_start3A_375 : memref<1x80xi32, #tpu.memory_space<vmem>> -> memref<80xi32, #tpu.memory_space<vmem>>
    %dma_start3A_377 = arith.constant 0 : i32
    %dma_start3A_378 = arith.constant 0 : i32
    %dma_start3A_379 = tpu.memref_slice %arg2[%dma_start3A_377, %dma_start3A_378] : memref<160000x64xf32, #tpu.memory_space<hbm>> -> memref<160000x64xf32, #tpu.memory_space<hbm>>
    tpu.enqueue_indirect_dma source(%dma_start3A_379 : memref<160000x64xf32, #tpu.memory_space<hbm>>) target(%arg18 : memref<80x64xf32, #tpu.memory_space<vmem>>) offsets(%dma_start3A_376 : memref<80xi32, #tpu.memory_space<vmem>>) semaphore(%arg30 : memref<!tpu.dma_semaphore, #tpu.memory_space<semaphore_mem>>)
    %dma_wait3A_380 = arith.constant 111 : i32
    %dma_wait3A_381 = arith.constant 0 : i32
    %dma_wait3A_382 = tpu.memref_slice %arg7[%dma_wait3A_380, %dma_wait3A_381] : memref<125x80xi32, #tpu.memory_space<vmem>> -> memref<1x80xi32, #tpu.memory_space<vmem>>
    %dma_wait3A_383 = tpu.memref_squeeze %dma_wait3A_382 : memref<1x80xi32, #tpu.memory_space<vmem>> -> memref<80xi32, #tpu.memory_space<vmem>>
    %dma_wait3A_384 = arith.constant 0 : i32
    %dma_wait3A_385 = arith.constant 0 : i32
    %dma_wait3A_386 = tpu.memref_slice %arg2[%dma_wait3A_384, %dma_wait3A_385] : memref<160000x64xf32, #tpu.memory_space<hbm>> -> memref<160000x64xf32, #tpu.memory_space<hbm>>
    tpu.wait_indirect_dma semaphore(%arg23 : memref<!tpu.dma_semaphore, #tpu.memory_space<semaphore_mem>>) src(%dma_wait3A_386 : memref<160000x64xf32, #tpu.memory_space<hbm>>) dst(%arg11 : memref<80x64xf32, #tpu.memory_space<vmem>>)
    %dma_start3A_387 = arith.constant 111 : i32
    %dma_start3A_388 = arith.constant 0 : i32
    %dma_start3A_389 = tpu.memref_slice %arg9[%dma_start3A_387, %dma_start3A_388] : memref<125x80xi32, #tpu.memory_space<vmem>> -> memref<1x80xi32, #tpu.memory_space<vmem>>
    %dma_start3A_390 = tpu.memref_squeeze %dma_start3A_389 : memref<1x80xi32, #tpu.memory_space<vmem>> -> memref<80xi32, #tpu.memory_space<vmem>>
    %dma_start3A_391 = arith.constant 0 : i32
    %dma_start3A_392 = arith.constant 0 : i32
    %dma_start3A_393 = tpu.memref_slice %arg21[%dma_start3A_391, %dma_start3A_392] : memref<10000x64xf32, #tpu.memory_space<vmem_shared>> -> memref<10000x64xf32, #tpu.memory_space<vmem_shared>>
    tpu.enqueue_indirect_dma source(%arg11 : memref<80x64xf32, #tpu.memory_space<vmem>>) target(%dma_start3A_393 : memref<10000x64xf32, #tpu.memory_space<vmem_shared>>) offsets(%dma_start3A_390 : memref<80xi32, #tpu.memory_space<vmem>>) semaphore(%arg33 : memref<!tpu.dma_semaphore, #tpu.memory_space<semaphore_mem>>) {add = true}
    %dma_wait3A_394 = arith.constant 109 : i32
    %dma_wait3A_395 = arith.constant 0 : i32
    %dma_wait3A_396 = tpu.memref_slice %arg9[%dma_wait3A_394, %dma_wait3A_395] : memref<125x80xi32, #tpu.memory_space<vmem>> -> memref<1x80xi32, #tpu.memory_space<vmem>>
    %dma_wait3A_397 = tpu.memref_squeeze %dma_wait3A_396 : memref<1x80xi32, #tpu.memory_space<vmem>> -> memref<80xi32, #tpu.memory_space<vmem>>
    %dma_wait3A_398 = arith.constant 0 : i32
    %dma_wait3A_399 = arith.constant 0 : i32
    %dma_wait3A_400 = tpu.memref_slice %arg21[%dma_wait3A_398, %dma_wait3A_399] : memref<10000x64xf32, #tpu.memory_space<vmem_shared>> -> memref<10000x64xf32, #tpu.memory_space<vmem_shared>>
    tpu.wait_indirect_dma semaphore(%arg41 : memref<!tpu.dma_semaphore, #tpu.memory_space<semaphore_mem>>) src(%arg19 : memref<80x64xf32, #tpu.memory_space<vmem>>) dst(%dma_wait3A_400 : memref<10000x64xf32, #tpu.memory_space<vmem_shared>>)
    %dma_start3A_401 = arith.constant 119 : i32
    %dma_start3A_402 = arith.constant 0 : i32
    %dma_start3A_403 = tpu.memref_slice %arg7[%dma_start3A_401, %dma_start3A_402] : memref<125x80xi32, #tpu.memory_space<vmem>> -> memref<1x80xi32, #tpu.memory_space<vmem>>
    %dma_start3A_404 = tpu.memref_squeeze %dma_start3A_403 : memref<1x80xi32, #tpu.memory_space<vmem>> -> memref<80xi32, #tpu.memory_space<vmem>>
    %dma_start3A_405 = arith.constant 0 : i32
    %dma_start3A_406 = arith.constant 0 : i32
    %dma_start3A_407 = tpu.memref_slice %arg2[%dma_start3A_405, %dma_start3A_406] : memref<160000x64xf32, #tpu.memory_space<hbm>> -> memref<160000x64xf32, #tpu.memory_space<hbm>>
    tpu.enqueue_indirect_dma source(%dma_start3A_407 : memref<160000x64xf32, #tpu.memory_space<hbm>>) target(%arg19 : memref<80x64xf32, #tpu.memory_space<vmem>>) offsets(%dma_start3A_404 : memref<80xi32, #tpu.memory_space<vmem>>) semaphore(%arg31 : memref<!tpu.dma_semaphore, #tpu.memory_space<semaphore_mem>>)
    %dma_wait3A_408 = arith.constant 112 : i32
    %dma_wait3A_409 = arith.constant 0 : i32
    %dma_wait3A_410 = tpu.memref_slice %arg7[%dma_wait3A_408, %dma_wait3A_409] : memref<125x80xi32, #tpu.memory_space<vmem>> -> memref<1x80xi32, #tpu.memory_space<vmem>>
    %dma_wait3A_411 = tpu.memref_squeeze %dma_wait3A_410 : memref<1x80xi32, #tpu.memory_space<vmem>> -> memref<80xi32, #tpu.memory_space<vmem>>
    %dma_wait3A_412 = arith.constant 0 : i32
    %dma_wait3A_413 = arith.constant 0 : i32
    %dma_wait3A_414 = tpu.memref_slice %arg2[%dma_wait3A_412, %dma_wait3A_413] : memref<160000x64xf32, #tpu.memory_space<hbm>> -> memref<160000x64xf32, #tpu.memory_space<hbm>>
    tpu.wait_indirect_dma semaphore(%arg24 : memref<!tpu.dma_semaphore, #tpu.memory_space<semaphore_mem>>) src(%dma_wait3A_414 : memref<160000x64xf32, #tpu.memory_space<hbm>>) dst(%arg12 : memref<80x64xf32, #tpu.memory_space<vmem>>)
    %dma_start3A_415 = arith.constant 112 : i32
    %dma_start3A_416 = arith.constant 0 : i32
    %dma_start3A_417 = tpu.memref_slice %arg9[%dma_start3A_415, %dma_start3A_416] : memref<125x80xi32, #tpu.memory_space<vmem>> -> memref<1x80xi32, #tpu.memory_space<vmem>>
    %dma_start3A_418 = tpu.memref_squeeze %dma_start3A_417 : memref<1x80xi32, #tpu.memory_space<vmem>> -> memref<80xi32, #tpu.memory_space<vmem>>
    %dma_start3A_419 = arith.constant 0 : i32
    %dma_start3A_420 = arith.constant 0 : i32
    %dma_start3A_421 = tpu.memref_slice %arg21[%dma_start3A_419, %dma_start3A_420] : memref<10000x64xf32, #tpu.memory_space<vmem_shared>> -> memref<10000x64xf32, #tpu.memory_space<vmem_shared>>
    tpu.enqueue_indirect_dma source(%arg12 : memref<80x64xf32, #tpu.memory_space<vmem>>) target(%dma_start3A_421 : memref<10000x64xf32, #tpu.memory_space<vmem_shared>>) offsets(%dma_start3A_418 : memref<80xi32, #tpu.memory_space<vmem>>) semaphore(%arg34 : memref<!tpu.dma_semaphore, #tpu.memory_space<semaphore_mem>>) {add = true}
    %dma_wait3A_422 = arith.constant 110 : i32
    %dma_wait3A_423 = arith.constant 0 : i32
    %dma_wait3A_424 = tpu.memref_slice %arg9[%dma_wait3A_422, %dma_wait3A_423] : memref<125x80xi32, #tpu.memory_space<vmem>> -> memref<1x80xi32, #tpu.memory_space<vmem>>
    %dma_wait3A_425 = tpu.memref_squeeze %dma_wait3A_424 : memref<1x80xi32, #tpu.memory_space<vmem>> -> memref<80xi32, #tpu.memory_space<vmem>>
    %dma_wait3A_426 = arith.constant 0 : i32
    %dma_wait3A_427 = arith.constant 0 : i32
    %dma_wait3A_428 = tpu.memref_slice %arg21[%dma_wait3A_426, %dma_wait3A_427] : memref<10000x64xf32, #tpu.memory_space<vmem_shared>> -> memref<10000x64xf32, #tpu.memory_space<vmem_shared>>
    tpu.wait_indirect_dma semaphore(%arg32 : memref<!tpu.dma_semaphore, #tpu.memory_space<semaphore_mem>>) src(%arg10 : memref<80x64xf32, #tpu.memory_space<vmem>>) dst(%dma_wait3A_428 : memref<10000x64xf32, #tpu.memory_space<vmem_shared>>)
    %dma_start3A_429 = arith.constant 120 : i32
    %dma_start3A_430 = arith.constant 0 : i32
    %dma_start3A_431 = tpu.memref_slice %arg7[%dma_start3A_429, %dma_start3A_430] : memref<125x80xi32, #tpu.memory_space<vmem>> -> memref<1x80xi32, #tpu.memory_space<vmem>>
    %dma_start3A_432 = tpu.memref_squeeze %dma_start3A_431 : memref<1x80xi32, #tpu.memory_space<vmem>> -> memref<80xi32, #tpu.memory_space<vmem>>
    %dma_start3A_433 = arith.constant 0 : i32
    %dma_start3A_434 = arith.constant 0 : i32
    %dma_start3A_435 = tpu.memref_slice %arg2[%dma_start3A_433, %dma_start3A_434] : memref<160000x64xf32, #tpu.memory_space<hbm>> -> memref<160000x64xf32, #tpu.memory_space<hbm>>
    tpu.enqueue_indirect_dma source(%dma_start3A_435 : memref<160000x64xf32, #tpu.memory_space<hbm>>) target(%arg10 : memref<80x64xf32, #tpu.memory_space<vmem>>) offsets(%dma_start3A_432 : memref<80xi32, #tpu.memory_space<vmem>>) semaphore(%arg22 : memref<!tpu.dma_semaphore, #tpu.memory_space<semaphore_mem>>)
    %dma_wait3A_436 = arith.constant 113 : i32
    %dma_wait3A_437 = arith.constant 0 : i32
    %dma_wait3A_438 = tpu.memref_slice %arg7[%dma_wait3A_436, %dma_wait3A_437] : memref<125x80xi32, #tpu.memory_space<vmem>> -> memref<1x80xi32, #tpu.memory_space<vmem>>
    %dma_wait3A_439 = tpu.memref_squeeze %dma_wait3A_438 : memref<1x80xi32, #tpu.memory_space<vmem>> -> memref<80xi32, #tpu.memory_space<vmem>>
    %dma_wait3A_440 = arith.constant 0 : i32
    %dma_wait3A_441 = arith.constant 0 : i32
    %dma_wait3A_442 = tpu.memref_slice %arg2[%dma_wait3A_440, %dma_wait3A_441] : memref<160000x64xf32, #tpu.memory_space<hbm>> -> memref<160000x64xf32, #tpu.memory_space<hbm>>
    tpu.wait_indirect_dma semaphore(%arg25 : memref<!tpu.dma_semaphore, #tpu.memory_space<semaphore_mem>>) src(%dma_wait3A_442 : memref<160000x64xf32, #tpu.memory_space<hbm>>) dst(%arg13 : memref<80x64xf32, #tpu.memory_space<vmem>>)
    %dma_start3A_443 = arith.constant 113 : i32
    %dma_start3A_444 = arith.constant 0 : i32
    %dma_start3A_445 = tpu.memref_slice %arg9[%dma_start3A_443, %dma_start3A_444] : memref<125x80xi32, #tpu.memory_space<vmem>> -> memref<1x80xi32, #tpu.memory_space<vmem>>
    %dma_start3A_446 = tpu.memref_squeeze %dma_start3A_445 : memref<1x80xi32, #tpu.memory_space<vmem>> -> memref<80xi32, #tpu.memory_space<vmem>>
    %dma_start3A_447 = arith.constant 0 : i32
    %dma_start3A_448 = arith.constant 0 : i32
    %dma_start3A_449 = tpu.memref_slice %arg21[%dma_start3A_447, %dma_start3A_448] : memref<10000x64xf32, #tpu.memory_space<vmem_shared>> -> memref<10000x64xf32, #tpu.memory_space<vmem_shared>>
    tpu.enqueue_indirect_dma source(%arg13 : memref<80x64xf32, #tpu.memory_space<vmem>>) target(%dma_start3A_449 : memref<10000x64xf32, #tpu.memory_space<vmem_shared>>) offsets(%dma_start3A_446 : memref<80xi32, #tpu.memory_space<vmem>>) semaphore(%arg35 : memref<!tpu.dma_semaphore, #tpu.memory_space<semaphore_mem>>) {add = true}
    %dma_wait3A_450 = arith.constant 111 : i32
    %dma_wait3A_451 = arith.constant 0 : i32
    %dma_wait3A_452 = tpu.memref_slice %arg9[%dma_wait3A_450, %dma_wait3A_451] : memref<125x80xi32, #tpu.memory_space<vmem>> -> memref<1x80xi32, #tpu.memory_space<vmem>>
    %dma_wait3A_453 = tpu.memref_squeeze %dma_wait3A_452 : memref<1x80xi32, #tpu.memory_space<vmem>> -> memref<80xi32, #tpu.memory_space<vmem>>
    %dma_wait3A_454 = arith.constant 0 : i32
    %dma_wait3A_455 = arith.constant 0 : i32
    %dma_wait3A_456 = tpu.memref_slice %arg21[%dma_wait3A_454, %dma_wait3A_455] : memref<10000x64xf32, #tpu.memory_space<vmem_shared>> -> memref<10000x64xf32, #tpu.memory_space<vmem_shared>>
    tpu.wait_indirect_dma semaphore(%arg33 : memref<!tpu.dma_semaphore, #tpu.memory_space<semaphore_mem>>) src(%arg11 : memref<80x64xf32, #tpu.memory_space<vmem>>) dst(%dma_wait3A_456 : memref<10000x64xf32, #tpu.memory_space<vmem_shared>>)
    %dma_start3A_457 = arith.constant 121 : i32
    %dma_start3A_458 = arith.constant 0 : i32
    %dma_start3A_459 = tpu.memref_slice %arg7[%dma_start3A_457, %dma_start3A_458] : memref<125x80xi32, #tpu.memory_space<vmem>> -> memref<1x80xi32, #tpu.memory_space<vmem>>
    %dma_start3A_460 = tpu.memref_squeeze %dma_start3A_459 : memref<1x80xi32, #tpu.memory_space<vmem>> -> memref<80xi32, #tpu.memory_space<vmem>>
    %dma_start3A_461 = arith.constant 0 : i32
    %dma_start3A_462 = arith.constant 0 : i32
    %dma_start3A_463 = tpu.memref_slice %arg2[%dma_start3A_461, %dma_start3A_462] : memref<160000x64xf32, #tpu.memory_space<hbm>> -> memref<160000x64xf32, #tpu.memory_space<hbm>>
    tpu.enqueue_indirect_dma source(%dma_start3A_463 : memref<160000x64xf32, #tpu.memory_space<hbm>>) target(%arg11 : memref<80x64xf32, #tpu.memory_space<vmem>>) offsets(%dma_start3A_460 : memref<80xi32, #tpu.memory_space<vmem>>) semaphore(%arg23 : memref<!tpu.dma_semaphore, #tpu.memory_space<semaphore_mem>>)
    %dma_wait3A_464 = arith.constant 114 : i32
    %dma_wait3A_465 = arith.constant 0 : i32
    %dma_wait3A_466 = tpu.memref_slice %arg7[%dma_wait3A_464, %dma_wait3A_465] : memref<125x80xi32, #tpu.memory_space<vmem>> -> memref<1x80xi32, #tpu.memory_space<vmem>>
    %dma_wait3A_467 = tpu.memref_squeeze %dma_wait3A_466 : memref<1x80xi32, #tpu.memory_space<vmem>> -> memref<80xi32, #tpu.memory_space<vmem>>
    %dma_wait3A_468 = arith.constant 0 : i32
    %dma_wait3A_469 = arith.constant 0 : i32
    %dma_wait3A_470 = tpu.memref_slice %arg2[%dma_wait3A_468, %dma_wait3A_469] : memref<160000x64xf32, #tpu.memory_space<hbm>> -> memref<160000x64xf32, #tpu.memory_space<hbm>>
    tpu.wait_indirect_dma semaphore(%arg26 : memref<!tpu.dma_semaphore, #tpu.memory_space<semaphore_mem>>) src(%dma_wait3A_470 : memref<160000x64xf32, #tpu.memory_space<hbm>>) dst(%arg14 : memref<80x64xf32, #tpu.memory_space<vmem>>)
    %dma_start3A_471 = arith.constant 114 : i32
    %dma_start3A_472 = arith.constant 0 : i32
    %dma_start3A_473 = tpu.memref_slice %arg9[%dma_start3A_471, %dma_start3A_472] : memref<125x80xi32, #tpu.memory_space<vmem>> -> memref<1x80xi32, #tpu.memory_space<vmem>>
    %dma_start3A_474 = tpu.memref_squeeze %dma_start3A_473 : memref<1x80xi32, #tpu.memory_space<vmem>> -> memref<80xi32, #tpu.memory_space<vmem>>
    %dma_start3A_475 = arith.constant 0 : i32
    %dma_start3A_476 = arith.constant 0 : i32
    %dma_start3A_477 = tpu.memref_slice %arg21[%dma_start3A_475, %dma_start3A_476] : memref<10000x64xf32, #tpu.memory_space<vmem_shared>> -> memref<10000x64xf32, #tpu.memory_space<vmem_shared>>
    tpu.enqueue_indirect_dma source(%arg14 : memref<80x64xf32, #tpu.memory_space<vmem>>) target(%dma_start3A_477 : memref<10000x64xf32, #tpu.memory_space<vmem_shared>>) offsets(%dma_start3A_474 : memref<80xi32, #tpu.memory_space<vmem>>) semaphore(%arg36 : memref<!tpu.dma_semaphore, #tpu.memory_space<semaphore_mem>>) {add = true}
    %dma_wait3A_478 = arith.constant 112 : i32
    %dma_wait3A_479 = arith.constant 0 : i32
    %dma_wait3A_480 = tpu.memref_slice %arg9[%dma_wait3A_478, %dma_wait3A_479] : memref<125x80xi32, #tpu.memory_space<vmem>> -> memref<1x80xi32, #tpu.memory_space<vmem>>
    %dma_wait3A_481 = tpu.memref_squeeze %dma_wait3A_480 : memref<1x80xi32, #tpu.memory_space<vmem>> -> memref<80xi32, #tpu.memory_space<vmem>>
    %dma_wait3A_482 = arith.constant 0 : i32
    %dma_wait3A_483 = arith.constant 0 : i32
    %dma_wait3A_484 = tpu.memref_slice %arg21[%dma_wait3A_482, %dma_wait3A_483] : memref<10000x64xf32, #tpu.memory_space<vmem_shared>> -> memref<10000x64xf32, #tpu.memory_space<vmem_shared>>
    tpu.wait_indirect_dma semaphore(%arg34 : memref<!tpu.dma_semaphore, #tpu.memory_space<semaphore_mem>>) src(%arg12 : memref<80x64xf32, #tpu.memory_space<vmem>>) dst(%dma_wait3A_484 : memref<10000x64xf32, #tpu.memory_space<vmem_shared>>)
    %dma_start3A_485 = arith.constant 122 : i32
    %dma_start3A_486 = arith.constant 0 : i32
    %dma_start3A_487 = tpu.memref_slice %arg7[%dma_start3A_485, %dma_start3A_486] : memref<125x80xi32, #tpu.memory_space<vmem>> -> memref<1x80xi32, #tpu.memory_space<vmem>>
    %dma_start3A_488 = tpu.memref_squeeze %dma_start3A_487 : memref<1x80xi32, #tpu.memory_space<vmem>> -> memref<80xi32, #tpu.memory_space<vmem>>
    %dma_start3A_489 = arith.constant 0 : i32
    %dma_start3A_490 = arith.constant 0 : i32
    %dma_start3A_491 = tpu.memref_slice %arg2[%dma_start3A_489, %dma_start3A_490] : memref<160000x64xf32, #tpu.memory_space<hbm>> -> memref<160000x64xf32, #tpu.memory_space<hbm>>
    tpu.enqueue_indirect_dma source(%dma_start3A_491 : memref<160000x64xf32, #tpu.memory_space<hbm>>) target(%arg12 : memref<80x64xf32, #tpu.memory_space<vmem>>) offsets(%dma_start3A_488 : memref<80xi32, #tpu.memory_space<vmem>>) semaphore(%arg24 : memref<!tpu.dma_semaphore, #tpu.memory_space<semaphore_mem>>)
    %dma_wait3A_492 = arith.constant 115 : i32
    %dma_wait3A_493 = arith.constant 0 : i32
    %dma_wait3A_494 = tpu.memref_slice %arg7[%dma_wait3A_492, %dma_wait3A_493] : memref<125x80xi32, #tpu.memory_space<vmem>> -> memref<1x80xi32, #tpu.memory_space<vmem>>
    %dma_wait3A_495 = tpu.memref_squeeze %dma_wait3A_494 : memref<1x80xi32, #tpu.memory_space<vmem>> -> memref<80xi32, #tpu.memory_space<vmem>>
    %dma_wait3A_496 = arith.constant 0 : i32
    %dma_wait3A_497 = arith.constant 0 : i32
    %dma_wait3A_498 = tpu.memref_slice %arg2[%dma_wait3A_496, %dma_wait3A_497] : memref<160000x64xf32, #tpu.memory_space<hbm>> -> memref<160000x64xf32, #tpu.memory_space<hbm>>
    tpu.wait_indirect_dma semaphore(%arg27 : memref<!tpu.dma_semaphore, #tpu.memory_space<semaphore_mem>>) src(%dma_wait3A_498 : memref<160000x64xf32, #tpu.memory_space<hbm>>) dst(%arg15 : memref<80x64xf32, #tpu.memory_space<vmem>>)
    %dma_start3A_499 = arith.constant 115 : i32
    %dma_start3A_500 = arith.constant 0 : i32
    %dma_start3A_501 = tpu.memref_slice %arg9[%dma_start3A_499, %dma_start3A_500] : memref<125x80xi32, #tpu.memory_space<vmem>> -> memref<1x80xi32, #tpu.memory_space<vmem>>
    %dma_start3A_502 = tpu.memref_squeeze %dma_start3A_501 : memref<1x80xi32, #tpu.memory_space<vmem>> -> memref<80xi32, #tpu.memory_space<vmem>>
    %dma_start3A_503 = arith.constant 0 : i32
    %dma_start3A_504 = arith.constant 0 : i32
    %dma_start3A_505 = tpu.memref_slice %arg21[%dma_start3A_503, %dma_start3A_504] : memref<10000x64xf32, #tpu.memory_space<vmem_shared>> -> memref<10000x64xf32, #tpu.memory_space<vmem_shared>>
    tpu.enqueue_indirect_dma source(%arg15 : memref<80x64xf32, #tpu.memory_space<vmem>>) target(%dma_start3A_505 : memref<10000x64xf32, #tpu.memory_space<vmem_shared>>) offsets(%dma_start3A_502 : memref<80xi32, #tpu.memory_space<vmem>>) semaphore(%arg37 : memref<!tpu.dma_semaphore, #tpu.memory_space<semaphore_mem>>) {add = true}
    %dma_wait3A_506 = arith.constant 113 : i32
    %dma_wait3A_507 = arith.constant 0 : i32
    %dma_wait3A_508 = tpu.memref_slice %arg9[%dma_wait3A_506, %dma_wait3A_507] : memref<125x80xi32, #tpu.memory_space<vmem>> -> memref<1x80xi32, #tpu.memory_space<vmem>>
    %dma_wait3A_509 = tpu.memref_squeeze %dma_wait3A_508 : memref<1x80xi32, #tpu.memory_space<vmem>> -> memref<80xi32, #tpu.memory_space<vmem>>
    %dma_wait3A_510 = arith.constant 0 : i32
    %dma_wait3A_511 = arith.constant 0 : i32
    %dma_wait3A_512 = tpu.memref_slice %arg21[%dma_wait3A_510, %dma_wait3A_511] : memref<10000x64xf32, #tpu.memory_space<vmem_shared>> -> memref<10000x64xf32, #tpu.memory_space<vmem_shared>>
    tpu.wait_indirect_dma semaphore(%arg35 : memref<!tpu.dma_semaphore, #tpu.memory_space<semaphore_mem>>) src(%arg13 : memref<80x64xf32, #tpu.memory_space<vmem>>) dst(%dma_wait3A_512 : memref<10000x64xf32, #tpu.memory_space<vmem_shared>>)
    %dma_start3A_513 = arith.constant 123 : i32
    %dma_start3A_514 = arith.constant 0 : i32
    %dma_start3A_515 = tpu.memref_slice %arg7[%dma_start3A_513, %dma_start3A_514] : memref<125x80xi32, #tpu.memory_space<vmem>> -> memref<1x80xi32, #tpu.memory_space<vmem>>
    %dma_start3A_516 = tpu.memref_squeeze %dma_start3A_515 : memref<1x80xi32, #tpu.memory_space<vmem>> -> memref<80xi32, #tpu.memory_space<vmem>>
    %dma_start3A_517 = arith.constant 0 : i32
    %dma_start3A_518 = arith.constant 0 : i32
    %dma_start3A_519 = tpu.memref_slice %arg2[%dma_start3A_517, %dma_start3A_518] : memref<160000x64xf32, #tpu.memory_space<hbm>> -> memref<160000x64xf32, #tpu.memory_space<hbm>>
    tpu.enqueue_indirect_dma source(%dma_start3A_519 : memref<160000x64xf32, #tpu.memory_space<hbm>>) target(%arg13 : memref<80x64xf32, #tpu.memory_space<vmem>>) offsets(%dma_start3A_516 : memref<80xi32, #tpu.memory_space<vmem>>) semaphore(%arg25 : memref<!tpu.dma_semaphore, #tpu.memory_space<semaphore_mem>>)
    %dma_wait3A_520 = arith.constant 116 : i32
    %dma_wait3A_521 = arith.constant 0 : i32
    %dma_wait3A_522 = tpu.memref_slice %arg7[%dma_wait3A_520, %dma_wait3A_521] : memref<125x80xi32, #tpu.memory_space<vmem>> -> memref<1x80xi32, #tpu.memory_space<vmem>>
    %dma_wait3A_523 = tpu.memref_squeeze %dma_wait3A_522 : memref<1x80xi32, #tpu.memory_space<vmem>> -> memref<80xi32, #tpu.memory_space<vmem>>
    %dma_wait3A_524 = arith.constant 0 : i32
    %dma_wait3A_525 = arith.constant 0 : i32
    %dma_wait3A_526 = tpu.memref_slice %arg2[%dma_wait3A_524, %dma_wait3A_525] : memref<160000x64xf32, #tpu.memory_space<hbm>> -> memref<160000x64xf32, #tpu.memory_space<hbm>>
    tpu.wait_indirect_dma semaphore(%arg28 : memref<!tpu.dma_semaphore, #tpu.memory_space<semaphore_mem>>) src(%dma_wait3A_526 : memref<160000x64xf32, #tpu.memory_space<hbm>>) dst(%arg16 : memref<80x64xf32, #tpu.memory_space<vmem>>)
    %dma_start3A_527 = arith.constant 116 : i32
    %dma_start3A_528 = arith.constant 0 : i32
    %dma_start3A_529 = tpu.memref_slice %arg9[%dma_start3A_527, %dma_start3A_528] : memref<125x80xi32, #tpu.memory_space<vmem>> -> memref<1x80xi32, #tpu.memory_space<vmem>>
    %dma_start3A_530 = tpu.memref_squeeze %dma_start3A_529 : memref<1x80xi32, #tpu.memory_space<vmem>> -> memref<80xi32, #tpu.memory_space<vmem>>
    %dma_start3A_531 = arith.constant 0 : i32
    %dma_start3A_532 = arith.constant 0 : i32
    %dma_start3A_533 = tpu.memref_slice %arg21[%dma_start3A_531, %dma_start3A_532] : memref<10000x64xf32, #tpu.memory_space<vmem_shared>> -> memref<10000x64xf32, #tpu.memory_space<vmem_shared>>
    tpu.enqueue_indirect_dma source(%arg16 : memref<80x64xf32, #tpu.memory_space<vmem>>) target(%dma_start3A_533 : memref<10000x64xf32, #tpu.memory_space<vmem_shared>>) offsets(%dma_start3A_530 : memref<80xi32, #tpu.memory_space<vmem>>) semaphore(%arg38 : memref<!tpu.dma_semaphore, #tpu.memory_space<semaphore_mem>>) {add = true}
    %dma_wait3A_534 = arith.constant 114 : i32
    %dma_wait3A_535 = arith.constant 0 : i32
    %dma_wait3A_536 = tpu.memref_slice %arg9[%dma_wait3A_534, %dma_wait3A_535] : memref<125x80xi32, #tpu.memory_space<vmem>> -> memref<1x80xi32, #tpu.memory_space<vmem>>
    %dma_wait3A_537 = tpu.memref_squeeze %dma_wait3A_536 : memref<1x80xi32, #tpu.memory_space<vmem>> -> memref<80xi32, #tpu.memory_space<vmem>>
    %dma_wait3A_538 = arith.constant 0 : i32
    %dma_wait3A_539 = arith.constant 0 : i32
    %dma_wait3A_540 = tpu.memref_slice %arg21[%dma_wait3A_538, %dma_wait3A_539] : memref<10000x64xf32, #tpu.memory_space<vmem_shared>> -> memref<10000x64xf32, #tpu.memory_space<vmem_shared>>
    tpu.wait_indirect_dma semaphore(%arg36 : memref<!tpu.dma_semaphore, #tpu.memory_space<semaphore_mem>>) src(%arg14 : memref<80x64xf32, #tpu.memory_space<vmem>>) dst(%dma_wait3A_540 : memref<10000x64xf32, #tpu.memory_space<vmem_shared>>)
    %dma_start3A_541 = arith.constant 124 : i32
    %dma_start3A_542 = arith.constant 0 : i32
    %dma_start3A_543 = tpu.memref_slice %arg7[%dma_start3A_541, %dma_start3A_542] : memref<125x80xi32, #tpu.memory_space<vmem>> -> memref<1x80xi32, #tpu.memory_space<vmem>>
    %dma_start3A_544 = tpu.memref_squeeze %dma_start3A_543 : memref<1x80xi32, #tpu.memory_space<vmem>> -> memref<80xi32, #tpu.memory_space<vmem>>
    %dma_start3A_545 = arith.constant 0 : i32
    %dma_start3A_546 = arith.constant 0 : i32
    %dma_start3A_547 = tpu.memref_slice %arg2[%dma_start3A_545, %dma_start3A_546] : memref<160000x64xf32, #tpu.memory_space<hbm>> -> memref<160000x64xf32, #tpu.memory_space<hbm>>
    tpu.enqueue_indirect_dma source(%dma_start3A_547 : memref<160000x64xf32, #tpu.memory_space<hbm>>) target(%arg14 : memref<80x64xf32, #tpu.memory_space<vmem>>) offsets(%dma_start3A_544 : memref<80xi32, #tpu.memory_space<vmem>>) semaphore(%arg26 : memref<!tpu.dma_semaphore, #tpu.memory_space<semaphore_mem>>)
    %dma_wait3A_548 = arith.constant 117 : i32
    %dma_wait3A_549 = arith.constant 0 : i32
    %dma_wait3A_550 = tpu.memref_slice %arg7[%dma_wait3A_548, %dma_wait3A_549] : memref<125x80xi32, #tpu.memory_space<vmem>> -> memref<1x80xi32, #tpu.memory_space<vmem>>
    %dma_wait3A_551 = tpu.memref_squeeze %dma_wait3A_550 : memref<1x80xi32, #tpu.memory_space<vmem>> -> memref<80xi32, #tpu.memory_space<vmem>>
    %dma_wait3A_552 = arith.constant 0 : i32
    %dma_wait3A_553 = arith.constant 0 : i32
    %dma_wait3A_554 = tpu.memref_slice %arg2[%dma_wait3A_552, %dma_wait3A_553] : memref<160000x64xf32, #tpu.memory_space<hbm>> -> memref<160000x64xf32, #tpu.memory_space<hbm>>
    tpu.wait_indirect_dma semaphore(%arg29 : memref<!tpu.dma_semaphore, #tpu.memory_space<semaphore_mem>>) src(%dma_wait3A_554 : memref<160000x64xf32, #tpu.memory_space<hbm>>) dst(%arg17 : memref<80x64xf32, #tpu.memory_space<vmem>>)
    %dma_start3A_555 = arith.constant 117 : i32
    %dma_start3A_556 = arith.constant 0 : i32
    %dma_start3A_557 = tpu.memref_slice %arg9[%dma_start3A_555, %dma_start3A_556] : memref<125x80xi32, #tpu.memory_space<vmem>> -> memref<1x80xi32, #tpu.memory_space<vmem>>
    %dma_start3A_558 = tpu.memref_squeeze %dma_start3A_557 : memref<1x80xi32, #tpu.memory_space<vmem>> -> memref<80xi32, #tpu.memory_space<vmem>>
    %dma_start3A_559 = arith.constant 0 : i32
    %dma_start3A_560 = arith.constant 0 : i32
    %dma_start3A_561 = tpu.memref_slice %arg21[%dma_start3A_559, %dma_start3A_560] : memref<10000x64xf32, #tpu.memory_space<vmem_shared>> -> memref<10000x64xf32, #tpu.memory_space<vmem_shared>>
    tpu.enqueue_indirect_dma source(%arg17 : memref<80x64xf32, #tpu.memory_space<vmem>>) target(%dma_start3A_561 : memref<10000x64xf32, #tpu.memory_space<vmem_shared>>) offsets(%dma_start3A_558 : memref<80xi32, #tpu.memory_space<vmem>>) semaphore(%arg39 : memref<!tpu.dma_semaphore, #tpu.memory_space<semaphore_mem>>) {add = true}
    %dma_wait3A_562 = arith.constant 115 : i32
    %dma_wait3A_563 = arith.constant 0 : i32
    %dma_wait3A_564 = tpu.memref_slice %arg9[%dma_wait3A_562, %dma_wait3A_563] : memref<125x80xi32, #tpu.memory_space<vmem>> -> memref<1x80xi32, #tpu.memory_space<vmem>>
    %dma_wait3A_565 = tpu.memref_squeeze %dma_wait3A_564 : memref<1x80xi32, #tpu.memory_space<vmem>> -> memref<80xi32, #tpu.memory_space<vmem>>
    %dma_wait3A_566 = arith.constant 0 : i32
    %dma_wait3A_567 = arith.constant 0 : i32
    %dma_wait3A_568 = tpu.memref_slice %arg21[%dma_wait3A_566, %dma_wait3A_567] : memref<10000x64xf32, #tpu.memory_space<vmem_shared>> -> memref<10000x64xf32, #tpu.memory_space<vmem_shared>>
    tpu.wait_indirect_dma semaphore(%arg37 : memref<!tpu.dma_semaphore, #tpu.memory_space<semaphore_mem>>) src(%arg15 : memref<80x64xf32, #tpu.memory_space<vmem>>) dst(%dma_wait3A_568 : memref<10000x64xf32, #tpu.memory_space<vmem_shared>>)
    %dma_wait3A_569 = arith.constant 118 : i32
    %dma_wait3A_570 = arith.constant 0 : i32
    %dma_wait3A_571 = tpu.memref_slice %arg7[%dma_wait3A_569, %dma_wait3A_570] : memref<125x80xi32, #tpu.memory_space<vmem>> -> memref<1x80xi32, #tpu.memory_space<vmem>>
    %dma_wait3A_572 = tpu.memref_squeeze %dma_wait3A_571 : memref<1x80xi32, #tpu.memory_space<vmem>> -> memref<80xi32, #tpu.memory_space<vmem>>
    %dma_wait3A_573 = arith.constant 0 : i32
    %dma_wait3A_574 = arith.constant 0 : i32
    %dma_wait3A_575 = tpu.memref_slice %arg2[%dma_wait3A_573, %dma_wait3A_574] : memref<160000x64xf32, #tpu.memory_space<hbm>> -> memref<160000x64xf32, #tpu.memory_space<hbm>>
    tpu.wait_indirect_dma semaphore(%arg30 : memref<!tpu.dma_semaphore, #tpu.memory_space<semaphore_mem>>) src(%dma_wait3A_575 : memref<160000x64xf32, #tpu.memory_space<hbm>>) dst(%arg18 : memref<80x64xf32, #tpu.memory_space<vmem>>)
    %dma_start3A_576 = arith.constant 118 : i32
    %dma_start3A_577 = arith.constant 0 : i32
    %dma_start3A_578 = tpu.memref_slice %arg9[%dma_start3A_576, %dma_start3A_577] : memref<125x80xi32, #tpu.memory_space<vmem>> -> memref<1x80xi32, #tpu.memory_space<vmem>>
    %dma_start3A_579 = tpu.memref_squeeze %dma_start3A_578 : memref<1x80xi32, #tpu.memory_space<vmem>> -> memref<80xi32, #tpu.memory_space<vmem>>
    %dma_start3A_580 = arith.constant 0 : i32
    %dma_start3A_581 = arith.constant 0 : i32
    %dma_start3A_582 = tpu.memref_slice %arg21[%dma_start3A_580, %dma_start3A_581] : memref<10000x64xf32, #tpu.memory_space<vmem_shared>> -> memref<10000x64xf32, #tpu.memory_space<vmem_shared>>
    tpu.enqueue_indirect_dma source(%arg18 : memref<80x64xf32, #tpu.memory_space<vmem>>) target(%dma_start3A_582 : memref<10000x64xf32, #tpu.memory_space<vmem_shared>>) offsets(%dma_start3A_579 : memref<80xi32, #tpu.memory_space<vmem>>) semaphore(%arg40 : memref<!tpu.dma_semaphore, #tpu.memory_space<semaphore_mem>>) {add = true}
    %dma_wait3A_583 = arith.constant 116 : i32
    %dma_wait3A_584 = arith.constant 0 : i32
    %dma_wait3A_585 = tpu.memref_slice %arg9[%dma_wait3A_583, %dma_wait3A_584] : memref<125x80xi32, #tpu.memory_space<vmem>> -> memref<1x80xi32, #tpu.memory_space<vmem>>
    %dma_wait3A_586 = tpu.memref_squeeze %dma_wait3A_585 : memref<1x80xi32, #tpu.memory_space<vmem>> -> memref<80xi32, #tpu.memory_space<vmem>>
    %dma_wait3A_587 = arith.constant 0 : i32
    %dma_wait3A_588 = arith.constant 0 : i32
    %dma_wait3A_589 = tpu.memref_slice %arg21[%dma_wait3A_587, %dma_wait3A_588] : memref<10000x64xf32, #tpu.memory_space<vmem_shared>> -> memref<10000x64xf32, #tpu.memory_space<vmem_shared>>
    tpu.wait_indirect_dma semaphore(%arg38 : memref<!tpu.dma_semaphore, #tpu.memory_space<semaphore_mem>>) src(%arg16 : memref<80x64xf32, #tpu.memory_space<vmem>>) dst(%dma_wait3A_589 : memref<10000x64xf32, #tpu.memory_space<vmem_shared>>)
    %dma_wait3A_590 = arith.constant 119 : i32
    %dma_wait3A_591 = arith.constant 0 : i32
    %dma_wait3A_592 = tpu.memref_slice %arg7[%dma_wait3A_590, %dma_wait3A_591] : memref<125x80xi32, #tpu.memory_space<vmem>> -> memref<1x80xi32, #tpu.memory_space<vmem>>
    %dma_wait3A_593 = tpu.memref_squeeze %dma_wait3A_592 : memref<1x80xi32, #tpu.memory_space<vmem>> -> memref<80xi32, #tpu.memory_space<vmem>>
    %dma_wait3A_594 = arith.constant 0 : i32
    %dma_wait3A_595 = arith.constant 0 : i32
    %dma_wait3A_596 = tpu.memref_slice %arg2[%dma_wait3A_594, %dma_wait3A_595] : memref<160000x64xf32, #tpu.memory_space<hbm>> -> memref<160000x64xf32, #tpu.memory_space<hbm>>
    tpu.wait_indirect_dma semaphore(%arg31 : memref<!tpu.dma_semaphore, #tpu.memory_space<semaphore_mem>>) src(%dma_wait3A_596 : memref<160000x64xf32, #tpu.memory_space<hbm>>) dst(%arg19 : memref<80x64xf32, #tpu.memory_space<vmem>>)
    %dma_start3A_597 = arith.constant 119 : i32
    %dma_start3A_598 = arith.constant 0 : i32
    %dma_start3A_599 = tpu.memref_slice %arg9[%dma_start3A_597, %dma_start3A_598] : memref<125x80xi32, #tpu.memory_space<vmem>> -> memref<1x80xi32, #tpu.memory_space<vmem>>
    %dma_start3A_600 = tpu.memref_squeeze %dma_start3A_599 : memref<1x80xi32, #tpu.memory_space<vmem>> -> memref<80xi32, #tpu.memory_space<vmem>>
    %dma_start3A_601 = arith.constant 0 : i32
    %dma_start3A_602 = arith.constant 0 : i32
    %dma_start3A_603 = tpu.memref_slice %arg21[%dma_start3A_601, %dma_start3A_602] : memref<10000x64xf32, #tpu.memory_space<vmem_shared>> -> memref<10000x64xf32, #tpu.memory_space<vmem_shared>>
    tpu.enqueue_indirect_dma source(%arg19 : memref<80x64xf32, #tpu.memory_space<vmem>>) target(%dma_start3A_603 : memref<10000x64xf32, #tpu.memory_space<vmem_shared>>) offsets(%dma_start3A_600 : memref<80xi32, #tpu.memory_space<vmem>>) semaphore(%arg41 : memref<!tpu.dma_semaphore, #tpu.memory_space<semaphore_mem>>) {add = true}
    %dma_wait3A_604 = arith.constant 117 : i32
    %dma_wait3A_605 = arith.constant 0 : i32
    %dma_wait3A_606 = tpu.memref_slice %arg9[%dma_wait3A_604, %dma_wait3A_605] : memref<125x80xi32, #tpu.memory_space<vmem>> -> memref<1x80xi32, #tpu.memory_space<vmem>>
    %dma_wait3A_607 = tpu.memref_squeeze %dma_wait3A_606 : memref<1x80xi32, #tpu.memory_space<vmem>> -> memref<80xi32, #tpu.memory_space<vmem>>
    %dma_wait3A_608 = arith.constant 0 : i32
    %dma_wait3A_609 = arith.constant 0 : i32
    %dma_wait3A_610 = tpu.memref_slice %arg21[%dma_wait3A_608, %dma_wait3A_609] : memref<10000x64xf32, #tpu.memory_space<vmem_shared>> -> memref<10000x64xf32, #tpu.memory_space<vmem_shared>>
    tpu.wait_indirect_dma semaphore(%arg39 : memref<!tpu.dma_semaphore, #tpu.memory_space<semaphore_mem>>) src(%arg17 : memref<80x64xf32, #tpu.memory_space<vmem>>) dst(%dma_wait3A_610 : memref<10000x64xf32, #tpu.memory_space<vmem_shared>>)
    %dma_wait3A_611 = arith.constant 120 : i32
    %dma_wait3A_612 = arith.constant 0 : i32
    %dma_wait3A_613 = tpu.memref_slice %arg7[%dma_wait3A_611, %dma_wait3A_612] : memref<125x80xi32, #tpu.memory_space<vmem>> -> memref<1x80xi32, #tpu.memory_space<vmem>>
    %dma_wait3A_614 = tpu.memref_squeeze %dma_wait3A_613 : memref<1x80xi32, #tpu.memory_space<vmem>> -> memref<80xi32, #tpu.memory_space<vmem>>
    %dma_wait3A_615 = arith.constant 0 : i32
    %dma_wait3A_616 = arith.constant 0 : i32
    %dma_wait3A_617 = tpu.memref_slice %arg2[%dma_wait3A_615, %dma_wait3A_616] : memref<160000x64xf32, #tpu.memory_space<hbm>> -> memref<160000x64xf32, #tpu.memory_space<hbm>>
    tpu.wait_indirect_dma semaphore(%arg22 : memref<!tpu.dma_semaphore, #tpu.memory_space<semaphore_mem>>) src(%dma_wait3A_617 : memref<160000x64xf32, #tpu.memory_space<hbm>>) dst(%arg10 : memref<80x64xf32, #tpu.memory_space<vmem>>)
    %dma_start3A_618 = arith.constant 120 : i32
    %dma_start3A_619 = arith.constant 0 : i32
    %dma_start3A_620 = tpu.memref_slice %arg9[%dma_start3A_618, %dma_start3A_619] : memref<125x80xi32, #tpu.memory_space<vmem>> -> memref<1x80xi32, #tpu.memory_space<vmem>>
    %dma_start3A_621 = tpu.memref_squeeze %dma_start3A_620 : memref<1x80xi32, #tpu.memory_space<vmem>> -> memref<80xi32, #tpu.memory_space<vmem>>
    %dma_start3A_622 = arith.constant 0 : i32
    %dma_start3A_623 = arith.constant 0 : i32
    %dma_start3A_624 = tpu.memref_slice %arg21[%dma_start3A_622, %dma_start3A_623] : memref<10000x64xf32, #tpu.memory_space<vmem_shared>> -> memref<10000x64xf32, #tpu.memory_space<vmem_shared>>
    tpu.enqueue_indirect_dma source(%arg10 : memref<80x64xf32, #tpu.memory_space<vmem>>) target(%dma_start3A_624 : memref<10000x64xf32, #tpu.memory_space<vmem_shared>>) offsets(%dma_start3A_621 : memref<80xi32, #tpu.memory_space<vmem>>) semaphore(%arg32 : memref<!tpu.dma_semaphore, #tpu.memory_space<semaphore_mem>>) {add = true}
    %dma_wait3A_625 = arith.constant 118 : i32
    %dma_wait3A_626 = arith.constant 0 : i32
    %dma_wait3A_627 = tpu.memref_slice %arg9[%dma_wait3A_625, %dma_wait3A_626] : memref<125x80xi32, #tpu.memory_space<vmem>> -> memref<1x80xi32, #tpu.memory_space<vmem>>
    %dma_wait3A_628 = tpu.memref_squeeze %dma_wait3A_627 : memref<1x80xi32, #tpu.memory_space<vmem>> -> memref<80xi32, #tpu.memory_space<vmem>>
    %dma_wait3A_629 = arith.constant 0 : i32
    %dma_wait3A_630 = arith.constant 0 : i32
    %dma_wait3A_631 = tpu.memref_slice %arg21[%dma_wait3A_629, %dma_wait3A_630] : memref<10000x64xf32, #tpu.memory_space<vmem_shared>> -> memref<10000x64xf32, #tpu.memory_space<vmem_shared>>
    tpu.wait_indirect_dma semaphore(%arg40 : memref<!tpu.dma_semaphore, #tpu.memory_space<semaphore_mem>>) src(%arg18 : memref<80x64xf32, #tpu.memory_space<vmem>>) dst(%dma_wait3A_631 : memref<10000x64xf32, #tpu.memory_space<vmem_shared>>)
    %dma_wait3A_632 = arith.constant 121 : i32
    %dma_wait3A_633 = arith.constant 0 : i32
    %dma_wait3A_634 = tpu.memref_slice %arg7[%dma_wait3A_632, %dma_wait3A_633] : memref<125x80xi32, #tpu.memory_space<vmem>> -> memref<1x80xi32, #tpu.memory_space<vmem>>
    %dma_wait3A_635 = tpu.memref_squeeze %dma_wait3A_634 : memref<1x80xi32, #tpu.memory_space<vmem>> -> memref<80xi32, #tpu.memory_space<vmem>>
    %dma_wait3A_636 = arith.constant 0 : i32
    %dma_wait3A_637 = arith.constant 0 : i32
    %dma_wait3A_638 = tpu.memref_slice %arg2[%dma_wait3A_636, %dma_wait3A_637] : memref<160000x64xf32, #tpu.memory_space<hbm>> -> memref<160000x64xf32, #tpu.memory_space<hbm>>
    tpu.wait_indirect_dma semaphore(%arg23 : memref<!tpu.dma_semaphore, #tpu.memory_space<semaphore_mem>>) src(%dma_wait3A_638 : memref<160000x64xf32, #tpu.memory_space<hbm>>) dst(%arg11 : memref<80x64xf32, #tpu.memory_space<vmem>>)
    %dma_start3A_639 = arith.constant 121 : i32
    %dma_start3A_640 = arith.constant 0 : i32
    %dma_start3A_641 = tpu.memref_slice %arg9[%dma_start3A_639, %dma_start3A_640] : memref<125x80xi32, #tpu.memory_space<vmem>> -> memref<1x80xi32, #tpu.memory_space<vmem>>
    %dma_start3A_642 = tpu.memref_squeeze %dma_start3A_641 : memref<1x80xi32, #tpu.memory_space<vmem>> -> memref<80xi32, #tpu.memory_space<vmem>>
    %dma_start3A_643 = arith.constant 0 : i32
    %dma_start3A_644 = arith.constant 0 : i32
    %dma_start3A_645 = tpu.memref_slice %arg21[%dma_start3A_643, %dma_start3A_644] : memref<10000x64xf32, #tpu.memory_space<vmem_shared>> -> memref<10000x64xf32, #tpu.memory_space<vmem_shared>>
    tpu.enqueue_indirect_dma source(%arg11 : memref<80x64xf32, #tpu.memory_space<vmem>>) target(%dma_start3A_645 : memref<10000x64xf32, #tpu.memory_space<vmem_shared>>) offsets(%dma_start3A_642 : memref<80xi32, #tpu.memory_space<vmem>>) semaphore(%arg33 : memref<!tpu.dma_semaphore, #tpu.memory_space<semaphore_mem>>) {add = true}
    %dma_wait3A_646 = arith.constant 119 : i32
    %dma_wait3A_647 = arith.constant 0 : i32
    %dma_wait3A_648 = tpu.memref_slice %arg9[%dma_wait3A_646, %dma_wait3A_647] : memref<125x80xi32, #tpu.memory_space<vmem>> -> memref<1x80xi32, #tpu.memory_space<vmem>>
    %dma_wait3A_649 = tpu.memref_squeeze %dma_wait3A_648 : memref<1x80xi32, #tpu.memory_space<vmem>> -> memref<80xi32, #tpu.memory_space<vmem>>
    %dma_wait3A_650 = arith.constant 0 : i32
    %dma_wait3A_651 = arith.constant 0 : i32
    %dma_wait3A_652 = tpu.memref_slice %arg21[%dma_wait3A_650, %dma_wait3A_651] : memref<10000x64xf32, #tpu.memory_space<vmem_shared>> -> memref<10000x64xf32, #tpu.memory_space<vmem_shared>>
    tpu.wait_indirect_dma semaphore(%arg41 : memref<!tpu.dma_semaphore, #tpu.memory_space<semaphore_mem>>) src(%arg19 : memref<80x64xf32, #tpu.memory_space<vmem>>) dst(%dma_wait3A_652 : memref<10000x64xf32, #tpu.memory_space<vmem_shared>>)
    %dma_wait3A_653 = arith.constant 122 : i32
    %dma_wait3A_654 = arith.constant 0 : i32
    %dma_wait3A_655 = tpu.memref_slice %arg7[%dma_wait3A_653, %dma_wait3A_654] : memref<125x80xi32, #tpu.memory_space<vmem>> -> memref<1x80xi32, #tpu.memory_space<vmem>>
    %dma_wait3A_656 = tpu.memref_squeeze %dma_wait3A_655 : memref<1x80xi32, #tpu.memory_space<vmem>> -> memref<80xi32, #tpu.memory_space<vmem>>
    %dma_wait3A_657 = arith.constant 0 : i32
    %dma_wait3A_658 = arith.constant 0 : i32
    %dma_wait3A_659 = tpu.memref_slice %arg2[%dma_wait3A_657, %dma_wait3A_658] : memref<160000x64xf32, #tpu.memory_space<hbm>> -> memref<160000x64xf32, #tpu.memory_space<hbm>>
    tpu.wait_indirect_dma semaphore(%arg24 : memref<!tpu.dma_semaphore, #tpu.memory_space<semaphore_mem>>) src(%dma_wait3A_659 : memref<160000x64xf32, #tpu.memory_space<hbm>>) dst(%arg12 : memref<80x64xf32, #tpu.memory_space<vmem>>)
    %dma_start3A_660 = arith.constant 122 : i32
    %dma_start3A_661 = arith.constant 0 : i32
    %dma_start3A_662 = tpu.memref_slice %arg9[%dma_start3A_660, %dma_start3A_661] : memref<125x80xi32, #tpu.memory_space<vmem>> -> memref<1x80xi32, #tpu.memory_space<vmem>>
    %dma_start3A_663 = tpu.memref_squeeze %dma_start3A_662 : memref<1x80xi32, #tpu.memory_space<vmem>> -> memref<80xi32, #tpu.memory_space<vmem>>
    %dma_start3A_664 = arith.constant 0 : i32
    %dma_start3A_665 = arith.constant 0 : i32
    %dma_start3A_666 = tpu.memref_slice %arg21[%dma_start3A_664, %dma_start3A_665] : memref<10000x64xf32, #tpu.memory_space<vmem_shared>> -> memref<10000x64xf32, #tpu.memory_space<vmem_shared>>
    tpu.enqueue_indirect_dma source(%arg12 : memref<80x64xf32, #tpu.memory_space<vmem>>) target(%dma_start3A_666 : memref<10000x64xf32, #tpu.memory_space<vmem_shared>>) offsets(%dma_start3A_663 : memref<80xi32, #tpu.memory_space<vmem>>) semaphore(%arg34 : memref<!tpu.dma_semaphore, #tpu.memory_space<semaphore_mem>>) {add = true}
    %dma_wait3A_667 = arith.constant 120 : i32
    %dma_wait3A_668 = arith.constant 0 : i32
    %dma_wait3A_669 = tpu.memref_slice %arg9[%dma_wait3A_667, %dma_wait3A_668] : memref<125x80xi32, #tpu.memory_space<vmem>> -> memref<1x80xi32, #tpu.memory_space<vmem>>
    %dma_wait3A_670 = tpu.memref_squeeze %dma_wait3A_669 : memref<1x80xi32, #tpu.memory_space<vmem>> -> memref<80xi32, #tpu.memory_space<vmem>>
    %dma_wait3A_671 = arith.constant 0 : i32
    %dma_wait3A_672 = arith.constant 0 : i32
    %dma_wait3A_673 = tpu.memref_slice %arg21[%dma_wait3A_671, %dma_wait3A_672] : memref<10000x64xf32, #tpu.memory_space<vmem_shared>> -> memref<10000x64xf32, #tpu.memory_space<vmem_shared>>
    tpu.wait_indirect_dma semaphore(%arg32 : memref<!tpu.dma_semaphore, #tpu.memory_space<semaphore_mem>>) src(%arg10 : memref<80x64xf32, #tpu.memory_space<vmem>>) dst(%dma_wait3A_673 : memref<10000x64xf32, #tpu.memory_space<vmem_shared>>)
    %dma_wait3A_674 = arith.constant 123 : i32
    %dma_wait3A_675 = arith.constant 0 : i32
    %dma_wait3A_676 = tpu.memref_slice %arg7[%dma_wait3A_674, %dma_wait3A_675] : memref<125x80xi32, #tpu.memory_space<vmem>> -> memref<1x80xi32, #tpu.memory_space<vmem>>
    %dma_wait3A_677 = tpu.memref_squeeze %dma_wait3A_676 : memref<1x80xi32, #tpu.memory_space<vmem>> -> memref<80xi32, #tpu.memory_space<vmem>>
    %dma_wait3A_678 = arith.constant 0 : i32
    %dma_wait3A_679 = arith.constant 0 : i32
    %dma_wait3A_680 = tpu.memref_slice %arg2[%dma_wait3A_678, %dma_wait3A_679] : memref<160000x64xf32, #tpu.memory_space<hbm>> -> memref<160000x64xf32, #tpu.memory_space<hbm>>
    tpu.wait_indirect_dma semaphore(%arg25 : memref<!tpu.dma_semaphore, #tpu.memory_space<semaphore_mem>>) src(%dma_wait3A_680 : memref<160000x64xf32, #tpu.memory_space<hbm>>) dst(%arg13 : memref<80x64xf32, #tpu.memory_space<vmem>>)
    %dma_start3A_681 = arith.constant 123 : i32
    %dma_start3A_682 = arith.constant 0 : i32
    %dma_start3A_683 = tpu.memref_slice %arg9[%dma_start3A_681, %dma_start3A_682] : memref<125x80xi32, #tpu.memory_space<vmem>> -> memref<1x80xi32, #tpu.memory_space<vmem>>
    %dma_start3A_684 = tpu.memref_squeeze %dma_start3A_683 : memref<1x80xi32, #tpu.memory_space<vmem>> -> memref<80xi32, #tpu.memory_space<vmem>>
    %dma_start3A_685 = arith.constant 0 : i32
    %dma_start3A_686 = arith.constant 0 : i32
    %dma_start3A_687 = tpu.memref_slice %arg21[%dma_start3A_685, %dma_start3A_686] : memref<10000x64xf32, #tpu.memory_space<vmem_shared>> -> memref<10000x64xf32, #tpu.memory_space<vmem_shared>>
    tpu.enqueue_indirect_dma source(%arg13 : memref<80x64xf32, #tpu.memory_space<vmem>>) target(%dma_start3A_687 : memref<10000x64xf32, #tpu.memory_space<vmem_shared>>) offsets(%dma_start3A_684 : memref<80xi32, #tpu.memory_space<vmem>>) semaphore(%arg35 : memref<!tpu.dma_semaphore, #tpu.memory_space<semaphore_mem>>) {add = true}
    %dma_wait3A_688 = arith.constant 121 : i32
    %dma_wait3A_689 = arith.constant 0 : i32
    %dma_wait3A_690 = tpu.memref_slice %arg9[%dma_wait3A_688, %dma_wait3A_689] : memref<125x80xi32, #tpu.memory_space<vmem>> -> memref<1x80xi32, #tpu.memory_space<vmem>>
    %dma_wait3A_691 = tpu.memref_squeeze %dma_wait3A_690 : memref<1x80xi32, #tpu.memory_space<vmem>> -> memref<80xi32, #tpu.memory_space<vmem>>
    %dma_wait3A_692 = arith.constant 0 : i32
    %dma_wait3A_693 = arith.constant 0 : i32
    %dma_wait3A_694 = tpu.memref_slice %arg21[%dma_wait3A_692, %dma_wait3A_693] : memref<10000x64xf32, #tpu.memory_space<vmem_shared>> -> memref<10000x64xf32, #tpu.memory_space<vmem_shared>>
    tpu.wait_indirect_dma semaphore(%arg33 : memref<!tpu.dma_semaphore, #tpu.memory_space<semaphore_mem>>) src(%arg11 : memref<80x64xf32, #tpu.memory_space<vmem>>) dst(%dma_wait3A_694 : memref<10000x64xf32, #tpu.memory_space<vmem_shared>>)
    %dma_wait3A_695 = arith.constant 124 : i32
    %dma_wait3A_696 = arith.constant 0 : i32
    %dma_wait3A_697 = tpu.memref_slice %arg7[%dma_wait3A_695, %dma_wait3A_696] : memref<125x80xi32, #tpu.memory_space<vmem>> -> memref<1x80xi32, #tpu.memory_space<vmem>>
    %dma_wait3A_698 = tpu.memref_squeeze %dma_wait3A_697 : memref<1x80xi32, #tpu.memory_space<vmem>> -> memref<80xi32, #tpu.memory_space<vmem>>
    %dma_wait3A_699 = arith.constant 0 : i32
    %dma_wait3A_700 = arith.constant 0 : i32
    %dma_wait3A_701 = tpu.memref_slice %arg2[%dma_wait3A_699, %dma_wait3A_700] : memref<160000x64xf32, #tpu.memory_space<hbm>> -> memref<160000x64xf32, #tpu.memory_space<hbm>>
    tpu.wait_indirect_dma semaphore(%arg26 : memref<!tpu.dma_semaphore, #tpu.memory_space<semaphore_mem>>) src(%dma_wait3A_701 : memref<160000x64xf32, #tpu.memory_space<hbm>>) dst(%arg14 : memref<80x64xf32, #tpu.memory_space<vmem>>)
    %dma_start3A_702 = arith.constant 124 : i32
    %dma_start3A_703 = arith.constant 0 : i32
    %dma_start3A_704 = tpu.memref_slice %arg9[%dma_start3A_702, %dma_start3A_703] : memref<125x80xi32, #tpu.memory_space<vmem>> -> memref<1x80xi32, #tpu.memory_space<vmem>>
    %dma_start3A_705 = tpu.memref_squeeze %dma_start3A_704 : memref<1x80xi32, #tpu.memory_space<vmem>> -> memref<80xi32, #tpu.memory_space<vmem>>
    %dma_start3A_706 = arith.constant 0 : i32
    %dma_start3A_707 = arith.constant 0 : i32
    %dma_start3A_708 = tpu.memref_slice %arg21[%dma_start3A_706, %dma_start3A_707] : memref<10000x64xf32, #tpu.memory_space<vmem_shared>> -> memref<10000x64xf32, #tpu.memory_space<vmem_shared>>
    tpu.enqueue_indirect_dma source(%arg14 : memref<80x64xf32, #tpu.memory_space<vmem>>) target(%dma_start3A_708 : memref<10000x64xf32, #tpu.memory_space<vmem_shared>>) offsets(%dma_start3A_705 : memref<80xi32, #tpu.memory_space<vmem>>) semaphore(%arg36 : memref<!tpu.dma_semaphore, #tpu.memory_space<semaphore_mem>>) {add = true}
    %dma_wait3A_709 = arith.constant 122 : i32
    %dma_wait3A_710 = arith.constant 0 : i32
    %dma_wait3A_711 = tpu.memref_slice %arg9[%dma_wait3A_709, %dma_wait3A_710] : memref<125x80xi32, #tpu.memory_space<vmem>> -> memref<1x80xi32, #tpu.memory_space<vmem>>
    %dma_wait3A_712 = tpu.memref_squeeze %dma_wait3A_711 : memref<1x80xi32, #tpu.memory_space<vmem>> -> memref<80xi32, #tpu.memory_space<vmem>>
    %dma_wait3A_713 = arith.constant 0 : i32
    %dma_wait3A_714 = arith.constant 0 : i32
    %dma_wait3A_715 = tpu.memref_slice %arg21[%dma_wait3A_713, %dma_wait3A_714] : memref<10000x64xf32, #tpu.memory_space<vmem_shared>> -> memref<10000x64xf32, #tpu.memory_space<vmem_shared>>
    tpu.wait_indirect_dma semaphore(%arg34 : memref<!tpu.dma_semaphore, #tpu.memory_space<semaphore_mem>>) src(%arg12 : memref<80x64xf32, #tpu.memory_space<vmem>>) dst(%dma_wait3A_715 : memref<10000x64xf32, #tpu.memory_space<vmem_shared>>)
    %dma_wait3A_716 = arith.constant 123 : i32
    %dma_wait3A_717 = arith.constant 0 : i32
    %dma_wait3A_718 = tpu.memref_slice %arg9[%dma_wait3A_716, %dma_wait3A_717] : memref<125x80xi32, #tpu.memory_space<vmem>> -> memref<1x80xi32, #tpu.memory_space<vmem>>
    %dma_wait3A_719 = tpu.memref_squeeze %dma_wait3A_718 : memref<1x80xi32, #tpu.memory_space<vmem>> -> memref<80xi32, #tpu.memory_space<vmem>>
    %dma_wait3A_720 = arith.constant 0 : i32
    %dma_wait3A_721 = arith.constant 0 : i32
    %dma_wait3A_722 = tpu.memref_slice %arg21[%dma_wait3A_720, %dma_wait3A_721] : memref<10000x64xf32, #tpu.memory_space<vmem_shared>> -> memref<10000x64xf32, #tpu.memory_space<vmem_shared>>
    tpu.wait_indirect_dma semaphore(%arg35 : memref<!tpu.dma_semaphore, #tpu.memory_space<semaphore_mem>>) src(%arg13 : memref<80x64xf32, #tpu.memory_space<vmem>>) dst(%dma_wait3A_722 : memref<10000x64xf32, #tpu.memory_space<vmem_shared>>)
    %dma_wait3A_723 = arith.constant 124 : i32
    %dma_wait3A_724 = arith.constant 0 : i32
    %dma_wait3A_725 = tpu.memref_slice %arg9[%dma_wait3A_723, %dma_wait3A_724] : memref<125x80xi32, #tpu.memory_space<vmem>> -> memref<1x80xi32, #tpu.memory_space<vmem>>
    %dma_wait3A_726 = tpu.memref_squeeze %dma_wait3A_725 : memref<1x80xi32, #tpu.memory_space<vmem>> -> memref<80xi32, #tpu.memory_space<vmem>>
    %dma_wait3A_727 = arith.constant 0 : i32
    %dma_wait3A_728 = arith.constant 0 : i32
    %dma_wait3A_729 = tpu.memref_slice %arg21[%dma_wait3A_727, %dma_wait3A_728] : memref<10000x64xf32, #tpu.memory_space<vmem_shared>> -> memref<10000x64xf32, #tpu.memory_space<vmem_shared>>
    tpu.wait_indirect_dma semaphore(%arg36 : memref<!tpu.dma_semaphore, #tpu.memory_space<semaphore_mem>>) src(%arg14 : memref<80x64xf32, #tpu.memory_space<vmem>>) dst(%dma_wait3A_729 : memref<10000x64xf32, #tpu.memory_space<vmem_shared>>)
    %barrier3A_730 = arith.constant 0 : index
    tpu.barrier barrier_id(%barrier3A_730)
    %mul3A_731 = arith.constant 10000 : i32
    %mul3A_732 = arith.muli %arg0, %mul3A_731 : i32
    %add3A_733 = arith.addi %mul3A_732, %mul3A_2 : i32
    "tpu.region"() ({
      %run_scoped3A_1467 = tpu.sem_alloc : memref<!tpu.dma_semaphore, #tpu.memory_space<semaphore_mem>>
      %dma_start3A_1468 = arith.constant 0 : i32
      %dma_start3A_1469 = tpu.memref_slice %arg6[%add3A_733, %dma_start3A_1468] : memref<20000x128xf32, #tpu.memory_space<hbm>> -> memref<624x64xf32, #tpu.memory_space<hbm>>
      %dma_start3A_1470 = arith.constant 0 : i32
      %dma_start3A_1471 = tpu.memref_slice %arg21[%mul3A_2, %dma_start3A_1470] : memref<10000x64xf32, #tpu.memory_space<vmem_shared>> -> memref<624x64xf32, #tpu.memory_space<vmem_shared>>
      tpu.enqueue_dma source(%dma_start3A_1471 : memref<624x64xf32, #tpu.memory_space<vmem_shared>>) target(%dma_start3A_1469 : memref<624x64xf32, #tpu.memory_space<hbm>>) target_semaphore(%run_scoped3A_1467 : memref<!tpu.dma_semaphore, #tpu.memory_space<semaphore_mem>>)
      %dma_wait3A_1472 = arith.constant 0 : i32
      %dma_wait3A_1473 = tpu.memref_slice %arg6[%add3A_733, %dma_wait3A_1472] : memref<20000x128xf32, #tpu.memory_space<hbm>> -> memref<624x64xf32, #tpu.memory_space<hbm>>
      %dma_wait3A_1474 = arith.constant 0 : i32
      %dma_wait3A_1475 = tpu.memref_slice %arg21[%mul3A_2, %dma_wait3A_1474] : memref<10000x64xf32, #tpu.memory_space<vmem_shared>> -> memref<624x64xf32, #tpu.memory_space<vmem_shared>>
      tpu.wait_dma2 semaphore(%run_scoped3A_1467 : memref<!tpu.dma_semaphore, #tpu.memory_space<semaphore_mem>>) src(%dma_wait3A_1475 : memref<624x64xf32, #tpu.memory_space<vmem_shared>>) dst(%dma_wait3A_1473 : memref<624x64xf32, #tpu.memory_space<hbm>>)
      tpu.yield
    }) : () -> ()
    %convert_element_type3A_734 = arith.extui %eq3A_3 : i1 to i32
    %cond3A_735 = arith.constant 0 : i32
    %cond3A_736 = arith.cmpi ne, %convert_element_type3A_734, %cond3A_735 : i32
    scf.if %cond3A_736 {
      %mul3A_1467 = arith.constant 10000 : i32
      %mul3A_1468 = arith.muli %arg0, %mul3A_1467 : i32
      %add3A_1469 = arith.constant 10000 : i32
      %add3A_1470 = arith.addi %mul3A_1468, %add3A_1469 : i32
      %sub3A = arith.constant 16 : i32
      %sub3A_1471 = arith.subi %add3A_1470, %sub3A : i32
      "tpu.region"() ({
        %run_scoped3A_1472 = tpu.sem_alloc : memref<!tpu.dma_semaphore, #tpu.memory_space<semaphore_mem>>
        %dma_start3A_1473 = arith.constant 0 : i32
        %dma_start3A_1474 = tpu.memref_slice %arg6[%sub3A_1471, %dma_start3A_1473] : memref<20000x128xf32, #tpu.memory_space<hbm>> -> memref<16x64xf32, #tpu.memory_space<hbm>>
        %dma_start3A_1475 = arith.constant 9984 : i32
        %dma_start3A_1476 = arith.constant 0 : i32
        %dma_start3A_1477 = tpu.memref_slice %arg21[%dma_start3A_1475, %dma_start3A_1476] : memref<10000x64xf32, #tpu.memory_space<vmem_shared>> -> memref<16x64xf32, #tpu.memory_space<vmem_shared>>
        tpu.enqueue_dma source(%dma_start3A_1477 : memref<16x64xf32, #tpu.memory_space<vmem_shared>>) target(%dma_start3A_1474 : memref<16x64xf32, #tpu.memory_space<hbm>>) target_semaphore(%run_scoped3A_1472 : memref<!tpu.dma_semaphore, #tpu.memory_space<semaphore_mem>>)
        %dma_wait3A_1478 = arith.constant 0 : i32
        %dma_wait3A_1479 = tpu.memref_slice %arg6[%sub3A_1471, %dma_wait3A_1478] : memref<20000x128xf32, #tpu.memory_space<hbm>> -> memref<16x64xf32, #tpu.memory_space<hbm>>
        %dma_wait3A_1480 = arith.constant 9984 : i32
        %dma_wait3A_1481 = arith.constant 0 : i32
        %dma_wait3A_1482 = tpu.memref_slice %arg21[%dma_wait3A_1480, %dma_wait3A_1481] : memref<10000x64xf32, #tpu.memory_space<vmem_shared>> -> memref<16x64xf32, #tpu.memory_space<vmem_shared>>
        tpu.wait_dma2 semaphore(%run_scoped3A_1472 : memref<!tpu.dma_semaphore, #tpu.memory_space<semaphore_mem>>) src(%dma_wait3A_1482 : memref<16x64xf32, #tpu.memory_space<vmem_shared>>) dst(%dma_wait3A_1479 : memref<16x64xf32, #tpu.memory_space<hbm>>)
        tpu.yield
      }) : () -> ()
    } else {
    }
    %scan3A_737 = arith.constant 0 : i32
    %scan3A_738 = arith.constant 0 : i32
    %scan3A_739 = arith.constant 125 : i32
    %scan3A_740 = arith.addi %scan3A_738, %scan3A_739 : i32
    %scan3A_741 = arith.constant 1 : i32
    scf.for %scan3A_1467 = %scan3A_738 to %scan3A_740 step %scan3A_741  : i32 {
      %get3A = arith.index_cast %scan3A_1467 : i32 to index
      %get3A_1468 = arith.constant 0 : index
      %get3A_1469 = tpu.vector_load %arg7[%get3A, %get3A_1468] {strides = array<i32>} : memref<125x80xi32, #tpu.memory_space<vmem>>, vector<1x16xi32>,
      %get3A_1470 = vector.shape_cast %get3A_1469 : vector<1x16xi32> to vector<16xi32>
      %add3A_1471 = arith.constant 1 : i32
      %add3A_1472 = vector.broadcast %add3A_1471 : i32 to vector<16xi32>
      %add3A_1473 = arith.addi %get3A_1470, %add3A_1472 : vector<16xi32>
      %swap3A = arith.index_cast %scan3A_1467 : i32 to index
      %swap3A_1474 = arith.constant 0 : index
      %swap3A_1475 = tpu.vector_load %arg7[%swap3A, %swap3A_1474] {strides = array<i32>} : memref<125x80xi32, #tpu.memory_space<vmem>>, vector<1x16xi32>,
      %swap3A_1476 = vector.shape_cast %swap3A_1475 : vector<1x16xi32> to vector<16xi32>
      %swap3A_1477 = vector.shape_cast %add3A_1473 : vector<16xi32> to vector<1x16xi32>
      tpu.vector_store %arg7[%swap3A, %swap3A_1474], %swap3A_1477 {strides = array<i32>} : memref<125x80xi32, #tpu.memory_space<vmem>>, vector<1x16xi32>,
      %get3A_1478 = arith.index_cast %scan3A_1467 : i32 to index
      %get3A_1479 = arith.constant 16 : index
      %get3A_1480 = tpu.vector_load %arg7[%get3A_1478, %get3A_1479] {strides = array<i32>} : memref<125x80xi32, #tpu.memory_space<vmem>>, vector<1x16xi32>,
      %get3A_1481 = vector.shape_cast %get3A_1480 : vector<1x16xi32> to vector<16xi32>
      %add3A_1482 = arith.constant 1 : i32
      %add3A_1483 = vector.broadcast %add3A_1482 : i32 to vector<16xi32>
      %add3A_1484 = arith.addi %get3A_1481, %add3A_1483 : vector<16xi32>
      %swap3A_1485 = arith.index_cast %scan3A_1467 : i32 to index
      %swap3A_1486 = arith.constant 16 : index
      %swap3A_1487 = tpu.vector_load %arg7[%swap3A_1485, %swap3A_1486] {strides = array<i32>} : memref<125x80xi32, #tpu.memory_space<vmem>>, vector<1x16xi32>,
      %swap3A_1488 = vector.shape_cast %swap3A_1487 : vector<1x16xi32> to vector<16xi32>
      %swap3A_1489 = vector.shape_cast %add3A_1484 : vector<16xi32> to vector<1x16xi32>
      tpu.vector_store %arg7[%swap3A_1485, %swap3A_1486], %swap3A_1489 {strides = array<i32>} : memref<125x80xi32, #tpu.memory_space<vmem>>, vector<1x16xi32>,
      %get3A_1490 = arith.index_cast %scan3A_1467 : i32 to index
      %get3A_1491 = arith.constant 32 : index
      %get3A_1492 = tpu.vector_load %arg7[%get3A_1490, %get3A_1491] {strides = array<i32>} : memref<125x80xi32, #tpu.memory_space<vmem>>, vector<1x16xi32>,
      %get3A_1493 = vector.shape_cast %get3A_1492 : vector<1x16xi32> to vector<16xi32>
      %add3A_1494 = arith.constant 1 : i32
      %add3A_1495 = vector.broadcast %add3A_1494 : i32 to vector<16xi32>
      %add3A_1496 = arith.addi %get3A_1493, %add3A_1495 : vector<16xi32>
      %swap3A_1497 = arith.index_cast %scan3A_1467 : i32 to index
      %swap3A_1498 = arith.constant 32 : index
      %swap3A_1499 = tpu.vector_load %arg7[%swap3A_1497, %swap3A_1498] {strides = array<i32>} : memref<125x80xi32, #tpu.memory_space<vmem>>, vector<1x16xi32>,
      %swap3A_1500 = vector.shape_cast %swap3A_1499 : vector<1x16xi32> to vector<16xi32>
      %swap3A_1501 = vector.shape_cast %add3A_1496 : vector<16xi32> to vector<1x16xi32>
      tpu.vector_store %arg7[%swap3A_1497, %swap3A_1498], %swap3A_1501 {strides = array<i32>} : memref<125x80xi32, #tpu.memory_space<vmem>>, vector<1x16xi32>,
      %get3A_1502 = arith.index_cast %scan3A_1467 : i32 to index
      %get3A_1503 = arith.constant 48 : index
      %get3A_1504 = tpu.vector_load %arg7[%get3A_1502, %get3A_1503] {strides = array<i32>} : memref<125x80xi32, #tpu.memory_space<vmem>>, vector<1x16xi32>,
      %get3A_1505 = vector.shape_cast %get3A_1504 : vector<1x16xi32> to vector<16xi32>
      %add3A_1506 = arith.constant 1 : i32
      %add3A_1507 = vector.broadcast %add3A_1506 : i32 to vector<16xi32>
      %add3A_1508 = arith.addi %get3A_1505, %add3A_1507 : vector<16xi32>
      %swap3A_1509 = arith.index_cast %scan3A_1467 : i32 to index
      %swap3A_1510 = arith.constant 48 : index
      %swap3A_1511 = tpu.vector_load %arg7[%swap3A_1509, %swap3A_1510] {strides = array<i32>} : memref<125x80xi32, #tpu.memory_space<vmem>>, vector<1x16xi32>,
      %swap3A_1512 = vector.shape_cast %swap3A_1511 : vector<1x16xi32> to vector<16xi32>
      %swap3A_1513 = vector.shape_cast %add3A_1508 : vector<16xi32> to vector<1x16xi32>
      tpu.vector_store %arg7[%swap3A_1509, %swap3A_1510], %swap3A_1513 {strides = array<i32>} : memref<125x80xi32, #tpu.memory_space<vmem>>, vector<1x16xi32>,
      %get3A_1514 = arith.index_cast %scan3A_1467 : i32 to index
      %get3A_1515 = arith.constant 64 : index
      %get3A_1516 = tpu.vector_load %arg7[%get3A_1514, %get3A_1515] {strides = array<i32>} : memref<125x80xi32, #tpu.memory_space<vmem>>, vector<1x16xi32>,
      %get3A_1517 = vector.shape_cast %get3A_1516 : vector<1x16xi32> to vector<16xi32>
      %add3A_1518 = arith.constant 1 : i32
      %add3A_1519 = vector.broadcast %add3A_1518 : i32 to vector<16xi32>
      %add3A_1520 = arith.addi %get3A_1517, %add3A_1519 : vector<16xi32>
      %swap3A_1521 = arith.index_cast %scan3A_1467 : i32 to index
      %swap3A_1522 = arith.constant 64 : index
      %swap3A_1523 = tpu.vector_load %arg7[%swap3A_1521, %swap3A_1522] {strides = array<i32>} : memref<125x80xi32, #tpu.memory_space<vmem>>, vector<1x16xi32>,
      %swap3A_1524 = vector.shape_cast %swap3A_1523 : vector<1x16xi32> to vector<16xi32>
      %swap3A_1525 = vector.shape_cast %add3A_1520 : vector<16xi32> to vector<1x16xi32>
      tpu.vector_store %arg7[%swap3A_1521, %swap3A_1522], %swap3A_1525 {strides = array<i32>} : memref<125x80xi32, #tpu.memory_space<vmem>>, vector<1x16xi32>,
    }
    %scan3A_742 = arith.constant 125 : i32
    %eq3A_743 = arith.constant 0 : i32
    %eq3A_744 = arith.cmpi eq, %arg0, %eq3A_743 : i32
    %convert_element_type3A_745 = arith.extui %eq3A_744 : i1 to i32
    %cond3A_746 = arith.constant 0 : i32
    %cond3A_747 = arith.cmpi ne, %convert_element_type3A_745, %cond3A_746 : i32
    scf.if %cond3A_747 {
      "tpu.region"() ({
        %run_scoped3A_1470 = tpu.sem_alloc : memref<!tpu.dma_semaphore, #tpu.memory_space<semaphore_mem>>
        %dma_start3A_1471 = arith.constant 0 : i32
        %dma_start3A_1472 = tpu.memref_slice %arg21[%mul3A_2, %dma_start3A_1471] : memref<10000x64xf32, #tpu.memory_space<vmem_shared>> -> memref<624x64xf32, #tpu.memory_space<vmem_shared>>
        %dma_start3A_1473 = arith.constant 64 : i32
        %dma_start3A_1474 = tpu.memref_slice %arg5[%mul3A_2, %dma_start3A_1473] : memref<10000x128xf32, #tpu.memory_space<hbm>> -> memref<624x64xf32, #tpu.memory_space<hbm>>
        tpu.enqueue_dma source(%dma_start3A_1474 : memref<624x64xf32, #tpu.memory_space<hbm>>) target(%dma_start3A_1472 : memref<624x64xf32, #tpu.memory_space<vmem_shared>>) target_semaphore(%run_scoped3A_1470 : memref<!tpu.dma_semaphore, #tpu.memory_space<semaphore_mem>>)
        %dma_wait3A_1475 = arith.constant 0 : i32
        %dma_wait3A_1476 = tpu.memref_slice %arg21[%mul3A_2, %dma_wait3A_1475] : memref<10000x64xf32, #tpu.memory_space<vmem_shared>> -> memref<624x64xf32, #tpu.memory_space<vmem_shared>>
        %dma_wait3A_1477 = arith.constant 64 : i32
        %dma_wait3A_1478 = tpu.memref_slice %arg5[%mul3A_2, %dma_wait3A_1477] : memref<10000x128xf32, #tpu.memory_space<hbm>> -> memref<624x64xf32, #tpu.memory_space<hbm>>
        tpu.wait_dma2 semaphore(%run_scoped3A_1470 : memref<!tpu.dma_semaphore, #tpu.memory_space<semaphore_mem>>) src(%dma_wait3A_1478 : memref<624x64xf32, #tpu.memory_space<hbm>>) dst(%dma_wait3A_1476 : memref<624x64xf32, #tpu.memory_space<vmem_shared>>)
        tpu.yield
      }) : () -> ()
      %convert_element_type3A_1467 = arith.extui %eq3A_3 : i1 to i32
      %cond3A_1468 = arith.constant 0 : i32
      %cond3A_1469 = arith.cmpi ne, %convert_element_type3A_1467, %cond3A_1468 : i32
      scf.if %cond3A_1469 {
        "tpu.region"() ({
          %run_scoped3A_1470 = tpu.sem_alloc : memref<!tpu.dma_semaphore, #tpu.memory_space<semaphore_mem>>
          %dma_start3A_1471 = arith.constant 9984 : i32
          %dma_start3A_1472 = arith.constant 0 : i32
          %dma_start3A_1473 = tpu.memref_slice %arg21[%dma_start3A_1471, %dma_start3A_1472] : memref<10000x64xf32, #tpu.memory_space<vmem_shared>> -> memref<16x64xf32, #tpu.memory_space<vmem_shared>>
          %dma_start3A_1474 = arith.constant 9984 : i32
          %dma_start3A_1475 = arith.constant 64 : i32
          %dma_start3A_1476 = tpu.memref_slice %arg5[%dma_start3A_1474, %dma_start3A_1475] : memref<10000x128xf32, #tpu.memory_space<hbm>> -> memref<16x64xf32, #tpu.memory_space<hbm>>
          tpu.enqueue_dma source(%dma_start3A_1476 : memref<16x64xf32, #tpu.memory_space<hbm>>) target(%dma_start3A_1473 : memref<16x64xf32, #tpu.memory_space<vmem_shared>>) target_semaphore(%run_scoped3A_1470 : memref<!tpu.dma_semaphore, #tpu.memory_space<semaphore_mem>>)
          %dma_wait3A_1477 = arith.constant 9984 : i32
          %dma_wait3A_1478 = arith.constant 0 : i32
          %dma_wait3A_1479 = tpu.memref_slice %arg21[%dma_wait3A_1477, %dma_wait3A_1478] : memref<10000x64xf32, #tpu.memory_space<vmem_shared>> -> memref<16x64xf32, #tpu.memory_space<vmem_shared>>
          %dma_wait3A_1480 = arith.constant 9984 : i32
          %dma_wait3A_1481 = arith.constant 64 : i32
          %dma_wait3A_1482 = tpu.memref_slice %arg5[%dma_wait3A_1480, %dma_wait3A_1481] : memref<10000x128xf32, #tpu.memory_space<hbm>> -> memref<16x64xf32, #tpu.memory_space<hbm>>
          tpu.wait_dma2 semaphore(%run_scoped3A_1470 : memref<!tpu.dma_semaphore, #tpu.memory_space<semaphore_mem>>) src(%dma_wait3A_1482 : memref<16x64xf32, #tpu.memory_space<hbm>>) dst(%dma_wait3A_1479 : memref<16x64xf32, #tpu.memory_space<vmem_shared>>)
          tpu.yield
        }) : () -> ()
      } else {
      }
    } else {
    }
    %ne3A_748 = arith.constant 0 : i32
    %ne3A_749 = arith.cmpi ne, %arg0, %ne3A_748 : i32
    %convert_element_type3A_750 = arith.extui %ne3A_749 : i1 to i32
    %cond3A_751 = arith.constant 0 : i32
    %cond3A_752 = arith.cmpi ne, %convert_element_type3A_750, %cond3A_751 : i32
    scf.if %cond3A_752 {
      %add3A_1467 = arith.constant 0 : i32
      %add3A_1468 = arith.addi %mul3A_2, %add3A_1467 : i32
      "tpu.region"() ({
        %run_scoped3A_1496 = tpu.sem_alloc : memref<!tpu.dma_semaphore, #tpu.memory_space<semaphore_mem>>
        %dma_start3A_1497 = arith.constant 0 : i32
        %dma_start3A_1498 = tpu.memref_slice %arg21[%add3A_1468, %dma_start3A_1497] : memref<10000x64xf32, #tpu.memory_space<vmem_shared>> -> memref<48x64xf32, #tpu.memory_space<vmem_shared>>
        %dma_start3A_1499 = arith.constant 0 : i32
        %dma_start3A_1500 = tpu.memref_slice %arg21[%add3A_1468, %dma_start3A_1499] : memref<10000x64xf32, #tpu.memory_space<vmem_shared>> -> memref<48x64xf32, #tpu.memory_space<vmem_shared>>
        tpu.enqueue_dma source(%arg20 : memref<48x64xf32, #tpu.memory_space<vmem>>) target(%dma_start3A_1500 : memref<48x64xf32, #tpu.memory_space<vmem_shared>>) target_semaphore(%run_scoped3A_1496 : memref<!tpu.dma_semaphore, #tpu.memory_space<semaphore_mem>>)
        %dma_wait3A_1501 = arith.constant 0 : i32
        %dma_wait3A_1502 = tpu.memref_slice %arg21[%add3A_1468, %dma_wait3A_1501] : memref<10000x64xf32, #tpu.memory_space<vmem_shared>> -> memref<48x64xf32, #tpu.memory_space<vmem_shared>>
        %dma_wait3A_1503 = arith.constant 0 : i32
        %dma_wait3A_1504 = tpu.memref_slice %arg21[%add3A_1468, %dma_wait3A_1503] : memref<10000x64xf32, #tpu.memory_space<vmem_shared>> -> memref<48x64xf32, #tpu.memory_space<vmem_shared>>
        tpu.wait_dma2 semaphore(%run_scoped3A_1496 : memref<!tpu.dma_semaphore, #tpu.memory_space<semaphore_mem>>) src(%arg20 : memref<48x64xf32, #tpu.memory_space<vmem>>) dst(%dma_wait3A_1504 : memref<48x64xf32, #tpu.memory_space<vmem_shared>>)
        tpu.yield
      }) : () -> ()
      %add3A_1469 = arith.constant 48 : i32
      %add3A_1470 = arith.addi %mul3A_2, %add3A_1469 : i32
      "tpu.region"() ({
        %run_scoped3A_1496 = tpu.sem_alloc : memref<!tpu.dma_semaphore, #tpu.memory_space<semaphore_mem>>
        %dma_start3A_1497 = arith.constant 0 : i32
        %dma_start3A_1498 = tpu.memref_slice %arg21[%add3A_1470, %dma_start3A_1497] : memref<10000x64xf32, #tpu.memory_space<vmem_shared>> -> memref<48x64xf32, #tpu.memory_space<vmem_shared>>
        %dma_start3A_1499 = arith.constant 0 : i32
        %dma_start3A_1500 = tpu.memref_slice %arg21[%add3A_1470, %dma_start3A_1499] : memref<10000x64xf32, #tpu.memory_space<vmem_shared>> -> memref<48x64xf32, #tpu.memory_space<vmem_shared>>
        tpu.enqueue_dma source(%arg20 : memref<48x64xf32, #tpu.memory_space<vmem>>) target(%dma_start3A_1500 : memref<48x64xf32, #tpu.memory_space<vmem_shared>>) target_semaphore(%run_scoped3A_1496 : memref<!tpu.dma_semaphore, #tpu.memory_space<semaphore_mem>>)
        %dma_wait3A_1501 = arith.constant 0 : i32
        %dma_wait3A_1502 = tpu.memref_slice %arg21[%add3A_1470, %dma_wait3A_1501] : memref<10000x64xf32, #tpu.memory_space<vmem_shared>> -> memref<48x64xf32, #tpu.memory_space<vmem_shared>>
        %dma_wait3A_1503 = arith.constant 0 : i32
        %dma_wait3A_1504 = tpu.memref_slice %arg21[%add3A_1470, %dma_wait3A_1503] : memref<10000x64xf32, #tpu.memory_space<vmem_shared>> -> memref<48x64xf32, #tpu.memory_space<vmem_shared>>
        tpu.wait_dma2 semaphore(%run_scoped3A_1496 : memref<!tpu.dma_semaphore, #tpu.memory_space<semaphore_mem>>) src(%arg20 : memref<48x64xf32, #tpu.memory_space<vmem>>) dst(%dma_wait3A_1504 : memref<48x64xf32, #tpu.memory_space<vmem_shared>>)
        tpu.yield
      }) : () -> ()
      %add3A_1471 = arith.constant 96 : i32
      %add3A_1472 = arith.addi %mul3A_2, %add3A_1471 : i32
      "tpu.region"() ({
        %run_scoped3A_1496 = tpu.sem_alloc : memref<!tpu.dma_semaphore, #tpu.memory_space<semaphore_mem>>
        %dma_start3A_1497 = arith.constant 0 : i32
        %dma_start3A_1498 = tpu.memref_slice %arg21[%add3A_1472, %dma_start3A_1497] : memref<10000x64xf32, #tpu.memory_space<vmem_shared>> -> memref<48x64xf32, #tpu.memory_space<vmem_shared>>
        %dma_start3A_1499 = arith.constant 0 : i32
        %dma_start3A_1500 = tpu.memref_slice %arg21[%add3A_1472, %dma_start3A_1499] : memref<10000x64xf32, #tpu.memory_space<vmem_shared>> -> memref<48x64xf32, #tpu.memory_space<vmem_shared>>
        tpu.enqueue_dma source(%arg20 : memref<48x64xf32, #tpu.memory_space<vmem>>) target(%dma_start3A_1500 : memref<48x64xf32, #tpu.memory_space<vmem_shared>>) target_semaphore(%run_scoped3A_1496 : memref<!tpu.dma_semaphore, #tpu.memory_space<semaphore_mem>>)
        %dma_wait3A_1501 = arith.constant 0 : i32
        %dma_wait3A_1502 = tpu.memref_slice %arg21[%add3A_1472, %dma_wait3A_1501] : memref<10000x64xf32, #tpu.memory_space<vmem_shared>> -> memref<48x64xf32, #tpu.memory_space<vmem_shared>>
        %dma_wait3A_1503 = arith.constant 0 : i32
        %dma_wait3A_1504 = tpu.memref_slice %arg21[%add3A_1472, %dma_wait3A_1503] : memref<10000x64xf32, #tpu.memory_space<vmem_shared>> -> memref<48x64xf32, #tpu.memory_space<vmem_shared>>
        tpu.wait_dma2 semaphore(%run_scoped3A_1496 : memref<!tpu.dma_semaphore, #tpu.memory_space<semaphore_mem>>) src(%arg20 : memref<48x64xf32, #tpu.memory_space<vmem>>) dst(%dma_wait3A_1504 : memref<48x64xf32, #tpu.memory_space<vmem_shared>>)
        tpu.yield
      }) : () -> ()
      %add3A_1473 = arith.constant 144 : i32
      %add3A_1474 = arith.addi %mul3A_2, %add3A_1473 : i32
      "tpu.region"() ({
        %run_scoped3A_1496 = tpu.sem_alloc : memref<!tpu.dma_semaphore, #tpu.memory_space<semaphore_mem>>
        %dma_start3A_1497 = arith.constant 0 : i32
        %dma_start3A_1498 = tpu.memref_slice %arg21[%add3A_1474, %dma_start3A_1497] : memref<10000x64xf32, #tpu.memory_space<vmem_shared>> -> memref<48x64xf32, #tpu.memory_space<vmem_shared>>
        %dma_start3A_1499 = arith.constant 0 : i32
        %dma_start3A_1500 = tpu.memref_slice %arg21[%add3A_1474, %dma_start3A_1499] : memref<10000x64xf32, #tpu.memory_space<vmem_shared>> -> memref<48x64xf32, #tpu.memory_space<vmem_shared>>
        tpu.enqueue_dma source(%arg20 : memref<48x64xf32, #tpu.memory_space<vmem>>) target(%dma_start3A_1500 : memref<48x64xf32, #tpu.memory_space<vmem_shared>>) target_semaphore(%run_scoped3A_1496 : memref<!tpu.dma_semaphore, #tpu.memory_space<semaphore_mem>>)
        %dma_wait3A_1501 = arith.constant 0 : i32
        %dma_wait3A_1502 = tpu.memref_slice %arg21[%add3A_1474, %dma_wait3A_1501] : memref<10000x64xf32, #tpu.memory_space<vmem_shared>> -> memref<48x64xf32, #tpu.memory_space<vmem_shared>>
        %dma_wait3A_1503 = arith.constant 0 : i32
        %dma_wait3A_1504 = tpu.memref_slice %arg21[%add3A_1474, %dma_wait3A_1503] : memref<10000x64xf32, #tpu.memory_space<vmem_shared>> -> memref<48x64xf32, #tpu.memory_space<vmem_shared>>
        tpu.wait_dma2 semaphore(%run_scoped3A_1496 : memref<!tpu.dma_semaphore, #tpu.memory_space<semaphore_mem>>) src(%arg20 : memref<48x64xf32, #tpu.memory_space<vmem>>) dst(%dma_wait3A_1504 : memref<48x64xf32, #tpu.memory_space<vmem_shared>>)
        tpu.yield
      }) : () -> ()
      %add3A_1475 = arith.constant 192 : i32
      %add3A_1476 = arith.addi %mul3A_2, %add3A_1475 : i32
      "tpu.region"() ({
        %run_scoped3A_1496 = tpu.sem_alloc : memref<!tpu.dma_semaphore, #tpu.memory_space<semaphore_mem>>
        %dma_start3A_1497 = arith.constant 0 : i32
        %dma_start3A_1498 = tpu.memref_slice %arg21[%add3A_1476, %dma_start3A_1497] : memref<10000x64xf32, #tpu.memory_space<vmem_shared>> -> memref<48x64xf32, #tpu.memory_space<vmem_shared>>
        %dma_start3A_1499 = arith.constant 0 : i32
        %dma_start3A_1500 = tpu.memref_slice %arg21[%add3A_1476, %dma_start3A_1499] : memref<10000x64xf32, #tpu.memory_space<vmem_shared>> -> memref<48x64xf32, #tpu.memory_space<vmem_shared>>
        tpu.enqueue_dma source(%arg20 : memref<48x64xf32, #tpu.memory_space<vmem>>) target(%dma_start3A_1500 : memref<48x64xf32, #tpu.memory_space<vmem_shared>>) target_semaphore(%run_scoped3A_1496 : memref<!tpu.dma_semaphore, #tpu.memory_space<semaphore_mem>>)
        %dma_wait3A_1501 = arith.constant 0 : i32
        %dma_wait3A_1502 = tpu.memref_slice %arg21[%add3A_1476, %dma_wait3A_1501] : memref<10000x64xf32, #tpu.memory_space<vmem_shared>> -> memref<48x64xf32, #tpu.memory_space<vmem_shared>>
        %dma_wait3A_1503 = arith.constant 0 : i32
        %dma_wait3A_1504 = tpu.memref_slice %arg21[%add3A_1476, %dma_wait3A_1503] : memref<10000x64xf32, #tpu.memory_space<vmem_shared>> -> memref<48x64xf32, #tpu.memory_space<vmem_shared>>
        tpu.wait_dma2 semaphore(%run_scoped3A_1496 : memref<!tpu.dma_semaphore, #tpu.memory_space<semaphore_mem>>) src(%arg20 : memref<48x64xf32, #tpu.memory_space<vmem>>) dst(%dma_wait3A_1504 : memref<48x64xf32, #tpu.memory_space<vmem_shared>>)
        tpu.yield
      }) : () -> ()
      %add3A_1477 = arith.constant 240 : i32
      %add3A_1478 = arith.addi %mul3A_2, %add3A_1477 : i32
      "tpu.region"() ({
        %run_scoped3A_1496 = tpu.sem_alloc : memref<!tpu.dma_semaphore, #tpu.memory_space<semaphore_mem>>
        %dma_start3A_1497 = arith.constant 0 : i32
        %dma_start3A_1498 = tpu.memref_slice %arg21[%add3A_1478, %dma_start3A_1497] : memref<10000x64xf32, #tpu.memory_space<vmem_shared>> -> memref<48x64xf32, #tpu.memory_space<vmem_shared>>
        %dma_start3A_1499 = arith.constant 0 : i32
        %dma_start3A_1500 = tpu.memref_slice %arg21[%add3A_1478, %dma_start3A_1499] : memref<10000x64xf32, #tpu.memory_space<vmem_shared>> -> memref<48x64xf32, #tpu.memory_space<vmem_shared>>
        tpu.enqueue_dma source(%arg20 : memref<48x64xf32, #tpu.memory_space<vmem>>) target(%dma_start3A_1500 : memref<48x64xf32, #tpu.memory_space<vmem_shared>>) target_semaphore(%run_scoped3A_1496 : memref<!tpu.dma_semaphore, #tpu.memory_space<semaphore_mem>>)
        %dma_wait3A_1501 = arith.constant 0 : i32
        %dma_wait3A_1502 = tpu.memref_slice %arg21[%add3A_1478, %dma_wait3A_1501] : memref<10000x64xf32, #tpu.memory_space<vmem_shared>> -> memref<48x64xf32, #tpu.memory_space<vmem_shared>>
        %dma_wait3A_1503 = arith.constant 0 : i32
        %dma_wait3A_1504 = tpu.memref_slice %arg21[%add3A_1478, %dma_wait3A_1503] : memref<10000x64xf32, #tpu.memory_space<vmem_shared>> -> memref<48x64xf32, #tpu.memory_space<vmem_shared>>
        tpu.wait_dma2 semaphore(%run_scoped3A_1496 : memref<!tpu.dma_semaphore, #tpu.memory_space<semaphore_mem>>) src(%arg20 : memref<48x64xf32, #tpu.memory_space<vmem>>) dst(%dma_wait3A_1504 : memref<48x64xf32, #tpu.memory_space<vmem_shared>>)
        tpu.yield
      }) : () -> ()
      %add3A_1479 = arith.constant 288 : i32
      %add3A_1480 = arith.addi %mul3A_2, %add3A_1479 : i32
      "tpu.region"() ({
        %run_scoped3A_1496 = tpu.sem_alloc : memref<!tpu.dma_semaphore, #tpu.memory_space<semaphore_mem>>
        %dma_start3A_1497 = arith.constant 0 : i32
        %dma_start3A_1498 = tpu.memref_slice %arg21[%add3A_1480, %dma_start3A_1497] : memref<10000x64xf32, #tpu.memory_space<vmem_shared>> -> memref<48x64xf32, #tpu.memory_space<vmem_shared>>
        %dma_start3A_1499 = arith.constant 0 : i32
        %dma_start3A_1500 = tpu.memref_slice %arg21[%add3A_1480, %dma_start3A_1499] : memref<10000x64xf32, #tpu.memory_space<vmem_shared>> -> memref<48x64xf32, #tpu.memory_space<vmem_shared>>
        tpu.enqueue_dma source(%arg20 : memref<48x64xf32, #tpu.memory_space<vmem>>) target(%dma_start3A_1500 : memref<48x64xf32, #tpu.memory_space<vmem_shared>>) target_semaphore(%run_scoped3A_1496 : memref<!tpu.dma_semaphore, #tpu.memory_space<semaphore_mem>>)
        %dma_wait3A_1501 = arith.constant 0 : i32
        %dma_wait3A_1502 = tpu.memref_slice %arg21[%add3A_1480, %dma_wait3A_1501] : memref<10000x64xf32, #tpu.memory_space<vmem_shared>> -> memref<48x64xf32, #tpu.memory_space<vmem_shared>>
        %dma_wait3A_1503 = arith.constant 0 : i32
        %dma_wait3A_1504 = tpu.memref_slice %arg21[%add3A_1480, %dma_wait3A_1503] : memref<10000x64xf32, #tpu.memory_space<vmem_shared>> -> memref<48x64xf32, #tpu.memory_space<vmem_shared>>
        tpu.wait_dma2 semaphore(%run_scoped3A_1496 : memref<!tpu.dma_semaphore, #tpu.memory_space<semaphore_mem>>) src(%arg20 : memref<48x64xf32, #tpu.memory_space<vmem>>) dst(%dma_wait3A_1504 : memref<48x64xf32, #tpu.memory_space<vmem_shared>>)
        tpu.yield
      }) : () -> ()
      %add3A_1481 = arith.constant 336 : i32
      %add3A_1482 = arith.addi %mul3A_2, %add3A_1481 : i32
      "tpu.region"() ({
        %run_scoped3A_1496 = tpu.sem_alloc : memref<!tpu.dma_semaphore, #tpu.memory_space<semaphore_mem>>
        %dma_start3A_1497 = arith.constant 0 : i32
        %dma_start3A_1498 = tpu.memref_slice %arg21[%add3A_1482, %dma_start3A_1497] : memref<10000x64xf32, #tpu.memory_space<vmem_shared>> -> memref<48x64xf32, #tpu.memory_space<vmem_shared>>
        %dma_start3A_1499 = arith.constant 0 : i32
        %dma_start3A_1500 = tpu.memref_slice %arg21[%add3A_1482, %dma_start3A_1499] : memref<10000x64xf32, #tpu.memory_space<vmem_shared>> -> memref<48x64xf32, #tpu.memory_space<vmem_shared>>
        tpu.enqueue_dma source(%arg20 : memref<48x64xf32, #tpu.memory_space<vmem>>) target(%dma_start3A_1500 : memref<48x64xf32, #tpu.memory_space<vmem_shared>>) target_semaphore(%run_scoped3A_1496 : memref<!tpu.dma_semaphore, #tpu.memory_space<semaphore_mem>>)
        %dma_wait3A_1501 = arith.constant 0 : i32
        %dma_wait3A_1502 = tpu.memref_slice %arg21[%add3A_1482, %dma_wait3A_1501] : memref<10000x64xf32, #tpu.memory_space<vmem_shared>> -> memref<48x64xf32, #tpu.memory_space<vmem_shared>>
        %dma_wait3A_1503 = arith.constant 0 : i32
        %dma_wait3A_1504 = tpu.memref_slice %arg21[%add3A_1482, %dma_wait3A_1503] : memref<10000x64xf32, #tpu.memory_space<vmem_shared>> -> memref<48x64xf32, #tpu.memory_space<vmem_shared>>
        tpu.wait_dma2 semaphore(%run_scoped3A_1496 : memref<!tpu.dma_semaphore, #tpu.memory_space<semaphore_mem>>) src(%arg20 : memref<48x64xf32, #tpu.memory_space<vmem>>) dst(%dma_wait3A_1504 : memref<48x64xf32, #tpu.memory_space<vmem_shared>>)
        tpu.yield
      }) : () -> ()
      %add3A_1483 = arith.constant 384 : i32
      %add3A_1484 = arith.addi %mul3A_2, %add3A_1483 : i32
      "tpu.region"() ({
        %run_scoped3A_1496 = tpu.sem_alloc : memref<!tpu.dma_semaphore, #tpu.memory_space<semaphore_mem>>
        %dma_start3A_1497 = arith.constant 0 : i32
        %dma_start3A_1498 = tpu.memref_slice %arg21[%add3A_1484, %dma_start3A_1497] : memref<10000x64xf32, #tpu.memory_space<vmem_shared>> -> memref<48x64xf32, #tpu.memory_space<vmem_shared>>
        %dma_start3A_1499 = arith.constant 0 : i32
        %dma_start3A_1500 = tpu.memref_slice %arg21[%add3A_1484, %dma_start3A_1499] : memref<10000x64xf32, #tpu.memory_space<vmem_shared>> -> memref<48x64xf32, #tpu.memory_space<vmem_shared>>
        tpu.enqueue_dma source(%arg20 : memref<48x64xf32, #tpu.memory_space<vmem>>) target(%dma_start3A_1500 : memref<48x64xf32, #tpu.memory_space<vmem_shared>>) target_semaphore(%run_scoped3A_1496 : memref<!tpu.dma_semaphore, #tpu.memory_space<semaphore_mem>>)
        %dma_wait3A_1501 = arith.constant 0 : i32
        %dma_wait3A_1502 = tpu.memref_slice %arg21[%add3A_1484, %dma_wait3A_1501] : memref<10000x64xf32, #tpu.memory_space<vmem_shared>> -> memref<48x64xf32, #tpu.memory_space<vmem_shared>>
        %dma_wait3A_1503 = arith.constant 0 : i32
        %dma_wait3A_1504 = tpu.memref_slice %arg21[%add3A_1484, %dma_wait3A_1503] : memref<10000x64xf32, #tpu.memory_space<vmem_shared>> -> memref<48x64xf32, #tpu.memory_space<vmem_shared>>
        tpu.wait_dma2 semaphore(%run_scoped3A_1496 : memref<!tpu.dma_semaphore, #tpu.memory_space<semaphore_mem>>) src(%arg20 : memref<48x64xf32, #tpu.memory_space<vmem>>) dst(%dma_wait3A_1504 : memref<48x64xf32, #tpu.memory_space<vmem_shared>>)
        tpu.yield
      }) : () -> ()
      %add3A_1485 = arith.constant 432 : i32
      %add3A_1486 = arith.addi %mul3A_2, %add3A_1485 : i32
      "tpu.region"() ({
        %run_scoped3A_1496 = tpu.sem_alloc : memref<!tpu.dma_semaphore, #tpu.memory_space<semaphore_mem>>
        %dma_start3A_1497 = arith.constant 0 : i32
        %dma_start3A_1498 = tpu.memref_slice %arg21[%add3A_1486, %dma_start3A_1497] : memref<10000x64xf32, #tpu.memory_space<vmem_shared>> -> memref<48x64xf32, #tpu.memory_space<vmem_shared>>
        %dma_start3A_1499 = arith.constant 0 : i32
        %dma_start3A_1500 = tpu.memref_slice %arg21[%add3A_1486, %dma_start3A_1499] : memref<10000x64xf32, #tpu.memory_space<vmem_shared>> -> memref<48x64xf32, #tpu.memory_space<vmem_shared>>
        tpu.enqueue_dma source(%arg20 : memref<48x64xf32, #tpu.memory_space<vmem>>) target(%dma_start3A_1500 : memref<48x64xf32, #tpu.memory_space<vmem_shared>>) target_semaphore(%run_scoped3A_1496 : memref<!tpu.dma_semaphore, #tpu.memory_space<semaphore_mem>>)
        %dma_wait3A_1501 = arith.constant 0 : i32
        %dma_wait3A_1502 = tpu.memref_slice %arg21[%add3A_1486, %dma_wait3A_1501] : memref<10000x64xf32, #tpu.memory_space<vmem_shared>> -> memref<48x64xf32, #tpu.memory_space<vmem_shared>>
        %dma_wait3A_1503 = arith.constant 0 : i32
        %dma_wait3A_1504 = tpu.memref_slice %arg21[%add3A_1486, %dma_wait3A_1503] : memref<10000x64xf32, #tpu.memory_space<vmem_shared>> -> memref<48x64xf32, #tpu.memory_space<vmem_shared>>
        tpu.wait_dma2 semaphore(%run_scoped3A_1496 : memref<!tpu.dma_semaphore, #tpu.memory_space<semaphore_mem>>) src(%arg20 : memref<48x64xf32, #tpu.memory_space<vmem>>) dst(%dma_wait3A_1504 : memref<48x64xf32, #tpu.memory_space<vmem_shared>>)
        tpu.yield
      }) : () -> ()
      %add3A_1487 = arith.constant 480 : i32
      %add3A_1488 = arith.addi %mul3A_2, %add3A_1487 : i32
      "tpu.region"() ({
        %run_scoped3A_1496 = tpu.sem_alloc : memref<!tpu.dma_semaphore, #tpu.memory_space<semaphore_mem>>
        %dma_start3A_1497 = arith.constant 0 : i32
        %dma_start3A_1498 = tpu.memref_slice %arg21[%add3A_1488, %dma_start3A_1497] : memref<10000x64xf32, #tpu.memory_space<vmem_shared>> -> memref<48x64xf32, #tpu.memory_space<vmem_shared>>
        %dma_start3A_1499 = arith.constant 0 : i32
        %dma_start3A_1500 = tpu.memref_slice %arg21[%add3A_1488, %dma_start3A_1499] : memref<10000x64xf32, #tpu.memory_space<vmem_shared>> -> memref<48x64xf32, #tpu.memory_space<vmem_shared>>
        tpu.enqueue_dma source(%arg20 : memref<48x64xf32, #tpu.memory_space<vmem>>) target(%dma_start3A_1500 : memref<48x64xf32, #tpu.memory_space<vmem_shared>>) target_semaphore(%run_scoped3A_1496 : memref<!tpu.dma_semaphore, #tpu.memory_space<semaphore_mem>>)
        %dma_wait3A_1501 = arith.constant 0 : i32
        %dma_wait3A_1502 = tpu.memref_slice %arg21[%add3A_1488, %dma_wait3A_1501] : memref<10000x64xf32, #tpu.memory_space<vmem_shared>> -> memref<48x64xf32, #tpu.memory_space<vmem_shared>>
        %dma_wait3A_1503 = arith.constant 0 : i32
        %dma_wait3A_1504 = tpu.memref_slice %arg21[%add3A_1488, %dma_wait3A_1503] : memref<10000x64xf32, #tpu.memory_space<vmem_shared>> -> memref<48x64xf32, #tpu.memory_space<vmem_shared>>
        tpu.wait_dma2 semaphore(%run_scoped3A_1496 : memref<!tpu.dma_semaphore, #tpu.memory_space<semaphore_mem>>) src(%arg20 : memref<48x64xf32, #tpu.memory_space<vmem>>) dst(%dma_wait3A_1504 : memref<48x64xf32, #tpu.memory_space<vmem_shared>>)
        tpu.yield
      }) : () -> ()
      %add3A_1489 = arith.constant 528 : i32
      %add3A_1490 = arith.addi %mul3A_2, %add3A_1489 : i32
      "tpu.region"() ({
        %run_scoped3A_1496 = tpu.sem_alloc : memref<!tpu.dma_semaphore, #tpu.memory_space<semaphore_mem>>
        %dma_start3A_1497 = arith.constant 0 : i32
        %dma_start3A_1498 = tpu.memref_slice %arg21[%add3A_1490, %dma_start3A_1497] : memref<10000x64xf32, #tpu.memory_space<vmem_shared>> -> memref<48x64xf32, #tpu.memory_space<vmem_shared>>
        %dma_start3A_1499 = arith.constant 0 : i32
        %dma_start3A_1500 = tpu.memref_slice %arg21[%add3A_1490, %dma_start3A_1499] : memref<10000x64xf32, #tpu.memory_space<vmem_shared>> -> memref<48x64xf32, #tpu.memory_space<vmem_shared>>
        tpu.enqueue_dma source(%arg20 : memref<48x64xf32, #tpu.memory_space<vmem>>) target(%dma_start3A_1500 : memref<48x64xf32, #tpu.memory_space<vmem_shared>>) target_semaphore(%run_scoped3A_1496 : memref<!tpu.dma_semaphore, #tpu.memory_space<semaphore_mem>>)
        %dma_wait3A_1501 = arith.constant 0 : i32
        %dma_wait3A_1502 = tpu.memref_slice %arg21[%add3A_1490, %dma_wait3A_1501] : memref<10000x64xf32, #tpu.memory_space<vmem_shared>> -> memref<48x64xf32, #tpu.memory_space<vmem_shared>>
        %dma_wait3A_1503 = arith.constant 0 : i32
        %dma_wait3A_1504 = tpu.memref_slice %arg21[%add3A_1490, %dma_wait3A_1503] : memref<10000x64xf32, #tpu.memory_space<vmem_shared>> -> memref<48x64xf32, #tpu.memory_space<vmem_shared>>
        tpu.wait_dma2 semaphore(%run_scoped3A_1496 : memref<!tpu.dma_semaphore, #tpu.memory_space<semaphore_mem>>) src(%arg20 : memref<48x64xf32, #tpu.memory_space<vmem>>) dst(%dma_wait3A_1504 : memref<48x64xf32, #tpu.memory_space<vmem_shared>>)
        tpu.yield
      }) : () -> ()
      %add3A_1491 = arith.constant 576 : i32
      %add3A_1492 = arith.addi %mul3A_2, %add3A_1491 : i32
      "tpu.region"() ({
        %run_scoped3A_1496 = tpu.sem_alloc : memref<!tpu.dma_semaphore, #tpu.memory_space<semaphore_mem>>
        %dma_start3A_1497 = arith.constant 0 : i32
        %dma_start3A_1498 = tpu.memref_slice %arg21[%add3A_1492, %dma_start3A_1497] : memref<10000x64xf32, #tpu.memory_space<vmem_shared>> -> memref<48x64xf32, #tpu.memory_space<vmem_shared>>
        %dma_start3A_1499 = arith.constant 0 : i32
        %dma_start3A_1500 = tpu.memref_slice %arg21[%add3A_1492, %dma_start3A_1499] : memref<10000x64xf32, #tpu.memory_space<vmem_shared>> -> memref<48x64xf32, #tpu.memory_space<vmem_shared>>
        tpu.enqueue_dma source(%arg20 : memref<48x64xf32, #tpu.memory_space<vmem>>) target(%dma_start3A_1500 : memref<48x64xf32, #tpu.memory_space<vmem_shared>>) target_semaphore(%run_scoped3A_1496 : memref<!tpu.dma_semaphore, #tpu.memory_space<semaphore_mem>>)
        %dma_wait3A_1501 = arith.constant 0 : i32
        %dma_wait3A_1502 = tpu.memref_slice %arg21[%add3A_1492, %dma_wait3A_1501] : memref<10000x64xf32, #tpu.memory_space<vmem_shared>> -> memref<48x64xf32, #tpu.memory_space<vmem_shared>>
        %dma_wait3A_1503 = arith.constant 0 : i32
        %dma_wait3A_1504 = tpu.memref_slice %arg21[%add3A_1492, %dma_wait3A_1503] : memref<10000x64xf32, #tpu.memory_space<vmem_shared>> -> memref<48x64xf32, #tpu.memory_space<vmem_shared>>
        tpu.wait_dma2 semaphore(%run_scoped3A_1496 : memref<!tpu.dma_semaphore, #tpu.memory_space<semaphore_mem>>) src(%arg20 : memref<48x64xf32, #tpu.memory_space<vmem>>) dst(%dma_wait3A_1504 : memref<48x64xf32, #tpu.memory_space<vmem_shared>>)
        tpu.yield
      }) : () -> ()
      %convert_element_type3A_1493 = arith.extui %eq3A_3 : i1 to i32
      %cond3A_1494 = arith.constant 0 : i32
      %cond3A_1495 = arith.cmpi ne, %convert_element_type3A_1493, %cond3A_1494 : i32
      scf.if %cond3A_1495 {
        "tpu.region"() ({
          %run_scoped3A_1496 = tpu.sem_alloc : memref<!tpu.dma_semaphore, #tpu.memory_space<semaphore_mem>>
          %dma_start3A_1497 = arith.constant 0 : i32
          %dma_start3A_1498 = arith.constant 0 : i32
          %dma_start3A_1499 = tpu.memref_slice %arg20[%dma_start3A_1497, %dma_start3A_1498] : memref<48x64xf32, #tpu.memory_space<vmem>> -> memref<16x64xf32, #tpu.memory_space<vmem>>
          %dma_start3A_1500 = arith.constant 9984 : i32
          %dma_start3A_1501 = arith.constant 0 : i32
          %dma_start3A_1502 = tpu.memref_slice %arg21[%dma_start3A_1500, %dma_start3A_1501] : memref<10000x64xf32, #tpu.memory_space<vmem_shared>> -> memref<16x64xf32, #tpu.memory_space<vmem_shared>>
          %dma_start3A_1503 = arith.constant 9984 : i32
          %dma_start3A_1504 = arith.constant 0 : i32
          %dma_start3A_1505 = tpu.memref_slice %arg21[%dma_start3A_1503, %dma_start3A_1504] : memref<10000x64xf32, #tpu.memory_space<vmem_shared>> -> memref<16x64xf32, #tpu.memory_space<vmem_shared>>
          %dma_start3A_1506 = arith.constant 0 : i32
          %dma_start3A_1507 = arith.constant 0 : i32
          %dma_start3A_1508 = tpu.memref_slice %arg20[%dma_start3A_1506, %dma_start3A_1507] : memref<48x64xf32, #tpu.memory_space<vmem>> -> memref<16x64xf32, #tpu.memory_space<vmem>>
          tpu.enqueue_dma source(%dma_start3A_1508 : memref<16x64xf32, #tpu.memory_space<vmem>>) target(%dma_start3A_1505 : memref<16x64xf32, #tpu.memory_space<vmem_shared>>) target_semaphore(%run_scoped3A_1496 : memref<!tpu.dma_semaphore, #tpu.memory_space<semaphore_mem>>)
          %dma_wait3A_1509 = arith.constant 0 : i32
          %dma_wait3A_1510 = arith.constant 0 : i32
          %dma_wait3A_1511 = tpu.memref_slice %arg20[%dma_wait3A_1509, %dma_wait3A_1510] : memref<48x64xf32, #tpu.memory_space<vmem>> -> memref<16x64xf32, #tpu.memory_space<vmem>>
          %dma_wait3A_1512 = arith.constant 9984 : i32
          %dma_wait3A_1513 = arith.constant 0 : i32
          %dma_wait3A_1514 = tpu.memref_slice %arg21[%dma_wait3A_1512, %dma_wait3A_1513] : memref<10000x64xf32, #tpu.memory_space<vmem_shared>> -> memref<16x64xf32, #tpu.memory_space<vmem_shared>>
          %dma_wait3A_1515 = arith.constant 9984 : i32
          %dma_wait3A_1516 = arith.constant 0 : i32
          %dma_wait3A_1517 = tpu.memref_slice %arg21[%dma_wait3A_1515, %dma_wait3A_1516] : memref<10000x64xf32, #tpu.memory_space<vmem_shared>> -> memref<16x64xf32, #tpu.memory_space<vmem_shared>>
          %dma_wait3A_1518 = arith.constant 0 : i32
          %dma_wait3A_1519 = arith.constant 0 : i32
          %dma_wait3A_1520 = tpu.memref_slice %arg20[%dma_wait3A_1518, %dma_wait3A_1519] : memref<48x64xf32, #tpu.memory_space<vmem>> -> memref<16x64xf32, #tpu.memory_space<vmem>>
          tpu.wait_dma2 semaphore(%run_scoped3A_1496 : memref<!tpu.dma_semaphore, #tpu.memory_space<semaphore_mem>>) src(%dma_wait3A_1520 : memref<16x64xf32, #tpu.memory_space<vmem>>) dst(%dma_wait3A_1517 : memref<16x64xf32, #tpu.memory_space<vmem_shared>>)
          tpu.yield
        }) : () -> ()
      } else {
      }
    } else {
    }
    %barrier3A_753 = arith.constant 0 : index
    tpu.barrier barrier_id(%barrier3A_753)
    %dma_start3A_754 = arith.constant 0 : i32
    %dma_start3A_755 = arith.constant 0 : i32
    %dma_start3A_756 = tpu.memref_slice %arg7[%dma_start3A_754, %dma_start3A_755] : memref<125x80xi32, #tpu.memory_space<vmem>> -> memref<1x80xi32, #tpu.memory_space<vmem>>
    %dma_start3A_757 = tpu.memref_squeeze %dma_start3A_756 : memref<1x80xi32, #tpu.memory_space<vmem>> -> memref<80xi32, #tpu.memory_space<vmem>>
    %dma_start3A_758 = arith.constant 0 : i32
    %dma_start3A_759 = arith.constant 0 : i32
    %dma_start3A_760 = tpu.memref_slice %arg2[%dma_start3A_758, %dma_start3A_759] : memref<160000x64xf32, #tpu.memory_space<hbm>> -> memref<160000x64xf32, #tpu.memory_space<hbm>>
    tpu.enqueue_indirect_dma source(%dma_start3A_760 : memref<160000x64xf32, #tpu.memory_space<hbm>>) target(%arg10 : memref<80x64xf32, #tpu.memory_space<vmem>>) offsets(%dma_start3A_757 : memref<80xi32, #tpu.memory_space<vmem>>) semaphore(%arg22 : memref<!tpu.dma_semaphore, #tpu.memory_space<semaphore_mem>>)
    %dma_start3A_761 = arith.constant 1 : i32
    %dma_start3A_762 = arith.constant 0 : i32
    %dma_start3A_763 = tpu.memref_slice %arg7[%dma_start3A_761, %dma_start3A_762] : memref<125x80xi32, #tpu.memory_space<vmem>> -> memref<1x80xi32, #tpu.memory_space<vmem>>
    %dma_start3A_764 = tpu.memref_squeeze %dma_start3A_763 : memref<1x80xi32, #tpu.memory_space<vmem>> -> memref<80xi32, #tpu.memory_space<vmem>>
    %dma_start3A_765 = arith.constant 0 : i32
    %dma_start3A_766 = arith.constant 0 : i32
    %dma_start3A_767 = tpu.memref_slice %arg2[%dma_start3A_765, %dma_start3A_766] : memref<160000x64xf32, #tpu.memory_space<hbm>> -> memref<160000x64xf32, #tpu.memory_space<hbm>>
    tpu.enqueue_indirect_dma source(%dma_start3A_767 : memref<160000x64xf32, #tpu.memory_space<hbm>>) target(%arg11 : memref<80x64xf32, #tpu.memory_space<vmem>>) offsets(%dma_start3A_764 : memref<80xi32, #tpu.memory_space<vmem>>) semaphore(%arg23 : memref<!tpu.dma_semaphore, #tpu.memory_space<semaphore_mem>>)
    %dma_start3A_768 = arith.constant 2 : i32
    %dma_start3A_769 = arith.constant 0 : i32
    %dma_start3A_770 = tpu.memref_slice %arg7[%dma_start3A_768, %dma_start3A_769] : memref<125x80xi32, #tpu.memory_space<vmem>> -> memref<1x80xi32, #tpu.memory_space<vmem>>
    %dma_start3A_771 = tpu.memref_squeeze %dma_start3A_770 : memref<1x80xi32, #tpu.memory_space<vmem>> -> memref<80xi32, #tpu.memory_space<vmem>>
    %dma_start3A_772 = arith.constant 0 : i32
    %dma_start3A_773 = arith.constant 0 : i32
    %dma_start3A_774 = tpu.memref_slice %arg2[%dma_start3A_772, %dma_start3A_773] : memref<160000x64xf32, #tpu.memory_space<hbm>> -> memref<160000x64xf32, #tpu.memory_space<hbm>>
    tpu.enqueue_indirect_dma source(%dma_start3A_774 : memref<160000x64xf32, #tpu.memory_space<hbm>>) target(%arg12 : memref<80x64xf32, #tpu.memory_space<vmem>>) offsets(%dma_start3A_771 : memref<80xi32, #tpu.memory_space<vmem>>) semaphore(%arg24 : memref<!tpu.dma_semaphore, #tpu.memory_space<semaphore_mem>>)
    %dma_start3A_775 = arith.constant 3 : i32
    %dma_start3A_776 = arith.constant 0 : i32
    %dma_start3A_777 = tpu.memref_slice %arg7[%dma_start3A_775, %dma_start3A_776] : memref<125x80xi32, #tpu.memory_space<vmem>> -> memref<1x80xi32, #tpu.memory_space<vmem>>
    %dma_start3A_778 = tpu.memref_squeeze %dma_start3A_777 : memref<1x80xi32, #tpu.memory_space<vmem>> -> memref<80xi32, #tpu.memory_space<vmem>>
    %dma_start3A_779 = arith.constant 0 : i32
    %dma_start3A_780 = arith.constant 0 : i32
    %dma_start3A_781 = tpu.memref_slice %arg2[%dma_start3A_779, %dma_start3A_780] : memref<160000x64xf32, #tpu.memory_space<hbm>> -> memref<160000x64xf32, #tpu.memory_space<hbm>>
    tpu.enqueue_indirect_dma source(%dma_start3A_781 : memref<160000x64xf32, #tpu.memory_space<hbm>>) target(%arg13 : memref<80x64xf32, #tpu.memory_space<vmem>>) offsets(%dma_start3A_778 : memref<80xi32, #tpu.memory_space<vmem>>) semaphore(%arg25 : memref<!tpu.dma_semaphore, #tpu.memory_space<semaphore_mem>>)
    %dma_start3A_782 = arith.constant 4 : i32
    %dma_start3A_783 = arith.constant 0 : i32
    %dma_start3A_784 = tpu.memref_slice %arg7[%dma_start3A_782, %dma_start3A_783] : memref<125x80xi32, #tpu.memory_space<vmem>> -> memref<1x80xi32, #tpu.memory_space<vmem>>
    %dma_start3A_785 = tpu.memref_squeeze %dma_start3A_784 : memref<1x80xi32, #tpu.memory_space<vmem>> -> memref<80xi32, #tpu.memory_space<vmem>>
    %dma_start3A_786 = arith.constant 0 : i32
    %dma_start3A_787 = arith.constant 0 : i32
    %dma_start3A_788 = tpu.memref_slice %arg2[%dma_start3A_786, %dma_start3A_787] : memref<160000x64xf32, #tpu.memory_space<hbm>> -> memref<160000x64xf32, #tpu.memory_space<hbm>>
    tpu.enqueue_indirect_dma source(%dma_start3A_788 : memref<160000x64xf32, #tpu.memory_space<hbm>>) target(%arg14 : memref<80x64xf32, #tpu.memory_space<vmem>>) offsets(%dma_start3A_785 : memref<80xi32, #tpu.memory_space<vmem>>) semaphore(%arg26 : memref<!tpu.dma_semaphore, #tpu.memory_space<semaphore_mem>>)
    %dma_start3A_789 = arith.constant 5 : i32
    %dma_start3A_790 = arith.constant 0 : i32
    %dma_start3A_791 = tpu.memref_slice %arg7[%dma_start3A_789, %dma_start3A_790] : memref<125x80xi32, #tpu.memory_space<vmem>> -> memref<1x80xi32, #tpu.memory_space<vmem>>
    %dma_start3A_792 = tpu.memref_squeeze %dma_start3A_791 : memref<1x80xi32, #tpu.memory_space<vmem>> -> memref<80xi32, #tpu.memory_space<vmem>>
    %dma_start3A_793 = arith.constant 0 : i32
    %dma_start3A_794 = arith.constant 0 : i32
    %dma_start3A_795 = tpu.memref_slice %arg2[%dma_start3A_793, %dma_start3A_794] : memref<160000x64xf32, #tpu.memory_space<hbm>> -> memref<160000x64xf32, #tpu.memory_space<hbm>>
    tpu.enqueue_indirect_dma source(%dma_start3A_795 : memref<160000x64xf32, #tpu.memory_space<hbm>>) target(%arg15 : memref<80x64xf32, #tpu.memory_space<vmem>>) offsets(%dma_start3A_792 : memref<80xi32, #tpu.memory_space<vmem>>) semaphore(%arg27 : memref<!tpu.dma_semaphore, #tpu.memory_space<semaphore_mem>>)
    %dma_start3A_796 = arith.constant 6 : i32
    %dma_start3A_797 = arith.constant 0 : i32
    %dma_start3A_798 = tpu.memref_slice %arg7[%dma_start3A_796, %dma_start3A_797] : memref<125x80xi32, #tpu.memory_space<vmem>> -> memref<1x80xi32, #tpu.memory_space<vmem>>
    %dma_start3A_799 = tpu.memref_squeeze %dma_start3A_798 : memref<1x80xi32, #tpu.memory_space<vmem>> -> memref<80xi32, #tpu.memory_space<vmem>>
    %dma_start3A_800 = arith.constant 0 : i32
    %dma_start3A_801 = arith.constant 0 : i32
    %dma_start3A_802 = tpu.memref_slice %arg2[%dma_start3A_800, %dma_start3A_801] : memref<160000x64xf32, #tpu.memory_space<hbm>> -> memref<160000x64xf32, #tpu.memory_space<hbm>>
    tpu.enqueue_indirect_dma source(%dma_start3A_802 : memref<160000x64xf32, #tpu.memory_space<hbm>>) target(%arg16 : memref<80x64xf32, #tpu.memory_space<vmem>>) offsets(%dma_start3A_799 : memref<80xi32, #tpu.memory_space<vmem>>) semaphore(%arg28 : memref<!tpu.dma_semaphore, #tpu.memory_space<semaphore_mem>>)
    %dma_start3A_803 = arith.constant 7 : i32
    %dma_start3A_804 = arith.constant 0 : i32
    %dma_start3A_805 = tpu.memref_slice %arg7[%dma_start3A_803, %dma_start3A_804] : memref<125x80xi32, #tpu.memory_space<vmem>> -> memref<1x80xi32, #tpu.memory_space<vmem>>
    %dma_start3A_806 = tpu.memref_squeeze %dma_start3A_805 : memref<1x80xi32, #tpu.memory_space<vmem>> -> memref<80xi32, #tpu.memory_space<vmem>>
    %dma_start3A_807 = arith.constant 0 : i32
    %dma_start3A_808 = arith.constant 0 : i32
    %dma_start3A_809 = tpu.memref_slice %arg2[%dma_start3A_807, %dma_start3A_808] : memref<160000x64xf32, #tpu.memory_space<hbm>> -> memref<160000x64xf32, #tpu.memory_space<hbm>>
    tpu.enqueue_indirect_dma source(%dma_start3A_809 : memref<160000x64xf32, #tpu.memory_space<hbm>>) target(%arg17 : memref<80x64xf32, #tpu.memory_space<vmem>>) offsets(%dma_start3A_806 : memref<80xi32, #tpu.memory_space<vmem>>) semaphore(%arg29 : memref<!tpu.dma_semaphore, #tpu.memory_space<semaphore_mem>>)
    %dma_wait3A_810 = arith.constant 0 : i32
    %dma_wait3A_811 = arith.constant 0 : i32
    %dma_wait3A_812 = tpu.memref_slice %arg7[%dma_wait3A_810, %dma_wait3A_811] : memref<125x80xi32, #tpu.memory_space<vmem>> -> memref<1x80xi32, #tpu.memory_space<vmem>>
    %dma_wait3A_813 = tpu.memref_squeeze %dma_wait3A_812 : memref<1x80xi32, #tpu.memory_space<vmem>> -> memref<80xi32, #tpu.memory_space<vmem>>
    %dma_wait3A_814 = arith.constant 0 : i32
    %dma_wait3A_815 = arith.constant 0 : i32
    %dma_wait3A_816 = tpu.memref_slice %arg2[%dma_wait3A_814, %dma_wait3A_815] : memref<160000x64xf32, #tpu.memory_space<hbm>> -> memref<160000x64xf32, #tpu.memory_space<hbm>>
    tpu.wait_indirect_dma semaphore(%arg22 : memref<!tpu.dma_semaphore, #tpu.memory_space<semaphore_mem>>) src(%dma_wait3A_816 : memref<160000x64xf32, #tpu.memory_space<hbm>>) dst(%arg10 : memref<80x64xf32, #tpu.memory_space<vmem>>)
    %dma_start3A_817 = arith.constant 0 : i32
    %dma_start3A_818 = arith.constant 0 : i32
    %dma_start3A_819 = tpu.memref_slice %arg9[%dma_start3A_817, %dma_start3A_818] : memref<125x80xi32, #tpu.memory_space<vmem>> -> memref<1x80xi32, #tpu.memory_space<vmem>>
    %dma_start3A_820 = tpu.memref_squeeze %dma_start3A_819 : memref<1x80xi32, #tpu.memory_space<vmem>> -> memref<80xi32, #tpu.memory_space<vmem>>
    %dma_start3A_821 = arith.constant 0 : i32
    %dma_start3A_822 = arith.constant 0 : i32
    %dma_start3A_823 = tpu.memref_slice %arg21[%dma_start3A_821, %dma_start3A_822] : memref<10000x64xf32, #tpu.memory_space<vmem_shared>> -> memref<10000x64xf32, #tpu.memory_space<vmem_shared>>
    tpu.enqueue_indirect_dma source(%arg10 : memref<80x64xf32, #tpu.memory_space<vmem>>) target(%dma_start3A_823 : memref<10000x64xf32, #tpu.memory_space<vmem_shared>>) offsets(%dma_start3A_820 : memref<80xi32, #tpu.memory_space<vmem>>) semaphore(%arg32 : memref<!tpu.dma_semaphore, #tpu.memory_space<semaphore_mem>>) {add = true}
    %dma_start3A_824 = arith.constant 8 : i32
    %dma_start3A_825 = arith.constant 0 : i32
    %dma_start3A_826 = tpu.memref_slice %arg7[%dma_start3A_824, %dma_start3A_825] : memref<125x80xi32, #tpu.memory_space<vmem>> -> memref<1x80xi32, #tpu.memory_space<vmem>>
    %dma_start3A_827 = tpu.memref_squeeze %dma_start3A_826 : memref<1x80xi32, #tpu.memory_space<vmem>> -> memref<80xi32, #tpu.memory_space<vmem>>
    %dma_start3A_828 = arith.constant 0 : i32
    %dma_start3A_829 = arith.constant 0 : i32
    %dma_start3A_830 = tpu.memref_slice %arg2[%dma_start3A_828, %dma_start3A_829] : memref<160000x64xf32, #tpu.memory_space<hbm>> -> memref<160000x64xf32, #tpu.memory_space<hbm>>
    tpu.enqueue_indirect_dma source(%dma_start3A_830 : memref<160000x64xf32, #tpu.memory_space<hbm>>) target(%arg18 : memref<80x64xf32, #tpu.memory_space<vmem>>) offsets(%dma_start3A_827 : memref<80xi32, #tpu.memory_space<vmem>>) semaphore(%arg30 : memref<!tpu.dma_semaphore, #tpu.memory_space<semaphore_mem>>)
    %dma_wait3A_831 = arith.constant 1 : i32
    %dma_wait3A_832 = arith.constant 0 : i32
    %dma_wait3A_833 = tpu.memref_slice %arg7[%dma_wait3A_831, %dma_wait3A_832] : memref<125x80xi32, #tpu.memory_space<vmem>> -> memref<1x80xi32, #tpu.memory_space<vmem>>
    %dma_wait3A_834 = tpu.memref_squeeze %dma_wait3A_833 : memref<1x80xi32, #tpu.memory_space<vmem>> -> memref<80xi32, #tpu.memory_space<vmem>>
    %dma_wait3A_835 = arith.constant 0 : i32
    %dma_wait3A_836 = arith.constant 0 : i32
    %dma_wait3A_837 = tpu.memref_slice %arg2[%dma_wait3A_835, %dma_wait3A_836] : memref<160000x64xf32, #tpu.memory_space<hbm>> -> memref<160000x64xf32, #tpu.memory_space<hbm>>
    tpu.wait_indirect_dma semaphore(%arg23 : memref<!tpu.dma_semaphore, #tpu.memory_space<semaphore_mem>>) src(%dma_wait3A_837 : memref<160000x64xf32, #tpu.memory_space<hbm>>) dst(%arg11 : memref<80x64xf32, #tpu.memory_space<vmem>>)
    %dma_start3A_838 = arith.constant 1 : i32
    %dma_start3A_839 = arith.constant 0 : i32
    %dma_start3A_840 = tpu.memref_slice %arg9[%dma_start3A_838, %dma_start3A_839] : memref<125x80xi32, #tpu.memory_space<vmem>> -> memref<1x80xi32, #tpu.memory_space<vmem>>
    %dma_start3A_841 = tpu.memref_squeeze %dma_start3A_840 : memref<1x80xi32, #tpu.memory_space<vmem>> -> memref<80xi32, #tpu.memory_space<vmem>>
    %dma_start3A_842 = arith.constant 0 : i32
    %dma_start3A_843 = arith.constant 0 : i32
    %dma_start3A_844 = tpu.memref_slice %arg21[%dma_start3A_842, %dma_start3A_843] : memref<10000x64xf32, #tpu.memory_space<vmem_shared>> -> memref<10000x64xf32, #tpu.memory_space<vmem_shared>>
    tpu.enqueue_indirect_dma source(%arg11 : memref<80x64xf32, #tpu.memory_space<vmem>>) target(%dma_start3A_844 : memref<10000x64xf32, #tpu.memory_space<vmem_shared>>) offsets(%dma_start3A_841 : memref<80xi32, #tpu.memory_space<vmem>>) semaphore(%arg33 : memref<!tpu.dma_semaphore, #tpu.memory_space<semaphore_mem>>) {add = true}
    %dma_start3A_845 = arith.constant 9 : i32
    %dma_start3A_846 = arith.constant 0 : i32
    %dma_start3A_847 = tpu.memref_slice %arg7[%dma_start3A_845, %dma_start3A_846] : memref<125x80xi32, #tpu.memory_space<vmem>> -> memref<1x80xi32, #tpu.memory_space<vmem>>
    %dma_start3A_848 = tpu.memref_squeeze %dma_start3A_847 : memref<1x80xi32, #tpu.memory_space<vmem>> -> memref<80xi32, #tpu.memory_space<vmem>>
    %dma_start3A_849 = arith.constant 0 : i32
    %dma_start3A_850 = arith.constant 0 : i32
    %dma_start3A_851 = tpu.memref_slice %arg2[%dma_start3A_849, %dma_start3A_850] : memref<160000x64xf32, #tpu.memory_space<hbm>> -> memref<160000x64xf32, #tpu.memory_space<hbm>>
    tpu.enqueue_indirect_dma source(%dma_start3A_851 : memref<160000x64xf32, #tpu.memory_space<hbm>>) target(%arg19 : memref<80x64xf32, #tpu.memory_space<vmem>>) offsets(%dma_start3A_848 : memref<80xi32, #tpu.memory_space<vmem>>) semaphore(%arg31 : memref<!tpu.dma_semaphore, #tpu.memory_space<semaphore_mem>>)
    %dma_wait3A_852 = arith.constant 2 : i32
    %dma_wait3A_853 = arith.constant 0 : i32
    %dma_wait3A_854 = tpu.memref_slice %arg7[%dma_wait3A_852, %dma_wait3A_853] : memref<125x80xi32, #tpu.memory_space<vmem>> -> memref<1x80xi32, #tpu.memory_space<vmem>>
    %dma_wait3A_855 = tpu.memref_squeeze %dma_wait3A_854 : memref<1x80xi32, #tpu.memory_space<vmem>> -> memref<80xi32, #tpu.memory_space<vmem>>
    %dma_wait3A_856 = arith.constant 0 : i32
    %dma_wait3A_857 = arith.constant 0 : i32
    %dma_wait3A_858 = tpu.memref_slice %arg2[%dma_wait3A_856, %dma_wait3A_857] : memref<160000x64xf32, #tpu.memory_space<hbm>> -> memref<160000x64xf32, #tpu.memory_space<hbm>>
    tpu.wait_indirect_dma semaphore(%arg24 : memref<!tpu.dma_semaphore, #tpu.memory_space<semaphore_mem>>) src(%dma_wait3A_858 : memref<160000x64xf32, #tpu.memory_space<hbm>>) dst(%arg12 : memref<80x64xf32, #tpu.memory_space<vmem>>)
    %dma_start3A_859 = arith.constant 2 : i32
    %dma_start3A_860 = arith.constant 0 : i32
    %dma_start3A_861 = tpu.memref_slice %arg9[%dma_start3A_859, %dma_start3A_860] : memref<125x80xi32, #tpu.memory_space<vmem>> -> memref<1x80xi32, #tpu.memory_space<vmem>>
    %dma_start3A_862 = tpu.memref_squeeze %dma_start3A_861 : memref<1x80xi32, #tpu.memory_space<vmem>> -> memref<80xi32, #tpu.memory_space<vmem>>
    %dma_start3A_863 = arith.constant 0 : i32
    %dma_start3A_864 = arith.constant 0 : i32
    %dma_start3A_865 = tpu.memref_slice %arg21[%dma_start3A_863, %dma_start3A_864] : memref<10000x64xf32, #tpu.memory_space<vmem_shared>> -> memref<10000x64xf32, #tpu.memory_space<vmem_shared>>
    tpu.enqueue_indirect_dma source(%arg12 : memref<80x64xf32, #tpu.memory_space<vmem>>) target(%dma_start3A_865 : memref<10000x64xf32, #tpu.memory_space<vmem_shared>>) offsets(%dma_start3A_862 : memref<80xi32, #tpu.memory_space<vmem>>) semaphore(%arg34 : memref<!tpu.dma_semaphore, #tpu.memory_space<semaphore_mem>>) {add = true}
    %dma_wait3A_866 = arith.constant 0 : i32
    %dma_wait3A_867 = arith.constant 0 : i32
    %dma_wait3A_868 = tpu.memref_slice %arg9[%dma_wait3A_866, %dma_wait3A_867] : memref<125x80xi32, #tpu.memory_space<vmem>> -> memref<1x80xi32, #tpu.memory_space<vmem>>
    %dma_wait3A_869 = tpu.memref_squeeze %dma_wait3A_868 : memref<1x80xi32, #tpu.memory_space<vmem>> -> memref<80xi32, #tpu.memory_space<vmem>>
    %dma_wait3A_870 = arith.constant 0 : i32
    %dma_wait3A_871 = arith.constant 0 : i32
    %dma_wait3A_872 = tpu.memref_slice %arg21[%dma_wait3A_870, %dma_wait3A_871] : memref<10000x64xf32, #tpu.memory_space<vmem_shared>> -> memref<10000x64xf32, #tpu.memory_space<vmem_shared>>
    tpu.wait_indirect_dma semaphore(%arg32 : memref<!tpu.dma_semaphore, #tpu.memory_space<semaphore_mem>>) src(%arg10 : memref<80x64xf32, #tpu.memory_space<vmem>>) dst(%dma_wait3A_872 : memref<10000x64xf32, #tpu.memory_space<vmem_shared>>)
    %dma_start3A_873 = arith.constant 10 : i32
    %dma_start3A_874 = arith.constant 0 : i32
    %dma_start3A_875 = tpu.memref_slice %arg7[%dma_start3A_873, %dma_start3A_874] : memref<125x80xi32, #tpu.memory_space<vmem>> -> memref<1x80xi32, #tpu.memory_space<vmem>>
    %dma_start3A_876 = tpu.memref_squeeze %dma_start3A_875 : memref<1x80xi32, #tpu.memory_space<vmem>> -> memref<80xi32, #tpu.memory_space<vmem>>
    %dma_start3A_877 = arith.constant 0 : i32
    %dma_start3A_878 = arith.constant 0 : i32
    %dma_start3A_879 = tpu.memref_slice %arg2[%dma_start3A_877, %dma_start3A_878] : memref<160000x64xf32, #tpu.memory_space<hbm>> -> memref<160000x64xf32, #tpu.memory_space<hbm>>
    tpu.enqueue_indirect_dma source(%dma_start3A_879 : memref<160000x64xf32, #tpu.memory_space<hbm>>) target(%arg10 : memref<80x64xf32, #tpu.memory_space<vmem>>) offsets(%dma_start3A_876 : memref<80xi32, #tpu.memory_space<vmem>>) semaphore(%arg22 : memref<!tpu.dma_semaphore, #tpu.memory_space<semaphore_mem>>)
    %dma_wait3A_880 = arith.constant 3 : i32
    %dma_wait3A_881 = arith.constant 0 : i32
    %dma_wait3A_882 = tpu.memref_slice %arg7[%dma_wait3A_880, %dma_wait3A_881] : memref<125x80xi32, #tpu.memory_space<vmem>> -> memref<1x80xi32, #tpu.memory_space<vmem>>
    %dma_wait3A_883 = tpu.memref_squeeze %dma_wait3A_882 : memref<1x80xi32, #tpu.memory_space<vmem>> -> memref<80xi32, #tpu.memory_space<vmem>>
    %dma_wait3A_884 = arith.constant 0 : i32
    %dma_wait3A_885 = arith.constant 0 : i32
    %dma_wait3A_886 = tpu.memref_slice %arg2[%dma_wait3A_884, %dma_wait3A_885] : memref<160000x64xf32, #tpu.memory_space<hbm>> -> memref<160000x64xf32, #tpu.memory_space<hbm>>
    tpu.wait_indirect_dma semaphore(%arg25 : memref<!tpu.dma_semaphore, #tpu.memory_space<semaphore_mem>>) src(%dma_wait3A_886 : memref<160000x64xf32, #tpu.memory_space<hbm>>) dst(%arg13 : memref<80x64xf32, #tpu.memory_space<vmem>>)
    %dma_start3A_887 = arith.constant 3 : i32
    %dma_start3A_888 = arith.constant 0 : i32
    %dma_start3A_889 = tpu.memref_slice %arg9[%dma_start3A_887, %dma_start3A_888] : memref<125x80xi32, #tpu.memory_space<vmem>> -> memref<1x80xi32, #tpu.memory_space<vmem>>
    %dma_start3A_890 = tpu.memref_squeeze %dma_start3A_889 : memref<1x80xi32, #tpu.memory_space<vmem>> -> memref<80xi32, #tpu.memory_space<vmem>>
    %dma_start3A_891 = arith.constant 0 : i32
    %dma_start3A_892 = arith.constant 0 : i32
    %dma_start3A_893 = tpu.memref_slice %arg21[%dma_start3A_891, %dma_start3A_892] : memref<10000x64xf32, #tpu.memory_space<vmem_shared>> -> memref<10000x64xf32, #tpu.memory_space<vmem_shared>>
    tpu.enqueue_indirect_dma source(%arg13 : memref<80x64xf32, #tpu.memory_space<vmem>>) target(%dma_start3A_893 : memref<10000x64xf32, #tpu.memory_space<vmem_shared>>) offsets(%dma_start3A_890 : memref<80xi32, #tpu.memory_space<vmem>>) semaphore(%arg35 : memref<!tpu.dma_semaphore, #tpu.memory_space<semaphore_mem>>) {add = true}
    %dma_wait3A_894 = arith.constant 1 : i32
    %dma_wait3A_895 = arith.constant 0 : i32
    %dma_wait3A_896 = tpu.memref_slice %arg9[%dma_wait3A_894, %dma_wait3A_895] : memref<125x80xi32, #tpu.memory_space<vmem>> -> memref<1x80xi32, #tpu.memory_space<vmem>>
    %dma_wait3A_897 = tpu.memref_squeeze %dma_wait3A_896 : memref<1x80xi32, #tpu.memory_space<vmem>> -> memref<80xi32, #tpu.memory_space<vmem>>
    %dma_wait3A_898 = arith.constant 0 : i32
    %dma_wait3A_899 = arith.constant 0 : i32
    %dma_wait3A_900 = tpu.memref_slice %arg21[%dma_wait3A_898, %dma_wait3A_899] : memref<10000x64xf32, #tpu.memory_space<vmem_shared>> -> memref<10000x64xf32, #tpu.memory_space<vmem_shared>>
    tpu.wait_indirect_dma semaphore(%arg33 : memref<!tpu.dma_semaphore, #tpu.memory_space<semaphore_mem>>) src(%arg11 : memref<80x64xf32, #tpu.memory_space<vmem>>) dst(%dma_wait3A_900 : memref<10000x64xf32, #tpu.memory_space<vmem_shared>>)
    %dma_start3A_901 = arith.constant 11 : i32
    %dma_start3A_902 = arith.constant 0 : i32
    %dma_start3A_903 = tpu.memref_slice %arg7[%dma_start3A_901, %dma_start3A_902] : memref<125x80xi32, #tpu.memory_space<vmem>> -> memref<1x80xi32, #tpu.memory_space<vmem>>
    %dma_start3A_904 = tpu.memref_squeeze %dma_start3A_903 : memref<1x80xi32, #tpu.memory_space<vmem>> -> memref<80xi32, #tpu.memory_space<vmem>>
    %dma_start3A_905 = arith.constant 0 : i32
    %dma_start3A_906 = arith.constant 0 : i32
    %dma_start3A_907 = tpu.memref_slice %arg2[%dma_start3A_905, %dma_start3A_906] : memref<160000x64xf32, #tpu.memory_space<hbm>> -> memref<160000x64xf32, #tpu.memory_space<hbm>>
    tpu.enqueue_indirect_dma source(%dma_start3A_907 : memref<160000x64xf32, #tpu.memory_space<hbm>>) target(%arg11 : memref<80x64xf32, #tpu.memory_space<vmem>>) offsets(%dma_start3A_904 : memref<80xi32, #tpu.memory_space<vmem>>) semaphore(%arg23 : memref<!tpu.dma_semaphore, #tpu.memory_space<semaphore_mem>>)
    %dma_wait3A_908 = arith.constant 4 : i32
    %dma_wait3A_909 = arith.constant 0 : i32
    %dma_wait3A_910 = tpu.memref_slice %arg7[%dma_wait3A_908, %dma_wait3A_909] : memref<125x80xi32, #tpu.memory_space<vmem>> -> memref<1x80xi32, #tpu.memory_space<vmem>>
    %dma_wait3A_911 = tpu.memref_squeeze %dma_wait3A_910 : memref<1x80xi32, #tpu.memory_space<vmem>> -> memref<80xi32, #tpu.memory_space<vmem>>
    %dma_wait3A_912 = arith.constant 0 : i32
    %dma_wait3A_913 = arith.constant 0 : i32
    %dma_wait3A_914 = tpu.memref_slice %arg2[%dma_wait3A_912, %dma_wait3A_913] : memref<160000x64xf32, #tpu.memory_space<hbm>> -> memref<160000x64xf32, #tpu.memory_space<hbm>>
    tpu.wait_indirect_dma semaphore(%arg26 : memref<!tpu.dma_semaphore, #tpu.memory_space<semaphore_mem>>) src(%dma_wait3A_914 : memref<160000x64xf32, #tpu.memory_space<hbm>>) dst(%arg14 : memref<80x64xf32, #tpu.memory_space<vmem>>)
    %dma_start3A_915 = arith.constant 4 : i32
    %dma_start3A_916 = arith.constant 0 : i32
    %dma_start3A_917 = tpu.memref_slice %arg9[%dma_start3A_915, %dma_start3A_916] : memref<125x80xi32, #tpu.memory_space<vmem>> -> memref<1x80xi32, #tpu.memory_space<vmem>>
    %dma_start3A_918 = tpu.memref_squeeze %dma_start3A_917 : memref<1x80xi32, #tpu.memory_space<vmem>> -> memref<80xi32, #tpu.memory_space<vmem>>
    %dma_start3A_919 = arith.constant 0 : i32
    %dma_start3A_920 = arith.constant 0 : i32
    %dma_start3A_921 = tpu.memref_slice %arg21[%dma_start3A_919, %dma_start3A_920] : memref<10000x64xf32, #tpu.memory_space<vmem_shared>> -> memref<10000x64xf32, #tpu.memory_space<vmem_shared>>
    tpu.enqueue_indirect_dma source(%arg14 : memref<80x64xf32, #tpu.memory_space<vmem>>) target(%dma_start3A_921 : memref<10000x64xf32, #tpu.memory_space<vmem_shared>>) offsets(%dma_start3A_918 : memref<80xi32, #tpu.memory_space<vmem>>) semaphore(%arg36 : memref<!tpu.dma_semaphore, #tpu.memory_space<semaphore_mem>>) {add = true}
    %dma_wait3A_922 = arith.constant 2 : i32
    %dma_wait3A_923 = arith.constant 0 : i32
    %dma_wait3A_924 = tpu.memref_slice %arg9[%dma_wait3A_922, %dma_wait3A_923] : memref<125x80xi32, #tpu.memory_space<vmem>> -> memref<1x80xi32, #tpu.memory_space<vmem>>
    %dma_wait3A_925 = tpu.memref_squeeze %dma_wait3A_924 : memref<1x80xi32, #tpu.memory_space<vmem>> -> memref<80xi32, #tpu.memory_space<vmem>>
    %dma_wait3A_926 = arith.constant 0 : i32
    %dma_wait3A_927 = arith.constant 0 : i32
    %dma_wait3A_928 = tpu.memref_slice %arg21[%dma_wait3A_926, %dma_wait3A_927] : memref<10000x64xf32, #tpu.memory_space<vmem_shared>> -> memref<10000x64xf32, #tpu.memory_space<vmem_shared>>
    tpu.wait_indirect_dma semaphore(%arg34 : memref<!tpu.dma_semaphore, #tpu.memory_space<semaphore_mem>>) src(%arg12 : memref<80x64xf32, #tpu.memory_space<vmem>>) dst(%dma_wait3A_928 : memref<10000x64xf32, #tpu.memory_space<vmem_shared>>)
    %dma_start3A_929 = arith.constant 12 : i32
    %dma_start3A_930 = arith.constant 0 : i32
    %dma_start3A_931 = tpu.memref_slice %arg7[%dma_start3A_929, %dma_start3A_930] : memref<125x80xi32, #tpu.memory_space<vmem>> -> memref<1x80xi32, #tpu.memory_space<vmem>>
    %dma_start3A_932 = tpu.memref_squeeze %dma_start3A_931 : memref<1x80xi32, #tpu.memory_space<vmem>> -> memref<80xi32, #tpu.memory_space<vmem>>
    %dma_start3A_933 = arith.constant 0 : i32
    %dma_start3A_934 = arith.constant 0 : i32
    %dma_start3A_935 = tpu.memref_slice %arg2[%dma_start3A_933, %dma_start3A_934] : memref<160000x64xf32, #tpu.memory_space<hbm>> -> memref<160000x64xf32, #tpu.memory_space<hbm>>
    tpu.enqueue_indirect_dma source(%dma_start3A_935 : memref<160000x64xf32, #tpu.memory_space<hbm>>) target(%arg12 : memref<80x64xf32, #tpu.memory_space<vmem>>) offsets(%dma_start3A_932 : memref<80xi32, #tpu.memory_space<vmem>>) semaphore(%arg24 : memref<!tpu.dma_semaphore, #tpu.memory_space<semaphore_mem>>)
    %dma_wait3A_936 = arith.constant 5 : i32
    %dma_wait3A_937 = arith.constant 0 : i32
    %dma_wait3A_938 = tpu.memref_slice %arg7[%dma_wait3A_936, %dma_wait3A_937] : memref<125x80xi32, #tpu.memory_space<vmem>> -> memref<1x80xi32, #tpu.memory_space<vmem>>
    %dma_wait3A_939 = tpu.memref_squeeze %dma_wait3A_938 : memref<1x80xi32, #tpu.memory_space<vmem>> -> memref<80xi32, #tpu.memory_space<vmem>>
    %dma_wait3A_940 = arith.constant 0 : i32
    %dma_wait3A_941 = arith.constant 0 : i32
    %dma_wait3A_942 = tpu.memref_slice %arg2[%dma_wait3A_940, %dma_wait3A_941] : memref<160000x64xf32, #tpu.memory_space<hbm>> -> memref<160000x64xf32, #tpu.memory_space<hbm>>
    tpu.wait_indirect_dma semaphore(%arg27 : memref<!tpu.dma_semaphore, #tpu.memory_space<semaphore_mem>>) src(%dma_wait3A_942 : memref<160000x64xf32, #tpu.memory_space<hbm>>) dst(%arg15 : memref<80x64xf32, #tpu.memory_space<vmem>>)
    %dma_start3A_943 = arith.constant 5 : i32
    %dma_start3A_944 = arith.constant 0 : i32
    %dma_start3A_945 = tpu.memref_slice %arg9[%dma_start3A_943, %dma_start3A_944] : memref<125x80xi32, #tpu.memory_space<vmem>> -> memref<1x80xi32, #tpu.memory_space<vmem>>
    %dma_start3A_946 = tpu.memref_squeeze %dma_start3A_945 : memref<1x80xi32, #tpu.memory_space<vmem>> -> memref<80xi32, #tpu.memory_space<vmem>>
    %dma_start3A_947 = arith.constant 0 : i32
    %dma_start3A_948 = arith.constant 0 : i32
    %dma_start3A_949 = tpu.memref_slice %arg21[%dma_start3A_947, %dma_start3A_948] : memref<10000x64xf32, #tpu.memory_space<vmem_shared>> -> memref<10000x64xf32, #tpu.memory_space<vmem_shared>>
    tpu.enqueue_indirect_dma source(%arg15 : memref<80x64xf32, #tpu.memory_space<vmem>>) target(%dma_start3A_949 : memref<10000x64xf32, #tpu.memory_space<vmem_shared>>) offsets(%dma_start3A_946 : memref<80xi32, #tpu.memory_space<vmem>>) semaphore(%arg37 : memref<!tpu.dma_semaphore, #tpu.memory_space<semaphore_mem>>) {add = true}
    %dma_wait3A_950 = arith.constant 3 : i32
    %dma_wait3A_951 = arith.constant 0 : i32
    %dma_wait3A_952 = tpu.memref_slice %arg9[%dma_wait3A_950, %dma_wait3A_951] : memref<125x80xi32, #tpu.memory_space<vmem>> -> memref<1x80xi32, #tpu.memory_space<vmem>>
    %dma_wait3A_953 = tpu.memref_squeeze %dma_wait3A_952 : memref<1x80xi32, #tpu.memory_space<vmem>> -> memref<80xi32, #tpu.memory_space<vmem>>
    %dma_wait3A_954 = arith.constant 0 : i32
    %dma_wait3A_955 = arith.constant 0 : i32
    %dma_wait3A_956 = tpu.memref_slice %arg21[%dma_wait3A_954, %dma_wait3A_955] : memref<10000x64xf32, #tpu.memory_space<vmem_shared>> -> memref<10000x64xf32, #tpu.memory_space<vmem_shared>>
    tpu.wait_indirect_dma semaphore(%arg35 : memref<!tpu.dma_semaphore, #tpu.memory_space<semaphore_mem>>) src(%arg13 : memref<80x64xf32, #tpu.memory_space<vmem>>) dst(%dma_wait3A_956 : memref<10000x64xf32, #tpu.memory_space<vmem_shared>>)
    %dma_start3A_957 = arith.constant 13 : i32
    %dma_start3A_958 = arith.constant 0 : i32
    %dma_start3A_959 = tpu.memref_slice %arg7[%dma_start3A_957, %dma_start3A_958] : memref<125x80xi32, #tpu.memory_space<vmem>> -> memref<1x80xi32, #tpu.memory_space<vmem>>
    %dma_start3A_960 = tpu.memref_squeeze %dma_start3A_959 : memref<1x80xi32, #tpu.memory_space<vmem>> -> memref<80xi32, #tpu.memory_space<vmem>>
    %dma_start3A_961 = arith.constant 0 : i32
    %dma_start3A_962 = arith.constant 0 : i32
    %dma_start3A_963 = tpu.memref_slice %arg2[%dma_start3A_961, %dma_start3A_962] : memref<160000x64xf32, #tpu.memory_space<hbm>> -> memref<160000x64xf32, #tpu.memory_space<hbm>>
    tpu.enqueue_indirect_dma source(%dma_start3A_963 : memref<160000x64xf32, #tpu.memory_space<hbm>>) target(%arg13 : memref<80x64xf32, #tpu.memory_space<vmem>>) offsets(%dma_start3A_960 : memref<80xi32, #tpu.memory_space<vmem>>) semaphore(%arg25 : memref<!tpu.dma_semaphore, #tpu.memory_space<semaphore_mem>>)
    %dma_wait3A_964 = arith.constant 6 : i32
    %dma_wait3A_965 = arith.constant 0 : i32
    %dma_wait3A_966 = tpu.memref_slice %arg7[%dma_wait3A_964, %dma_wait3A_965] : memref<125x80xi32, #tpu.memory_space<vmem>> -> memref<1x80xi32, #tpu.memory_space<vmem>>
    %dma_wait3A_967 = tpu.memref_squeeze %dma_wait3A_966 : memref<1x80xi32, #tpu.memory_space<vmem>> -> memref<80xi32, #tpu.memory_space<vmem>>
    %dma_wait3A_968 = arith.constant 0 : i32
    %dma_wait3A_969 = arith.constant 0 : i32
    %dma_wait3A_970 = tpu.memref_slice %arg2[%dma_wait3A_968, %dma_wait3A_969] : memref<160000x64xf32, #tpu.memory_space<hbm>> -> memref<160000x64xf32, #tpu.memory_space<hbm>>
    tpu.wait_indirect_dma semaphore(%arg28 : memref<!tpu.dma_semaphore, #tpu.memory_space<semaphore_mem>>) src(%dma_wait3A_970 : memref<160000x64xf32, #tpu.memory_space<hbm>>) dst(%arg16 : memref<80x64xf32, #tpu.memory_space<vmem>>)
    %dma_start3A_971 = arith.constant 6 : i32
    %dma_start3A_972 = arith.constant 0 : i32
    %dma_start3A_973 = tpu.memref_slice %arg9[%dma_start3A_971, %dma_start3A_972] : memref<125x80xi32, #tpu.memory_space<vmem>> -> memref<1x80xi32, #tpu.memory_space<vmem>>
    %dma_start3A_974 = tpu.memref_squeeze %dma_start3A_973 : memref<1x80xi32, #tpu.memory_space<vmem>> -> memref<80xi32, #tpu.memory_space<vmem>>
    %dma_start3A_975 = arith.constant 0 : i32
    %dma_start3A_976 = arith.constant 0 : i32
    %dma_start3A_977 = tpu.memref_slice %arg21[%dma_start3A_975, %dma_start3A_976] : memref<10000x64xf32, #tpu.memory_space<vmem_shared>> -> memref<10000x64xf32, #tpu.memory_space<vmem_shared>>
    tpu.enqueue_indirect_dma source(%arg16 : memref<80x64xf32, #tpu.memory_space<vmem>>) target(%dma_start3A_977 : memref<10000x64xf32, #tpu.memory_space<vmem_shared>>) offsets(%dma_start3A_974 : memref<80xi32, #tpu.memory_space<vmem>>) semaphore(%arg38 : memref<!tpu.dma_semaphore, #tpu.memory_space<semaphore_mem>>) {add = true}
    %dma_wait3A_978 = arith.constant 4 : i32
    %dma_wait3A_979 = arith.constant 0 : i32
    %dma_wait3A_980 = tpu.memref_slice %arg9[%dma_wait3A_978, %dma_wait3A_979] : memref<125x80xi32, #tpu.memory_space<vmem>> -> memref<1x80xi32, #tpu.memory_space<vmem>>
    %dma_wait3A_981 = tpu.memref_squeeze %dma_wait3A_980 : memref<1x80xi32, #tpu.memory_space<vmem>> -> memref<80xi32, #tpu.memory_space<vmem>>
    %dma_wait3A_982 = arith.constant 0 : i32
    %dma_wait3A_983 = arith.constant 0 : i32
    %dma_wait3A_984 = tpu.memref_slice %arg21[%dma_wait3A_982, %dma_wait3A_983] : memref<10000x64xf32, #tpu.memory_space<vmem_shared>> -> memref<10000x64xf32, #tpu.memory_space<vmem_shared>>
    tpu.wait_indirect_dma semaphore(%arg36 : memref<!tpu.dma_semaphore, #tpu.memory_space<semaphore_mem>>) src(%arg14 : memref<80x64xf32, #tpu.memory_space<vmem>>) dst(%dma_wait3A_984 : memref<10000x64xf32, #tpu.memory_space<vmem_shared>>)
    %dma_start3A_985 = arith.constant 14 : i32
    %dma_start3A_986 = arith.constant 0 : i32
    %dma_start3A_987 = tpu.memref_slice %arg7[%dma_start3A_985, %dma_start3A_986] : memref<125x80xi32, #tpu.memory_space<vmem>> -> memref<1x80xi32, #tpu.memory_space<vmem>>
    %dma_start3A_988 = tpu.memref_squeeze %dma_start3A_987 : memref<1x80xi32, #tpu.memory_space<vmem>> -> memref<80xi32, #tpu.memory_space<vmem>>
    %dma_start3A_989 = arith.constant 0 : i32
    %dma_start3A_990 = arith.constant 0 : i32
    %dma_start3A_991 = tpu.memref_slice %arg2[%dma_start3A_989, %dma_start3A_990] : memref<160000x64xf32, #tpu.memory_space<hbm>> -> memref<160000x64xf32, #tpu.memory_space<hbm>>
    tpu.enqueue_indirect_dma source(%dma_start3A_991 : memref<160000x64xf32, #tpu.memory_space<hbm>>) target(%arg14 : memref<80x64xf32, #tpu.memory_space<vmem>>) offsets(%dma_start3A_988 : memref<80xi32, #tpu.memory_space<vmem>>) semaphore(%arg26 : memref<!tpu.dma_semaphore, #tpu.memory_space<semaphore_mem>>)
    %dma_wait3A_992 = arith.constant 7 : i32
    %dma_wait3A_993 = arith.constant 0 : i32
    %dma_wait3A_994 = tpu.memref_slice %arg7[%dma_wait3A_992, %dma_wait3A_993] : memref<125x80xi32, #tpu.memory_space<vmem>> -> memref<1x80xi32, #tpu.memory_space<vmem>>
    %dma_wait3A_995 = tpu.memref_squeeze %dma_wait3A_994 : memref<1x80xi32, #tpu.memory_space<vmem>> -> memref<80xi32, #tpu.memory_space<vmem>>
    %dma_wait3A_996 = arith.constant 0 : i32
    %dma_wait3A_997 = arith.constant 0 : i32
    %dma_wait3A_998 = tpu.memref_slice %arg2[%dma_wait3A_996, %dma_wait3A_997] : memref<160000x64xf32, #tpu.memory_space<hbm>> -> memref<160000x64xf32, #tpu.memory_space<hbm>>
    tpu.wait_indirect_dma semaphore(%arg29 : memref<!tpu.dma_semaphore, #tpu.memory_space<semaphore_mem>>) src(%dma_wait3A_998 : memref<160000x64xf32, #tpu.memory_space<hbm>>) dst(%arg17 : memref<80x64xf32, #tpu.memory_space<vmem>>)
    %dma_start3A_999 = arith.constant 7 : i32
    %dma_start3A_1000 = arith.constant 0 : i32
    %dma_start3A_1001 = tpu.memref_slice %arg9[%dma_start3A_999, %dma_start3A_1000] : memref<125x80xi32, #tpu.memory_space<vmem>> -> memref<1x80xi32, #tpu.memory_space<vmem>>
    %dma_start3A_1002 = tpu.memref_squeeze %dma_start3A_1001 : memref<1x80xi32, #tpu.memory_space<vmem>> -> memref<80xi32, #tpu.memory_space<vmem>>
    %dma_start3A_1003 = arith.constant 0 : i32
    %dma_start3A_1004 = arith.constant 0 : i32
    %dma_start3A_1005 = tpu.memref_slice %arg21[%dma_start3A_1003, %dma_start3A_1004] : memref<10000x64xf32, #tpu.memory_space<vmem_shared>> -> memref<10000x64xf32, #tpu.memory_space<vmem_shared>>
    tpu.enqueue_indirect_dma source(%arg17 : memref<80x64xf32, #tpu.memory_space<vmem>>) target(%dma_start3A_1005 : memref<10000x64xf32, #tpu.memory_space<vmem_shared>>) offsets(%dma_start3A_1002 : memref<80xi32, #tpu.memory_space<vmem>>) semaphore(%arg39 : memref<!tpu.dma_semaphore, #tpu.memory_space<semaphore_mem>>) {add = true}
    %dma_wait3A_1006 = arith.constant 5 : i32
    %dma_wait3A_1007 = arith.constant 0 : i32
    %dma_wait3A_1008 = tpu.memref_slice %arg9[%dma_wait3A_1006, %dma_wait3A_1007] : memref<125x80xi32, #tpu.memory_space<vmem>> -> memref<1x80xi32, #tpu.memory_space<vmem>>
    %dma_wait3A_1009 = tpu.memref_squeeze %dma_wait3A_1008 : memref<1x80xi32, #tpu.memory_space<vmem>> -> memref<80xi32, #tpu.memory_space<vmem>>
    %dma_wait3A_1010 = arith.constant 0 : i32
    %dma_wait3A_1011 = arith.constant 0 : i32
    %dma_wait3A_1012 = tpu.memref_slice %arg21[%dma_wait3A_1010, %dma_wait3A_1011] : memref<10000x64xf32, #tpu.memory_space<vmem_shared>> -> memref<10000x64xf32, #tpu.memory_space<vmem_shared>>
    tpu.wait_indirect_dma semaphore(%arg37 : memref<!tpu.dma_semaphore, #tpu.memory_space<semaphore_mem>>) src(%arg15 : memref<80x64xf32, #tpu.memory_space<vmem>>) dst(%dma_wait3A_1012 : memref<10000x64xf32, #tpu.memory_space<vmem_shared>>)
    %dma_start3A_1013 = arith.constant 15 : i32
    %dma_start3A_1014 = arith.constant 0 : i32
    %dma_start3A_1015 = tpu.memref_slice %arg7[%dma_start3A_1013, %dma_start3A_1014] : memref<125x80xi32, #tpu.memory_space<vmem>> -> memref<1x80xi32, #tpu.memory_space<vmem>>
    %dma_start3A_1016 = tpu.memref_squeeze %dma_start3A_1015 : memref<1x80xi32, #tpu.memory_space<vmem>> -> memref<80xi32, #tpu.memory_space<vmem>>
    %dma_start3A_1017 = arith.constant 0 : i32
    %dma_start3A_1018 = arith.constant 0 : i32
    %dma_start3A_1019 = tpu.memref_slice %arg2[%dma_start3A_1017, %dma_start3A_1018] : memref<160000x64xf32, #tpu.memory_space<hbm>> -> memref<160000x64xf32, #tpu.memory_space<hbm>>
    tpu.enqueue_indirect_dma source(%dma_start3A_1019 : memref<160000x64xf32, #tpu.memory_space<hbm>>) target(%arg15 : memref<80x64xf32, #tpu.memory_space<vmem>>) offsets(%dma_start3A_1016 : memref<80xi32, #tpu.memory_space<vmem>>) semaphore(%arg27 : memref<!tpu.dma_semaphore, #tpu.memory_space<semaphore_mem>>)
    %dma_wait3A_1020 = arith.constant 8 : i32
    %dma_wait3A_1021 = arith.constant 0 : i32
    %dma_wait3A_1022 = tpu.memref_slice %arg7[%dma_wait3A_1020, %dma_wait3A_1021] : memref<125x80xi32, #tpu.memory_space<vmem>> -> memref<1x80xi32, #tpu.memory_space<vmem>>
    %dma_wait3A_1023 = tpu.memref_squeeze %dma_wait3A_1022 : memref<1x80xi32, #tpu.memory_space<vmem>> -> memref<80xi32, #tpu.memory_space<vmem>>
    %dma_wait3A_1024 = arith.constant 0 : i32
    %dma_wait3A_1025 = arith.constant 0 : i32
    %dma_wait3A_1026 = tpu.memref_slice %arg2[%dma_wait3A_1024, %dma_wait3A_1025] : memref<160000x64xf32, #tpu.memory_space<hbm>> -> memref<160000x64xf32, #tpu.memory_space<hbm>>
    tpu.wait_indirect_dma semaphore(%arg30 : memref<!tpu.dma_semaphore, #tpu.memory_space<semaphore_mem>>) src(%dma_wait3A_1026 : memref<160000x64xf32, #tpu.memory_space<hbm>>) dst(%arg18 : memref<80x64xf32, #tpu.memory_space<vmem>>)
    %dma_start3A_1027 = arith.constant 8 : i32
    %dma_start3A_1028 = arith.constant 0 : i32
    %dma_start3A_1029 = tpu.memref_slice %arg9[%dma_start3A_1027, %dma_start3A_1028] : memref<125x80xi32, #tpu.memory_space<vmem>> -> memref<1x80xi32, #tpu.memory_space<vmem>>
    %dma_start3A_1030 = tpu.memref_squeeze %dma_start3A_1029 : memref<1x80xi32, #tpu.memory_space<vmem>> -> memref<80xi32, #tpu.memory_space<vmem>>
    %dma_start3A_1031 = arith.constant 0 : i32
    %dma_start3A_1032 = arith.constant 0 : i32
    %dma_start3A_1033 = tpu.memref_slice %arg21[%dma_start3A_1031, %dma_start3A_1032] : memref<10000x64xf32, #tpu.memory_space<vmem_shared>> -> memref<10000x64xf32, #tpu.memory_space<vmem_shared>>
    tpu.enqueue_indirect_dma source(%arg18 : memref<80x64xf32, #tpu.memory_space<vmem>>) target(%dma_start3A_1033 : memref<10000x64xf32, #tpu.memory_space<vmem_shared>>) offsets(%dma_start3A_1030 : memref<80xi32, #tpu.memory_space<vmem>>) semaphore(%arg40 : memref<!tpu.dma_semaphore, #tpu.memory_space<semaphore_mem>>) {add = true}
    %dma_wait3A_1034 = arith.constant 6 : i32
    %dma_wait3A_1035 = arith.constant 0 : i32
    %dma_wait3A_1036 = tpu.memref_slice %arg9[%dma_wait3A_1034, %dma_wait3A_1035] : memref<125x80xi32, #tpu.memory_space<vmem>> -> memref<1x80xi32, #tpu.memory_space<vmem>>
    %dma_wait3A_1037 = tpu.memref_squeeze %dma_wait3A_1036 : memref<1x80xi32, #tpu.memory_space<vmem>> -> memref<80xi32, #tpu.memory_space<vmem>>
    %dma_wait3A_1038 = arith.constant 0 : i32
    %dma_wait3A_1039 = arith.constant 0 : i32
    %dma_wait3A_1040 = tpu.memref_slice %arg21[%dma_wait3A_1038, %dma_wait3A_1039] : memref<10000x64xf32, #tpu.memory_space<vmem_shared>> -> memref<10000x64xf32, #tpu.memory_space<vmem_shared>>
    tpu.wait_indirect_dma semaphore(%arg38 : memref<!tpu.dma_semaphore, #tpu.memory_space<semaphore_mem>>) src(%arg16 : memref<80x64xf32, #tpu.memory_space<vmem>>) dst(%dma_wait3A_1040 : memref<10000x64xf32, #tpu.memory_space<vmem_shared>>)
    %dma_start3A_1041 = arith.constant 16 : i32
    %dma_start3A_1042 = arith.constant 0 : i32
    %dma_start3A_1043 = tpu.memref_slice %arg7[%dma_start3A_1041, %dma_start3A_1042] : memref<125x80xi32, #tpu.memory_space<vmem>> -> memref<1x80xi32, #tpu.memory_space<vmem>>
    %dma_start3A_1044 = tpu.memref_squeeze %dma_start3A_1043 : memref<1x80xi32, #tpu.memory_space<vmem>> -> memref<80xi32, #tpu.memory_space<vmem>>
    %dma_start3A_1045 = arith.constant 0 : i32
    %dma_start3A_1046 = arith.constant 0 : i32
    %dma_start3A_1047 = tpu.memref_slice %arg2[%dma_start3A_1045, %dma_start3A_1046] : memref<160000x64xf32, #tpu.memory_space<hbm>> -> memref<160000x64xf32, #tpu.memory_space<hbm>>
    tpu.enqueue_indirect_dma source(%dma_start3A_1047 : memref<160000x64xf32, #tpu.memory_space<hbm>>) target(%arg16 : memref<80x64xf32, #tpu.memory_space<vmem>>) offsets(%dma_start3A_1044 : memref<80xi32, #tpu.memory_space<vmem>>) semaphore(%arg28 : memref<!tpu.dma_semaphore, #tpu.memory_space<semaphore_mem>>)
    %dma_wait3A_1048 = arith.constant 9 : i32
    %dma_wait3A_1049 = arith.constant 0 : i32
    %dma_wait3A_1050 = tpu.memref_slice %arg7[%dma_wait3A_1048, %dma_wait3A_1049] : memref<125x80xi32, #tpu.memory_space<vmem>> -> memref<1x80xi32, #tpu.memory_space<vmem>>
    %dma_wait3A_1051 = tpu.memref_squeeze %dma_wait3A_1050 : memref<1x80xi32, #tpu.memory_space<vmem>> -> memref<80xi32, #tpu.memory_space<vmem>>
    %dma_wait3A_1052 = arith.constant 0 : i32
    %dma_wait3A_1053 = arith.constant 0 : i32
    %dma_wait3A_1054 = tpu.memref_slice %arg2[%dma_wait3A_1052, %dma_wait3A_1053] : memref<160000x64xf32, #tpu.memory_space<hbm>> -> memref<160000x64xf32, #tpu.memory_space<hbm>>
    tpu.wait_indirect_dma semaphore(%arg31 : memref<!tpu.dma_semaphore, #tpu.memory_space<semaphore_mem>>) src(%dma_wait3A_1054 : memref<160000x64xf32, #tpu.memory_space<hbm>>) dst(%arg19 : memref<80x64xf32, #tpu.memory_space<vmem>>)
    %dma_start3A_1055 = arith.constant 9 : i32
    %dma_start3A_1056 = arith.constant 0 : i32
    %dma_start3A_1057 = tpu.memref_slice %arg9[%dma_start3A_1055, %dma_start3A_1056] : memref<125x80xi32, #tpu.memory_space<vmem>> -> memref<1x80xi32, #tpu.memory_space<vmem>>
    %dma_start3A_1058 = tpu.memref_squeeze %dma_start3A_1057 : memref<1x80xi32, #tpu.memory_space<vmem>> -> memref<80xi32, #tpu.memory_space<vmem>>
    %dma_start3A_1059 = arith.constant 0 : i32
    %dma_start3A_1060 = arith.constant 0 : i32
    %dma_start3A_1061 = tpu.memref_slice %arg21[%dma_start3A_1059, %dma_start3A_1060] : memref<10000x64xf32, #tpu.memory_space<vmem_shared>> -> memref<10000x64xf32, #tpu.memory_space<vmem_shared>>
    tpu.enqueue_indirect_dma source(%arg19 : memref<80x64xf32, #tpu.memory_space<vmem>>) target(%dma_start3A_1061 : memref<10000x64xf32, #tpu.memory_space<vmem_shared>>) offsets(%dma_start3A_1058 : memref<80xi32, #tpu.memory_space<vmem>>) semaphore(%arg41 : memref<!tpu.dma_semaphore, #tpu.memory_space<semaphore_mem>>) {add = true}
    %dma_wait3A_1062 = arith.constant 7 : i32
    %dma_wait3A_1063 = arith.constant 0 : i32
    %dma_wait3A_1064 = tpu.memref_slice %arg9[%dma_wait3A_1062, %dma_wait3A_1063] : memref<125x80xi32, #tpu.memory_space<vmem>> -> memref<1x80xi32, #tpu.memory_space<vmem>>
    %dma_wait3A_1065 = tpu.memref_squeeze %dma_wait3A_1064 : memref<1x80xi32, #tpu.memory_space<vmem>> -> memref<80xi32, #tpu.memory_space<vmem>>
    %dma_wait3A_1066 = arith.constant 0 : i32
    %dma_wait3A_1067 = arith.constant 0 : i32
    %dma_wait3A_1068 = tpu.memref_slice %arg21[%dma_wait3A_1066, %dma_wait3A_1067] : memref<10000x64xf32, #tpu.memory_space<vmem_shared>> -> memref<10000x64xf32, #tpu.memory_space<vmem_shared>>
    tpu.wait_indirect_dma semaphore(%arg39 : memref<!tpu.dma_semaphore, #tpu.memory_space<semaphore_mem>>) src(%arg17 : memref<80x64xf32, #tpu.memory_space<vmem>>) dst(%dma_wait3A_1068 : memref<10000x64xf32, #tpu.memory_space<vmem_shared>>)
    %dma_start3A_1069 = arith.constant 17 : i32
    %dma_start3A_1070 = arith.constant 0 : i32
    %dma_start3A_1071 = tpu.memref_slice %arg7[%dma_start3A_1069, %dma_start3A_1070] : memref<125x80xi32, #tpu.memory_space<vmem>> -> memref<1x80xi32, #tpu.memory_space<vmem>>
    %dma_start3A_1072 = tpu.memref_squeeze %dma_start3A_1071 : memref<1x80xi32, #tpu.memory_space<vmem>> -> memref<80xi32, #tpu.memory_space<vmem>>
    %dma_start3A_1073 = arith.constant 0 : i32
    %dma_start3A_1074 = arith.constant 0 : i32
    %dma_start3A_1075 = tpu.memref_slice %arg2[%dma_start3A_1073, %dma_start3A_1074] : memref<160000x64xf32, #tpu.memory_space<hbm>> -> memref<160000x64xf32, #tpu.memory_space<hbm>>
    tpu.enqueue_indirect_dma source(%dma_start3A_1075 : memref<160000x64xf32, #tpu.memory_space<hbm>>) target(%arg17 : memref<80x64xf32, #tpu.memory_space<vmem>>) offsets(%dma_start3A_1072 : memref<80xi32, #tpu.memory_space<vmem>>) semaphore(%arg29 : memref<!tpu.dma_semaphore, #tpu.memory_space<semaphore_mem>>)
    %scan3A_1076 = arith.constant 0 : i32
    %scan3A_1077 = arith.constant 1 : i32
    %scan3A_1078 = arith.constant 10 : i32
    %scan3A_1079 = arith.addi %scan3A_1077, %scan3A_1078 : i32
    %scan3A_1080 = arith.constant 1 : i32
    scf.for %scan3A_1467 = %scan3A_1077 to %scan3A_1079 step %scan3A_1080  : i32 {
      %mul3A_1468 = arith.constant 10 : i32
      %mul3A_1469 = arith.muli %scan3A_1467, %mul3A_1468 : i32
      %add3A_1470 = arith.constant 0 : i32
      %add3A_1471 = arith.addi %mul3A_1469, %add3A_1470 : i32
      %dma_wait3A_1472 = arith.constant 0 : i32
      %dma_wait3A_1473 = tpu.memref_slice %arg7[%add3A_1471, %dma_wait3A_1472] : memref<125x80xi32, #tpu.memory_space<vmem>> -> memref<1x80xi32, #tpu.memory_space<vmem>>
      %dma_wait3A_1474 = tpu.memref_squeeze %dma_wait3A_1473 : memref<1x80xi32, #tpu.memory_space<vmem>> -> memref<80xi32, #tpu.memory_space<vmem>>
      %dma_wait3A_1475 = arith.constant 0 : i32
      %dma_wait3A_1476 = arith.constant 0 : i32
      %dma_wait3A_1477 = tpu.memref_slice %arg2[%dma_wait3A_1475, %dma_wait3A_1476] : memref<160000x64xf32, #tpu.memory_space<hbm>> -> memref<160000x64xf32, #tpu.memory_space<hbm>>
      tpu.wait_indirect_dma semaphore(%arg22 : memref<!tpu.dma_semaphore, #tpu.memory_space<semaphore_mem>>) src(%dma_wait3A_1477 : memref<160000x64xf32, #tpu.memory_space<hbm>>) dst(%arg10 : memref<80x64xf32, #tpu.memory_space<vmem>>)
      %dma_start3A_1478 = arith.constant 0 : i32
      %dma_start3A_1479 = tpu.memref_slice %arg9[%add3A_1471, %dma_start3A_1478] : memref<125x80xi32, #tpu.memory_space<vmem>> -> memref<1x80xi32, #tpu.memory_space<vmem>>
      %dma_start3A_1480 = tpu.memref_squeeze %dma_start3A_1479 : memref<1x80xi32, #tpu.memory_space<vmem>> -> memref<80xi32, #tpu.memory_space<vmem>>
      %dma_start3A_1481 = arith.constant 0 : i32
      %dma_start3A_1482 = arith.constant 0 : i32
      %dma_start3A_1483 = tpu.memref_slice %arg21[%dma_start3A_1481, %dma_start3A_1482] : memref<10000x64xf32, #tpu.memory_space<vmem_shared>> -> memref<10000x64xf32, #tpu.memory_space<vmem_shared>>
      tpu.enqueue_indirect_dma source(%arg10 : memref<80x64xf32, #tpu.memory_space<vmem>>) target(%dma_start3A_1483 : memref<10000x64xf32, #tpu.memory_space<vmem_shared>>) offsets(%dma_start3A_1480 : memref<80xi32, #tpu.memory_space<vmem>>) semaphore(%arg32 : memref<!tpu.dma_semaphore, #tpu.memory_space<semaphore_mem>>) {add = true}
      %sub3A = arith.constant 2 : i32
      %sub3A_1484 = arith.subi %add3A_1471, %sub3A : i32
      %dma_wait3A_1485 = arith.constant 0 : i32
      %dma_wait3A_1486 = tpu.memref_slice %arg9[%sub3A_1484, %dma_wait3A_1485] : memref<125x80xi32, #tpu.memory_space<vmem>> -> memref<1x80xi32, #tpu.memory_space<vmem>>
      %dma_wait3A_1487 = tpu.memref_squeeze %dma_wait3A_1486 : memref<1x80xi32, #tpu.memory_space<vmem>> -> memref<80xi32, #tpu.memory_space<vmem>>
      %dma_wait3A_1488 = arith.constant 0 : i32
      %dma_wait3A_1489 = arith.constant 0 : i32
      %dma_wait3A_1490 = tpu.memref_slice %arg21[%dma_wait3A_1488, %dma_wait3A_1489] : memref<10000x64xf32, #tpu.memory_space<vmem_shared>> -> memref<10000x64xf32, #tpu.memory_space<vmem_shared>>
      tpu.wait_indirect_dma semaphore(%arg40 : memref<!tpu.dma_semaphore, #tpu.memory_space<semaphore_mem>>) src(%arg18 : memref<80x64xf32, #tpu.memory_space<vmem>>) dst(%dma_wait3A_1490 : memref<10000x64xf32, #tpu.memory_space<vmem_shared>>)
      %add3A_1491 = arith.constant 8 : i32
      %add3A_1492 = arith.addi %add3A_1471, %add3A_1491 : i32
      %dma_start3A_1493 = arith.constant 0 : i32
      %dma_start3A_1494 = tpu.memref_slice %arg7[%add3A_1492, %dma_start3A_1493] : memref<125x80xi32, #tpu.memory_space<vmem>> -> memref<1x80xi32, #tpu.memory_space<vmem>>
      %dma_start3A_1495 = tpu.memref_squeeze %dma_start3A_1494 : memref<1x80xi32, #tpu.memory_space<vmem>> -> memref<80xi32, #tpu.memory_space<vmem>>
      %dma_start3A_1496 = arith.constant 0 : i32
      %dma_start3A_1497 = arith.constant 0 : i32
      %dma_start3A_1498 = tpu.memref_slice %arg2[%dma_start3A_1496, %dma_start3A_1497] : memref<160000x64xf32, #tpu.memory_space<hbm>> -> memref<160000x64xf32, #tpu.memory_space<hbm>>
      tpu.enqueue_indirect_dma source(%dma_start3A_1498 : memref<160000x64xf32, #tpu.memory_space<hbm>>) target(%arg18 : memref<80x64xf32, #tpu.memory_space<vmem>>) offsets(%dma_start3A_1495 : memref<80xi32, #tpu.memory_space<vmem>>) semaphore(%arg30 : memref<!tpu.dma_semaphore, #tpu.memory_space<semaphore_mem>>)
      %add3A_1499 = arith.constant 1 : i32
      %add3A_1500 = arith.addi %mul3A_1469, %add3A_1499 : i32
      %dma_wait3A_1501 = arith.constant 0 : i32
      %dma_wait3A_1502 = tpu.memref_slice %arg7[%add3A_1500, %dma_wait3A_1501] : memref<125x80xi32, #tpu.memory_space<vmem>> -> memref<1x80xi32, #tpu.memory_space<vmem>>
      %dma_wait3A_1503 = tpu.memref_squeeze %dma_wait3A_1502 : memref<1x80xi32, #tpu.memory_space<vmem>> -> memref<80xi32, #tpu.memory_space<vmem>>
      %dma_wait3A_1504 = arith.constant 0 : i32
      %dma_wait3A_1505 = arith.constant 0 : i32
      %dma_wait3A_1506 = tpu.memref_slice %arg2[%dma_wait3A_1504, %dma_wait3A_1505] : memref<160000x64xf32, #tpu.memory_space<hbm>> -> memref<160000x64xf32, #tpu.memory_space<hbm>>
      tpu.wait_indirect_dma semaphore(%arg23 : memref<!tpu.dma_semaphore, #tpu.memory_space<semaphore_mem>>) src(%dma_wait3A_1506 : memref<160000x64xf32, #tpu.memory_space<hbm>>) dst(%arg11 : memref<80x64xf32, #tpu.memory_space<vmem>>)
      %dma_start3A_1507 = arith.constant 0 : i32
      %dma_start3A_1508 = tpu.memref_slice %arg9[%add3A_1500, %dma_start3A_1507] : memref<125x80xi32, #tpu.memory_space<vmem>> -> memref<1x80xi32, #tpu.memory_space<vmem>>
      %dma_start3A_1509 = tpu.memref_squeeze %dma_start3A_1508 : memref<1x80xi32, #tpu.memory_space<vmem>> -> memref<80xi32, #tpu.memory_space<vmem>>
      %dma_start3A_1510 = arith.constant 0 : i32
      %dma_start3A_1511 = arith.constant 0 : i32
      %dma_start3A_1512 = tpu.memref_slice %arg21[%dma_start3A_1510, %dma_start3A_1511] : memref<10000x64xf32, #tpu.memory_space<vmem_shared>> -> memref<10000x64xf32, #tpu.memory_space<vmem_shared>>
      tpu.enqueue_indirect_dma source(%arg11 : memref<80x64xf32, #tpu.memory_space<vmem>>) target(%dma_start3A_1512 : memref<10000x64xf32, #tpu.memory_space<vmem_shared>>) offsets(%dma_start3A_1509 : memref<80xi32, #tpu.memory_space<vmem>>) semaphore(%arg33 : memref<!tpu.dma_semaphore, #tpu.memory_space<semaphore_mem>>) {add = true}
      %sub3A_1513 = arith.constant 2 : i32
      %sub3A_1514 = arith.subi %add3A_1500, %sub3A_1513 : i32
      %dma_wait3A_1515 = arith.constant 0 : i32
      %dma_wait3A_1516 = tpu.memref_slice %arg9[%sub3A_1514, %dma_wait3A_1515] : memref<125x80xi32, #tpu.memory_space<vmem>> -> memref<1x80xi32, #tpu.memory_space<vmem>>
      %dma_wait3A_1517 = tpu.memref_squeeze %dma_wait3A_1516 : memref<1x80xi32, #tpu.memory_space<vmem>> -> memref<80xi32, #tpu.memory_space<vmem>>
      %dma_wait3A_1518 = arith.constant 0 : i32
      %dma_wait3A_1519 = arith.constant 0 : i32
      %dma_wait3A_1520 = tpu.memref_slice %arg21[%dma_wait3A_1518, %dma_wait3A_1519] : memref<10000x64xf32, #tpu.memory_space<vmem_shared>> -> memref<10000x64xf32, #tpu.memory_space<vmem_shared>>
      tpu.wait_indirect_dma semaphore(%arg41 : memref<!tpu.dma_semaphore, #tpu.memory_space<semaphore_mem>>) src(%arg19 : memref<80x64xf32, #tpu.memory_space<vmem>>) dst(%dma_wait3A_1520 : memref<10000x64xf32, #tpu.memory_space<vmem_shared>>)
      %add3A_1521 = arith.constant 8 : i32
      %add3A_1522 = arith.addi %add3A_1500, %add3A_1521 : i32
      %dma_start3A_1523 = arith.constant 0 : i32
      %dma_start3A_1524 = tpu.memref_slice %arg7[%add3A_1522, %dma_start3A_1523] : memref<125x80xi32, #tpu.memory_space<vmem>> -> memref<1x80xi32, #tpu.memory_space<vmem>>
      %dma_start3A_1525 = tpu.memref_squeeze %dma_start3A_1524 : memref<1x80xi32, #tpu.memory_space<vmem>> -> memref<80xi32, #tpu.memory_space<vmem>>
      %dma_start3A_1526 = arith.constant 0 : i32
      %dma_start3A_1527 = arith.constant 0 : i32
      %dma_start3A_1528 = tpu.memref_slice %arg2[%dma_start3A_1526, %dma_start3A_1527] : memref<160000x64xf32, #tpu.memory_space<hbm>> -> memref<160000x64xf32, #tpu.memory_space<hbm>>
      tpu.enqueue_indirect_dma source(%dma_start3A_1528 : memref<160000x64xf32, #tpu.memory_space<hbm>>) target(%arg19 : memref<80x64xf32, #tpu.memory_space<vmem>>) offsets(%dma_start3A_1525 : memref<80xi32, #tpu.memory_space<vmem>>) semaphore(%arg31 : memref<!tpu.dma_semaphore, #tpu.memory_space<semaphore_mem>>)
      %add3A_1529 = arith.constant 2 : i32
      %add3A_1530 = arith.addi %mul3A_1469, %add3A_1529 : i32
      %dma_wait3A_1531 = arith.constant 0 : i32
      %dma_wait3A_1532 = tpu.memref_slice %arg7[%add3A_1530, %dma_wait3A_1531] : memref<125x80xi32, #tpu.memory_space<vmem>> -> memref<1x80xi32, #tpu.memory_space<vmem>>
      %dma_wait3A_1533 = tpu.memref_squeeze %dma_wait3A_1532 : memref<1x80xi32, #tpu.memory_space<vmem>> -> memref<80xi32, #tpu.memory_space<vmem>>
      %dma_wait3A_1534 = arith.constant 0 : i32
      %dma_wait3A_1535 = arith.constant 0 : i32
      %dma_wait3A_1536 = tpu.memref_slice %arg2[%dma_wait3A_1534, %dma_wait3A_1535] : memref<160000x64xf32, #tpu.memory_space<hbm>> -> memref<160000x64xf32, #tpu.memory_space<hbm>>
      tpu.wait_indirect_dma semaphore(%arg24 : memref<!tpu.dma_semaphore, #tpu.memory_space<semaphore_mem>>) src(%dma_wait3A_1536 : memref<160000x64xf32, #tpu.memory_space<hbm>>) dst(%arg12 : memref<80x64xf32, #tpu.memory_space<vmem>>)
      %dma_start3A_1537 = arith.constant 0 : i32
      %dma_start3A_1538 = tpu.memref_slice %arg9[%add3A_1530, %dma_start3A_1537] : memref<125x80xi32, #tpu.memory_space<vmem>> -> memref<1x80xi32, #tpu.memory_space<vmem>>
      %dma_start3A_1539 = tpu.memref_squeeze %dma_start3A_1538 : memref<1x80xi32, #tpu.memory_space<vmem>> -> memref<80xi32, #tpu.memory_space<vmem>>
      %dma_start3A_1540 = arith.constant 0 : i32
      %dma_start3A_1541 = arith.constant 0 : i32
      %dma_start3A_1542 = tpu.memref_slice %arg21[%dma_start3A_1540, %dma_start3A_1541] : memref<10000x64xf32, #tpu.memory_space<vmem_shared>> -> memref<10000x64xf32, #tpu.memory_space<vmem_shared>>
      tpu.enqueue_indirect_dma source(%arg12 : memref<80x64xf32, #tpu.memory_space<vmem>>) target(%dma_start3A_1542 : memref<10000x64xf32, #tpu.memory_space<vmem_shared>>) offsets(%dma_start3A_1539 : memref<80xi32, #tpu.memory_space<vmem>>) semaphore(%arg34 : memref<!tpu.dma_semaphore, #tpu.memory_space<semaphore_mem>>) {add = true}
      %sub3A_1543 = arith.constant 2 : i32
      %sub3A_1544 = arith.subi %add3A_1530, %sub3A_1543 : i32
      %dma_wait3A_1545 = arith.constant 0 : i32
      %dma_wait3A_1546 = tpu.memref_slice %arg9[%sub3A_1544, %dma_wait3A_1545] : memref<125x80xi32, #tpu.memory_space<vmem>> -> memref<1x80xi32, #tpu.memory_space<vmem>>
      %dma_wait3A_1547 = tpu.memref_squeeze %dma_wait3A_1546 : memref<1x80xi32, #tpu.memory_space<vmem>> -> memref<80xi32, #tpu.memory_space<vmem>>
      %dma_wait3A_1548 = arith.constant 0 : i32
      %dma_wait3A_1549 = arith.constant 0 : i32
      %dma_wait3A_1550 = tpu.memref_slice %arg21[%dma_wait3A_1548, %dma_wait3A_1549] : memref<10000x64xf32, #tpu.memory_space<vmem_shared>> -> memref<10000x64xf32, #tpu.memory_space<vmem_shared>>
      tpu.wait_indirect_dma semaphore(%arg32 : memref<!tpu.dma_semaphore, #tpu.memory_space<semaphore_mem>>) src(%arg10 : memref<80x64xf32, #tpu.memory_space<vmem>>) dst(%dma_wait3A_1550 : memref<10000x64xf32, #tpu.memory_space<vmem_shared>>)
      %add3A_1551 = arith.constant 8 : i32
      %add3A_1552 = arith.addi %add3A_1530, %add3A_1551 : i32
      %dma_start3A_1553 = arith.constant 0 : i32
      %dma_start3A_1554 = tpu.memref_slice %arg7[%add3A_1552, %dma_start3A_1553] : memref<125x80xi32, #tpu.memory_space<vmem>> -> memref<1x80xi32, #tpu.memory_space<vmem>>
      %dma_start3A_1555 = tpu.memref_squeeze %dma_start3A_1554 : memref<1x80xi32, #tpu.memory_space<vmem>> -> memref<80xi32, #tpu.memory_space<vmem>>
      %dma_start3A_1556 = arith.constant 0 : i32
      %dma_start3A_1557 = arith.constant 0 : i32
      %dma_start3A_1558 = tpu.memref_slice %arg2[%dma_start3A_1556, %dma_start3A_1557] : memref<160000x64xf32, #tpu.memory_space<hbm>> -> memref<160000x64xf32, #tpu.memory_space<hbm>>
      tpu.enqueue_indirect_dma source(%dma_start3A_1558 : memref<160000x64xf32, #tpu.memory_space<hbm>>) target(%arg10 : memref<80x64xf32, #tpu.memory_space<vmem>>) offsets(%dma_start3A_1555 : memref<80xi32, #tpu.memory_space<vmem>>) semaphore(%arg22 : memref<!tpu.dma_semaphore, #tpu.memory_space<semaphore_mem>>)
      %add3A_1559 = arith.constant 3 : i32
      %add3A_1560 = arith.addi %mul3A_1469, %add3A_1559 : i32
      %dma_wait3A_1561 = arith.constant 0 : i32
      %dma_wait3A_1562 = tpu.memref_slice %arg7[%add3A_1560, %dma_wait3A_1561] : memref<125x80xi32, #tpu.memory_space<vmem>> -> memref<1x80xi32, #tpu.memory_space<vmem>>
      %dma_wait3A_1563 = tpu.memref_squeeze %dma_wait3A_1562 : memref<1x80xi32, #tpu.memory_space<vmem>> -> memref<80xi32, #tpu.memory_space<vmem>>
      %dma_wait3A_1564 = arith.constant 0 : i32
      %dma_wait3A_1565 = arith.constant 0 : i32
      %dma_wait3A_1566 = tpu.memref_slice %arg2[%dma_wait3A_1564, %dma_wait3A_1565] : memref<160000x64xf32, #tpu.memory_space<hbm>> -> memref<160000x64xf32, #tpu.memory_space<hbm>>
      tpu.wait_indirect_dma semaphore(%arg25 : memref<!tpu.dma_semaphore, #tpu.memory_space<semaphore_mem>>) src(%dma_wait3A_1566 : memref<160000x64xf32, #tpu.memory_space<hbm>>) dst(%arg13 : memref<80x64xf32, #tpu.memory_space<vmem>>)
      %dma_start3A_1567 = arith.constant 0 : i32
      %dma_start3A_1568 = tpu.memref_slice %arg9[%add3A_1560, %dma_start3A_1567] : memref<125x80xi32, #tpu.memory_space<vmem>> -> memref<1x80xi32, #tpu.memory_space<vmem>>
      %dma_start3A_1569 = tpu.memref_squeeze %dma_start3A_1568 : memref<1x80xi32, #tpu.memory_space<vmem>> -> memref<80xi32, #tpu.memory_space<vmem>>
      %dma_start3A_1570 = arith.constant 0 : i32
      %dma_start3A_1571 = arith.constant 0 : i32
      %dma_start3A_1572 = tpu.memref_slice %arg21[%dma_start3A_1570, %dma_start3A_1571] : memref<10000x64xf32, #tpu.memory_space<vmem_shared>> -> memref<10000x64xf32, #tpu.memory_space<vmem_shared>>
      tpu.enqueue_indirect_dma source(%arg13 : memref<80x64xf32, #tpu.memory_space<vmem>>) target(%dma_start3A_1572 : memref<10000x64xf32, #tpu.memory_space<vmem_shared>>) offsets(%dma_start3A_1569 : memref<80xi32, #tpu.memory_space<vmem>>) semaphore(%arg35 : memref<!tpu.dma_semaphore, #tpu.memory_space<semaphore_mem>>) {add = true}
      %sub3A_1573 = arith.constant 2 : i32
      %sub3A_1574 = arith.subi %add3A_1560, %sub3A_1573 : i32
      %dma_wait3A_1575 = arith.constant 0 : i32
      %dma_wait3A_1576 = tpu.memref_slice %arg9[%sub3A_1574, %dma_wait3A_1575] : memref<125x80xi32, #tpu.memory_space<vmem>> -> memref<1x80xi32, #tpu.memory_space<vmem>>
      %dma_wait3A_1577 = tpu.memref_squeeze %dma_wait3A_1576 : memref<1x80xi32, #tpu.memory_space<vmem>> -> memref<80xi32, #tpu.memory_space<vmem>>
      %dma_wait3A_1578 = arith.constant 0 : i32
      %dma_wait3A_1579 = arith.constant 0 : i32
      %dma_wait3A_1580 = tpu.memref_slice %arg21[%dma_wait3A_1578, %dma_wait3A_1579] : memref<10000x64xf32, #tpu.memory_space<vmem_shared>> -> memref<10000x64xf32, #tpu.memory_space<vmem_shared>>
      tpu.wait_indirect_dma semaphore(%arg33 : memref<!tpu.dma_semaphore, #tpu.memory_space<semaphore_mem>>) src(%arg11 : memref<80x64xf32, #tpu.memory_space<vmem>>) dst(%dma_wait3A_1580 : memref<10000x64xf32, #tpu.memory_space<vmem_shared>>)
      %add3A_1581 = arith.constant 8 : i32
      %add3A_1582 = arith.addi %add3A_1560, %add3A_1581 : i32
      %dma_start3A_1583 = arith.constant 0 : i32
      %dma_start3A_1584 = tpu.memref_slice %arg7[%add3A_1582, %dma_start3A_1583] : memref<125x80xi32, #tpu.memory_space<vmem>> -> memref<1x80xi32, #tpu.memory_space<vmem>>
      %dma_start3A_1585 = tpu.memref_squeeze %dma_start3A_1584 : memref<1x80xi32, #tpu.memory_space<vmem>> -> memref<80xi32, #tpu.memory_space<vmem>>
      %dma_start3A_1586 = arith.constant 0 : i32
      %dma_start3A_1587 = arith.constant 0 : i32
      %dma_start3A_1588 = tpu.memref_slice %arg2[%dma_start3A_1586, %dma_start3A_1587] : memref<160000x64xf32, #tpu.memory_space<hbm>> -> memref<160000x64xf32, #tpu.memory_space<hbm>>
      tpu.enqueue_indirect_dma source(%dma_start3A_1588 : memref<160000x64xf32, #tpu.memory_space<hbm>>) target(%arg11 : memref<80x64xf32, #tpu.memory_space<vmem>>) offsets(%dma_start3A_1585 : memref<80xi32, #tpu.memory_space<vmem>>) semaphore(%arg23 : memref<!tpu.dma_semaphore, #tpu.memory_space<semaphore_mem>>)
      %add3A_1589 = arith.constant 4 : i32
      %add3A_1590 = arith.addi %mul3A_1469, %add3A_1589 : i32
      %dma_wait3A_1591 = arith.constant 0 : i32
      %dma_wait3A_1592 = tpu.memref_slice %arg7[%add3A_1590, %dma_wait3A_1591] : memref<125x80xi32, #tpu.memory_space<vmem>> -> memref<1x80xi32, #tpu.memory_space<vmem>>
      %dma_wait3A_1593 = tpu.memref_squeeze %dma_wait3A_1592 : memref<1x80xi32, #tpu.memory_space<vmem>> -> memref<80xi32, #tpu.memory_space<vmem>>
      %dma_wait3A_1594 = arith.constant 0 : i32
      %dma_wait3A_1595 = arith.constant 0 : i32
      %dma_wait3A_1596 = tpu.memref_slice %arg2[%dma_wait3A_1594, %dma_wait3A_1595] : memref<160000x64xf32, #tpu.memory_space<hbm>> -> memref<160000x64xf32, #tpu.memory_space<hbm>>
      tpu.wait_indirect_dma semaphore(%arg26 : memref<!tpu.dma_semaphore, #tpu.memory_space<semaphore_mem>>) src(%dma_wait3A_1596 : memref<160000x64xf32, #tpu.memory_space<hbm>>) dst(%arg14 : memref<80x64xf32, #tpu.memory_space<vmem>>)
      %dma_start3A_1597 = arith.constant 0 : i32
      %dma_start3A_1598 = tpu.memref_slice %arg9[%add3A_1590, %dma_start3A_1597] : memref<125x80xi32, #tpu.memory_space<vmem>> -> memref<1x80xi32, #tpu.memory_space<vmem>>
      %dma_start3A_1599 = tpu.memref_squeeze %dma_start3A_1598 : memref<1x80xi32, #tpu.memory_space<vmem>> -> memref<80xi32, #tpu.memory_space<vmem>>
      %dma_start3A_1600 = arith.constant 0 : i32
      %dma_start3A_1601 = arith.constant 0 : i32
      %dma_start3A_1602 = tpu.memref_slice %arg21[%dma_start3A_1600, %dma_start3A_1601] : memref<10000x64xf32, #tpu.memory_space<vmem_shared>> -> memref<10000x64xf32, #tpu.memory_space<vmem_shared>>
      tpu.enqueue_indirect_dma source(%arg14 : memref<80x64xf32, #tpu.memory_space<vmem>>) target(%dma_start3A_1602 : memref<10000x64xf32, #tpu.memory_space<vmem_shared>>) offsets(%dma_start3A_1599 : memref<80xi32, #tpu.memory_space<vmem>>) semaphore(%arg36 : memref<!tpu.dma_semaphore, #tpu.memory_space<semaphore_mem>>) {add = true}
      %sub3A_1603 = arith.constant 2 : i32
      %sub3A_1604 = arith.subi %add3A_1590, %sub3A_1603 : i32
      %dma_wait3A_1605 = arith.constant 0 : i32
      %dma_wait3A_1606 = tpu.memref_slice %arg9[%sub3A_1604, %dma_wait3A_1605] : memref<125x80xi32, #tpu.memory_space<vmem>> -> memref<1x80xi32, #tpu.memory_space<vmem>>
      %dma_wait3A_1607 = tpu.memref_squeeze %dma_wait3A_1606 : memref<1x80xi32, #tpu.memory_space<vmem>> -> memref<80xi32, #tpu.memory_space<vmem>>
      %dma_wait3A_1608 = arith.constant 0 : i32
      %dma_wait3A_1609 = arith.constant 0 : i32
      %dma_wait3A_1610 = tpu.memref_slice %arg21[%dma_wait3A_1608, %dma_wait3A_1609] : memref<10000x64xf32, #tpu.memory_space<vmem_shared>> -> memref<10000x64xf32, #tpu.memory_space<vmem_shared>>
      tpu.wait_indirect_dma semaphore(%arg34 : memref<!tpu.dma_semaphore, #tpu.memory_space<semaphore_mem>>) src(%arg12 : memref<80x64xf32, #tpu.memory_space<vmem>>) dst(%dma_wait3A_1610 : memref<10000x64xf32, #tpu.memory_space<vmem_shared>>)
      %add3A_1611 = arith.constant 8 : i32
      %add3A_1612 = arith.addi %add3A_1590, %add3A_1611 : i32
      %dma_start3A_1613 = arith.constant 0 : i32
      %dma_start3A_1614 = tpu.memref_slice %arg7[%add3A_1612, %dma_start3A_1613] : memref<125x80xi32, #tpu.memory_space<vmem>> -> memref<1x80xi32, #tpu.memory_space<vmem>>
      %dma_start3A_1615 = tpu.memref_squeeze %dma_start3A_1614 : memref<1x80xi32, #tpu.memory_space<vmem>> -> memref<80xi32, #tpu.memory_space<vmem>>
      %dma_start3A_1616 = arith.constant 0 : i32
      %dma_start3A_1617 = arith.constant 0 : i32
      %dma_start3A_1618 = tpu.memref_slice %arg2[%dma_start3A_1616, %dma_start3A_1617] : memref<160000x64xf32, #tpu.memory_space<hbm>> -> memref<160000x64xf32, #tpu.memory_space<hbm>>
      tpu.enqueue_indirect_dma source(%dma_start3A_1618 : memref<160000x64xf32, #tpu.memory_space<hbm>>) target(%arg12 : memref<80x64xf32, #tpu.memory_space<vmem>>) offsets(%dma_start3A_1615 : memref<80xi32, #tpu.memory_space<vmem>>) semaphore(%arg24 : memref<!tpu.dma_semaphore, #tpu.memory_space<semaphore_mem>>)
      %add3A_1619 = arith.constant 5 : i32
      %add3A_1620 = arith.addi %mul3A_1469, %add3A_1619 : i32
      %dma_wait3A_1621 = arith.constant 0 : i32
      %dma_wait3A_1622 = tpu.memref_slice %arg7[%add3A_1620, %dma_wait3A_1621] : memref<125x80xi32, #tpu.memory_space<vmem>> -> memref<1x80xi32, #tpu.memory_space<vmem>>
      %dma_wait3A_1623 = tpu.memref_squeeze %dma_wait3A_1622 : memref<1x80xi32, #tpu.memory_space<vmem>> -> memref<80xi32, #tpu.memory_space<vmem>>
      %dma_wait3A_1624 = arith.constant 0 : i32
      %dma_wait3A_1625 = arith.constant 0 : i32
      %dma_wait3A_1626 = tpu.memref_slice %arg2[%dma_wait3A_1624, %dma_wait3A_1625] : memref<160000x64xf32, #tpu.memory_space<hbm>> -> memref<160000x64xf32, #tpu.memory_space<hbm>>
      tpu.wait_indirect_dma semaphore(%arg27 : memref<!tpu.dma_semaphore, #tpu.memory_space<semaphore_mem>>) src(%dma_wait3A_1626 : memref<160000x64xf32, #tpu.memory_space<hbm>>) dst(%arg15 : memref<80x64xf32, #tpu.memory_space<vmem>>)
      %dma_start3A_1627 = arith.constant 0 : i32
      %dma_start3A_1628 = tpu.memref_slice %arg9[%add3A_1620, %dma_start3A_1627] : memref<125x80xi32, #tpu.memory_space<vmem>> -> memref<1x80xi32, #tpu.memory_space<vmem>>
      %dma_start3A_1629 = tpu.memref_squeeze %dma_start3A_1628 : memref<1x80xi32, #tpu.memory_space<vmem>> -> memref<80xi32, #tpu.memory_space<vmem>>
      %dma_start3A_1630 = arith.constant 0 : i32
      %dma_start3A_1631 = arith.constant 0 : i32
      %dma_start3A_1632 = tpu.memref_slice %arg21[%dma_start3A_1630, %dma_start3A_1631] : memref<10000x64xf32, #tpu.memory_space<vmem_shared>> -> memref<10000x64xf32, #tpu.memory_space<vmem_shared>>
      tpu.enqueue_indirect_dma source(%arg15 : memref<80x64xf32, #tpu.memory_space<vmem>>) target(%dma_start3A_1632 : memref<10000x64xf32, #tpu.memory_space<vmem_shared>>) offsets(%dma_start3A_1629 : memref<80xi32, #tpu.memory_space<vmem>>) semaphore(%arg37 : memref<!tpu.dma_semaphore, #tpu.memory_space<semaphore_mem>>) {add = true}
      %sub3A_1633 = arith.constant 2 : i32
      %sub3A_1634 = arith.subi %add3A_1620, %sub3A_1633 : i32
      %dma_wait3A_1635 = arith.constant 0 : i32
      %dma_wait3A_1636 = tpu.memref_slice %arg9[%sub3A_1634, %dma_wait3A_1635] : memref<125x80xi32, #tpu.memory_space<vmem>> -> memref<1x80xi32, #tpu.memory_space<vmem>>
      %dma_wait3A_1637 = tpu.memref_squeeze %dma_wait3A_1636 : memref<1x80xi32, #tpu.memory_space<vmem>> -> memref<80xi32, #tpu.memory_space<vmem>>
      %dma_wait3A_1638 = arith.constant 0 : i32
      %dma_wait3A_1639 = arith.constant 0 : i32
      %dma_wait3A_1640 = tpu.memref_slice %arg21[%dma_wait3A_1638, %dma_wait3A_1639] : memref<10000x64xf32, #tpu.memory_space<vmem_shared>> -> memref<10000x64xf32, #tpu.memory_space<vmem_shared>>
      tpu.wait_indirect_dma semaphore(%arg35 : memref<!tpu.dma_semaphore, #tpu.memory_space<semaphore_mem>>) src(%arg13 : memref<80x64xf32, #tpu.memory_space<vmem>>) dst(%dma_wait3A_1640 : memref<10000x64xf32, #tpu.memory_space<vmem_shared>>)
      %add3A_1641 = arith.constant 8 : i32
      %add3A_1642 = arith.addi %add3A_1620, %add3A_1641 : i32
      %dma_start3A_1643 = arith.constant 0 : i32
      %dma_start3A_1644 = tpu.memref_slice %arg7[%add3A_1642, %dma_start3A_1643] : memref<125x80xi32, #tpu.memory_space<vmem>> -> memref<1x80xi32, #tpu.memory_space<vmem>>
      %dma_start3A_1645 = tpu.memref_squeeze %dma_start3A_1644 : memref<1x80xi32, #tpu.memory_space<vmem>> -> memref<80xi32, #tpu.memory_space<vmem>>
      %dma_start3A_1646 = arith.constant 0 : i32
      %dma_start3A_1647 = arith.constant 0 : i32
      %dma_start3A_1648 = tpu.memref_slice %arg2[%dma_start3A_1646, %dma_start3A_1647] : memref<160000x64xf32, #tpu.memory_space<hbm>> -> memref<160000x64xf32, #tpu.memory_space<hbm>>
      tpu.enqueue_indirect_dma source(%dma_start3A_1648 : memref<160000x64xf32, #tpu.memory_space<hbm>>) target(%arg13 : memref<80x64xf32, #tpu.memory_space<vmem>>) offsets(%dma_start3A_1645 : memref<80xi32, #tpu.memory_space<vmem>>) semaphore(%arg25 : memref<!tpu.dma_semaphore, #tpu.memory_space<semaphore_mem>>)
      %add3A_1649 = arith.constant 6 : i32
      %add3A_1650 = arith.addi %mul3A_1469, %add3A_1649 : i32
      %dma_wait3A_1651 = arith.constant 0 : i32
      %dma_wait3A_1652 = tpu.memref_slice %arg7[%add3A_1650, %dma_wait3A_1651] : memref<125x80xi32, #tpu.memory_space<vmem>> -> memref<1x80xi32, #tpu.memory_space<vmem>>
      %dma_wait3A_1653 = tpu.memref_squeeze %dma_wait3A_1652 : memref<1x80xi32, #tpu.memory_space<vmem>> -> memref<80xi32, #tpu.memory_space<vmem>>
      %dma_wait3A_1654 = arith.constant 0 : i32
      %dma_wait3A_1655 = arith.constant 0 : i32
      %dma_wait3A_1656 = tpu.memref_slice %arg2[%dma_wait3A_1654, %dma_wait3A_1655] : memref<160000x64xf32, #tpu.memory_space<hbm>> -> memref<160000x64xf32, #tpu.memory_space<hbm>>
      tpu.wait_indirect_dma semaphore(%arg28 : memref<!tpu.dma_semaphore, #tpu.memory_space<semaphore_mem>>) src(%dma_wait3A_1656 : memref<160000x64xf32, #tpu.memory_space<hbm>>) dst(%arg16 : memref<80x64xf32, #tpu.memory_space<vmem>>)
      %dma_start3A_1657 = arith.constant 0 : i32
      %dma_start3A_1658 = tpu.memref_slice %arg9[%add3A_1650, %dma_start3A_1657] : memref<125x80xi32, #tpu.memory_space<vmem>> -> memref<1x80xi32, #tpu.memory_space<vmem>>
      %dma_start3A_1659 = tpu.memref_squeeze %dma_start3A_1658 : memref<1x80xi32, #tpu.memory_space<vmem>> -> memref<80xi32, #tpu.memory_space<vmem>>
      %dma_start3A_1660 = arith.constant 0 : i32
      %dma_start3A_1661 = arith.constant 0 : i32
      %dma_start3A_1662 = tpu.memref_slice %arg21[%dma_start3A_1660, %dma_start3A_1661] : memref<10000x64xf32, #tpu.memory_space<vmem_shared>> -> memref<10000x64xf32, #tpu.memory_space<vmem_shared>>
      tpu.enqueue_indirect_dma source(%arg16 : memref<80x64xf32, #tpu.memory_space<vmem>>) target(%dma_start3A_1662 : memref<10000x64xf32, #tpu.memory_space<vmem_shared>>) offsets(%dma_start3A_1659 : memref<80xi32, #tpu.memory_space<vmem>>) semaphore(%arg38 : memref<!tpu.dma_semaphore, #tpu.memory_space<semaphore_mem>>) {add = true}
      %sub3A_1663 = arith.constant 2 : i32
      %sub3A_1664 = arith.subi %add3A_1650, %sub3A_1663 : i32
      %dma_wait3A_1665 = arith.constant 0 : i32
      %dma_wait3A_1666 = tpu.memref_slice %arg9[%sub3A_1664, %dma_wait3A_1665] : memref<125x80xi32, #tpu.memory_space<vmem>> -> memref<1x80xi32, #tpu.memory_space<vmem>>
      %dma_wait3A_1667 = tpu.memref_squeeze %dma_wait3A_1666 : memref<1x80xi32, #tpu.memory_space<vmem>> -> memref<80xi32, #tpu.memory_space<vmem>>
      %dma_wait3A_1668 = arith.constant 0 : i32
      %dma_wait3A_1669 = arith.constant 0 : i32
      %dma_wait3A_1670 = tpu.memref_slice %arg21[%dma_wait3A_1668, %dma_wait3A_1669] : memref<10000x64xf32, #tpu.memory_space<vmem_shared>> -> memref<10000x64xf32, #tpu.memory_space<vmem_shared>>
      tpu.wait_indirect_dma semaphore(%arg36 : memref<!tpu.dma_semaphore, #tpu.memory_space<semaphore_mem>>) src(%arg14 : memref<80x64xf32, #tpu.memory_space<vmem>>) dst(%dma_wait3A_1670 : memref<10000x64xf32, #tpu.memory_space<vmem_shared>>)
      %add3A_1671 = arith.constant 8 : i32
      %add3A_1672 = arith.addi %add3A_1650, %add3A_1671 : i32
      %dma_start3A_1673 = arith.constant 0 : i32
      %dma_start3A_1674 = tpu.memref_slice %arg7[%add3A_1672, %dma_start3A_1673] : memref<125x80xi32, #tpu.memory_space<vmem>> -> memref<1x80xi32, #tpu.memory_space<vmem>>
      %dma_start3A_1675 = tpu.memref_squeeze %dma_start3A_1674 : memref<1x80xi32, #tpu.memory_space<vmem>> -> memref<80xi32, #tpu.memory_space<vmem>>
      %dma_start3A_1676 = arith.constant 0 : i32
      %dma_start3A_1677 = arith.constant 0 : i32
      %dma_start3A_1678 = tpu.memref_slice %arg2[%dma_start3A_1676, %dma_start3A_1677] : memref<160000x64xf32, #tpu.memory_space<hbm>> -> memref<160000x64xf32, #tpu.memory_space<hbm>>
      tpu.enqueue_indirect_dma source(%dma_start3A_1678 : memref<160000x64xf32, #tpu.memory_space<hbm>>) target(%arg14 : memref<80x64xf32, #tpu.memory_space<vmem>>) offsets(%dma_start3A_1675 : memref<80xi32, #tpu.memory_space<vmem>>) semaphore(%arg26 : memref<!tpu.dma_semaphore, #tpu.memory_space<semaphore_mem>>)
      %add3A_1679 = arith.constant 7 : i32
      %add3A_1680 = arith.addi %mul3A_1469, %add3A_1679 : i32
      %dma_wait3A_1681 = arith.constant 0 : i32
      %dma_wait3A_1682 = tpu.memref_slice %arg7[%add3A_1680, %dma_wait3A_1681] : memref<125x80xi32, #tpu.memory_space<vmem>> -> memref<1x80xi32, #tpu.memory_space<vmem>>
      %dma_wait3A_1683 = tpu.memref_squeeze %dma_wait3A_1682 : memref<1x80xi32, #tpu.memory_space<vmem>> -> memref<80xi32, #tpu.memory_space<vmem>>
      %dma_wait3A_1684 = arith.constant 0 : i32
      %dma_wait3A_1685 = arith.constant 0 : i32
      %dma_wait3A_1686 = tpu.memref_slice %arg2[%dma_wait3A_1684, %dma_wait3A_1685] : memref<160000x64xf32, #tpu.memory_space<hbm>> -> memref<160000x64xf32, #tpu.memory_space<hbm>>
      tpu.wait_indirect_dma semaphore(%arg29 : memref<!tpu.dma_semaphore, #tpu.memory_space<semaphore_mem>>) src(%dma_wait3A_1686 : memref<160000x64xf32, #tpu.memory_space<hbm>>) dst(%arg17 : memref<80x64xf32, #tpu.memory_space<vmem>>)
      %dma_start3A_1687 = arith.constant 0 : i32
      %dma_start3A_1688 = tpu.memref_slice %arg9[%add3A_1680, %dma_start3A_1687] : memref<125x80xi32, #tpu.memory_space<vmem>> -> memref<1x80xi32, #tpu.memory_space<vmem>>
      %dma_start3A_1689 = tpu.memref_squeeze %dma_start3A_1688 : memref<1x80xi32, #tpu.memory_space<vmem>> -> memref<80xi32, #tpu.memory_space<vmem>>
      %dma_start3A_1690 = arith.constant 0 : i32
      %dma_start3A_1691 = arith.constant 0 : i32
      %dma_start3A_1692 = tpu.memref_slice %arg21[%dma_start3A_1690, %dma_start3A_1691] : memref<10000x64xf32, #tpu.memory_space<vmem_shared>> -> memref<10000x64xf32, #tpu.memory_space<vmem_shared>>
      tpu.enqueue_indirect_dma source(%arg17 : memref<80x64xf32, #tpu.memory_space<vmem>>) target(%dma_start3A_1692 : memref<10000x64xf32, #tpu.memory_space<vmem_shared>>) offsets(%dma_start3A_1689 : memref<80xi32, #tpu.memory_space<vmem>>) semaphore(%arg39 : memref<!tpu.dma_semaphore, #tpu.memory_space<semaphore_mem>>) {add = true}
      %sub3A_1693 = arith.constant 2 : i32
      %sub3A_1694 = arith.subi %add3A_1680, %sub3A_1693 : i32
      %dma_wait3A_1695 = arith.constant 0 : i32
      %dma_wait3A_1696 = tpu.memref_slice %arg9[%sub3A_1694, %dma_wait3A_1695] : memref<125x80xi32, #tpu.memory_space<vmem>> -> memref<1x80xi32, #tpu.memory_space<vmem>>
      %dma_wait3A_1697 = tpu.memref_squeeze %dma_wait3A_1696 : memref<1x80xi32, #tpu.memory_space<vmem>> -> memref<80xi32, #tpu.memory_space<vmem>>
      %dma_wait3A_1698 = arith.constant 0 : i32
      %dma_wait3A_1699 = arith.constant 0 : i32
      %dma_wait3A_1700 = tpu.memref_slice %arg21[%dma_wait3A_1698, %dma_wait3A_1699] : memref<10000x64xf32, #tpu.memory_space<vmem_shared>> -> memref<10000x64xf32, #tpu.memory_space<vmem_shared>>
      tpu.wait_indirect_dma semaphore(%arg37 : memref<!tpu.dma_semaphore, #tpu.memory_space<semaphore_mem>>) src(%arg15 : memref<80x64xf32, #tpu.memory_space<vmem>>) dst(%dma_wait3A_1700 : memref<10000x64xf32, #tpu.memory_space<vmem_shared>>)
      %add3A_1701 = arith.constant 8 : i32
      %add3A_1702 = arith.addi %add3A_1680, %add3A_1701 : i32
      %dma_start3A_1703 = arith.constant 0 : i32
      %dma_start3A_1704 = tpu.memref_slice %arg7[%add3A_1702, %dma_start3A_1703] : memref<125x80xi32, #tpu.memory_space<vmem>> -> memref<1x80xi32, #tpu.memory_space<vmem>>
      %dma_start3A_1705 = tpu.memref_squeeze %dma_start3A_1704 : memref<1x80xi32, #tpu.memory_space<vmem>> -> memref<80xi32, #tpu.memory_space<vmem>>
      %dma_start3A_1706 = arith.constant 0 : i32
      %dma_start3A_1707 = arith.constant 0 : i32
      %dma_start3A_1708 = tpu.memref_slice %arg2[%dma_start3A_1706, %dma_start3A_1707] : memref<160000x64xf32, #tpu.memory_space<hbm>> -> memref<160000x64xf32, #tpu.memory_space<hbm>>
      tpu.enqueue_indirect_dma source(%dma_start3A_1708 : memref<160000x64xf32, #tpu.memory_space<hbm>>) target(%arg15 : memref<80x64xf32, #tpu.memory_space<vmem>>) offsets(%dma_start3A_1705 : memref<80xi32, #tpu.memory_space<vmem>>) semaphore(%arg27 : memref<!tpu.dma_semaphore, #tpu.memory_space<semaphore_mem>>)
      %add3A_1709 = arith.constant 8 : i32
      %add3A_1710 = arith.addi %mul3A_1469, %add3A_1709 : i32
      %dma_wait3A_1711 = arith.constant 0 : i32
      %dma_wait3A_1712 = tpu.memref_slice %arg7[%add3A_1710, %dma_wait3A_1711] : memref<125x80xi32, #tpu.memory_space<vmem>> -> memref<1x80xi32, #tpu.memory_space<vmem>>
      %dma_wait3A_1713 = tpu.memref_squeeze %dma_wait3A_1712 : memref<1x80xi32, #tpu.memory_space<vmem>> -> memref<80xi32, #tpu.memory_space<vmem>>
      %dma_wait3A_1714 = arith.constant 0 : i32
      %dma_wait3A_1715 = arith.constant 0 : i32
      %dma_wait3A_1716 = tpu.memref_slice %arg2[%dma_wait3A_1714, %dma_wait3A_1715] : memref<160000x64xf32, #tpu.memory_space<hbm>> -> memref<160000x64xf32, #tpu.memory_space<hbm>>
      tpu.wait_indirect_dma semaphore(%arg30 : memref<!tpu.dma_semaphore, #tpu.memory_space<semaphore_mem>>) src(%dma_wait3A_1716 : memref<160000x64xf32, #tpu.memory_space<hbm>>) dst(%arg18 : memref<80x64xf32, #tpu.memory_space<vmem>>)
      %dma_start3A_1717 = arith.constant 0 : i32
      %dma_start3A_1718 = tpu.memref_slice %arg9[%add3A_1710, %dma_start3A_1717] : memref<125x80xi32, #tpu.memory_space<vmem>> -> memref<1x80xi32, #tpu.memory_space<vmem>>
      %dma_start3A_1719 = tpu.memref_squeeze %dma_start3A_1718 : memref<1x80xi32, #tpu.memory_space<vmem>> -> memref<80xi32, #tpu.memory_space<vmem>>
      %dma_start3A_1720 = arith.constant 0 : i32
      %dma_start3A_1721 = arith.constant 0 : i32
      %dma_start3A_1722 = tpu.memref_slice %arg21[%dma_start3A_1720, %dma_start3A_1721] : memref<10000x64xf32, #tpu.memory_space<vmem_shared>> -> memref<10000x64xf32, #tpu.memory_space<vmem_shared>>
      tpu.enqueue_indirect_dma source(%arg18 : memref<80x64xf32, #tpu.memory_space<vmem>>) target(%dma_start3A_1722 : memref<10000x64xf32, #tpu.memory_space<vmem_shared>>) offsets(%dma_start3A_1719 : memref<80xi32, #tpu.memory_space<vmem>>) semaphore(%arg40 : memref<!tpu.dma_semaphore, #tpu.memory_space<semaphore_mem>>) {add = true}
      %sub3A_1723 = arith.constant 2 : i32
      %sub3A_1724 = arith.subi %add3A_1710, %sub3A_1723 : i32
      %dma_wait3A_1725 = arith.constant 0 : i32
      %dma_wait3A_1726 = tpu.memref_slice %arg9[%sub3A_1724, %dma_wait3A_1725] : memref<125x80xi32, #tpu.memory_space<vmem>> -> memref<1x80xi32, #tpu.memory_space<vmem>>
      %dma_wait3A_1727 = tpu.memref_squeeze %dma_wait3A_1726 : memref<1x80xi32, #tpu.memory_space<vmem>> -> memref<80xi32, #tpu.memory_space<vmem>>
      %dma_wait3A_1728 = arith.constant 0 : i32
      %dma_wait3A_1729 = arith.constant 0 : i32
      %dma_wait3A_1730 = tpu.memref_slice %arg21[%dma_wait3A_1728, %dma_wait3A_1729] : memref<10000x64xf32, #tpu.memory_space<vmem_shared>> -> memref<10000x64xf32, #tpu.memory_space<vmem_shared>>
      tpu.wait_indirect_dma semaphore(%arg38 : memref<!tpu.dma_semaphore, #tpu.memory_space<semaphore_mem>>) src(%arg16 : memref<80x64xf32, #tpu.memory_space<vmem>>) dst(%dma_wait3A_1730 : memref<10000x64xf32, #tpu.memory_space<vmem_shared>>)
      %add3A_1731 = arith.constant 8 : i32
      %add3A_1732 = arith.addi %add3A_1710, %add3A_1731 : i32
      %dma_start3A_1733 = arith.constant 0 : i32
      %dma_start3A_1734 = tpu.memref_slice %arg7[%add3A_1732, %dma_start3A_1733] : memref<125x80xi32, #tpu.memory_space<vmem>> -> memref<1x80xi32, #tpu.memory_space<vmem>>
      %dma_start3A_1735 = tpu.memref_squeeze %dma_start3A_1734 : memref<1x80xi32, #tpu.memory_space<vmem>> -> memref<80xi32, #tpu.memory_space<vmem>>
      %dma_start3A_1736 = arith.constant 0 : i32
      %dma_start3A_1737 = arith.constant 0 : i32
      %dma_start3A_1738 = tpu.memref_slice %arg2[%dma_start3A_1736, %dma_start3A_1737] : memref<160000x64xf32, #tpu.memory_space<hbm>> -> memref<160000x64xf32, #tpu.memory_space<hbm>>
      tpu.enqueue_indirect_dma source(%dma_start3A_1738 : memref<160000x64xf32, #tpu.memory_space<hbm>>) target(%arg16 : memref<80x64xf32, #tpu.memory_space<vmem>>) offsets(%dma_start3A_1735 : memref<80xi32, #tpu.memory_space<vmem>>) semaphore(%arg28 : memref<!tpu.dma_semaphore, #tpu.memory_space<semaphore_mem>>)
      %add3A_1739 = arith.constant 9 : i32
      %add3A_1740 = arith.addi %mul3A_1469, %add3A_1739 : i32
      %dma_wait3A_1741 = arith.constant 0 : i32
      %dma_wait3A_1742 = tpu.memref_slice %arg7[%add3A_1740, %dma_wait3A_1741] : memref<125x80xi32, #tpu.memory_space<vmem>> -> memref<1x80xi32, #tpu.memory_space<vmem>>
      %dma_wait3A_1743 = tpu.memref_squeeze %dma_wait3A_1742 : memref<1x80xi32, #tpu.memory_space<vmem>> -> memref<80xi32, #tpu.memory_space<vmem>>
      %dma_wait3A_1744 = arith.constant 0 : i32
      %dma_wait3A_1745 = arith.constant 0 : i32
      %dma_wait3A_1746 = tpu.memref_slice %arg2[%dma_wait3A_1744, %dma_wait3A_1745] : memref<160000x64xf32, #tpu.memory_space<hbm>> -> memref<160000x64xf32, #tpu.memory_space<hbm>>
      tpu.wait_indirect_dma semaphore(%arg31 : memref<!tpu.dma_semaphore, #tpu.memory_space<semaphore_mem>>) src(%dma_wait3A_1746 : memref<160000x64xf32, #tpu.memory_space<hbm>>) dst(%arg19 : memref<80x64xf32, #tpu.memory_space<vmem>>)
      %dma_start3A_1747 = arith.constant 0 : i32
      %dma_start3A_1748 = tpu.memref_slice %arg9[%add3A_1740, %dma_start3A_1747] : memref<125x80xi32, #tpu.memory_space<vmem>> -> memref<1x80xi32, #tpu.memory_space<vmem>>
      %dma_start3A_1749 = tpu.memref_squeeze %dma_start3A_1748 : memref<1x80xi32, #tpu.memory_space<vmem>> -> memref<80xi32, #tpu.memory_space<vmem>>
      %dma_start3A_1750 = arith.constant 0 : i32
      %dma_start3A_1751 = arith.constant 0 : i32
      %dma_start3A_1752 = tpu.memref_slice %arg21[%dma_start3A_1750, %dma_start3A_1751] : memref<10000x64xf32, #tpu.memory_space<vmem_shared>> -> memref<10000x64xf32, #tpu.memory_space<vmem_shared>>
      tpu.enqueue_indirect_dma source(%arg19 : memref<80x64xf32, #tpu.memory_space<vmem>>) target(%dma_start3A_1752 : memref<10000x64xf32, #tpu.memory_space<vmem_shared>>) offsets(%dma_start3A_1749 : memref<80xi32, #tpu.memory_space<vmem>>) semaphore(%arg41 : memref<!tpu.dma_semaphore, #tpu.memory_space<semaphore_mem>>) {add = true}
      %sub3A_1753 = arith.constant 2 : i32
      %sub3A_1754 = arith.subi %add3A_1740, %sub3A_1753 : i32
      %dma_wait3A_1755 = arith.constant 0 : i32
      %dma_wait3A_1756 = tpu.memref_slice %arg9[%sub3A_1754, %dma_wait3A_1755] : memref<125x80xi32, #tpu.memory_space<vmem>> -> memref<1x80xi32, #tpu.memory_space<vmem>>
      %dma_wait3A_1757 = tpu.memref_squeeze %dma_wait3A_1756 : memref<1x80xi32, #tpu.memory_space<vmem>> -> memref<80xi32, #tpu.memory_space<vmem>>
      %dma_wait3A_1758 = arith.constant 0 : i32
      %dma_wait3A_1759 = arith.constant 0 : i32
      %dma_wait3A_1760 = tpu.memref_slice %arg21[%dma_wait3A_1758, %dma_wait3A_1759] : memref<10000x64xf32, #tpu.memory_space<vmem_shared>> -> memref<10000x64xf32, #tpu.memory_space<vmem_shared>>
      tpu.wait_indirect_dma semaphore(%arg39 : memref<!tpu.dma_semaphore, #tpu.memory_space<semaphore_mem>>) src(%arg17 : memref<80x64xf32, #tpu.memory_space<vmem>>) dst(%dma_wait3A_1760 : memref<10000x64xf32, #tpu.memory_space<vmem_shared>>)
      %add3A_1761 = arith.constant 8 : i32
      %add3A_1762 = arith.addi %add3A_1740, %add3A_1761 : i32
      %dma_start3A_1763 = arith.constant 0 : i32
      %dma_start3A_1764 = tpu.memref_slice %arg7[%add3A_1762, %dma_start3A_1763] : memref<125x80xi32, #tpu.memory_space<vmem>> -> memref<1x80xi32, #tpu.memory_space<vmem>>
      %dma_start3A_1765 = tpu.memref_squeeze %dma_start3A_1764 : memref<1x80xi32, #tpu.memory_space<vmem>> -> memref<80xi32, #tpu.memory_space<vmem>>
      %dma_start3A_1766 = arith.constant 0 : i32
      %dma_start3A_1767 = arith.constant 0 : i32
      %dma_start3A_1768 = tpu.memref_slice %arg2[%dma_start3A_1766, %dma_start3A_1767] : memref<160000x64xf32, #tpu.memory_space<hbm>> -> memref<160000x64xf32, #tpu.memory_space<hbm>>
      tpu.enqueue_indirect_dma source(%dma_start3A_1768 : memref<160000x64xf32, #tpu.memory_space<hbm>>) target(%arg17 : memref<80x64xf32, #tpu.memory_space<vmem>>) offsets(%dma_start3A_1765 : memref<80xi32, #tpu.memory_space<vmem>>) semaphore(%arg29 : memref<!tpu.dma_semaphore, #tpu.memory_space<semaphore_mem>>)
    }
    %scan3A_1081 = arith.constant 10 : i32
    %dma_wait3A_1082 = arith.constant 110 : i32
    %dma_wait3A_1083 = arith.constant 0 : i32
    %dma_wait3A_1084 = tpu.memref_slice %arg7[%dma_wait3A_1082, %dma_wait3A_1083] : memref<125x80xi32, #tpu.memory_space<vmem>> -> memref<1x80xi32, #tpu.memory_space<vmem>>
    %dma_wait3A_1085 = tpu.memref_squeeze %dma_wait3A_1084 : memref<1x80xi32, #tpu.memory_space<vmem>> -> memref<80xi32, #tpu.memory_space<vmem>>
    %dma_wait3A_1086 = arith.constant 0 : i32
    %dma_wait3A_1087 = arith.constant 0 : i32
    %dma_wait3A_1088 = tpu.memref_slice %arg2[%dma_wait3A_1086, %dma_wait3A_1087] : memref<160000x64xf32, #tpu.memory_space<hbm>> -> memref<160000x64xf32, #tpu.memory_space<hbm>>
    tpu.wait_indirect_dma semaphore(%arg22 : memref<!tpu.dma_semaphore, #tpu.memory_space<semaphore_mem>>) src(%dma_wait3A_1088 : memref<160000x64xf32, #tpu.memory_space<hbm>>) dst(%arg10 : memref<80x64xf32, #tpu.memory_space<vmem>>)
    %dma_start3A_1089 = arith.constant 110 : i32
    %dma_start3A_1090 = arith.constant 0 : i32
    %dma_start3A_1091 = tpu.memref_slice %arg9[%dma_start3A_1089, %dma_start3A_1090] : memref<125x80xi32, #tpu.memory_space<vmem>> -> memref<1x80xi32, #tpu.memory_space<vmem>>
    %dma_start3A_1092 = tpu.memref_squeeze %dma_start3A_1091 : memref<1x80xi32, #tpu.memory_space<vmem>> -> memref<80xi32, #tpu.memory_space<vmem>>
    %dma_start3A_1093 = arith.constant 0 : i32
    %dma_start3A_1094 = arith.constant 0 : i32
    %dma_start3A_1095 = tpu.memref_slice %arg21[%dma_start3A_1093, %dma_start3A_1094] : memref<10000x64xf32, #tpu.memory_space<vmem_shared>> -> memref<10000x64xf32, #tpu.memory_space<vmem_shared>>
    tpu.enqueue_indirect_dma source(%arg10 : memref<80x64xf32, #tpu.memory_space<vmem>>) target(%dma_start3A_1095 : memref<10000x64xf32, #tpu.memory_space<vmem_shared>>) offsets(%dma_start3A_1092 : memref<80xi32, #tpu.memory_space<vmem>>) semaphore(%arg32 : memref<!tpu.dma_semaphore, #tpu.memory_space<semaphore_mem>>) {add = true}
    %dma_wait3A_1096 = arith.constant 108 : i32
    %dma_wait3A_1097 = arith.constant 0 : i32
    %dma_wait3A_1098 = tpu.memref_slice %arg9[%dma_wait3A_1096, %dma_wait3A_1097] : memref<125x80xi32, #tpu.memory_space<vmem>> -> memref<1x80xi32, #tpu.memory_space<vmem>>
    %dma_wait3A_1099 = tpu.memref_squeeze %dma_wait3A_1098 : memref<1x80xi32, #tpu.memory_space<vmem>> -> memref<80xi32, #tpu.memory_space<vmem>>
    %dma_wait3A_1100 = arith.constant 0 : i32
    %dma_wait3A_1101 = arith.constant 0 : i32
    %dma_wait3A_1102 = tpu.memref_slice %arg21[%dma_wait3A_1100, %dma_wait3A_1101] : memref<10000x64xf32, #tpu.memory_space<vmem_shared>> -> memref<10000x64xf32, #tpu.memory_space<vmem_shared>>
    tpu.wait_indirect_dma semaphore(%arg40 : memref<!tpu.dma_semaphore, #tpu.memory_space<semaphore_mem>>) src(%arg18 : memref<80x64xf32, #tpu.memory_space<vmem>>) dst(%dma_wait3A_1102 : memref<10000x64xf32, #tpu.memory_space<vmem_shared>>)
    %dma_start3A_1103 = arith.constant 118 : i32
    %dma_start3A_1104 = arith.constant 0 : i32
    %dma_start3A_1105 = tpu.memref_slice %arg7[%dma_start3A_1103, %dma_start3A_1104] : memref<125x80xi32, #tpu.memory_space<vmem>> -> memref<1x80xi32, #tpu.memory_space<vmem>>
    %dma_start3A_1106 = tpu.memref_squeeze %dma_start3A_1105 : memref<1x80xi32, #tpu.memory_space<vmem>> -> memref<80xi32, #tpu.memory_space<vmem>>
    %dma_start3A_1107 = arith.constant 0 : i32
    %dma_start3A_1108 = arith.constant 0 : i32
    %dma_start3A_1109 = tpu.memref_slice %arg2[%dma_start3A_1107, %dma_start3A_1108] : memref<160000x64xf32, #tpu.memory_space<hbm>> -> memref<160000x64xf32, #tpu.memory_space<hbm>>
    tpu.enqueue_indirect_dma source(%dma_start3A_1109 : memref<160000x64xf32, #tpu.memory_space<hbm>>) target(%arg18 : memref<80x64xf32, #tpu.memory_space<vmem>>) offsets(%dma_start3A_1106 : memref<80xi32, #tpu.memory_space<vmem>>) semaphore(%arg30 : memref<!tpu.dma_semaphore, #tpu.memory_space<semaphore_mem>>)
    %dma_wait3A_1110 = arith.constant 111 : i32
    %dma_wait3A_1111 = arith.constant 0 : i32
    %dma_wait3A_1112 = tpu.memref_slice %arg7[%dma_wait3A_1110, %dma_wait3A_1111] : memref<125x80xi32, #tpu.memory_space<vmem>> -> memref<1x80xi32, #tpu.memory_space<vmem>>
    %dma_wait3A_1113 = tpu.memref_squeeze %dma_wait3A_1112 : memref<1x80xi32, #tpu.memory_space<vmem>> -> memref<80xi32, #tpu.memory_space<vmem>>
    %dma_wait3A_1114 = arith.constant 0 : i32
    %dma_wait3A_1115 = arith.constant 0 : i32
    %dma_wait3A_1116 = tpu.memref_slice %arg2[%dma_wait3A_1114, %dma_wait3A_1115] : memref<160000x64xf32, #tpu.memory_space<hbm>> -> memref<160000x64xf32, #tpu.memory_space<hbm>>
    tpu.wait_indirect_dma semaphore(%arg23 : memref<!tpu.dma_semaphore, #tpu.memory_space<semaphore_mem>>) src(%dma_wait3A_1116 : memref<160000x64xf32, #tpu.memory_space<hbm>>) dst(%arg11 : memref<80x64xf32, #tpu.memory_space<vmem>>)
    %dma_start3A_1117 = arith.constant 111 : i32
    %dma_start3A_1118 = arith.constant 0 : i32
    %dma_start3A_1119 = tpu.memref_slice %arg9[%dma_start3A_1117, %dma_start3A_1118] : memref<125x80xi32, #tpu.memory_space<vmem>> -> memref<1x80xi32, #tpu.memory_space<vmem>>
    %dma_start3A_1120 = tpu.memref_squeeze %dma_start3A_1119 : memref<1x80xi32, #tpu.memory_space<vmem>> -> memref<80xi32, #tpu.memory_space<vmem>>
    %dma_start3A_1121 = arith.constant 0 : i32
    %dma_start3A_1122 = arith.constant 0 : i32
    %dma_start3A_1123 = tpu.memref_slice %arg21[%dma_start3A_1121, %dma_start3A_1122] : memref<10000x64xf32, #tpu.memory_space<vmem_shared>> -> memref<10000x64xf32, #tpu.memory_space<vmem_shared>>
    tpu.enqueue_indirect_dma source(%arg11 : memref<80x64xf32, #tpu.memory_space<vmem>>) target(%dma_start3A_1123 : memref<10000x64xf32, #tpu.memory_space<vmem_shared>>) offsets(%dma_start3A_1120 : memref<80xi32, #tpu.memory_space<vmem>>) semaphore(%arg33 : memref<!tpu.dma_semaphore, #tpu.memory_space<semaphore_mem>>) {add = true}
    %dma_wait3A_1124 = arith.constant 109 : i32
    %dma_wait3A_1125 = arith.constant 0 : i32
    %dma_wait3A_1126 = tpu.memref_slice %arg9[%dma_wait3A_1124, %dma_wait3A_1125] : memref<125x80xi32, #tpu.memory_space<vmem>> -> memref<1x80xi32, #tpu.memory_space<vmem>>
    %dma_wait3A_1127 = tpu.memref_squeeze %dma_wait3A_1126 : memref<1x80xi32, #tpu.memory_space<vmem>> -> memref<80xi32, #tpu.memory_space<vmem>>
    %dma_wait3A_1128 = arith.constant 0 : i32
    %dma_wait3A_1129 = arith.constant 0 : i32
    %dma_wait3A_1130 = tpu.memref_slice %arg21[%dma_wait3A_1128, %dma_wait3A_1129] : memref<10000x64xf32, #tpu.memory_space<vmem_shared>> -> memref<10000x64xf32, #tpu.memory_space<vmem_shared>>
    tpu.wait_indirect_dma semaphore(%arg41 : memref<!tpu.dma_semaphore, #tpu.memory_space<semaphore_mem>>) src(%arg19 : memref<80x64xf32, #tpu.memory_space<vmem>>) dst(%dma_wait3A_1130 : memref<10000x64xf32, #tpu.memory_space<vmem_shared>>)
    %dma_start3A_1131 = arith.constant 119 : i32
    %dma_start3A_1132 = arith.constant 0 : i32
    %dma_start3A_1133 = tpu.memref_slice %arg7[%dma_start3A_1131, %dma_start3A_1132] : memref<125x80xi32, #tpu.memory_space<vmem>> -> memref<1x80xi32, #tpu.memory_space<vmem>>
    %dma_start3A_1134 = tpu.memref_squeeze %dma_start3A_1133 : memref<1x80xi32, #tpu.memory_space<vmem>> -> memref<80xi32, #tpu.memory_space<vmem>>
    %dma_start3A_1135 = arith.constant 0 : i32
    %dma_start3A_1136 = arith.constant 0 : i32
    %dma_start3A_1137 = tpu.memref_slice %arg2[%dma_start3A_1135, %dma_start3A_1136] : memref<160000x64xf32, #tpu.memory_space<hbm>> -> memref<160000x64xf32, #tpu.memory_space<hbm>>
    tpu.enqueue_indirect_dma source(%dma_start3A_1137 : memref<160000x64xf32, #tpu.memory_space<hbm>>) target(%arg19 : memref<80x64xf32, #tpu.memory_space<vmem>>) offsets(%dma_start3A_1134 : memref<80xi32, #tpu.memory_space<vmem>>) semaphore(%arg31 : memref<!tpu.dma_semaphore, #tpu.memory_space<semaphore_mem>>)
    %dma_wait3A_1138 = arith.constant 112 : i32
    %dma_wait3A_1139 = arith.constant 0 : i32
    %dma_wait3A_1140 = tpu.memref_slice %arg7[%dma_wait3A_1138, %dma_wait3A_1139] : memref<125x80xi32, #tpu.memory_space<vmem>> -> memref<1x80xi32, #tpu.memory_space<vmem>>
    %dma_wait3A_1141 = tpu.memref_squeeze %dma_wait3A_1140 : memref<1x80xi32, #tpu.memory_space<vmem>> -> memref<80xi32, #tpu.memory_space<vmem>>
    %dma_wait3A_1142 = arith.constant 0 : i32
    %dma_wait3A_1143 = arith.constant 0 : i32
    %dma_wait3A_1144 = tpu.memref_slice %arg2[%dma_wait3A_1142, %dma_wait3A_1143] : memref<160000x64xf32, #tpu.memory_space<hbm>> -> memref<160000x64xf32, #tpu.memory_space<hbm>>
    tpu.wait_indirect_dma semaphore(%arg24 : memref<!tpu.dma_semaphore, #tpu.memory_space<semaphore_mem>>) src(%dma_wait3A_1144 : memref<160000x64xf32, #tpu.memory_space<hbm>>) dst(%arg12 : memref<80x64xf32, #tpu.memory_space<vmem>>)
    %dma_start3A_1145 = arith.constant 112 : i32
    %dma_start3A_1146 = arith.constant 0 : i32
    %dma_start3A_1147 = tpu.memref_slice %arg9[%dma_start3A_1145, %dma_start3A_1146] : memref<125x80xi32, #tpu.memory_space<vmem>> -> memref<1x80xi32, #tpu.memory_space<vmem>>
    %dma_start3A_1148 = tpu.memref_squeeze %dma_start3A_1147 : memref<1x80xi32, #tpu.memory_space<vmem>> -> memref<80xi32, #tpu.memory_space<vmem>>
    %dma_start3A_1149 = arith.constant 0 : i32
    %dma_start3A_1150 = arith.constant 0 : i32
    %dma_start3A_1151 = tpu.memref_slice %arg21[%dma_start3A_1149, %dma_start3A_1150] : memref<10000x64xf32, #tpu.memory_space<vmem_shared>> -> memref<10000x64xf32, #tpu.memory_space<vmem_shared>>
    tpu.enqueue_indirect_dma source(%arg12 : memref<80x64xf32, #tpu.memory_space<vmem>>) target(%dma_start3A_1151 : memref<10000x64xf32, #tpu.memory_space<vmem_shared>>) offsets(%dma_start3A_1148 : memref<80xi32, #tpu.memory_space<vmem>>) semaphore(%arg34 : memref<!tpu.dma_semaphore, #tpu.memory_space<semaphore_mem>>) {add = true}
    %dma_wait3A_1152 = arith.constant 110 : i32
    %dma_wait3A_1153 = arith.constant 0 : i32
    %dma_wait3A_1154 = tpu.memref_slice %arg9[%dma_wait3A_1152, %dma_wait3A_1153] : memref<125x80xi32, #tpu.memory_space<vmem>> -> memref<1x80xi32, #tpu.memory_space<vmem>>
    %dma_wait3A_1155 = tpu.memref_squeeze %dma_wait3A_1154 : memref<1x80xi32, #tpu.memory_space<vmem>> -> memref<80xi32, #tpu.memory_space<vmem>>
    %dma_wait3A_1156 = arith.constant 0 : i32
    %dma_wait3A_1157 = arith.constant 0 : i32
    %dma_wait3A_1158 = tpu.memref_slice %arg21[%dma_wait3A_1156, %dma_wait3A_1157] : memref<10000x64xf32, #tpu.memory_space<vmem_shared>> -> memref<10000x64xf32, #tpu.memory_space<vmem_shared>>
    tpu.wait_indirect_dma semaphore(%arg32 : memref<!tpu.dma_semaphore, #tpu.memory_space<semaphore_mem>>) src(%arg10 : memref<80x64xf32, #tpu.memory_space<vmem>>) dst(%dma_wait3A_1158 : memref<10000x64xf32, #tpu.memory_space<vmem_shared>>)
    %dma_start3A_1159 = arith.constant 120 : i32
    %dma_start3A_1160 = arith.constant 0 : i32
    %dma_start3A_1161 = tpu.memref_slice %arg7[%dma_start3A_1159, %dma_start3A_1160] : memref<125x80xi32, #tpu.memory_space<vmem>> -> memref<1x80xi32, #tpu.memory_space<vmem>>
    %dma_start3A_1162 = tpu.memref_squeeze %dma_start3A_1161 : memref<1x80xi32, #tpu.memory_space<vmem>> -> memref<80xi32, #tpu.memory_space<vmem>>
    %dma_start3A_1163 = arith.constant 0 : i32
    %dma_start3A_1164 = arith.constant 0 : i32
    %dma_start3A_1165 = tpu.memref_slice %arg2[%dma_start3A_1163, %dma_start3A_1164] : memref<160000x64xf32, #tpu.memory_space<hbm>> -> memref<160000x64xf32, #tpu.memory_space<hbm>>
    tpu.enqueue_indirect_dma source(%dma_start3A_1165 : memref<160000x64xf32, #tpu.memory_space<hbm>>) target(%arg10 : memref<80x64xf32, #tpu.memory_space<vmem>>) offsets(%dma_start3A_1162 : memref<80xi32, #tpu.memory_space<vmem>>) semaphore(%arg22 : memref<!tpu.dma_semaphore, #tpu.memory_space<semaphore_mem>>)
    %dma_wait3A_1166 = arith.constant 113 : i32
    %dma_wait3A_1167 = arith.constant 0 : i32
    %dma_wait3A_1168 = tpu.memref_slice %arg7[%dma_wait3A_1166, %dma_wait3A_1167] : memref<125x80xi32, #tpu.memory_space<vmem>> -> memref<1x80xi32, #tpu.memory_space<vmem>>
    %dma_wait3A_1169 = tpu.memref_squeeze %dma_wait3A_1168 : memref<1x80xi32, #tpu.memory_space<vmem>> -> memref<80xi32, #tpu.memory_space<vmem>>
    %dma_wait3A_1170 = arith.constant 0 : i32
    %dma_wait3A_1171 = arith.constant 0 : i32
    %dma_wait3A_1172 = tpu.memref_slice %arg2[%dma_wait3A_1170, %dma_wait3A_1171] : memref<160000x64xf32, #tpu.memory_space<hbm>> -> memref<160000x64xf32, #tpu.memory_space<hbm>>
    tpu.wait_indirect_dma semaphore(%arg25 : memref<!tpu.dma_semaphore, #tpu.memory_space<semaphore_mem>>) src(%dma_wait3A_1172 : memref<160000x64xf32, #tpu.memory_space<hbm>>) dst(%arg13 : memref<80x64xf32, #tpu.memory_space<vmem>>)
    %dma_start3A_1173 = arith.constant 113 : i32
    %dma_start3A_1174 = arith.constant 0 : i32
    %dma_start3A_1175 = tpu.memref_slice %arg9[%dma_start3A_1173, %dma_start3A_1174] : memref<125x80xi32, #tpu.memory_space<vmem>> -> memref<1x80xi32, #tpu.memory_space<vmem>>
    %dma_start3A_1176 = tpu.memref_squeeze %dma_start3A_1175 : memref<1x80xi32, #tpu.memory_space<vmem>> -> memref<80xi32, #tpu.memory_space<vmem>>
    %dma_start3A_1177 = arith.constant 0 : i32
    %dma_start3A_1178 = arith.constant 0 : i32
    %dma_start3A_1179 = tpu.memref_slice %arg21[%dma_start3A_1177, %dma_start3A_1178] : memref<10000x64xf32, #tpu.memory_space<vmem_shared>> -> memref<10000x64xf32, #tpu.memory_space<vmem_shared>>
    tpu.enqueue_indirect_dma source(%arg13 : memref<80x64xf32, #tpu.memory_space<vmem>>) target(%dma_start3A_1179 : memref<10000x64xf32, #tpu.memory_space<vmem_shared>>) offsets(%dma_start3A_1176 : memref<80xi32, #tpu.memory_space<vmem>>) semaphore(%arg35 : memref<!tpu.dma_semaphore, #tpu.memory_space<semaphore_mem>>) {add = true}
    %dma_wait3A_1180 = arith.constant 111 : i32
    %dma_wait3A_1181 = arith.constant 0 : i32
    %dma_wait3A_1182 = tpu.memref_slice %arg9[%dma_wait3A_1180, %dma_wait3A_1181] : memref<125x80xi32, #tpu.memory_space<vmem>> -> memref<1x80xi32, #tpu.memory_space<vmem>>
    %dma_wait3A_1183 = tpu.memref_squeeze %dma_wait3A_1182 : memref<1x80xi32, #tpu.memory_space<vmem>> -> memref<80xi32, #tpu.memory_space<vmem>>
    %dma_wait3A_1184 = arith.constant 0 : i32
    %dma_wait3A_1185 = arith.constant 0 : i32
    %dma_wait3A_1186 = tpu.memref_slice %arg21[%dma_wait3A_1184, %dma_wait3A_1185] : memref<10000x64xf32, #tpu.memory_space<vmem_shared>> -> memref<10000x64xf32, #tpu.memory_space<vmem_shared>>
    tpu.wait_indirect_dma semaphore(%arg33 : memref<!tpu.dma_semaphore, #tpu.memory_space<semaphore_mem>>) src(%arg11 : memref<80x64xf32, #tpu.memory_space<vmem>>) dst(%dma_wait3A_1186 : memref<10000x64xf32, #tpu.memory_space<vmem_shared>>)
    %dma_start3A_1187 = arith.constant 121 : i32
    %dma_start3A_1188 = arith.constant 0 : i32
    %dma_start3A_1189 = tpu.memref_slice %arg7[%dma_start3A_1187, %dma_start3A_1188] : memref<125x80xi32, #tpu.memory_space<vmem>> -> memref<1x80xi32, #tpu.memory_space<vmem>>
    %dma_start3A_1190 = tpu.memref_squeeze %dma_start3A_1189 : memref<1x80xi32, #tpu.memory_space<vmem>> -> memref<80xi32, #tpu.memory_space<vmem>>
    %dma_start3A_1191 = arith.constant 0 : i32
    %dma_start3A_1192 = arith.constant 0 : i32
    %dma_start3A_1193 = tpu.memref_slice %arg2[%dma_start3A_1191, %dma_start3A_1192] : memref<160000x64xf32, #tpu.memory_space<hbm>> -> memref<160000x64xf32, #tpu.memory_space<hbm>>
    tpu.enqueue_indirect_dma source(%dma_start3A_1193 : memref<160000x64xf32, #tpu.memory_space<hbm>>) target(%arg11 : memref<80x64xf32, #tpu.memory_space<vmem>>) offsets(%dma_start3A_1190 : memref<80xi32, #tpu.memory_space<vmem>>) semaphore(%arg23 : memref<!tpu.dma_semaphore, #tpu.memory_space<semaphore_mem>>)
    %dma_wait3A_1194 = arith.constant 114 : i32
    %dma_wait3A_1195 = arith.constant 0 : i32
    %dma_wait3A_1196 = tpu.memref_slice %arg7[%dma_wait3A_1194, %dma_wait3A_1195] : memref<125x80xi32, #tpu.memory_space<vmem>> -> memref<1x80xi32, #tpu.memory_space<vmem>>
    %dma_wait3A_1197 = tpu.memref_squeeze %dma_wait3A_1196 : memref<1x80xi32, #tpu.memory_space<vmem>> -> memref<80xi32, #tpu.memory_space<vmem>>
    %dma_wait3A_1198 = arith.constant 0 : i32
    %dma_wait3A_1199 = arith.constant 0 : i32
    %dma_wait3A_1200 = tpu.memref_slice %arg2[%dma_wait3A_1198, %dma_wait3A_1199] : memref<160000x64xf32, #tpu.memory_space<hbm>> -> memref<160000x64xf32, #tpu.memory_space<hbm>>
    tpu.wait_indirect_dma semaphore(%arg26 : memref<!tpu.dma_semaphore, #tpu.memory_space<semaphore_mem>>) src(%dma_wait3A_1200 : memref<160000x64xf32, #tpu.memory_space<hbm>>) dst(%arg14 : memref<80x64xf32, #tpu.memory_space<vmem>>)
    %dma_start3A_1201 = arith.constant 114 : i32
    %dma_start3A_1202 = arith.constant 0 : i32
    %dma_start3A_1203 = tpu.memref_slice %arg9[%dma_start3A_1201, %dma_start3A_1202] : memref<125x80xi32, #tpu.memory_space<vmem>> -> memref<1x80xi32, #tpu.memory_space<vmem>>
    %dma_start3A_1204 = tpu.memref_squeeze %dma_start3A_1203 : memref<1x80xi32, #tpu.memory_space<vmem>> -> memref<80xi32, #tpu.memory_space<vmem>>
    %dma_start3A_1205 = arith.constant 0 : i32
    %dma_start3A_1206 = arith.constant 0 : i32
    %dma_start3A_1207 = tpu.memref_slice %arg21[%dma_start3A_1205, %dma_start3A_1206] : memref<10000x64xf32, #tpu.memory_space<vmem_shared>> -> memref<10000x64xf32, #tpu.memory_space<vmem_shared>>
    tpu.enqueue_indirect_dma source(%arg14 : memref<80x64xf32, #tpu.memory_space<vmem>>) target(%dma_start3A_1207 : memref<10000x64xf32, #tpu.memory_space<vmem_shared>>) offsets(%dma_start3A_1204 : memref<80xi32, #tpu.memory_space<vmem>>) semaphore(%arg36 : memref<!tpu.dma_semaphore, #tpu.memory_space<semaphore_mem>>) {add = true}
    %dma_wait3A_1208 = arith.constant 112 : i32
    %dma_wait3A_1209 = arith.constant 0 : i32
    %dma_wait3A_1210 = tpu.memref_slice %arg9[%dma_wait3A_1208, %dma_wait3A_1209] : memref<125x80xi32, #tpu.memory_space<vmem>> -> memref<1x80xi32, #tpu.memory_space<vmem>>
    %dma_wait3A_1211 = tpu.memref_squeeze %dma_wait3A_1210 : memref<1x80xi32, #tpu.memory_space<vmem>> -> memref<80xi32, #tpu.memory_space<vmem>>
    %dma_wait3A_1212 = arith.constant 0 : i32
    %dma_wait3A_1213 = arith.constant 0 : i32
    %dma_wait3A_1214 = tpu.memref_slice %arg21[%dma_wait3A_1212, %dma_wait3A_1213] : memref<10000x64xf32, #tpu.memory_space<vmem_shared>> -> memref<10000x64xf32, #tpu.memory_space<vmem_shared>>
    tpu.wait_indirect_dma semaphore(%arg34 : memref<!tpu.dma_semaphore, #tpu.memory_space<semaphore_mem>>) src(%arg12 : memref<80x64xf32, #tpu.memory_space<vmem>>) dst(%dma_wait3A_1214 : memref<10000x64xf32, #tpu.memory_space<vmem_shared>>)
    %dma_start3A_1215 = arith.constant 122 : i32
    %dma_start3A_1216 = arith.constant 0 : i32
    %dma_start3A_1217 = tpu.memref_slice %arg7[%dma_start3A_1215, %dma_start3A_1216] : memref<125x80xi32, #tpu.memory_space<vmem>> -> memref<1x80xi32, #tpu.memory_space<vmem>>
    %dma_start3A_1218 = tpu.memref_squeeze %dma_start3A_1217 : memref<1x80xi32, #tpu.memory_space<vmem>> -> memref<80xi32, #tpu.memory_space<vmem>>
    %dma_start3A_1219 = arith.constant 0 : i32
    %dma_start3A_1220 = arith.constant 0 : i32
    %dma_start3A_1221 = tpu.memref_slice %arg2[%dma_start3A_1219, %dma_start3A_1220] : memref<160000x64xf32, #tpu.memory_space<hbm>> -> memref<160000x64xf32, #tpu.memory_space<hbm>>
    tpu.enqueue_indirect_dma source(%dma_start3A_1221 : memref<160000x64xf32, #tpu.memory_space<hbm>>) target(%arg12 : memref<80x64xf32, #tpu.memory_space<vmem>>) offsets(%dma_start3A_1218 : memref<80xi32, #tpu.memory_space<vmem>>) semaphore(%arg24 : memref<!tpu.dma_semaphore, #tpu.memory_space<semaphore_mem>>)
    %dma_wait3A_1222 = arith.constant 115 : i32
    %dma_wait3A_1223 = arith.constant 0 : i32
    %dma_wait3A_1224 = tpu.memref_slice %arg7[%dma_wait3A_1222, %dma_wait3A_1223] : memref<125x80xi32, #tpu.memory_space<vmem>> -> memref<1x80xi32, #tpu.memory_space<vmem>>
    %dma_wait3A_1225 = tpu.memref_squeeze %dma_wait3A_1224 : memref<1x80xi32, #tpu.memory_space<vmem>> -> memref<80xi32, #tpu.memory_space<vmem>>
    %dma_wait3A_1226 = arith.constant 0 : i32
    %dma_wait3A_1227 = arith.constant 0 : i32
    %dma_wait3A_1228 = tpu.memref_slice %arg2[%dma_wait3A_1226, %dma_wait3A_1227] : memref<160000x64xf32, #tpu.memory_space<hbm>> -> memref<160000x64xf32, #tpu.memory_space<hbm>>
    tpu.wait_indirect_dma semaphore(%arg27 : memref<!tpu.dma_semaphore, #tpu.memory_space<semaphore_mem>>) src(%dma_wait3A_1228 : memref<160000x64xf32, #tpu.memory_space<hbm>>) dst(%arg15 : memref<80x64xf32, #tpu.memory_space<vmem>>)
    %dma_start3A_1229 = arith.constant 115 : i32
    %dma_start3A_1230 = arith.constant 0 : i32
    %dma_start3A_1231 = tpu.memref_slice %arg9[%dma_start3A_1229, %dma_start3A_1230] : memref<125x80xi32, #tpu.memory_space<vmem>> -> memref<1x80xi32, #tpu.memory_space<vmem>>
    %dma_start3A_1232 = tpu.memref_squeeze %dma_start3A_1231 : memref<1x80xi32, #tpu.memory_space<vmem>> -> memref<80xi32, #tpu.memory_space<vmem>>
    %dma_start3A_1233 = arith.constant 0 : i32
    %dma_start3A_1234 = arith.constant 0 : i32
    %dma_start3A_1235 = tpu.memref_slice %arg21[%dma_start3A_1233, %dma_start3A_1234] : memref<10000x64xf32, #tpu.memory_space<vmem_shared>> -> memref<10000x64xf32, #tpu.memory_space<vmem_shared>>
    tpu.enqueue_indirect_dma source(%arg15 : memref<80x64xf32, #tpu.memory_space<vmem>>) target(%dma_start3A_1235 : memref<10000x64xf32, #tpu.memory_space<vmem_shared>>) offsets(%dma_start3A_1232 : memref<80xi32, #tpu.memory_space<vmem>>) semaphore(%arg37 : memref<!tpu.dma_semaphore, #tpu.memory_space<semaphore_mem>>) {add = true}
    %dma_wait3A_1236 = arith.constant 113 : i32
    %dma_wait3A_1237 = arith.constant 0 : i32
    %dma_wait3A_1238 = tpu.memref_slice %arg9[%dma_wait3A_1236, %dma_wait3A_1237] : memref<125x80xi32, #tpu.memory_space<vmem>> -> memref<1x80xi32, #tpu.memory_space<vmem>>
    %dma_wait3A_1239 = tpu.memref_squeeze %dma_wait3A_1238 : memref<1x80xi32, #tpu.memory_space<vmem>> -> memref<80xi32, #tpu.memory_space<vmem>>
    %dma_wait3A_1240 = arith.constant 0 : i32
    %dma_wait3A_1241 = arith.constant 0 : i32
    %dma_wait3A_1242 = tpu.memref_slice %arg21[%dma_wait3A_1240, %dma_wait3A_1241] : memref<10000x64xf32, #tpu.memory_space<vmem_shared>> -> memref<10000x64xf32, #tpu.memory_space<vmem_shared>>
    tpu.wait_indirect_dma semaphore(%arg35 : memref<!tpu.dma_semaphore, #tpu.memory_space<semaphore_mem>>) src(%arg13 : memref<80x64xf32, #tpu.memory_space<vmem>>) dst(%dma_wait3A_1242 : memref<10000x64xf32, #tpu.memory_space<vmem_shared>>)
    %dma_start3A_1243 = arith.constant 123 : i32
    %dma_start3A_1244 = arith.constant 0 : i32
    %dma_start3A_1245 = tpu.memref_slice %arg7[%dma_start3A_1243, %dma_start3A_1244] : memref<125x80xi32, #tpu.memory_space<vmem>> -> memref<1x80xi32, #tpu.memory_space<vmem>>
    %dma_start3A_1246 = tpu.memref_squeeze %dma_start3A_1245 : memref<1x80xi32, #tpu.memory_space<vmem>> -> memref<80xi32, #tpu.memory_space<vmem>>
    %dma_start3A_1247 = arith.constant 0 : i32
    %dma_start3A_1248 = arith.constant 0 : i32
    %dma_start3A_1249 = tpu.memref_slice %arg2[%dma_start3A_1247, %dma_start3A_1248] : memref<160000x64xf32, #tpu.memory_space<hbm>> -> memref<160000x64xf32, #tpu.memory_space<hbm>>
    tpu.enqueue_indirect_dma source(%dma_start3A_1249 : memref<160000x64xf32, #tpu.memory_space<hbm>>) target(%arg13 : memref<80x64xf32, #tpu.memory_space<vmem>>) offsets(%dma_start3A_1246 : memref<80xi32, #tpu.memory_space<vmem>>) semaphore(%arg25 : memref<!tpu.dma_semaphore, #tpu.memory_space<semaphore_mem>>)
    %dma_wait3A_1250 = arith.constant 116 : i32
    %dma_wait3A_1251 = arith.constant 0 : i32
    %dma_wait3A_1252 = tpu.memref_slice %arg7[%dma_wait3A_1250, %dma_wait3A_1251] : memref<125x80xi32, #tpu.memory_space<vmem>> -> memref<1x80xi32, #tpu.memory_space<vmem>>
    %dma_wait3A_1253 = tpu.memref_squeeze %dma_wait3A_1252 : memref<1x80xi32, #tpu.memory_space<vmem>> -> memref<80xi32, #tpu.memory_space<vmem>>
    %dma_wait3A_1254 = arith.constant 0 : i32
    %dma_wait3A_1255 = arith.constant 0 : i32
    %dma_wait3A_1256 = tpu.memref_slice %arg2[%dma_wait3A_1254, %dma_wait3A_1255] : memref<160000x64xf32, #tpu.memory_space<hbm>> -> memref<160000x64xf32, #tpu.memory_space<hbm>>
    tpu.wait_indirect_dma semaphore(%arg28 : memref<!tpu.dma_semaphore, #tpu.memory_space<semaphore_mem>>) src(%dma_wait3A_1256 : memref<160000x64xf32, #tpu.memory_space<hbm>>) dst(%arg16 : memref<80x64xf32, #tpu.memory_space<vmem>>)
    %dma_start3A_1257 = arith.constant 116 : i32
    %dma_start3A_1258 = arith.constant 0 : i32
    %dma_start3A_1259 = tpu.memref_slice %arg9[%dma_start3A_1257, %dma_start3A_1258] : memref<125x80xi32, #tpu.memory_space<vmem>> -> memref<1x80xi32, #tpu.memory_space<vmem>>
    %dma_start3A_1260 = tpu.memref_squeeze %dma_start3A_1259 : memref<1x80xi32, #tpu.memory_space<vmem>> -> memref<80xi32, #tpu.memory_space<vmem>>
    %dma_start3A_1261 = arith.constant 0 : i32
    %dma_start3A_1262 = arith.constant 0 : i32
    %dma_start3A_1263 = tpu.memref_slice %arg21[%dma_start3A_1261, %dma_start3A_1262] : memref<10000x64xf32, #tpu.memory_space<vmem_shared>> -> memref<10000x64xf32, #tpu.memory_space<vmem_shared>>
    tpu.enqueue_indirect_dma source(%arg16 : memref<80x64xf32, #tpu.memory_space<vmem>>) target(%dma_start3A_1263 : memref<10000x64xf32, #tpu.memory_space<vmem_shared>>) offsets(%dma_start3A_1260 : memref<80xi32, #tpu.memory_space<vmem>>) semaphore(%arg38 : memref<!tpu.dma_semaphore, #tpu.memory_space<semaphore_mem>>) {add = true}
    %dma_wait3A_1264 = arith.constant 114 : i32
    %dma_wait3A_1265 = arith.constant 0 : i32
    %dma_wait3A_1266 = tpu.memref_slice %arg9[%dma_wait3A_1264, %dma_wait3A_1265] : memref<125x80xi32, #tpu.memory_space<vmem>> -> memref<1x80xi32, #tpu.memory_space<vmem>>
    %dma_wait3A_1267 = tpu.memref_squeeze %dma_wait3A_1266 : memref<1x80xi32, #tpu.memory_space<vmem>> -> memref<80xi32, #tpu.memory_space<vmem>>
    %dma_wait3A_1268 = arith.constant 0 : i32
    %dma_wait3A_1269 = arith.constant 0 : i32
    %dma_wait3A_1270 = tpu.memref_slice %arg21[%dma_wait3A_1268, %dma_wait3A_1269] : memref<10000x64xf32, #tpu.memory_space<vmem_shared>> -> memref<10000x64xf32, #tpu.memory_space<vmem_shared>>
    tpu.wait_indirect_dma semaphore(%arg36 : memref<!tpu.dma_semaphore, #tpu.memory_space<semaphore_mem>>) src(%arg14 : memref<80x64xf32, #tpu.memory_space<vmem>>) dst(%dma_wait3A_1270 : memref<10000x64xf32, #tpu.memory_space<vmem_shared>>)
    %dma_start3A_1271 = arith.constant 124 : i32
    %dma_start3A_1272 = arith.constant 0 : i32
    %dma_start3A_1273 = tpu.memref_slice %arg7[%dma_start3A_1271, %dma_start3A_1272] : memref<125x80xi32, #tpu.memory_space<vmem>> -> memref<1x80xi32, #tpu.memory_space<vmem>>
    %dma_start3A_1274 = tpu.memref_squeeze %dma_start3A_1273 : memref<1x80xi32, #tpu.memory_space<vmem>> -> memref<80xi32, #tpu.memory_space<vmem>>
    %dma_start3A_1275 = arith.constant 0 : i32
    %dma_start3A_1276 = arith.constant 0 : i32
    %dma_start3A_1277 = tpu.memref_slice %arg2[%dma_start3A_1275, %dma_start3A_1276] : memref<160000x64xf32, #tpu.memory_space<hbm>> -> memref<160000x64xf32, #tpu.memory_space<hbm>>
    tpu.enqueue_indirect_dma source(%dma_start3A_1277 : memref<160000x64xf32, #tpu.memory_space<hbm>>) target(%arg14 : memref<80x64xf32, #tpu.memory_space<vmem>>) offsets(%dma_start3A_1274 : memref<80xi32, #tpu.memory_space<vmem>>) semaphore(%arg26 : memref<!tpu.dma_semaphore, #tpu.memory_space<semaphore_mem>>)
    %dma_wait3A_1278 = arith.constant 117 : i32
    %dma_wait3A_1279 = arith.constant 0 : i32
    %dma_wait3A_1280 = tpu.memref_slice %arg7[%dma_wait3A_1278, %dma_wait3A_1279] : memref<125x80xi32, #tpu.memory_space<vmem>> -> memref<1x80xi32, #tpu.memory_space<vmem>>
    %dma_wait3A_1281 = tpu.memref_squeeze %dma_wait3A_1280 : memref<1x80xi32, #tpu.memory_space<vmem>> -> memref<80xi32, #tpu.memory_space<vmem>>
    %dma_wait3A_1282 = arith.constant 0 : i32
    %dma_wait3A_1283 = arith.constant 0 : i32
    %dma_wait3A_1284 = tpu.memref_slice %arg2[%dma_wait3A_1282, %dma_wait3A_1283] : memref<160000x64xf32, #tpu.memory_space<hbm>> -> memref<160000x64xf32, #tpu.memory_space<hbm>>
    tpu.wait_indirect_dma semaphore(%arg29 : memref<!tpu.dma_semaphore, #tpu.memory_space<semaphore_mem>>) src(%dma_wait3A_1284 : memref<160000x64xf32, #tpu.memory_space<hbm>>) dst(%arg17 : memref<80x64xf32, #tpu.memory_space<vmem>>)
    %dma_start3A_1285 = arith.constant 117 : i32
    %dma_start3A_1286 = arith.constant 0 : i32
    %dma_start3A_1287 = tpu.memref_slice %arg9[%dma_start3A_1285, %dma_start3A_1286] : memref<125x80xi32, #tpu.memory_space<vmem>> -> memref<1x80xi32, #tpu.memory_space<vmem>>
    %dma_start3A_1288 = tpu.memref_squeeze %dma_start3A_1287 : memref<1x80xi32, #tpu.memory_space<vmem>> -> memref<80xi32, #tpu.memory_space<vmem>>
    %dma_start3A_1289 = arith.constant 0 : i32
    %dma_start3A_1290 = arith.constant 0 : i32
    %dma_start3A_1291 = tpu.memref_slice %arg21[%dma_start3A_1289, %dma_start3A_1290] : memref<10000x64xf32, #tpu.memory_space<vmem_shared>> -> memref<10000x64xf32, #tpu.memory_space<vmem_shared>>
    tpu.enqueue_indirect_dma source(%arg17 : memref<80x64xf32, #tpu.memory_space<vmem>>) target(%dma_start3A_1291 : memref<10000x64xf32, #tpu.memory_space<vmem_shared>>) offsets(%dma_start3A_1288 : memref<80xi32, #tpu.memory_space<vmem>>) semaphore(%arg39 : memref<!tpu.dma_semaphore, #tpu.memory_space<semaphore_mem>>) {add = true}
    %dma_wait3A_1292 = arith.constant 115 : i32
    %dma_wait3A_1293 = arith.constant 0 : i32
    %dma_wait3A_1294 = tpu.memref_slice %arg9[%dma_wait3A_1292, %dma_wait3A_1293] : memref<125x80xi32, #tpu.memory_space<vmem>> -> memref<1x80xi32, #tpu.memory_space<vmem>>
    %dma_wait3A_1295 = tpu.memref_squeeze %dma_wait3A_1294 : memref<1x80xi32, #tpu.memory_space<vmem>> -> memref<80xi32, #tpu.memory_space<vmem>>
    %dma_wait3A_1296 = arith.constant 0 : i32
    %dma_wait3A_1297 = arith.constant 0 : i32
    %dma_wait3A_1298 = tpu.memref_slice %arg21[%dma_wait3A_1296, %dma_wait3A_1297] : memref<10000x64xf32, #tpu.memory_space<vmem_shared>> -> memref<10000x64xf32, #tpu.memory_space<vmem_shared>>
    tpu.wait_indirect_dma semaphore(%arg37 : memref<!tpu.dma_semaphore, #tpu.memory_space<semaphore_mem>>) src(%arg15 : memref<80x64xf32, #tpu.memory_space<vmem>>) dst(%dma_wait3A_1298 : memref<10000x64xf32, #tpu.memory_space<vmem_shared>>)
    %dma_wait3A_1299 = arith.constant 118 : i32
    %dma_wait3A_1300 = arith.constant 0 : i32
    %dma_wait3A_1301 = tpu.memref_slice %arg7[%dma_wait3A_1299, %dma_wait3A_1300] : memref<125x80xi32, #tpu.memory_space<vmem>> -> memref<1x80xi32, #tpu.memory_space<vmem>>
    %dma_wait3A_1302 = tpu.memref_squeeze %dma_wait3A_1301 : memref<1x80xi32, #tpu.memory_space<vmem>> -> memref<80xi32, #tpu.memory_space<vmem>>
    %dma_wait3A_1303 = arith.constant 0 : i32
    %dma_wait3A_1304 = arith.constant 0 : i32
    %dma_wait3A_1305 = tpu.memref_slice %arg2[%dma_wait3A_1303, %dma_wait3A_1304] : memref<160000x64xf32, #tpu.memory_space<hbm>> -> memref<160000x64xf32, #tpu.memory_space<hbm>>
    tpu.wait_indirect_dma semaphore(%arg30 : memref<!tpu.dma_semaphore, #tpu.memory_space<semaphore_mem>>) src(%dma_wait3A_1305 : memref<160000x64xf32, #tpu.memory_space<hbm>>) dst(%arg18 : memref<80x64xf32, #tpu.memory_space<vmem>>)
    %dma_start3A_1306 = arith.constant 118 : i32
    %dma_start3A_1307 = arith.constant 0 : i32
    %dma_start3A_1308 = tpu.memref_slice %arg9[%dma_start3A_1306, %dma_start3A_1307] : memref<125x80xi32, #tpu.memory_space<vmem>> -> memref<1x80xi32, #tpu.memory_space<vmem>>
    %dma_start3A_1309 = tpu.memref_squeeze %dma_start3A_1308 : memref<1x80xi32, #tpu.memory_space<vmem>> -> memref<80xi32, #tpu.memory_space<vmem>>
    %dma_start3A_1310 = arith.constant 0 : i32
    %dma_start3A_1311 = arith.constant 0 : i32
    %dma_start3A_1312 = tpu.memref_slice %arg21[%dma_start3A_1310, %dma_start3A_1311] : memref<10000x64xf32, #tpu.memory_space<vmem_shared>> -> memref<10000x64xf32, #tpu.memory_space<vmem_shared>>
    tpu.enqueue_indirect_dma source(%arg18 : memref<80x64xf32, #tpu.memory_space<vmem>>) target(%dma_start3A_1312 : memref<10000x64xf32, #tpu.memory_space<vmem_shared>>) offsets(%dma_start3A_1309 : memref<80xi32, #tpu.memory_space<vmem>>) semaphore(%arg40 : memref<!tpu.dma_semaphore, #tpu.memory_space<semaphore_mem>>) {add = true}
    %dma_wait3A_1313 = arith.constant 116 : i32
    %dma_wait3A_1314 = arith.constant 0 : i32
    %dma_wait3A_1315 = tpu.memref_slice %arg9[%dma_wait3A_1313, %dma_wait3A_1314] : memref<125x80xi32, #tpu.memory_space<vmem>> -> memref<1x80xi32, #tpu.memory_space<vmem>>
    %dma_wait3A_1316 = tpu.memref_squeeze %dma_wait3A_1315 : memref<1x80xi32, #tpu.memory_space<vmem>> -> memref<80xi32, #tpu.memory_space<vmem>>
    %dma_wait3A_1317 = arith.constant 0 : i32
    %dma_wait3A_1318 = arith.constant 0 : i32
    %dma_wait3A_1319 = tpu.memref_slice %arg21[%dma_wait3A_1317, %dma_wait3A_1318] : memref<10000x64xf32, #tpu.memory_space<vmem_shared>> -> memref<10000x64xf32, #tpu.memory_space<vmem_shared>>
    tpu.wait_indirect_dma semaphore(%arg38 : memref<!tpu.dma_semaphore, #tpu.memory_space<semaphore_mem>>) src(%arg16 : memref<80x64xf32, #tpu.memory_space<vmem>>) dst(%dma_wait3A_1319 : memref<10000x64xf32, #tpu.memory_space<vmem_shared>>)
    %dma_wait3A_1320 = arith.constant 119 : i32
    %dma_wait3A_1321 = arith.constant 0 : i32
    %dma_wait3A_1322 = tpu.memref_slice %arg7[%dma_wait3A_1320, %dma_wait3A_1321] : memref<125x80xi32, #tpu.memory_space<vmem>> -> memref<1x80xi32, #tpu.memory_space<vmem>>
    %dma_wait3A_1323 = tpu.memref_squeeze %dma_wait3A_1322 : memref<1x80xi32, #tpu.memory_space<vmem>> -> memref<80xi32, #tpu.memory_space<vmem>>
    %dma_wait3A_1324 = arith.constant 0 : i32
    %dma_wait3A_1325 = arith.constant 0 : i32
    %dma_wait3A_1326 = tpu.memref_slice %arg2[%dma_wait3A_1324, %dma_wait3A_1325] : memref<160000x64xf32, #tpu.memory_space<hbm>> -> memref<160000x64xf32, #tpu.memory_space<hbm>>
    tpu.wait_indirect_dma semaphore(%arg31 : memref<!tpu.dma_semaphore, #tpu.memory_space<semaphore_mem>>) src(%dma_wait3A_1326 : memref<160000x64xf32, #tpu.memory_space<hbm>>) dst(%arg19 : memref<80x64xf32, #tpu.memory_space<vmem>>)
    %dma_start3A_1327 = arith.constant 119 : i32
    %dma_start3A_1328 = arith.constant 0 : i32
    %dma_start3A_1329 = tpu.memref_slice %arg9[%dma_start3A_1327, %dma_start3A_1328] : memref<125x80xi32, #tpu.memory_space<vmem>> -> memref<1x80xi32, #tpu.memory_space<vmem>>
    %dma_start3A_1330 = tpu.memref_squeeze %dma_start3A_1329 : memref<1x80xi32, #tpu.memory_space<vmem>> -> memref<80xi32, #tpu.memory_space<vmem>>
    %dma_start3A_1331 = arith.constant 0 : i32
    %dma_start3A_1332 = arith.constant 0 : i32
    %dma_start3A_1333 = tpu.memref_slice %arg21[%dma_start3A_1331, %dma_start3A_1332] : memref<10000x64xf32, #tpu.memory_space<vmem_shared>> -> memref<10000x64xf32, #tpu.memory_space<vmem_shared>>
    tpu.enqueue_indirect_dma source(%arg19 : memref<80x64xf32, #tpu.memory_space<vmem>>) target(%dma_start3A_1333 : memref<10000x64xf32, #tpu.memory_space<vmem_shared>>) offsets(%dma_start3A_1330 : memref<80xi32, #tpu.memory_space<vmem>>) semaphore(%arg41 : memref<!tpu.dma_semaphore, #tpu.memory_space<semaphore_mem>>) {add = true}
    %dma_wait3A_1334 = arith.constant 117 : i32
    %dma_wait3A_1335 = arith.constant 0 : i32
    %dma_wait3A_1336 = tpu.memref_slice %arg9[%dma_wait3A_1334, %dma_wait3A_1335] : memref<125x80xi32, #tpu.memory_space<vmem>> -> memref<1x80xi32, #tpu.memory_space<vmem>>
    %dma_wait3A_1337 = tpu.memref_squeeze %dma_wait3A_1336 : memref<1x80xi32, #tpu.memory_space<vmem>> -> memref<80xi32, #tpu.memory_space<vmem>>
    %dma_wait3A_1338 = arith.constant 0 : i32
    %dma_wait3A_1339 = arith.constant 0 : i32
    %dma_wait3A_1340 = tpu.memref_slice %arg21[%dma_wait3A_1338, %dma_wait3A_1339] : memref<10000x64xf32, #tpu.memory_space<vmem_shared>> -> memref<10000x64xf32, #tpu.memory_space<vmem_shared>>
    tpu.wait_indirect_dma semaphore(%arg39 : memref<!tpu.dma_semaphore, #tpu.memory_space<semaphore_mem>>) src(%arg17 : memref<80x64xf32, #tpu.memory_space<vmem>>) dst(%dma_wait3A_1340 : memref<10000x64xf32, #tpu.memory_space<vmem_shared>>)
    %dma_wait3A_1341 = arith.constant 120 : i32
    %dma_wait3A_1342 = arith.constant 0 : i32
    %dma_wait3A_1343 = tpu.memref_slice %arg7[%dma_wait3A_1341, %dma_wait3A_1342] : memref<125x80xi32, #tpu.memory_space<vmem>> -> memref<1x80xi32, #tpu.memory_space<vmem>>
    %dma_wait3A_1344 = tpu.memref_squeeze %dma_wait3A_1343 : memref<1x80xi32, #tpu.memory_space<vmem>> -> memref<80xi32, #tpu.memory_space<vmem>>
    %dma_wait3A_1345 = arith.constant 0 : i32
    %dma_wait3A_1346 = arith.constant 0 : i32
    %dma_wait3A_1347 = tpu.memref_slice %arg2[%dma_wait3A_1345, %dma_wait3A_1346] : memref<160000x64xf32, #tpu.memory_space<hbm>> -> memref<160000x64xf32, #tpu.memory_space<hbm>>
    tpu.wait_indirect_dma semaphore(%arg22 : memref<!tpu.dma_semaphore, #tpu.memory_space<semaphore_mem>>) src(%dma_wait3A_1347 : memref<160000x64xf32, #tpu.memory_space<hbm>>) dst(%arg10 : memref<80x64xf32, #tpu.memory_space<vmem>>)
    %dma_start3A_1348 = arith.constant 120 : i32
    %dma_start3A_1349 = arith.constant 0 : i32
    %dma_start3A_1350 = tpu.memref_slice %arg9[%dma_start3A_1348, %dma_start3A_1349] : memref<125x80xi32, #tpu.memory_space<vmem>> -> memref<1x80xi32, #tpu.memory_space<vmem>>
    %dma_start3A_1351 = tpu.memref_squeeze %dma_start3A_1350 : memref<1x80xi32, #tpu.memory_space<vmem>> -> memref<80xi32, #tpu.memory_space<vmem>>
    %dma_start3A_1352 = arith.constant 0 : i32
    %dma_start3A_1353 = arith.constant 0 : i32
    %dma_start3A_1354 = tpu.memref_slice %arg21[%dma_start3A_1352, %dma_start3A_1353] : memref<10000x64xf32, #tpu.memory_space<vmem_shared>> -> memref<10000x64xf32, #tpu.memory_space<vmem_shared>>
    tpu.enqueue_indirect_dma source(%arg10 : memref<80x64xf32, #tpu.memory_space<vmem>>) target(%dma_start3A_1354 : memref<10000x64xf32, #tpu.memory_space<vmem_shared>>) offsets(%dma_start3A_1351 : memref<80xi32, #tpu.memory_space<vmem>>) semaphore(%arg32 : memref<!tpu.dma_semaphore, #tpu.memory_space<semaphore_mem>>) {add = true}
    %dma_wait3A_1355 = arith.constant 118 : i32
    %dma_wait3A_1356 = arith.constant 0 : i32
    %dma_wait3A_1357 = tpu.memref_slice %arg9[%dma_wait3A_1355, %dma_wait3A_1356] : memref<125x80xi32, #tpu.memory_space<vmem>> -> memref<1x80xi32, #tpu.memory_space<vmem>>
    %dma_wait3A_1358 = tpu.memref_squeeze %dma_wait3A_1357 : memref<1x80xi32, #tpu.memory_space<vmem>> -> memref<80xi32, #tpu.memory_space<vmem>>
    %dma_wait3A_1359 = arith.constant 0 : i32
    %dma_wait3A_1360 = arith.constant 0 : i32
    %dma_wait3A_1361 = tpu.memref_slice %arg21[%dma_wait3A_1359, %dma_wait3A_1360] : memref<10000x64xf32, #tpu.memory_space<vmem_shared>> -> memref<10000x64xf32, #tpu.memory_space<vmem_shared>>
    tpu.wait_indirect_dma semaphore(%arg40 : memref<!tpu.dma_semaphore, #tpu.memory_space<semaphore_mem>>) src(%arg18 : memref<80x64xf32, #tpu.memory_space<vmem>>) dst(%dma_wait3A_1361 : memref<10000x64xf32, #tpu.memory_space<vmem_shared>>)
    %dma_wait3A_1362 = arith.constant 121 : i32
    %dma_wait3A_1363 = arith.constant 0 : i32
    %dma_wait3A_1364 = tpu.memref_slice %arg7[%dma_wait3A_1362, %dma_wait3A_1363] : memref<125x80xi32, #tpu.memory_space<vmem>> -> memref<1x80xi32, #tpu.memory_space<vmem>>
    %dma_wait3A_1365 = tpu.memref_squeeze %dma_wait3A_1364 : memref<1x80xi32, #tpu.memory_space<vmem>> -> memref<80xi32, #tpu.memory_space<vmem>>
    %dma_wait3A_1366 = arith.constant 0 : i32
    %dma_wait3A_1367 = arith.constant 0 : i32
    %dma_wait3A_1368 = tpu.memref_slice %arg2[%dma_wait3A_1366, %dma_wait3A_1367] : memref<160000x64xf32, #tpu.memory_space<hbm>> -> memref<160000x64xf32, #tpu.memory_space<hbm>>
    tpu.wait_indirect_dma semaphore(%arg23 : memref<!tpu.dma_semaphore, #tpu.memory_space<semaphore_mem>>) src(%dma_wait3A_1368 : memref<160000x64xf32, #tpu.memory_space<hbm>>) dst(%arg11 : memref<80x64xf32, #tpu.memory_space<vmem>>)
    %dma_start3A_1369 = arith.constant 121 : i32
    %dma_start3A_1370 = arith.constant 0 : i32
    %dma_start3A_1371 = tpu.memref_slice %arg9[%dma_start3A_1369, %dma_start3A_1370] : memref<125x80xi32, #tpu.memory_space<vmem>> -> memref<1x80xi32, #tpu.memory_space<vmem>>
    %dma_start3A_1372 = tpu.memref_squeeze %dma_start3A_1371 : memref<1x80xi32, #tpu.memory_space<vmem>> -> memref<80xi32, #tpu.memory_space<vmem>>
    %dma_start3A_1373 = arith.constant 0 : i32
    %dma_start3A_1374 = arith.constant 0 : i32
    %dma_start3A_1375 = tpu.memref_slice %arg21[%dma_start3A_1373, %dma_start3A_1374] : memref<10000x64xf32, #tpu.memory_space<vmem_shared>> -> memref<10000x64xf32, #tpu.memory_space<vmem_shared>>
    tpu.enqueue_indirect_dma source(%arg11 : memref<80x64xf32, #tpu.memory_space<vmem>>) target(%dma_start3A_1375 : memref<10000x64xf32, #tpu.memory_space<vmem_shared>>) offsets(%dma_start3A_1372 : memref<80xi32, #tpu.memory_space<vmem>>) semaphore(%arg33 : memref<!tpu.dma_semaphore, #tpu.memory_space<semaphore_mem>>) {add = true}
    %dma_wait3A_1376 = arith.constant 119 : i32
    %dma_wait3A_1377 = arith.constant 0 : i32
    %dma_wait3A_1378 = tpu.memref_slice %arg9[%dma_wait3A_1376, %dma_wait3A_1377] : memref<125x80xi32, #tpu.memory_space<vmem>> -> memref<1x80xi32, #tpu.memory_space<vmem>>
    %dma_wait3A_1379 = tpu.memref_squeeze %dma_wait3A_1378 : memref<1x80xi32, #tpu.memory_space<vmem>> -> memref<80xi32, #tpu.memory_space<vmem>>
    %dma_wait3A_1380 = arith.constant 0 : i32
    %dma_wait3A_1381 = arith.constant 0 : i32
    %dma_wait3A_1382 = tpu.memref_slice %arg21[%dma_wait3A_1380, %dma_wait3A_1381] : memref<10000x64xf32, #tpu.memory_space<vmem_shared>> -> memref<10000x64xf32, #tpu.memory_space<vmem_shared>>
    tpu.wait_indirect_dma semaphore(%arg41 : memref<!tpu.dma_semaphore, #tpu.memory_space<semaphore_mem>>) src(%arg19 : memref<80x64xf32, #tpu.memory_space<vmem>>) dst(%dma_wait3A_1382 : memref<10000x64xf32, #tpu.memory_space<vmem_shared>>)
    %dma_wait3A_1383 = arith.constant 122 : i32
    %dma_wait3A_1384 = arith.constant 0 : i32
    %dma_wait3A_1385 = tpu.memref_slice %arg7[%dma_wait3A_1383, %dma_wait3A_1384] : memref<125x80xi32, #tpu.memory_space<vmem>> -> memref<1x80xi32, #tpu.memory_space<vmem>>
    %dma_wait3A_1386 = tpu.memref_squeeze %dma_wait3A_1385 : memref<1x80xi32, #tpu.memory_space<vmem>> -> memref<80xi32, #tpu.memory_space<vmem>>
    %dma_wait3A_1387 = arith.constant 0 : i32
    %dma_wait3A_1388 = arith.constant 0 : i32
    %dma_wait3A_1389 = tpu.memref_slice %arg2[%dma_wait3A_1387, %dma_wait3A_1388] : memref<160000x64xf32, #tpu.memory_space<hbm>> -> memref<160000x64xf32, #tpu.memory_space<hbm>>
    tpu.wait_indirect_dma semaphore(%arg24 : memref<!tpu.dma_semaphore, #tpu.memory_space<semaphore_mem>>) src(%dma_wait3A_1389 : memref<160000x64xf32, #tpu.memory_space<hbm>>) dst(%arg12 : memref<80x64xf32, #tpu.memory_space<vmem>>)
    %dma_start3A_1390 = arith.constant 122 : i32
    %dma_start3A_1391 = arith.constant 0 : i32
    %dma_start3A_1392 = tpu.memref_slice %arg9[%dma_start3A_1390, %dma_start3A_1391] : memref<125x80xi32, #tpu.memory_space<vmem>> -> memref<1x80xi32, #tpu.memory_space<vmem>>
    %dma_start3A_1393 = tpu.memref_squeeze %dma_start3A_1392 : memref<1x80xi32, #tpu.memory_space<vmem>> -> memref<80xi32, #tpu.memory_space<vmem>>
    %dma_start3A_1394 = arith.constant 0 : i32
    %dma_start3A_1395 = arith.constant 0 : i32
    %dma_start3A_1396 = tpu.memref_slice %arg21[%dma_start3A_1394, %dma_start3A_1395] : memref<10000x64xf32, #tpu.memory_space<vmem_shared>> -> memref<10000x64xf32, #tpu.memory_space<vmem_shared>>
    tpu.enqueue_indirect_dma source(%arg12 : memref<80x64xf32, #tpu.memory_space<vmem>>) target(%dma_start3A_1396 : memref<10000x64xf32, #tpu.memory_space<vmem_shared>>) offsets(%dma_start3A_1393 : memref<80xi32, #tpu.memory_space<vmem>>) semaphore(%arg34 : memref<!tpu.dma_semaphore, #tpu.memory_space<semaphore_mem>>) {add = true}
    %dma_wait3A_1397 = arith.constant 120 : i32
    %dma_wait3A_1398 = arith.constant 0 : i32
    %dma_wait3A_1399 = tpu.memref_slice %arg9[%dma_wait3A_1397, %dma_wait3A_1398] : memref<125x80xi32, #tpu.memory_space<vmem>> -> memref<1x80xi32, #tpu.memory_space<vmem>>
    %dma_wait3A_1400 = tpu.memref_squeeze %dma_wait3A_1399 : memref<1x80xi32, #tpu.memory_space<vmem>> -> memref<80xi32, #tpu.memory_space<vmem>>
    %dma_wait3A_1401 = arith.constant 0 : i32
    %dma_wait3A_1402 = arith.constant 0 : i32
    %dma_wait3A_1403 = tpu.memref_slice %arg21[%dma_wait3A_1401, %dma_wait3A_1402] : memref<10000x64xf32, #tpu.memory_space<vmem_shared>> -> memref<10000x64xf32, #tpu.memory_space<vmem_shared>>
    tpu.wait_indirect_dma semaphore(%arg32 : memref<!tpu.dma_semaphore, #tpu.memory_space<semaphore_mem>>) src(%arg10 : memref<80x64xf32, #tpu.memory_space<vmem>>) dst(%dma_wait3A_1403 : memref<10000x64xf32, #tpu.memory_space<vmem_shared>>)
    %dma_wait3A_1404 = arith.constant 123 : i32
    %dma_wait3A_1405 = arith.constant 0 : i32
    %dma_wait3A_1406 = tpu.memref_slice %arg7[%dma_wait3A_1404, %dma_wait3A_1405] : memref<125x80xi32, #tpu.memory_space<vmem>> -> memref<1x80xi32, #tpu.memory_space<vmem>>
    %dma_wait3A_1407 = tpu.memref_squeeze %dma_wait3A_1406 : memref<1x80xi32, #tpu.memory_space<vmem>> -> memref<80xi32, #tpu.memory_space<vmem>>
    %dma_wait3A_1408 = arith.constant 0 : i32
    %dma_wait3A_1409 = arith.constant 0 : i32
    %dma_wait3A_1410 = tpu.memref_slice %arg2[%dma_wait3A_1408, %dma_wait3A_1409] : memref<160000x64xf32, #tpu.memory_space<hbm>> -> memref<160000x64xf32, #tpu.memory_space<hbm>>
    tpu.wait_indirect_dma semaphore(%arg25 : memref<!tpu.dma_semaphore, #tpu.memory_space<semaphore_mem>>) src(%dma_wait3A_1410 : memref<160000x64xf32, #tpu.memory_space<hbm>>) dst(%arg13 : memref<80x64xf32, #tpu.memory_space<vmem>>)
    %dma_start3A_1411 = arith.constant 123 : i32
    %dma_start3A_1412 = arith.constant 0 : i32
    %dma_start3A_1413 = tpu.memref_slice %arg9[%dma_start3A_1411, %dma_start3A_1412] : memref<125x80xi32, #tpu.memory_space<vmem>> -> memref<1x80xi32, #tpu.memory_space<vmem>>
    %dma_start3A_1414 = tpu.memref_squeeze %dma_start3A_1413 : memref<1x80xi32, #tpu.memory_space<vmem>> -> memref<80xi32, #tpu.memory_space<vmem>>
    %dma_start3A_1415 = arith.constant 0 : i32
    %dma_start3A_1416 = arith.constant 0 : i32
    %dma_start3A_1417 = tpu.memref_slice %arg21[%dma_start3A_1415, %dma_start3A_1416] : memref<10000x64xf32, #tpu.memory_space<vmem_shared>> -> memref<10000x64xf32, #tpu.memory_space<vmem_shared>>
    tpu.enqueue_indirect_dma source(%arg13 : memref<80x64xf32, #tpu.memory_space<vmem>>) target(%dma_start3A_1417 : memref<10000x64xf32, #tpu.memory_space<vmem_shared>>) offsets(%dma_start3A_1414 : memref<80xi32, #tpu.memory_space<vmem>>) semaphore(%arg35 : memref<!tpu.dma_semaphore, #tpu.memory_space<semaphore_mem>>) {add = true}
    %dma_wait3A_1418 = arith.constant 121 : i32
    %dma_wait3A_1419 = arith.constant 0 : i32
    %dma_wait3A_1420 = tpu.memref_slice %arg9[%dma_wait3A_1418, %dma_wait3A_1419] : memref<125x80xi32, #tpu.memory_space<vmem>> -> memref<1x80xi32, #tpu.memory_space<vmem>>
    %dma_wait3A_1421 = tpu.memref_squeeze %dma_wait3A_1420 : memref<1x80xi32, #tpu.memory_space<vmem>> -> memref<80xi32, #tpu.memory_space<vmem>>
    %dma_wait3A_1422 = arith.constant 0 : i32
    %dma_wait3A_1423 = arith.constant 0 : i32
    %dma_wait3A_1424 = tpu.memref_slice %arg21[%dma_wait3A_1422, %dma_wait3A_1423] : memref<10000x64xf32, #tpu.memory_space<vmem_shared>> -> memref<10000x64xf32, #tpu.memory_space<vmem_shared>>
    tpu.wait_indirect_dma semaphore(%arg33 : memref<!tpu.dma_semaphore, #tpu.memory_space<semaphore_mem>>) src(%arg11 : memref<80x64xf32, #tpu.memory_space<vmem>>) dst(%dma_wait3A_1424 : memref<10000x64xf32, #tpu.memory_space<vmem_shared>>)
    %dma_wait3A_1425 = arith.constant 124 : i32
    %dma_wait3A_1426 = arith.constant 0 : i32
    %dma_wait3A_1427 = tpu.memref_slice %arg7[%dma_wait3A_1425, %dma_wait3A_1426] : memref<125x80xi32, #tpu.memory_space<vmem>> -> memref<1x80xi32, #tpu.memory_space<vmem>>
    %dma_wait3A_1428 = tpu.memref_squeeze %dma_wait3A_1427 : memref<1x80xi32, #tpu.memory_space<vmem>> -> memref<80xi32, #tpu.memory_space<vmem>>
    %dma_wait3A_1429 = arith.constant 0 : i32
    %dma_wait3A_1430 = arith.constant 0 : i32
    %dma_wait3A_1431 = tpu.memref_slice %arg2[%dma_wait3A_1429, %dma_wait3A_1430] : memref<160000x64xf32, #tpu.memory_space<hbm>> -> memref<160000x64xf32, #tpu.memory_space<hbm>>
    tpu.wait_indirect_dma semaphore(%arg26 : memref<!tpu.dma_semaphore, #tpu.memory_space<semaphore_mem>>) src(%dma_wait3A_1431 : memref<160000x64xf32, #tpu.memory_space<hbm>>) dst(%arg14 : memref<80x64xf32, #tpu.memory_space<vmem>>)
    %dma_start3A_1432 = arith.constant 124 : i32
    %dma_start3A_1433 = arith.constant 0 : i32
    %dma_start3A_1434 = tpu.memref_slice %arg9[%dma_start3A_1432, %dma_start3A_1433] : memref<125x80xi32, #tpu.memory_space<vmem>> -> memref<1x80xi32, #tpu.memory_space<vmem>>
    %dma_start3A_1435 = tpu.memref_squeeze %dma_start3A_1434 : memref<1x80xi32, #tpu.memory_space<vmem>> -> memref<80xi32, #tpu.memory_space<vmem>>
    %dma_start3A_1436 = arith.constant 0 : i32
    %dma_start3A_1437 = arith.constant 0 : i32
    %dma_start3A_1438 = tpu.memref_slice %arg21[%dma_start3A_1436, %dma_start3A_1437] : memref<10000x64xf32, #tpu.memory_space<vmem_shared>> -> memref<10000x64xf32, #tpu.memory_space<vmem_shared>>
    tpu.enqueue_indirect_dma source(%arg14 : memref<80x64xf32, #tpu.memory_space<vmem>>) target(%dma_start3A_1438 : memref<10000x64xf32, #tpu.memory_space<vmem_shared>>) offsets(%dma_start3A_1435 : memref<80xi32, #tpu.memory_space<vmem>>) semaphore(%arg36 : memref<!tpu.dma_semaphore, #tpu.memory_space<semaphore_mem>>) {add = true}
    %dma_wait3A_1439 = arith.constant 122 : i32
    %dma_wait3A_1440 = arith.constant 0 : i32
    %dma_wait3A_1441 = tpu.memref_slice %arg9[%dma_wait3A_1439, %dma_wait3A_1440] : memref<125x80xi32, #tpu.memory_space<vmem>> -> memref<1x80xi32, #tpu.memory_space<vmem>>
    %dma_wait3A_1442 = tpu.memref_squeeze %dma_wait3A_1441 : memref<1x80xi32, #tpu.memory_space<vmem>> -> memref<80xi32, #tpu.memory_space<vmem>>
    %dma_wait3A_1443 = arith.constant 0 : i32
    %dma_wait3A_1444 = arith.constant 0 : i32
    %dma_wait3A_1445 = tpu.memref_slice %arg21[%dma_wait3A_1443, %dma_wait3A_1444] : memref<10000x64xf32, #tpu.memory_space<vmem_shared>> -> memref<10000x64xf32, #tpu.memory_space<vmem_shared>>
    tpu.wait_indirect_dma semaphore(%arg34 : memref<!tpu.dma_semaphore, #tpu.memory_space<semaphore_mem>>) src(%arg12 : memref<80x64xf32, #tpu.memory_space<vmem>>) dst(%dma_wait3A_1445 : memref<10000x64xf32, #tpu.memory_space<vmem_shared>>)
    %dma_wait3A_1446 = arith.constant 123 : i32
    %dma_wait3A_1447 = arith.constant 0 : i32
    %dma_wait3A_1448 = tpu.memref_slice %arg9[%dma_wait3A_1446, %dma_wait3A_1447] : memref<125x80xi32, #tpu.memory_space<vmem>> -> memref<1x80xi32, #tpu.memory_space<vmem>>
    %dma_wait3A_1449 = tpu.memref_squeeze %dma_wait3A_1448 : memref<1x80xi32, #tpu.memory_space<vmem>> -> memref<80xi32, #tpu.memory_space<vmem>>
    %dma_wait3A_1450 = arith.constant 0 : i32
    %dma_wait3A_1451 = arith.constant 0 : i32
    %dma_wait3A_1452 = tpu.memref_slice %arg21[%dma_wait3A_1450, %dma_wait3A_1451] : memref<10000x64xf32, #tpu.memory_space<vmem_shared>> -> memref<10000x64xf32, #tpu.memory_space<vmem_shared>>
    tpu.wait_indirect_dma semaphore(%arg35 : memref<!tpu.dma_semaphore, #tpu.memory_space<semaphore_mem>>) src(%arg13 : memref<80x64xf32, #tpu.memory_space<vmem>>) dst(%dma_wait3A_1452 : memref<10000x64xf32, #tpu.memory_space<vmem_shared>>)
    %dma_wait3A_1453 = arith.constant 124 : i32
    %dma_wait3A_1454 = arith.constant 0 : i32
    %dma_wait3A_1455 = tpu.memref_slice %arg9[%dma_wait3A_1453, %dma_wait3A_1454] : memref<125x80xi32, #tpu.memory_space<vmem>> -> memref<1x80xi32, #tpu.memory_space<vmem>>
    %dma_wait3A_1456 = tpu.memref_squeeze %dma_wait3A_1455 : memref<1x80xi32, #tpu.memory_space<vmem>> -> memref<80xi32, #tpu.memory_space<vmem>>
    %dma_wait3A_1457 = arith.constant 0 : i32
    %dma_wait3A_1458 = arith.constant 0 : i32
    %dma_wait3A_1459 = tpu.memref_slice %arg21[%dma_wait3A_1457, %dma_wait3A_1458] : memref<10000x64xf32, #tpu.memory_space<vmem_shared>> -> memref<10000x64xf32, #tpu.memory_space<vmem_shared>>
    tpu.wait_indirect_dma semaphore(%arg36 : memref<!tpu.dma_semaphore, #tpu.memory_space<semaphore_mem>>) src(%arg14 : memref<80x64xf32, #tpu.memory_space<vmem>>) dst(%dma_wait3A_1459 : memref<10000x64xf32, #tpu.memory_space<vmem_shared>>)
    %barrier3A_1460 = arith.constant 0 : index
    tpu.barrier barrier_id(%barrier3A_1460)
    %mul3A_1461 = arith.constant 10000 : i32
    %mul3A_1462 = arith.muli %arg0, %mul3A_1461 : i32
    %add3A_1463 = arith.addi %mul3A_1462, %mul3A_2 : i32
    "tpu.region"() ({
      %run_scoped3A_1467 = tpu.sem_alloc : memref<!tpu.dma_semaphore, #tpu.memory_space<semaphore_mem>>
      %dma_start3A_1468 = arith.constant 64 : i32
      %dma_start3A_1469 = tpu.memref_slice %arg6[%add3A_1463, %dma_start3A_1468] : memref<20000x128xf32, #tpu.memory_space<hbm>> -> memref<624x64xf32, #tpu.memory_space<hbm>>
      %dma_start3A_1470 = arith.constant 0 : i32
      %dma_start3A_1471 = tpu.memref_slice %arg21[%mul3A_2, %dma_start3A_1470] : memref<10000x64xf32, #tpu.memory_space<vmem_shared>> -> memref<624x64xf32, #tpu.memory_space<vmem_shared>>
      tpu.enqueue_dma source(%dma_start3A_1471 : memref<624x64xf32, #tpu.memory_space<vmem_shared>>) target(%dma_start3A_1469 : memref<624x64xf32, #tpu.memory_space<hbm>>) target_semaphore(%run_scoped3A_1467 : memref<!tpu.dma_semaphore, #tpu.memory_space<semaphore_mem>>)
      %dma_wait3A_1472 = arith.constant 64 : i32
      %dma_wait3A_1473 = tpu.memref_slice %arg6[%add3A_1463, %dma_wait3A_1472] : memref<20000x128xf32, #tpu.memory_space<hbm>> -> memref<624x64xf32, #tpu.memory_space<hbm>>
      %dma_wait3A_1474 = arith.constant 0 : i32
      %dma_wait3A_1475 = tpu.memref_slice %arg21[%mul3A_2, %dma_wait3A_1474] : memref<10000x64xf32, #tpu.memory_space<vmem_shared>> -> memref<624x64xf32, #tpu.memory_space<vmem_shared>>
      tpu.wait_dma2 semaphore(%run_scoped3A_1467 : memref<!tpu.dma_semaphore, #tpu.memory_space<semaphore_mem>>) src(%dma_wait3A_1475 : memref<624x64xf32, #tpu.memory_space<vmem_shared>>) dst(%dma_wait3A_1473 : memref<624x64xf32, #tpu.memory_space<hbm>>)
      tpu.yield
    }) : () -> ()
    %convert_element_type3A_1464 = arith.extui %eq3A_3 : i1 to i32
    %cond3A_1465 = arith.constant 0 : i32
    %cond3A_1466 = arith.cmpi ne, %convert_element_type3A_1464, %cond3A_1465 : i32
    scf.if %cond3A_1466 {
      %mul3A_1467 = arith.constant 10000 : i32
      %mul3A_1468 = arith.muli %arg0, %mul3A_1467 : i32
      %add3A_1469 = arith.constant 10000 : i32
      %add3A_1470 = arith.addi %mul3A_1468, %add3A_1469 : i32
      %sub3A = arith.constant 16 : i32
      %sub3A_1471 = arith.subi %add3A_1470, %sub3A : i32
      "tpu.region"() ({
        %run_scoped3A_1472 = tpu.sem_alloc : memref<!tpu.dma_semaphore, #tpu.memory_space<semaphore_mem>>
        %dma_start3A_1473 = arith.constant 64 : i32
        %dma_start3A_1474 = tpu.memref_slice %arg6[%sub3A_1471, %dma_start3A_1473] : memref<20000x128xf32, #tpu.memory_space<hbm>> -> memref<16x64xf32, #tpu.memory_space<hbm>>
        %dma_start3A_1475 = arith.constant 9984 : i32
        %dma_start3A_1476 = arith.constant 0 : i32
        %dma_start3A_1477 = tpu.memref_slice %arg21[%dma_start3A_1475, %dma_start3A_1476] : memref<10000x64xf32, #tpu.memory_space<vmem_shared>> -> memref<16x64xf32, #tpu.memory_space<vmem_shared>>
        tpu.enqueue_dma source(%dma_start3A_1477 : memref<16x64xf32, #tpu.memory_space<vmem_shared>>) target(%dma_start3A_1474 : memref<16x64xf32, #tpu.memory_space<hbm>>) target_semaphore(%run_scoped3A_1472 : memref<!tpu.dma_semaphore, #tpu.memory_space<semaphore_mem>>)
        %dma_wait3A_1478 = arith.constant 64 : i32
        %dma_wait3A_1479 = tpu.memref_slice %arg6[%sub3A_1471, %dma_wait3A_1478] : memref<20000x128xf32, #tpu.memory_space<hbm>> -> memref<16x64xf32, #tpu.memory_space<hbm>>
        %dma_wait3A_1480 = arith.constant 9984 : i32
        %dma_wait3A_1481 = arith.constant 0 : i32
        %dma_wait3A_1482 = tpu.memref_slice %arg21[%dma_wait3A_1480, %dma_wait3A_1481] : memref<10000x64xf32, #tpu.memory_space<vmem_shared>> -> memref<16x64xf32, #tpu.memory_space<vmem_shared>>
        tpu.wait_dma2 semaphore(%run_scoped3A_1472 : memref<!tpu.dma_semaphore, #tpu.memory_space<semaphore_mem>>) src(%dma_wait3A_1482 : memref<16x64xf32, #tpu.memory_space<vmem_shared>>) dst(%dma_wait3A_1479 : memref<16x64xf32, #tpu.memory_space<hbm>>)
        tpu.yield
      }) : () -> ()
    } else {
    }
    return
  }
}

module attributes {stable_mosaic.version = 14 : i64} {
  func.func @_proj_body(%arg0: i32, %arg1: memref<1000x128xf32, #tpu.memory_space<vmem>>, %arg2: memref<4x128x128xf32, #tpu.memory_space<vmem>>, %arg3: memref<8x4xf32, #tpu.memory_space<smem>>, %arg4: memref<128x128xf32, #tpu.memory_space<vmem>>, %arg5: memref<125x8x8x128xf32, #tpu.memory_space<vmem>>, %arg6: memref<1000x128xf32, #tpu.memory_space<vmem>>) attributes {dimension_semantics = [#tpu.dimension_semantics<arbitrary>], iteration_bounds = array<i64: 10>, scalar_prefetch = 0 : i64, scratch_operands = 0 : i64, tpu.core_type = #tpu.core_type<tc>, window_params = [{transform_indices = @transform_0, window_bounds = array<i64: 1000, 128>}, {pipeline_mode = #tpu.pipeline_mode<synchronous>, transform_indices = @transform_1, window_bounds = array<i64: 4, 128, 128>}, {transform_indices = @transform_2, window_bounds = array<i64: 8, 4>}, {pipeline_mode = #tpu.pipeline_mode<synchronous>, transform_indices = @transform_3, window_bounds = array<i64: 128, 128>}, {transform_indices = @transform_4, window_bounds = array<i64: 125, 8, 8, 128>}, {transform_indices = @transform_5, window_bounds = array<i64: 1000, 128>}]} {
    %get3A = arith.constant 0 : index
    %get3A_0 = arith.constant 0 : index
    %get3A_1 = vector.load %arg1[%get3A, %get3A_0] : memref<1000x128xf32, #tpu.memory_space<vmem>>, vector<1000x128xf32>
    %get3A_2 = arith.constant 0 : index
    %get3A_3 = arith.constant 0 : index
    %get3A_4 = memref.load %arg3[%get3A_2, %get3A_3] : memref<8x4xf32, #tpu.memory_space<smem>>
    %get3A_5 = arith.constant 0 : index
    %get3A_6 = arith.constant 0 : index
    %get3A_7 = arith.constant 0 : index
    %get3A_8 = vector.load %arg2[%get3A_5, %get3A_6, %get3A_7] : memref<4x128x128xf32, #tpu.memory_space<vmem>>, vector<1x128x128xf32>
    %get3A_9 = vector.shape_cast %get3A_8 : vector<1x128x128xf32> to vector<128x128xf32>
    %mul3A = vector.broadcast %get3A_4 : f32 to vector<128x128xf32>
    %mul3A_10 = arith.mulf %mul3A, %get3A_9 : vector<128x128xf32>
    %get3A_11 = arith.constant 0 : index
    %get3A_12 = arith.constant 1 : index
    %get3A_13 = memref.load %arg3[%get3A_11, %get3A_12] : memref<8x4xf32, #tpu.memory_space<smem>>
    %get3A_14 = arith.constant 1 : index
    %get3A_15 = arith.constant 0 : index
    %get3A_16 = arith.constant 0 : index
    %get3A_17 = vector.load %arg2[%get3A_14, %get3A_15, %get3A_16] : memref<4x128x128xf32, #tpu.memory_space<vmem>>, vector<1x128x128xf32>
    %get3A_18 = vector.shape_cast %get3A_17 : vector<1x128x128xf32> to vector<128x128xf32>
    %mul3A_19 = vector.broadcast %get3A_13 : f32 to vector<128x128xf32>
    %mul3A_20 = arith.mulf %mul3A_19, %get3A_18 : vector<128x128xf32>
    %add3A = arith.addf %mul3A_10, %mul3A_20 : vector<128x128xf32>
    %get3A_21 = arith.constant 0 : index
    %get3A_22 = arith.constant 2 : index
    %get3A_23 = memref.load %arg3[%get3A_21, %get3A_22] : memref<8x4xf32, #tpu.memory_space<smem>>
    %get3A_24 = arith.constant 2 : index
    %get3A_25 = arith.constant 0 : index
    %get3A_26 = arith.constant 0 : index
    %get3A_27 = vector.load %arg2[%get3A_24, %get3A_25, %get3A_26] : memref<4x128x128xf32, #tpu.memory_space<vmem>>, vector<1x128x128xf32>
    %get3A_28 = vector.shape_cast %get3A_27 : vector<1x128x128xf32> to vector<128x128xf32>
    %mul3A_29 = vector.broadcast %get3A_23 : f32 to vector<128x128xf32>
    %mul3A_30 = arith.mulf %mul3A_29, %get3A_28 : vector<128x128xf32>
    %add3A_31 = arith.addf %add3A, %mul3A_30 : vector<128x128xf32>
    %get3A_32 = arith.constant 0 : index
    %get3A_33 = arith.constant 3 : index
    %get3A_34 = memref.load %arg3[%get3A_32, %get3A_33] : memref<8x4xf32, #tpu.memory_space<smem>>
    %get3A_35 = arith.constant 3 : index
    %get3A_36 = arith.constant 0 : index
    %get3A_37 = arith.constant 0 : index
    %get3A_38 = vector.load %arg2[%get3A_35, %get3A_36, %get3A_37] : memref<4x128x128xf32, #tpu.memory_space<vmem>>, vector<1x128x128xf32>
    %get3A_39 = vector.shape_cast %get3A_38 : vector<1x128x128xf32> to vector<128x128xf32>
    %mul3A_40 = vector.broadcast %get3A_34 : f32 to vector<128x128xf32>
    %mul3A_41 = arith.mulf %mul3A_40, %get3A_39 : vector<128x128xf32>
    %add3A_42 = arith.addf %add3A_31, %mul3A_41 : vector<128x128xf32>
    %dot_general3A = arith.constant dense<0.000000e+00> : vector<1000x128xf32>
    %dot_general3A_43 = tpu.matmul %get3A_1, %add3A_42, %dot_general3A {dimension_numbers = #tpu.dot_dimension_numbers<[1], [0], [0], [1], [0, 0, 1, 1], [], []>, transpose_lhs_hint = false} : vector<1000x128xf32>, vector<128x128xf32>, vector<1000x128xf32> -> vector<1000x128xf32>
    %reshape3A = vector.shape_cast %dot_general3A_43 : vector<1000x128xf32> to vector<125x8x128xf32>
    %swap3A = arith.constant 0 : index
    %swap3A_44 = arith.constant 0 : index
    %swap3A_45 = arith.constant 0 : index
    %swap3A_46 = arith.constant 0 : index
    %swap3A_47 = vector.load %arg5[%swap3A, %swap3A_44, %swap3A_45, %swap3A_46] : memref<125x8x8x128xf32, #tpu.memory_space<vmem>>, vector<125x1x8x128xf32>
    %swap3A_48 = vector.shape_cast %swap3A_47 : vector<125x1x8x128xf32> to vector<125x8x128xf32>
    %swap3A_49 = vector.shape_cast %reshape3A : vector<125x8x128xf32> to vector<125x1x8x128xf32>
    tpu.vector_store %arg5[%swap3A, %swap3A_44, %swap3A_45, %swap3A_46], %swap3A_49 {strides = array<i32>} : memref<125x8x8x128xf32, #tpu.memory_space<vmem>>, vector<125x1x8x128xf32>,
    %get3A_50 = arith.constant 1 : index
    %get3A_51 = arith.constant 0 : index
    %get3A_52 = memref.load %arg3[%get3A_50, %get3A_51] : memref<8x4xf32, #tpu.memory_space<smem>>
    %get3A_53 = arith.constant 0 : index
    %get3A_54 = arith.constant 0 : index
    %get3A_55 = arith.constant 0 : index
    %get3A_56 = vector.load %arg2[%get3A_53, %get3A_54, %get3A_55] : memref<4x128x128xf32, #tpu.memory_space<vmem>>, vector<1x128x128xf32>
    %get3A_57 = vector.shape_cast %get3A_56 : vector<1x128x128xf32> to vector<128x128xf32>
    %mul3A_58 = vector.broadcast %get3A_52 : f32 to vector<128x128xf32>
    %mul3A_59 = arith.mulf %mul3A_58, %get3A_57 : vector<128x128xf32>
    %get3A_60 = arith.constant 1 : index
    %get3A_61 = arith.constant 1 : index
    %get3A_62 = memref.load %arg3[%get3A_60, %get3A_61] : memref<8x4xf32, #tpu.memory_space<smem>>
    %get3A_63 = arith.constant 1 : index
    %get3A_64 = arith.constant 0 : index
    %get3A_65 = arith.constant 0 : index
    %get3A_66 = vector.load %arg2[%get3A_63, %get3A_64, %get3A_65] : memref<4x128x128xf32, #tpu.memory_space<vmem>>, vector<1x128x128xf32>
    %get3A_67 = vector.shape_cast %get3A_66 : vector<1x128x128xf32> to vector<128x128xf32>
    %mul3A_68 = vector.broadcast %get3A_62 : f32 to vector<128x128xf32>
    %mul3A_69 = arith.mulf %mul3A_68, %get3A_67 : vector<128x128xf32>
    %add3A_70 = arith.addf %mul3A_59, %mul3A_69 : vector<128x128xf32>
    %get3A_71 = arith.constant 1 : index
    %get3A_72 = arith.constant 2 : index
    %get3A_73 = memref.load %arg3[%get3A_71, %get3A_72] : memref<8x4xf32, #tpu.memory_space<smem>>
    %get3A_74 = arith.constant 2 : index
    %get3A_75 = arith.constant 0 : index
    %get3A_76 = arith.constant 0 : index
    %get3A_77 = vector.load %arg2[%get3A_74, %get3A_75, %get3A_76] : memref<4x128x128xf32, #tpu.memory_space<vmem>>, vector<1x128x128xf32>
    %get3A_78 = vector.shape_cast %get3A_77 : vector<1x128x128xf32> to vector<128x128xf32>
    %mul3A_79 = vector.broadcast %get3A_73 : f32 to vector<128x128xf32>
    %mul3A_80 = arith.mulf %mul3A_79, %get3A_78 : vector<128x128xf32>
    %add3A_81 = arith.addf %add3A_70, %mul3A_80 : vector<128x128xf32>
    %get3A_82 = arith.constant 1 : index
    %get3A_83 = arith.constant 3 : index
    %get3A_84 = memref.load %arg3[%get3A_82, %get3A_83] : memref<8x4xf32, #tpu.memory_space<smem>>
    %get3A_85 = arith.constant 3 : index
    %get3A_86 = arith.constant 0 : index
    %get3A_87 = arith.constant 0 : index
    %get3A_88 = vector.load %arg2[%get3A_85, %get3A_86, %get3A_87] : memref<4x128x128xf32, #tpu.memory_space<vmem>>, vector<1x128x128xf32>
    %get3A_89 = vector.shape_cast %get3A_88 : vector<1x128x128xf32> to vector<128x128xf32>
    %mul3A_90 = vector.broadcast %get3A_84 : f32 to vector<128x128xf32>
    %mul3A_91 = arith.mulf %mul3A_90, %get3A_89 : vector<128x128xf32>
    %add3A_92 = arith.addf %add3A_81, %mul3A_91 : vector<128x128xf32>
    %dot_general3A_93 = arith.constant dense<0.000000e+00> : vector<1000x128xf32>
    %dot_general3A_94 = tpu.matmul %get3A_1, %add3A_92, %dot_general3A_93 {dimension_numbers = #tpu.dot_dimension_numbers<[1], [0], [0], [1], [0, 0, 1, 1], [], []>, transpose_lhs_hint = false} : vector<1000x128xf32>, vector<128x128xf32>, vector<1000x128xf32> -> vector<1000x128xf32>
    %reshape3A_95 = vector.shape_cast %dot_general3A_94 : vector<1000x128xf32> to vector<125x8x128xf32>
    %swap3A_96 = arith.constant 0 : index
    %swap3A_97 = arith.constant 1 : index
    %swap3A_98 = arith.constant 0 : index
    %swap3A_99 = arith.constant 0 : index
    %swap3A_100 = vector.load %arg5[%swap3A_96, %swap3A_97, %swap3A_98, %swap3A_99] : memref<125x8x8x128xf32, #tpu.memory_space<vmem>>, vector<125x1x8x128xf32>
    %swap3A_101 = vector.shape_cast %swap3A_100 : vector<125x1x8x128xf32> to vector<125x8x128xf32>
    %swap3A_102 = vector.shape_cast %reshape3A_95 : vector<125x8x128xf32> to vector<125x1x8x128xf32>
    tpu.vector_store %arg5[%swap3A_96, %swap3A_97, %swap3A_98, %swap3A_99], %swap3A_102 {strides = array<i32>} : memref<125x8x8x128xf32, #tpu.memory_space<vmem>>, vector<125x1x8x128xf32>,
    %get3A_103 = arith.constant 2 : index
    %get3A_104 = arith.constant 0 : index
    %get3A_105 = memref.load %arg3[%get3A_103, %get3A_104] : memref<8x4xf32, #tpu.memory_space<smem>>
    %get3A_106 = arith.constant 0 : index
    %get3A_107 = arith.constant 0 : index
    %get3A_108 = arith.constant 0 : index
    %get3A_109 = vector.load %arg2[%get3A_106, %get3A_107, %get3A_108] : memref<4x128x128xf32, #tpu.memory_space<vmem>>, vector<1x128x128xf32>
    %get3A_110 = vector.shape_cast %get3A_109 : vector<1x128x128xf32> to vector<128x128xf32>
    %mul3A_111 = vector.broadcast %get3A_105 : f32 to vector<128x128xf32>
    %mul3A_112 = arith.mulf %mul3A_111, %get3A_110 : vector<128x128xf32>
    %get3A_113 = arith.constant 2 : index
    %get3A_114 = arith.constant 1 : index
    %get3A_115 = memref.load %arg3[%get3A_113, %get3A_114] : memref<8x4xf32, #tpu.memory_space<smem>>
    %get3A_116 = arith.constant 1 : index
    %get3A_117 = arith.constant 0 : index
    %get3A_118 = arith.constant 0 : index
    %get3A_119 = vector.load %arg2[%get3A_116, %get3A_117, %get3A_118] : memref<4x128x128xf32, #tpu.memory_space<vmem>>, vector<1x128x128xf32>
    %get3A_120 = vector.shape_cast %get3A_119 : vector<1x128x128xf32> to vector<128x128xf32>
    %mul3A_121 = vector.broadcast %get3A_115 : f32 to vector<128x128xf32>
    %mul3A_122 = arith.mulf %mul3A_121, %get3A_120 : vector<128x128xf32>
    %add3A_123 = arith.addf %mul3A_112, %mul3A_122 : vector<128x128xf32>
    %get3A_124 = arith.constant 2 : index
    %get3A_125 = arith.constant 2 : index
    %get3A_126 = memref.load %arg3[%get3A_124, %get3A_125] : memref<8x4xf32, #tpu.memory_space<smem>>
    %get3A_127 = arith.constant 2 : index
    %get3A_128 = arith.constant 0 : index
    %get3A_129 = arith.constant 0 : index
    %get3A_130 = vector.load %arg2[%get3A_127, %get3A_128, %get3A_129] : memref<4x128x128xf32, #tpu.memory_space<vmem>>, vector<1x128x128xf32>
    %get3A_131 = vector.shape_cast %get3A_130 : vector<1x128x128xf32> to vector<128x128xf32>
    %mul3A_132 = vector.broadcast %get3A_126 : f32 to vector<128x128xf32>
    %mul3A_133 = arith.mulf %mul3A_132, %get3A_131 : vector<128x128xf32>
    %add3A_134 = arith.addf %add3A_123, %mul3A_133 : vector<128x128xf32>
    %get3A_135 = arith.constant 2 : index
    %get3A_136 = arith.constant 3 : index
    %get3A_137 = memref.load %arg3[%get3A_135, %get3A_136] : memref<8x4xf32, #tpu.memory_space<smem>>
    %get3A_138 = arith.constant 3 : index
    %get3A_139 = arith.constant 0 : index
    %get3A_140 = arith.constant 0 : index
    %get3A_141 = vector.load %arg2[%get3A_138, %get3A_139, %get3A_140] : memref<4x128x128xf32, #tpu.memory_space<vmem>>, vector<1x128x128xf32>
    %get3A_142 = vector.shape_cast %get3A_141 : vector<1x128x128xf32> to vector<128x128xf32>
    %mul3A_143 = vector.broadcast %get3A_137 : f32 to vector<128x128xf32>
    %mul3A_144 = arith.mulf %mul3A_143, %get3A_142 : vector<128x128xf32>
    %add3A_145 = arith.addf %add3A_134, %mul3A_144 : vector<128x128xf32>
    %dot_general3A_146 = arith.constant dense<0.000000e+00> : vector<1000x128xf32>
    %dot_general3A_147 = tpu.matmul %get3A_1, %add3A_145, %dot_general3A_146 {dimension_numbers = #tpu.dot_dimension_numbers<[1], [0], [0], [1], [0, 0, 1, 1], [], []>, transpose_lhs_hint = false} : vector<1000x128xf32>, vector<128x128xf32>, vector<1000x128xf32> -> vector<1000x128xf32>
    %reshape3A_148 = vector.shape_cast %dot_general3A_147 : vector<1000x128xf32> to vector<125x8x128xf32>
    %swap3A_149 = arith.constant 0 : index
    %swap3A_150 = arith.constant 2 : index
    %swap3A_151 = arith.constant 0 : index
    %swap3A_152 = arith.constant 0 : index
    %swap3A_153 = vector.load %arg5[%swap3A_149, %swap3A_150, %swap3A_151, %swap3A_152] : memref<125x8x8x128xf32, #tpu.memory_space<vmem>>, vector<125x1x8x128xf32>
    %swap3A_154 = vector.shape_cast %swap3A_153 : vector<125x1x8x128xf32> to vector<125x8x128xf32>
    %swap3A_155 = vector.shape_cast %reshape3A_148 : vector<125x8x128xf32> to vector<125x1x8x128xf32>
    tpu.vector_store %arg5[%swap3A_149, %swap3A_150, %swap3A_151, %swap3A_152], %swap3A_155 {strides = array<i32>} : memref<125x8x8x128xf32, #tpu.memory_space<vmem>>, vector<125x1x8x128xf32>,
    %get3A_156 = arith.constant 3 : index
    %get3A_157 = arith.constant 0 : index
    %get3A_158 = memref.load %arg3[%get3A_156, %get3A_157] : memref<8x4xf32, #tpu.memory_space<smem>>
    %get3A_159 = arith.constant 0 : index
    %get3A_160 = arith.constant 0 : index
    %get3A_161 = arith.constant 0 : index
    %get3A_162 = vector.load %arg2[%get3A_159, %get3A_160, %get3A_161] : memref<4x128x128xf32, #tpu.memory_space<vmem>>, vector<1x128x128xf32>
    %get3A_163 = vector.shape_cast %get3A_162 : vector<1x128x128xf32> to vector<128x128xf32>
    %mul3A_164 = vector.broadcast %get3A_158 : f32 to vector<128x128xf32>
    %mul3A_165 = arith.mulf %mul3A_164, %get3A_163 : vector<128x128xf32>
    %get3A_166 = arith.constant 3 : index
    %get3A_167 = arith.constant 1 : index
    %get3A_168 = memref.load %arg3[%get3A_166, %get3A_167] : memref<8x4xf32, #tpu.memory_space<smem>>
    %get3A_169 = arith.constant 1 : index
    %get3A_170 = arith.constant 0 : index
    %get3A_171 = arith.constant 0 : index
    %get3A_172 = vector.load %arg2[%get3A_169, %get3A_170, %get3A_171] : memref<4x128x128xf32, #tpu.memory_space<vmem>>, vector<1x128x128xf32>
    %get3A_173 = vector.shape_cast %get3A_172 : vector<1x128x128xf32> to vector<128x128xf32>
    %mul3A_174 = vector.broadcast %get3A_168 : f32 to vector<128x128xf32>
    %mul3A_175 = arith.mulf %mul3A_174, %get3A_173 : vector<128x128xf32>
    %add3A_176 = arith.addf %mul3A_165, %mul3A_175 : vector<128x128xf32>
    %get3A_177 = arith.constant 3 : index
    %get3A_178 = arith.constant 2 : index
    %get3A_179 = memref.load %arg3[%get3A_177, %get3A_178] : memref<8x4xf32, #tpu.memory_space<smem>>
    %get3A_180 = arith.constant 2 : index
    %get3A_181 = arith.constant 0 : index
    %get3A_182 = arith.constant 0 : index
    %get3A_183 = vector.load %arg2[%get3A_180, %get3A_181, %get3A_182] : memref<4x128x128xf32, #tpu.memory_space<vmem>>, vector<1x128x128xf32>
    %get3A_184 = vector.shape_cast %get3A_183 : vector<1x128x128xf32> to vector<128x128xf32>
    %mul3A_185 = vector.broadcast %get3A_179 : f32 to vector<128x128xf32>
    %mul3A_186 = arith.mulf %mul3A_185, %get3A_184 : vector<128x128xf32>
    %add3A_187 = arith.addf %add3A_176, %mul3A_186 : vector<128x128xf32>
    %get3A_188 = arith.constant 3 : index
    %get3A_189 = arith.constant 3 : index
    %get3A_190 = memref.load %arg3[%get3A_188, %get3A_189] : memref<8x4xf32, #tpu.memory_space<smem>>
    %get3A_191 = arith.constant 3 : index
    %get3A_192 = arith.constant 0 : index
    %get3A_193 = arith.constant 0 : index
    %get3A_194 = vector.load %arg2[%get3A_191, %get3A_192, %get3A_193] : memref<4x128x128xf32, #tpu.memory_space<vmem>>, vector<1x128x128xf32>
    %get3A_195 = vector.shape_cast %get3A_194 : vector<1x128x128xf32> to vector<128x128xf32>
    %mul3A_196 = vector.broadcast %get3A_190 : f32 to vector<128x128xf32>
    %mul3A_197 = arith.mulf %mul3A_196, %get3A_195 : vector<128x128xf32>
    %add3A_198 = arith.addf %add3A_187, %mul3A_197 : vector<128x128xf32>
    %dot_general3A_199 = arith.constant dense<0.000000e+00> : vector<1000x128xf32>
    %dot_general3A_200 = tpu.matmul %get3A_1, %add3A_198, %dot_general3A_199 {dimension_numbers = #tpu.dot_dimension_numbers<[1], [0], [0], [1], [0, 0, 1, 1], [], []>, transpose_lhs_hint = false} : vector<1000x128xf32>, vector<128x128xf32>, vector<1000x128xf32> -> vector<1000x128xf32>
    %reshape3A_201 = vector.shape_cast %dot_general3A_200 : vector<1000x128xf32> to vector<125x8x128xf32>
    %swap3A_202 = arith.constant 0 : index
    %swap3A_203 = arith.constant 3 : index
    %swap3A_204 = arith.constant 0 : index
    %swap3A_205 = arith.constant 0 : index
    %swap3A_206 = vector.load %arg5[%swap3A_202, %swap3A_203, %swap3A_204, %swap3A_205] : memref<125x8x8x128xf32, #tpu.memory_space<vmem>>, vector<125x1x8x128xf32>
    %swap3A_207 = vector.shape_cast %swap3A_206 : vector<125x1x8x128xf32> to vector<125x8x128xf32>
    %swap3A_208 = vector.shape_cast %reshape3A_201 : vector<125x8x128xf32> to vector<125x1x8x128xf32>
    tpu.vector_store %arg5[%swap3A_202, %swap3A_203, %swap3A_204, %swap3A_205], %swap3A_208 {strides = array<i32>} : memref<125x8x8x128xf32, #tpu.memory_space<vmem>>, vector<125x1x8x128xf32>,
    %get3A_209 = arith.constant 4 : index
    %get3A_210 = arith.constant 0 : index
    %get3A_211 = memref.load %arg3[%get3A_209, %get3A_210] : memref<8x4xf32, #tpu.memory_space<smem>>
    %get3A_212 = arith.constant 0 : index
    %get3A_213 = arith.constant 0 : index
    %get3A_214 = arith.constant 0 : index
    %get3A_215 = vector.load %arg2[%get3A_212, %get3A_213, %get3A_214] : memref<4x128x128xf32, #tpu.memory_space<vmem>>, vector<1x128x128xf32>
    %get3A_216 = vector.shape_cast %get3A_215 : vector<1x128x128xf32> to vector<128x128xf32>
    %mul3A_217 = vector.broadcast %get3A_211 : f32 to vector<128x128xf32>
    %mul3A_218 = arith.mulf %mul3A_217, %get3A_216 : vector<128x128xf32>
    %get3A_219 = arith.constant 4 : index
    %get3A_220 = arith.constant 1 : index
    %get3A_221 = memref.load %arg3[%get3A_219, %get3A_220] : memref<8x4xf32, #tpu.memory_space<smem>>
    %get3A_222 = arith.constant 1 : index
    %get3A_223 = arith.constant 0 : index
    %get3A_224 = arith.constant 0 : index
    %get3A_225 = vector.load %arg2[%get3A_222, %get3A_223, %get3A_224] : memref<4x128x128xf32, #tpu.memory_space<vmem>>, vector<1x128x128xf32>
    %get3A_226 = vector.shape_cast %get3A_225 : vector<1x128x128xf32> to vector<128x128xf32>
    %mul3A_227 = vector.broadcast %get3A_221 : f32 to vector<128x128xf32>
    %mul3A_228 = arith.mulf %mul3A_227, %get3A_226 : vector<128x128xf32>
    %add3A_229 = arith.addf %mul3A_218, %mul3A_228 : vector<128x128xf32>
    %get3A_230 = arith.constant 4 : index
    %get3A_231 = arith.constant 2 : index
    %get3A_232 = memref.load %arg3[%get3A_230, %get3A_231] : memref<8x4xf32, #tpu.memory_space<smem>>
    %get3A_233 = arith.constant 2 : index
    %get3A_234 = arith.constant 0 : index
    %get3A_235 = arith.constant 0 : index
    %get3A_236 = vector.load %arg2[%get3A_233, %get3A_234, %get3A_235] : memref<4x128x128xf32, #tpu.memory_space<vmem>>, vector<1x128x128xf32>
    %get3A_237 = vector.shape_cast %get3A_236 : vector<1x128x128xf32> to vector<128x128xf32>
    %mul3A_238 = vector.broadcast %get3A_232 : f32 to vector<128x128xf32>
    %mul3A_239 = arith.mulf %mul3A_238, %get3A_237 : vector<128x128xf32>
    %add3A_240 = arith.addf %add3A_229, %mul3A_239 : vector<128x128xf32>
    %get3A_241 = arith.constant 4 : index
    %get3A_242 = arith.constant 3 : index
    %get3A_243 = memref.load %arg3[%get3A_241, %get3A_242] : memref<8x4xf32, #tpu.memory_space<smem>>
    %get3A_244 = arith.constant 3 : index
    %get3A_245 = arith.constant 0 : index
    %get3A_246 = arith.constant 0 : index
    %get3A_247 = vector.load %arg2[%get3A_244, %get3A_245, %get3A_246] : memref<4x128x128xf32, #tpu.memory_space<vmem>>, vector<1x128x128xf32>
    %get3A_248 = vector.shape_cast %get3A_247 : vector<1x128x128xf32> to vector<128x128xf32>
    %mul3A_249 = vector.broadcast %get3A_243 : f32 to vector<128x128xf32>
    %mul3A_250 = arith.mulf %mul3A_249, %get3A_248 : vector<128x128xf32>
    %add3A_251 = arith.addf %add3A_240, %mul3A_250 : vector<128x128xf32>
    %dot_general3A_252 = arith.constant dense<0.000000e+00> : vector<1000x128xf32>
    %dot_general3A_253 = tpu.matmul %get3A_1, %add3A_251, %dot_general3A_252 {dimension_numbers = #tpu.dot_dimension_numbers<[1], [0], [0], [1], [0, 0, 1, 1], [], []>, transpose_lhs_hint = false} : vector<1000x128xf32>, vector<128x128xf32>, vector<1000x128xf32> -> vector<1000x128xf32>
    %reshape3A_254 = vector.shape_cast %dot_general3A_253 : vector<1000x128xf32> to vector<125x8x128xf32>
    %swap3A_255 = arith.constant 0 : index
    %swap3A_256 = arith.constant 4 : index
    %swap3A_257 = arith.constant 0 : index
    %swap3A_258 = arith.constant 0 : index
    %swap3A_259 = vector.load %arg5[%swap3A_255, %swap3A_256, %swap3A_257, %swap3A_258] : memref<125x8x8x128xf32, #tpu.memory_space<vmem>>, vector<125x1x8x128xf32>
    %swap3A_260 = vector.shape_cast %swap3A_259 : vector<125x1x8x128xf32> to vector<125x8x128xf32>
    %swap3A_261 = vector.shape_cast %reshape3A_254 : vector<125x8x128xf32> to vector<125x1x8x128xf32>
    tpu.vector_store %arg5[%swap3A_255, %swap3A_256, %swap3A_257, %swap3A_258], %swap3A_261 {strides = array<i32>} : memref<125x8x8x128xf32, #tpu.memory_space<vmem>>, vector<125x1x8x128xf32>,
    %get3A_262 = arith.constant 5 : index
    %get3A_263 = arith.constant 0 : index
    %get3A_264 = memref.load %arg3[%get3A_262, %get3A_263] : memref<8x4xf32, #tpu.memory_space<smem>>
    %get3A_265 = arith.constant 0 : index
    %get3A_266 = arith.constant 0 : index
    %get3A_267 = arith.constant 0 : index
    %get3A_268 = vector.load %arg2[%get3A_265, %get3A_266, %get3A_267] : memref<4x128x128xf32, #tpu.memory_space<vmem>>, vector<1x128x128xf32>
    %get3A_269 = vector.shape_cast %get3A_268 : vector<1x128x128xf32> to vector<128x128xf32>
    %mul3A_270 = vector.broadcast %get3A_264 : f32 to vector<128x128xf32>
    %mul3A_271 = arith.mulf %mul3A_270, %get3A_269 : vector<128x128xf32>
    %get3A_272 = arith.constant 5 : index
    %get3A_273 = arith.constant 1 : index
    %get3A_274 = memref.load %arg3[%get3A_272, %get3A_273] : memref<8x4xf32, #tpu.memory_space<smem>>
    %get3A_275 = arith.constant 1 : index
    %get3A_276 = arith.constant 0 : index
    %get3A_277 = arith.constant 0 : index
    %get3A_278 = vector.load %arg2[%get3A_275, %get3A_276, %get3A_277] : memref<4x128x128xf32, #tpu.memory_space<vmem>>, vector<1x128x128xf32>
    %get3A_279 = vector.shape_cast %get3A_278 : vector<1x128x128xf32> to vector<128x128xf32>
    %mul3A_280 = vector.broadcast %get3A_274 : f32 to vector<128x128xf32>
    %mul3A_281 = arith.mulf %mul3A_280, %get3A_279 : vector<128x128xf32>
    %add3A_282 = arith.addf %mul3A_271, %mul3A_281 : vector<128x128xf32>
    %get3A_283 = arith.constant 5 : index
    %get3A_284 = arith.constant 2 : index
    %get3A_285 = memref.load %arg3[%get3A_283, %get3A_284] : memref<8x4xf32, #tpu.memory_space<smem>>
    %get3A_286 = arith.constant 2 : index
    %get3A_287 = arith.constant 0 : index
    %get3A_288 = arith.constant 0 : index
    %get3A_289 = vector.load %arg2[%get3A_286, %get3A_287, %get3A_288] : memref<4x128x128xf32, #tpu.memory_space<vmem>>, vector<1x128x128xf32>
    %get3A_290 = vector.shape_cast %get3A_289 : vector<1x128x128xf32> to vector<128x128xf32>
    %mul3A_291 = vector.broadcast %get3A_285 : f32 to vector<128x128xf32>
    %mul3A_292 = arith.mulf %mul3A_291, %get3A_290 : vector<128x128xf32>
    %add3A_293 = arith.addf %add3A_282, %mul3A_292 : vector<128x128xf32>
    %get3A_294 = arith.constant 5 : index
    %get3A_295 = arith.constant 3 : index
    %get3A_296 = memref.load %arg3[%get3A_294, %get3A_295] : memref<8x4xf32, #tpu.memory_space<smem>>
    %get3A_297 = arith.constant 3 : index
    %get3A_298 = arith.constant 0 : index
    %get3A_299 = arith.constant 0 : index
    %get3A_300 = vector.load %arg2[%get3A_297, %get3A_298, %get3A_299] : memref<4x128x128xf32, #tpu.memory_space<vmem>>, vector<1x128x128xf32>
    %get3A_301 = vector.shape_cast %get3A_300 : vector<1x128x128xf32> to vector<128x128xf32>
    %mul3A_302 = vector.broadcast %get3A_296 : f32 to vector<128x128xf32>
    %mul3A_303 = arith.mulf %mul3A_302, %get3A_301 : vector<128x128xf32>
    %add3A_304 = arith.addf %add3A_293, %mul3A_303 : vector<128x128xf32>
    %dot_general3A_305 = arith.constant dense<0.000000e+00> : vector<1000x128xf32>
    %dot_general3A_306 = tpu.matmul %get3A_1, %add3A_304, %dot_general3A_305 {dimension_numbers = #tpu.dot_dimension_numbers<[1], [0], [0], [1], [0, 0, 1, 1], [], []>, transpose_lhs_hint = false} : vector<1000x128xf32>, vector<128x128xf32>, vector<1000x128xf32> -> vector<1000x128xf32>
    %reshape3A_307 = vector.shape_cast %dot_general3A_306 : vector<1000x128xf32> to vector<125x8x128xf32>
    %swap3A_308 = arith.constant 0 : index
    %swap3A_309 = arith.constant 5 : index
    %swap3A_310 = arith.constant 0 : index
    %swap3A_311 = arith.constant 0 : index
    %swap3A_312 = vector.load %arg5[%swap3A_308, %swap3A_309, %swap3A_310, %swap3A_311] : memref<125x8x8x128xf32, #tpu.memory_space<vmem>>, vector<125x1x8x128xf32>
    %swap3A_313 = vector.shape_cast %swap3A_312 : vector<125x1x8x128xf32> to vector<125x8x128xf32>
    %swap3A_314 = vector.shape_cast %reshape3A_307 : vector<125x8x128xf32> to vector<125x1x8x128xf32>
    tpu.vector_store %arg5[%swap3A_308, %swap3A_309, %swap3A_310, %swap3A_311], %swap3A_314 {strides = array<i32>} : memref<125x8x8x128xf32, #tpu.memory_space<vmem>>, vector<125x1x8x128xf32>,
    %get3A_315 = arith.constant 6 : index
    %get3A_316 = arith.constant 0 : index
    %get3A_317 = memref.load %arg3[%get3A_315, %get3A_316] : memref<8x4xf32, #tpu.memory_space<smem>>
    %get3A_318 = arith.constant 0 : index
    %get3A_319 = arith.constant 0 : index
    %get3A_320 = arith.constant 0 : index
    %get3A_321 = vector.load %arg2[%get3A_318, %get3A_319, %get3A_320] : memref<4x128x128xf32, #tpu.memory_space<vmem>>, vector<1x128x128xf32>
    %get3A_322 = vector.shape_cast %get3A_321 : vector<1x128x128xf32> to vector<128x128xf32>
    %mul3A_323 = vector.broadcast %get3A_317 : f32 to vector<128x128xf32>
    %mul3A_324 = arith.mulf %mul3A_323, %get3A_322 : vector<128x128xf32>
    %get3A_325 = arith.constant 6 : index
    %get3A_326 = arith.constant 1 : index
    %get3A_327 = memref.load %arg3[%get3A_325, %get3A_326] : memref<8x4xf32, #tpu.memory_space<smem>>
    %get3A_328 = arith.constant 1 : index
    %get3A_329 = arith.constant 0 : index
    %get3A_330 = arith.constant 0 : index
    %get3A_331 = vector.load %arg2[%get3A_328, %get3A_329, %get3A_330] : memref<4x128x128xf32, #tpu.memory_space<vmem>>, vector<1x128x128xf32>
    %get3A_332 = vector.shape_cast %get3A_331 : vector<1x128x128xf32> to vector<128x128xf32>
    %mul3A_333 = vector.broadcast %get3A_327 : f32 to vector<128x128xf32>
    %mul3A_334 = arith.mulf %mul3A_333, %get3A_332 : vector<128x128xf32>
    %add3A_335 = arith.addf %mul3A_324, %mul3A_334 : vector<128x128xf32>
    %get3A_336 = arith.constant 6 : index
    %get3A_337 = arith.constant 2 : index
    %get3A_338 = memref.load %arg3[%get3A_336, %get3A_337] : memref<8x4xf32, #tpu.memory_space<smem>>
    %get3A_339 = arith.constant 2 : index
    %get3A_340 = arith.constant 0 : index
    %get3A_341 = arith.constant 0 : index
    %get3A_342 = vector.load %arg2[%get3A_339, %get3A_340, %get3A_341] : memref<4x128x128xf32, #tpu.memory_space<vmem>>, vector<1x128x128xf32>
    %get3A_343 = vector.shape_cast %get3A_342 : vector<1x128x128xf32> to vector<128x128xf32>
    %mul3A_344 = vector.broadcast %get3A_338 : f32 to vector<128x128xf32>
    %mul3A_345 = arith.mulf %mul3A_344, %get3A_343 : vector<128x128xf32>
    %add3A_346 = arith.addf %add3A_335, %mul3A_345 : vector<128x128xf32>
    %get3A_347 = arith.constant 6 : index
    %get3A_348 = arith.constant 3 : index
    %get3A_349 = memref.load %arg3[%get3A_347, %get3A_348] : memref<8x4xf32, #tpu.memory_space<smem>>
    %get3A_350 = arith.constant 3 : index
    %get3A_351 = arith.constant 0 : index
    %get3A_352 = arith.constant 0 : index
    %get3A_353 = vector.load %arg2[%get3A_350, %get3A_351, %get3A_352] : memref<4x128x128xf32, #tpu.memory_space<vmem>>, vector<1x128x128xf32>
    %get3A_354 = vector.shape_cast %get3A_353 : vector<1x128x128xf32> to vector<128x128xf32>
    %mul3A_355 = vector.broadcast %get3A_349 : f32 to vector<128x128xf32>
    %mul3A_356 = arith.mulf %mul3A_355, %get3A_354 : vector<128x128xf32>
    %add3A_357 = arith.addf %add3A_346, %mul3A_356 : vector<128x128xf32>
    %dot_general3A_358 = arith.constant dense<0.000000e+00> : vector<1000x128xf32>
    %dot_general3A_359 = tpu.matmul %get3A_1, %add3A_357, %dot_general3A_358 {dimension_numbers = #tpu.dot_dimension_numbers<[1], [0], [0], [1], [0, 0, 1, 1], [], []>, transpose_lhs_hint = false} : vector<1000x128xf32>, vector<128x128xf32>, vector<1000x128xf32> -> vector<1000x128xf32>
    %reshape3A_360 = vector.shape_cast %dot_general3A_359 : vector<1000x128xf32> to vector<125x8x128xf32>
    %swap3A_361 = arith.constant 0 : index
    %swap3A_362 = arith.constant 6 : index
    %swap3A_363 = arith.constant 0 : index
    %swap3A_364 = arith.constant 0 : index
    %swap3A_365 = vector.load %arg5[%swap3A_361, %swap3A_362, %swap3A_363, %swap3A_364] : memref<125x8x8x128xf32, #tpu.memory_space<vmem>>, vector<125x1x8x128xf32>
    %swap3A_366 = vector.shape_cast %swap3A_365 : vector<125x1x8x128xf32> to vector<125x8x128xf32>
    %swap3A_367 = vector.shape_cast %reshape3A_360 : vector<125x8x128xf32> to vector<125x1x8x128xf32>
    tpu.vector_store %arg5[%swap3A_361, %swap3A_362, %swap3A_363, %swap3A_364], %swap3A_367 {strides = array<i32>} : memref<125x8x8x128xf32, #tpu.memory_space<vmem>>, vector<125x1x8x128xf32>,
    %get3A_368 = arith.constant 7 : index
    %get3A_369 = arith.constant 0 : index
    %get3A_370 = memref.load %arg3[%get3A_368, %get3A_369] : memref<8x4xf32, #tpu.memory_space<smem>>
    %get3A_371 = arith.constant 0 : index
    %get3A_372 = arith.constant 0 : index
    %get3A_373 = arith.constant 0 : index
    %get3A_374 = vector.load %arg2[%get3A_371, %get3A_372, %get3A_373] : memref<4x128x128xf32, #tpu.memory_space<vmem>>, vector<1x128x128xf32>
    %get3A_375 = vector.shape_cast %get3A_374 : vector<1x128x128xf32> to vector<128x128xf32>
    %mul3A_376 = vector.broadcast %get3A_370 : f32 to vector<128x128xf32>
    %mul3A_377 = arith.mulf %mul3A_376, %get3A_375 : vector<128x128xf32>
    %get3A_378 = arith.constant 7 : index
    %get3A_379 = arith.constant 1 : index
    %get3A_380 = memref.load %arg3[%get3A_378, %get3A_379] : memref<8x4xf32, #tpu.memory_space<smem>>
    %get3A_381 = arith.constant 1 : index
    %get3A_382 = arith.constant 0 : index
    %get3A_383 = arith.constant 0 : index
    %get3A_384 = vector.load %arg2[%get3A_381, %get3A_382, %get3A_383] : memref<4x128x128xf32, #tpu.memory_space<vmem>>, vector<1x128x128xf32>
    %get3A_385 = vector.shape_cast %get3A_384 : vector<1x128x128xf32> to vector<128x128xf32>
    %mul3A_386 = vector.broadcast %get3A_380 : f32 to vector<128x128xf32>
    %mul3A_387 = arith.mulf %mul3A_386, %get3A_385 : vector<128x128xf32>
    %add3A_388 = arith.addf %mul3A_377, %mul3A_387 : vector<128x128xf32>
    %get3A_389 = arith.constant 7 : index
    %get3A_390 = arith.constant 2 : index
    %get3A_391 = memref.load %arg3[%get3A_389, %get3A_390] : memref<8x4xf32, #tpu.memory_space<smem>>
    %get3A_392 = arith.constant 2 : index
    %get3A_393 = arith.constant 0 : index
    %get3A_394 = arith.constant 0 : index
    %get3A_395 = vector.load %arg2[%get3A_392, %get3A_393, %get3A_394] : memref<4x128x128xf32, #tpu.memory_space<vmem>>, vector<1x128x128xf32>
    %get3A_396 = vector.shape_cast %get3A_395 : vector<1x128x128xf32> to vector<128x128xf32>
    %mul3A_397 = vector.broadcast %get3A_391 : f32 to vector<128x128xf32>
    %mul3A_398 = arith.mulf %mul3A_397, %get3A_396 : vector<128x128xf32>
    %add3A_399 = arith.addf %add3A_388, %mul3A_398 : vector<128x128xf32>
    %get3A_400 = arith.constant 7 : index
    %get3A_401 = arith.constant 3 : index
    %get3A_402 = memref.load %arg3[%get3A_400, %get3A_401] : memref<8x4xf32, #tpu.memory_space<smem>>
    %get3A_403 = arith.constant 3 : index
    %get3A_404 = arith.constant 0 : index
    %get3A_405 = arith.constant 0 : index
    %get3A_406 = vector.load %arg2[%get3A_403, %get3A_404, %get3A_405] : memref<4x128x128xf32, #tpu.memory_space<vmem>>, vector<1x128x128xf32>
    %get3A_407 = vector.shape_cast %get3A_406 : vector<1x128x128xf32> to vector<128x128xf32>
    %mul3A_408 = vector.broadcast %get3A_402 : f32 to vector<128x128xf32>
    %mul3A_409 = arith.mulf %mul3A_408, %get3A_407 : vector<128x128xf32>
    %add3A_410 = arith.addf %add3A_399, %mul3A_409 : vector<128x128xf32>
    %dot_general3A_411 = arith.constant dense<0.000000e+00> : vector<1000x128xf32>
    %dot_general3A_412 = tpu.matmul %get3A_1, %add3A_410, %dot_general3A_411 {dimension_numbers = #tpu.dot_dimension_numbers<[1], [0], [0], [1], [0, 0, 1, 1], [], []>, transpose_lhs_hint = false} : vector<1000x128xf32>, vector<128x128xf32>, vector<1000x128xf32> -> vector<1000x128xf32>
    %reshape3A_413 = vector.shape_cast %dot_general3A_412 : vector<1000x128xf32> to vector<125x8x128xf32>
    %swap3A_414 = arith.constant 0 : index
    %swap3A_415 = arith.constant 7 : index
    %swap3A_416 = arith.constant 0 : index
    %swap3A_417 = arith.constant 0 : index
    %swap3A_418 = vector.load %arg5[%swap3A_414, %swap3A_415, %swap3A_416, %swap3A_417] : memref<125x8x8x128xf32, #tpu.memory_space<vmem>>, vector<125x1x8x128xf32>
    %swap3A_419 = vector.shape_cast %swap3A_418 : vector<125x1x8x128xf32> to vector<125x8x128xf32>
    %swap3A_420 = vector.shape_cast %reshape3A_413 : vector<125x8x128xf32> to vector<125x1x8x128xf32>
    tpu.vector_store %arg5[%swap3A_414, %swap3A_415, %swap3A_416, %swap3A_417], %swap3A_420 {strides = array<i32>} : memref<125x8x8x128xf32, #tpu.memory_space<vmem>>, vector<125x1x8x128xf32>,
    %get3A_421 = arith.constant 0 : index
    %get3A_422 = arith.constant 0 : index
    %get3A_423 = vector.load %arg4[%get3A_421, %get3A_422] : memref<128x128xf32, #tpu.memory_space<vmem>>, vector<128x128xf32>
    %dot_general3A_424 = arith.constant dense<0.000000e+00> : vector<1000x128xf32>
    %dot_general3A_425 = tpu.matmul %get3A_1, %get3A_423, %dot_general3A_424 {dimension_numbers = #tpu.dot_dimension_numbers<[1], [0], [0], [1], [0, 0, 1, 1], [], []>, transpose_lhs_hint = false} : vector<1000x128xf32>, vector<128x128xf32>, vector<1000x128xf32> -> vector<1000x128xf32>
    %swap3A_426 = arith.constant 0 : index
    %swap3A_427 = arith.constant 0 : index
    %swap3A_428 = vector.load %arg6[%swap3A_426, %swap3A_427] : memref<1000x128xf32, #tpu.memory_space<vmem>>, vector<1000x128xf32>
    tpu.vector_store %arg6[%swap3A_426, %swap3A_427], %dot_general3A_425 {strides = array<i32>} : memref<1000x128xf32, #tpu.memory_space<vmem>>, vector<1000x128xf32>,
    return
  }
  func.func @transform_0(%arg0: i32) -> (i32, i32) {
    %c0_i32 = arith.constant 0 : i32
    %c0_i32_0 = arith.constant 0 : i32
    return %arg0, %c0_i32 : i32, i32
  }
  func.func @transform_1(%arg0: i32) -> (i32, i32, i32) {
    %c0_i32 = arith.constant 0 : i32
    %c0_i32_0 = arith.constant 0 : i32
    %c0_i32_1 = arith.constant 0 : i32
    %c0_i32_2 = arith.constant 0 : i32
    return %c0_i32, %c0_i32_0, %c0_i32_1 : i32, i32, i32
  }
  func.func @transform_2(%arg0: i32) -> (i32, i32) {
    %c0_i32 = arith.constant 0 : i32
    %c0_i32_0 = arith.constant 0 : i32
    %c0_i32_1 = arith.constant 0 : i32
    return %c0_i32, %c0_i32_0 : i32, i32
  }
  func.func @transform_3(%arg0: i32) -> (i32, i32) {
    %c0_i32 = arith.constant 0 : i32
    %c0_i32_0 = arith.constant 0 : i32
    %c0_i32_1 = arith.constant 0 : i32
    return %c0_i32, %c0_i32_0 : i32, i32
  }
  func.func @transform_4(%arg0: i32) -> (i32, i32, i32, i32) {
    %c0_i32 = arith.constant 0 : i32
    %c0_i32_0 = arith.constant 0 : i32
    %c0_i32_1 = arith.constant 0 : i32
    %c0_i32_2 = arith.constant 0 : i32
    return %arg0, %c0_i32, %c0_i32_0, %c0_i32_1 : i32, i32, i32, i32
  }
  func.func @transform_5(%arg0: i32) -> (i32, i32) {
    %c0_i32 = arith.constant 0 : i32
    %c0_i32_0 = arith.constant 0 : i32
    return %arg0, %c0_i32 : i32, i32
  }
}

module attributes {stable_mosaic.version = 14 : i64} {
  func.func @_mlp_body(%arg0: i32, %arg1: memref<1000x128xf32, #tpu.memory_space<vmem>>, %arg2: memref<1000x128xf32, #tpu.memory_space<vmem>>, %arg3: memref<1x128xf32, #tpu.memory_space<vmem>>, %arg4: memref<128x128xf32, #tpu.memory_space<vmem>>, %arg5: memref<1x128xf32, #tpu.memory_space<vmem>>, %arg6: memref<128x128xf32, #tpu.memory_space<vmem>>, %arg7: memref<1x128xf32, #tpu.memory_space<vmem>>, %arg8: memref<1000x128xf32, #tpu.memory_space<vmem>>) attributes {dimension_semantics = [#tpu.dimension_semantics<arbitrary>], iteration_bounds = array<i64: 10>, scalar_prefetch = 0 : i64, scratch_operands = 0 : i64, tpu.core_type = #tpu.core_type<tc>, window_params = [{transform_indices = @transform_0, window_bounds = array<i64: 1000, 128>}, {transform_indices = @transform_1, window_bounds = array<i64: 1000, 128>}, {pipeline_mode = #tpu.pipeline_mode<synchronous>, transform_indices = @transform_2, window_bounds = array<i64: 1, 128>}, {pipeline_mode = #tpu.pipeline_mode<synchronous>, transform_indices = @transform_3, window_bounds = array<i64: 128, 128>}, {pipeline_mode = #tpu.pipeline_mode<synchronous>, transform_indices = @transform_4, window_bounds = array<i64: 1, 128>}, {pipeline_mode = #tpu.pipeline_mode<synchronous>, transform_indices = @transform_5, window_bounds = array<i64: 128, 128>}, {pipeline_mode = #tpu.pipeline_mode<synchronous>, transform_indices = @transform_6, window_bounds = array<i64: 1, 128>}, {transform_indices = @transform_7, window_bounds = array<i64: 1000, 128>}]} {
    %get3A = arith.constant 0 : index
    %get3A_0 = arith.constant 0 : index
    %get3A_1 = vector.load %arg1[%get3A, %get3A_0] : memref<1000x128xf32, #tpu.memory_space<vmem>>, vector<1000x128xf32>
    %get3A_2 = arith.constant 0 : index
    %get3A_3 = arith.constant 0 : index
    %get3A_4 = vector.load %arg2[%get3A_2, %get3A_3] : memref<1000x128xf32, #tpu.memory_space<vmem>>, vector<1000x128xf32>
    %add3A = arith.addf %get3A_1, %get3A_4 : vector<1000x128xf32>
    %get3A_5 = arith.constant 0 : index
    %get3A_6 = arith.constant 0 : index
    %get3A_7 = vector.load %arg3[%get3A_5, %get3A_6] : memref<1x128xf32, #tpu.memory_space<vmem>>, vector<1x128xf32>
    %add3A_8 = vector.broadcast %get3A_7 : vector<1x128xf32> to vector<1000x128xf32>
    %add3A_9 = arith.addf %add3A, %add3A_8 : vector<1000x128xf32>
    %get3A_10 = arith.constant 0 : index
    %get3A_11 = arith.constant 0 : index
    %get3A_12 = vector.load %arg4[%get3A_10, %get3A_11] : memref<128x128xf32, #tpu.memory_space<vmem>>, vector<128x128xf32>
    %dot_general3A = arith.constant dense<0.000000e+00> : vector<1000x128xf32>
    %dot_general3A_13 = tpu.matmul %add3A_9, %get3A_12, %dot_general3A {dimension_numbers = #tpu.dot_dimension_numbers<[1], [0], [0], [1], [0, 0, 1, 1], [], []>, transpose_lhs_hint = false} : vector<1000x128xf32>, vector<128x128xf32>, vector<1000x128xf32> -> vector<1000x128xf32>
    %get3A_14 = arith.constant 0 : index
    %get3A_15 = arith.constant 0 : index
    %get3A_16 = vector.load %arg5[%get3A_14, %get3A_15] : memref<1x128xf32, #tpu.memory_space<vmem>>, vector<1x128xf32>
    %add3A_17 = vector.broadcast %get3A_16 : vector<1x128xf32> to vector<1000x128xf32>
    %add3A_18 = arith.addf %dot_general3A_13, %add3A_17 : vector<1000x128xf32>
    %max3A = arith.constant 0.000000e+00 : f32
    %max3A_19 = vector.broadcast %max3A : f32 to vector<1000x128xf32>
    %max3A_20 = arith.maximumf %add3A_18, %max3A_19 : vector<1000x128xf32>
    %get3A_21 = arith.constant 0 : index
    %get3A_22 = arith.constant 0 : index
    %get3A_23 = vector.load %arg6[%get3A_21, %get3A_22] : memref<128x128xf32, #tpu.memory_space<vmem>>, vector<128x128xf32>
    %dot_general3A_24 = arith.constant dense<0.000000e+00> : vector<1000x128xf32>
    %dot_general3A_25 = tpu.matmul %max3A_20, %get3A_23, %dot_general3A_24 {dimension_numbers = #tpu.dot_dimension_numbers<[1], [0], [0], [1], [0, 0, 1, 1], [], []>, transpose_lhs_hint = false} : vector<1000x128xf32>, vector<128x128xf32>, vector<1000x128xf32> -> vector<1000x128xf32>
    %get3A_26 = arith.constant 0 : index
    %get3A_27 = arith.constant 0 : index
    %get3A_28 = vector.load %arg7[%get3A_26, %get3A_27] : memref<1x128xf32, #tpu.memory_space<vmem>>, vector<1x128xf32>
    %add3A_29 = vector.broadcast %get3A_28 : vector<1x128xf32> to vector<1000x128xf32>
    %add3A_30 = arith.addf %dot_general3A_25, %add3A_29 : vector<1000x128xf32>
    %max3A_31 = arith.constant 0.000000e+00 : f32
    %max3A_32 = vector.broadcast %max3A_31 : f32 to vector<1000x128xf32>
    %max3A_33 = arith.maximumf %add3A_30, %max3A_32 : vector<1000x128xf32>
    %swap3A = arith.constant 0 : index
    %swap3A_34 = arith.constant 0 : index
    %swap3A_35 = vector.load %arg8[%swap3A, %swap3A_34] : memref<1000x128xf32, #tpu.memory_space<vmem>>, vector<1000x128xf32>
    tpu.vector_store %arg8[%swap3A, %swap3A_34], %max3A_33 {strides = array<i32>} : memref<1000x128xf32, #tpu.memory_space<vmem>>, vector<1000x128xf32>,
    return
  }
  func.func @transform_0(%arg0: i32) -> (i32, i32) {
    %c0_i32 = arith.constant 0 : i32
    %c0_i32_0 = arith.constant 0 : i32
    return %arg0, %c0_i32 : i32, i32
  }
  func.func @transform_1(%arg0: i32) -> (i32, i32) {
    %add3A = arith.constant 10 : i32
    %add3A_0 = arith.addi %arg0, %add3A : i32
    %c0_i32 = arith.constant 0 : i32
    %c0_i32_1 = arith.constant 0 : i32
    return %add3A_0, %c0_i32 : i32, i32
  }
  func.func @transform_2(%arg0: i32) -> (i32, i32) {
    %c0_i32 = arith.constant 0 : i32
    %c0_i32_0 = arith.constant 0 : i32
    %c0_i32_1 = arith.constant 0 : i32
    return %c0_i32, %c0_i32_0 : i32, i32
  }
  func.func @transform_3(%arg0: i32) -> (i32, i32) {
    %c0_i32 = arith.constant 0 : i32
    %c0_i32_0 = arith.constant 0 : i32
    %c0_i32_1 = arith.constant 0 : i32
    return %c0_i32, %c0_i32_0 : i32, i32
  }
  func.func @transform_4(%arg0: i32) -> (i32, i32) {
    %c0_i32 = arith.constant 0 : i32
    %c0_i32_0 = arith.constant 0 : i32
    %c0_i32_1 = arith.constant 0 : i32
    return %c0_i32, %c0_i32_0 : i32, i32
  }
  func.func @transform_5(%arg0: i32) -> (i32, i32) {
    %c0_i32 = arith.constant 0 : i32
    %c0_i32_0 = arith.constant 0 : i32
    %c0_i32_1 = arith.constant 0 : i32
    return %c0_i32, %c0_i32_0 : i32, i32
  }
  func.func @transform_6(%arg0: i32) -> (i32, i32) {
    %c0_i32 = arith.constant 0 : i32
    %c0_i32_0 = arith.constant 0 : i32
    %c0_i32_1 = arith.constant 0 : i32
    return %c0_i32, %c0_i32_0 : i32, i32
  }
  func.func @transform_7(%arg0: i32) -> (i32, i32) {
    %c0_i32 = arith.constant 0 : i32
    %c0_i32_0 = arith.constant 0 : i32
    return %arg0, %c0_i32 : i32, i32
  }
}

</mosaic_0001>

<sc_bundles>
// kernel: kernel.5.cloned.1.call-start
scs
__scs_entry_jumppad:
0x0: {  	(pc) =	sbr.rel $0x88, $3  }
0x1: {  	(tag) =	ssettag $0x0;
	lr =	simm.s32 $0x1  }
0x2: {  	[smem:$0x3F96] =	sst lr;
	_ =	strace $0xD0000000  }
0x3: {  	_ = 	snop  }
0x4: {  	_ = 	snop  }
0x5: {  	_ = 	snop  }
0x6: {  	_ = 	snop  }
0x7: {  	_ = 	snop  }
__scs_overlays_trampoline_lowered:
0x8: {  	[smem:$0x3FA5] =	sst s0  }
0x9: {  	[smem:$0x3FA6] =	sst s1  }
0xa: {  	[smem:$0x3FA7] =	sst s2  }
0xb: {  	[smem:$0x3FA8] =	sst s3  }
0xc: {  	[smem:$0x3FA9] =	sst s4  }
0xd: {  	[smem:$0x3FAA] =	sst s5  }
0xe: {  	[smem:$0x3FAB] =	sst s6  }
0xf: {  	[smem:$0x3FAC] =	sst s7  }
0x10: {  	[smem:$0x3FAD] =	sst s8  }
0x11: {  	[smem:$0x3FAE] =	sst s9;
	s0 =	simm.s32 @!p0 $0x0  }
0x12: {  	s1 =	sld [smem:$0x3F94];
	s0 =	simm.s32 @p0 $0x1  }
0x13: {  	[smem:$0x3FAF] =	sst s0;
	s0 =	simm.s32 @!p1 $0x0  }
0x14: {  	s2 =	sld [smem:$0x3F93];
	s0 =	simm.s32 @p1 $0x1  }
0x15: {  	[smem:$0x3FB0] =	sst s0;
	s0 =	simm.s32 @!p2 $0x0  }
0x16: {  	s3 =	sld [smem:$0x3FDB];
	s0 =	simm.s32 @p2 $0x1  }
0x17: {  	s4 =	simm.s32 $0x1BF5;
	[smem:$0x3FB2] =	sst s0  }
0x18: {  	s0 =	sld [smem:$0x3F95];
	_ =	swait.ge [sflag:s4], $0x0  }
0x19: {  	s7 =	sld [smem:$0x3F96]  }
0x1a: {  	s8 =	sadd.s32 $0xFFFFE003, lr  }
0x1b: {  	s9 =	sadd.s32 $0xFFFFFEF7, lr;
	s5 =	simm.s32 $0xFFFFFFFF;
	p2 =	slt.u32 s8, $0xFFFFF086  }
0x1c: {  	p1 =	slt.u32 s9, $0xF7A;
	s5 =	simm.s32 @!p2 $0x0  }
0x1d: {  	s5 =	simm.s32 @p1 $0x1;
	p0 =	seq.s32 s7, s2  }
0x1e: {  	s7 =	smul.u32 @!p0 $0xF7A, s2;
	p2 =	seq.s32 @!p0 s5, $0x0  }
0x1f: {  	s9 =	smul.u32 $0xF7A, s1;
	s8 =	simm.s32 @!p0 $0x1BF5;
	p2 =	por !p2, p0  }
0x20: {  	[sflag:s8] =	ssyncset.s32 @!p0 $0xFFFFF086;
	s6 =	sadd.s32 @!p0 s3, s7;
	s7 =	simm.s32 @!p0 $0x108  }
0x21: {  	s3 =	sadd.s32 s3, s9;
	s6 =	sadd.s32 @!p0 $0x88, s6;
	s7 =	simm.s32 @p2 $0x1082  }
0x22: {  	[simem:s7], [sflag:s8] =	dma.local @!p0 [hbm:s6], $0xF7A  }
0x23: {  	s9 =	sor.u32 $0xD0000000, s2;
	s6 =	simm.s32 $0x108;
	_ =	swait.ge @!p0 [sflag:s8], $0x0  }
0x24: {  	s3 =	sadd.s32 $0x88, s3;
	s6 =	simm.s32 @!p1 $0x1082;
	[sflag:s4] =	ssyncset.s32 $0xFFFFF086  }
0x25: {  	[simem:s6], [sflag:s4] =	dma.local [hbm:s3], $0xF7A  }
0x26: {  	[smem:$0x3F96] =	sst s1;
	(tag) =	ssettag s2;
	_ =	strace s9  }
0x27: {  	s1 =	sld [smem:$0x3FA6]  }
0x28: {  	s2 =	sld [smem:$0x3FA7]  }
0x29: {  	s4 =	sld [smem:$0x3FA9]  }
0x2a: {  	p0 =	seq.s32 s5, $0x0;
	s5 =	sld [smem:$0x3FAA]  }
0x2b: {  	s6 =	sld [smem:$0x3FAB]  }
0x2c: {  	s7 =	sld [smem:$0x3FAC]  }
0x2d: {  	s3 =	simm.s32 $0x108;
	s8 =	sld [smem:$0x3FAD]  }
0x2e: {  	s3 =	simm.s32 @!p0 $0x1082;
	s9 =	sld [smem:$0x3FAE]  }
0x2f: {  	lr =	sadd.s32 s0, s3;
	s0 =	sld [smem:$0x3FA5]  }
0x30: {  	s3 =	sld [smem:$0x3FA8]  }
0x31: {  	[smem:$0x3FB1] =	sst s10  }
0x32: {  	s10 =	sld [smem:$0x3FAF];
	_ =	sdelay $0x3  }
0x33: {  	p0 =	seq.s32 s10, $0x1;
	s10 =	sld [smem:$0x3FB1];
	_ =	sdelay $0x3  }
0x34: {  	[smem:$0x3FB1] =	sst s10  }
0x35: {  	s10 =	sld [smem:$0x3FB0];
	_ =	sdelay $0x3  }
0x36: {  	p1 =	seq.s32 s10, $0x1;
	s10 =	sld [smem:$0x3FB1];
	_ =	sdelay $0x3  }
0x37: {  	[smem:$0x3FB1] =	sst s10  }
0x38: {  	s10 =	sld [smem:$0x3FB2]  }
0x39: {  	_ = 	snop;
	(pc) =	sbr.ind lr, $3  }
0x3a: {  	_ = 	snop  }
0x3b: {  	_ = 	snop  }
0x3c: {  	p2 =	seq.s32 s10, $0x1;
	s10 =	sld [smem:$0x3FB1]  }
0x3d: {  	_ =	shalt  }
0x3e: {  	_ =	shalt  }
0x3f: {  	_ =	shalt  }
0x40: {  	_ =	shalt  }
0x41: {  	_ =	shalt  }
0x42: {  	_ =	shalt  }
0x43: {  	_ =	shalt  }
0x44: {  	_ =	shalt  }
0x45: {  	_ =	shalt  }
0x46: {  	_ =	shalt  }
0x47: {  	_ =	shalt  }
0x48: {  	_ =	shalt  }
0x49: {  	_ =	shalt  }
0x4a: {  	_ =	shalt  }
0x4b: {  	_ =	shalt  }
0x4c: {  	_ =	shalt  }
0x4d: {  	_ =	shalt  }
0x4e: {  	_ =	shalt  }
0x4f: {  	_ =	shalt  }
0x50: {  	_ =	shalt  }
0x51: {  	_ =	shalt  }
0x52: {  	_ =	shalt  }
0x53: {  	_ =	shalt  }
0x54: {  	_ =	shalt  }
0x55: {  	_ =	shalt  }
0x56: {  	_ =	shalt  }
0x57: {  	_ =	shalt  }
0x58: {  	_ =	shalt  }
0x59: {  	_ =	shalt  }
0x5a: {  	_ =	shalt  }
0x5b: {  	_ =	shalt  }
0x5c: {  	_ =	shalt  }
0x5d: {  	_ =	shalt  }
0x5e: {  	_ =	shalt  }
0x5f: {  	_ =	shalt  }
0x60: {  	_ =	shalt  }
0x61: {  	_ =	shalt  }
0x62: {  	_ =	shalt  }
0x63: {  	_ =	shalt  }
0x64: {  	_ =	shalt  }
0x65: {  	_ =	shalt  }
0x66: {  	_ =	shalt  }
0x67: {  	_ =	shalt  }
0x68: {  	_ =	shalt  }
0x69: {  	_ =	shalt  }
0x6a: {  	_ =	shalt  }
0x6b: {  	_ =	shalt  }
0x6c: {  	_ =	shalt  }
0x6d: {  	_ =	shalt  }
0x6e: {  	_ =	shalt  }
0x6f: {  	_ =	shalt  }
0x70: {  	_ =	shalt  }
0x71: {  	_ =	shalt  }
0x72: {  	_ =	shalt  }
0x73: {  	_ =	shalt  }
0x74: {  	_ =	shalt  }
0x75: {  	_ =	shalt  }
0x76: {  	_ =	shalt  }
0x77: {  	_ =	shalt  }
0x78: {  	_ =	shalt  }
0x79: {  	_ =	shalt  }
0x7a: {  	_ =	shalt  }
0x7b: {  	_ =	shalt  }
0x7c: {  	_ =	shalt  }
0x7d: {  	_ =	shalt  }
0x7e: {  	_ =	shalt  }
0x7f: {  	_ =	shalt  }
0x80: {  	_ =	shalt  }
0x81: {  	_ =	shalt  }
0x82: {  	_ =	shalt  }
0x83: {  	_ =	shalt  }
0x84: {  	_ =	shalt  }
0x85: {  	_ =	shalt  }
0x86: {  	_ =	shalt  }
0x87: {  	_ =	shalt  }
.Lfunc_end0:
.L_simem_size_0:
called_computation_lowered:
.L_overlay_start_0:
0x88: {  	s2 =	sld [smem:$0x3FD9]  }
0x89: {  	s3 =	sld [smem:$0x3FFE];
	_ =	sdelay $0x1  }
0x8a: {  	s1 =	srdreg.scid  }
0x8b: {  	s0 =	sand.u32 $0x1, s1  }
0x8c: {  	s17 =	sshll.u32 s0, $0xA;
	s2 =	sadd.s32 s3, s2  }
0x8d: {  	s2 =	sadd.s32 s2, s17  }
0x8e: {  	[smem:$0x3FBD] =	sst s2  }
0x8f: {  	_ = 	snop  }
0x90: {  	s2 =	sld [smem:$0x3FC7]  }
0x91: {  	s18 =	sld [smem:$0x3FD0];
	(tm) =	ssettm $0x1  }
0x92: {  	s4 =	sld [smem:$0x3FFB];
	_ =	sdelay $0x3  }
0x93: {  	_ =	strace s4  }
0x94: {  	s4 =	sld [smem:$0x3FFC];
	_ =	sdelay $0x3  }
0x95: {  	_ =	strace s4  }
0x96: {  	s4 =	sld [smem:$0x3FFD];
	_ =	sdelay $0x3  }
0x97: {  	_ =	strace s4  }
0x98: {  	_ =	strace $0x8FFFFFFF  }
0x99: {  	s19 =	sld [smem:$0x3FDB];
	_ =	sdelay $0x1  }
0x9a: {  	s5 =	simm.s32 $_scs_section_size  }
0x9b: {  	s6 =	simm.s32 $_size__tile_overlayer_lowered;
	s7 =	simm.s32 $_tile_overlayer_lowered  }
0x9c: {  	s22 =	simm.s32 $0x1BFF;
	s21 =	sshll.u32 s7, $0x1;
	s4 =	sadd.s32 s5, s19  }
0x9d: {  	s8 =	simm.s32 $0x0;
	s20 =	sshll.u32 s6, $0x1;
	s6 =	sadd.s32 s21, s4  }
0x9e: {  	[timem:s8], [sflag:s22] =	dma.local [hbm:s6], s20  }
0x9f: {  	_ =	swait.ge [sflag:s22], s20  }
0xa0: {  	s5 =	ssub.s32 $0x0, s20;
	[sflag:s22] =	ssyncset.done $0x0  }
0xa1: {  	[sflag:s22] =	ssyncadd.s32 s5;
	_ =	sdelay $0x1  }
0xa2: {  	s23 =	simm.s32 $0x1B8B  }
0xa3: {  	_ =	swait.ge [sflag:s23], $0x1  }
0xa4: {  	[sflag:s23] =	ssyncset.done $0x0  }
0xa5: {  	s25 =	simm.s32 $0x1B8E;
	s24 =	sld [smem:$0x3FFE];
	[sflag:s23] =	ssyncadd.s32 $0xFFFFFFFF  }
0xa6: {  	s26 =	simm.s32 $execute0_lowered;
	[smem:$0x3FD2] =	sst s25  }
0xa7: {  	s6 =	sshll.u32 s26, $0x1;
	_ =	strace $0x80000046;
	[dreg:$0x1] =	wrdreg $0xFFFFFFFF  }
0xa8: {  	s28 =	simm.s32 $_size_execute0_lowered;
	s4 =	sadd.s32 s4, s6;
	[dreg:$0x0] =	wrdreg $0x0  }
0xa9: {  	s6 =	sshll.u32 s28, $0x1;
	[dreg:$0x2] =	wrdreg s4  }
0xaa: {  	[dreg:$0x3] =	wrdreg s6  }
0xab: {  	[dreg:$0x4] =	wrdreg $0xC0  }
0xac: {  	_ =	task [dreg:s8], $0x5FFFF  }
0xad: {  	[dreg:$0x1] =	wrdreg $0xFFFFFFFF  }
0xae: {  	[dreg:$0x0] =	wrdreg $0x60  }
0xaf: {  	[dreg:$0x2] =	wrdreg s24  }
0xb0: {  	[dreg:$0x3] =	wrdreg s2  }
0xb1: {  	[dreg:$0x4] =	wrdreg s18  }
0xb2: {  	[dreg:$0x5] =	wrdreg $0x149300  }
0xb3: {  	[dreg:$0x6] =	wrdreg $0x9  }
0xb4: {  	_ =	task.clear_ibuf [dreg:s8], $0x7FFFF;
	_ =	strace $0x90000046  }
0xb5: {  	s29 =	simm.s32 $0x9;
	_ =	strace $0x80000048  }
0xb6: {  	_ =	swait.ge [sflag:s29], $0x1  }
0xb7: {  	[sflag:s29] =	ssyncadd.s32 $0xFFFFFFFF  }
0xb8: {  	_ =	strace $0x90000048  }
0xb9: {  	_ =	sfence  }
0xba: {  	s30 =	sld [smem:$0x0];
	_ =	sdelay $0x2  }
0xbb: {  	s31 =	sshll.u32 s1, $0xD;
	s1 =	sshrl.u32 s1, $0x2  }
0xbc: {  	s3 =	sand.u32 $0x4000, s31;
	s1 =	sadd.s32 s1, s30  }
0xbd: {  	s0 =	sor.u32 s3, s0;
	s1 =	sshll.u32 s1, $0x11  }
0xbe: {  	s0 =	sor.u32 s1, s0  }
0xbf: {  	s0 =	sadd.s32 $0x8F2B, s0  }
0xc0: {  	[sflag:s0] =	ssyncadd.remote.s32 $0x1  }
0xc1: {  	_ =	sfence.sel $0xFFFF  }
0xc2: {  	[dreg:$0x0] =	wrdreg $0xFFFFFFFF;
	(pc) =	sbr.abs _section_cstart, $3  }
0xc3: {  	[dreg:$0x1] =	wrdreg $0xFFFFFFFF  }
0xc4: {  	_ =	task.clear_ibuf [dreg:s8], $0x2FFFF;
	_ =	strace $0x9FFFFFFF  }
0xc5: {  	(tm) =	ssettm $0x7FFFFFFF  }
tec
execute0_lowered:
.L_overlay_start_1:
0x0: {  	(tag) =	ssettag $0x1  }
0x1: {  	s0 =	rddreg [dreg:$0x0]  }
0x2: {  	s1 =	rddreg [dreg:$0x1]  }
0x3: {  	s3 =	rddreg [dreg:$0x2]  }
0x4: {  	s4 =	srdreg.scid;
	s13 =	stileid.u32  }
0x5: {  	s2 =	rddreg [dreg:$0x3];
	s7 =	smul.u32 $0x27000, s13  }
0x6: {  	s23 =	simm.s32 $0x0;
	s5 =	sand.u32 $0x1, s4;
	s19 =	smul.u32 $0x270, s13  }
0x7: {  	[smem:$0x7FF] =	sst s23;
	s17 =	sadd.s32 $0x27000, s3;
	s29 =	smul.u32 $0x2710, s5  }
0x8: {  	_ =	strace $0x80000047;
	[dreg:$0x13] =	wrdreg s17;
	s7 =	sshrl.u32 s7, $0x2  }
0x9: {  	s14 =	sadd.s32 s7, s2;
	s7 =	sadd.s32 s19, s29;
	s29 =	sadd.s32 $0x9C000, s2  }
0xa: {  	[dreg:$0x1d] =	wrdreg s29  }
0xb: {  	s20 =	sadd.s32 $0xC00, s14;
	[dreg:$0x6] =	wrdreg s14  }
0xc: {  	s21 =	sadd.s32 $0x1800, s14;
	[dreg:$0x7] =	wrdreg s20  }
0xd: {  	s22 =	sadd.s32 $0x2400, s14;
	[dreg:$0x8] =	wrdreg s21  }
0xe: {  	s18 =	sshll.u32 s13, $0x1;
	s24 =	sadd.s32 $0x3000, s14;
	[dreg:$0x9] =	wrdreg s22  }
0xf: {  	s31 =	smul.u32 $0x2700, s13;
	s25 =	sadd.s32 $0x3C00, s14;
	[dreg:$0xa] =	wrdreg s24  }
0x10: {  	p3 =	sne.s32 s13, $0xF;
	s26 =	sadd.s32 $0x4800, s14;
	[dreg:$0xb] =	wrdreg s25  }
0x11: {  	s4 =	sor.u32 s5, s18;
	s28 =	sadd.s32 $0x5400, s14;
	[dreg:$0xc] =	wrdreg s26  }
0x12: {  	s6 =	smul.u32 $0x2710, s4;
	s11 =	sadd.s32 $0x6000, s14;
	[dreg:$0xd] =	wrdreg s28  }
0x13: {  	s8 =	ssub.s32 $0x2, s5;
	s30 =	sadd.s32 $0x6C00, s14;
	[dreg:$0xe] =	wrdreg s11  }
0x14: {  	s6 =	sshrl.u32 s6, $0x3;
	s12 =	sadd.s32 $0x7800, s14;
	[dreg:$0xf] =	wrdreg s30  }
0x15: {  	s10 =	sshrl.u32 s8, $0x1;
	[dreg:$0x10] =	wrdreg s12;
	s1 =	sadd.s32 s1, s6  }
0x16: {  	s8 =	ssub.s32 s8, s10;
	s24 =	sadd.s32 $0x27008, s3;
	[dreg:$0x12] =	wrdreg s1  }
0x17: {  	s15 =	smul.u32 $0x138800, s5;
	s25 =	smax.u32 s8, $0x1;
	[dreg:$0x18] =	wrdreg s24  }
0x18: {  	p0 =	sne.s32 s5, $0x0;
	s26 =	sadd.s32 $0x8400, s14;
	[dreg:$0x1a] =	wrdreg s25  }
0x19: {  	s4 =	sadd.s32 $0x15400, s0;
	s28 =	sadd.s32 $0x9000, s14;
	[dreg:$0x1b] =	wrdreg s26  }
0x1a: {  	s9 =	sadd.s32 s6, s0;
	s11 =	sadd.s32 s3, s31;
	[dreg:$0x1c] =	wrdreg s28  }
0x1b: {  	s19 =	sshrl.u32 s15, $0x3;
	s20 =	sadd.s32 $0x1A00, s9;
	[dreg:$0x11] =	wrdreg s11  }
0x1c: {  	s16 =	sshll.u32 s7, $0x4;
	s21 =	sadd.s32 $0xB640, s9;
	[dreg:$0x15] =	wrdreg s20  }
0x1d: {  	s0 =	sadd.s32 $0x14DC00, s0;
	s30 =	sadd.s32 $0x8, s11;
	[dreg:$0x16] =	wrdreg s21  }
0x1e: {  	s18 =	sadd.s32 s0, s16;
	s0 =	sadd.s32 s0, s19;
	[dreg:$0x1e] =	wrdreg s30  }
0x1f: {  	p1 =	sne.s32 @p0 s13, $0xF;
	s22 =	sadd.s32 $0x27000, s0;
	[dreg:$0x14] =	wrdreg s18  }
0x20: {  	p2 =	sne.s32 @!p0 s13, $0xF;
	s0 =	sadd.s32 $0x27008, s0;
	[dreg:$0x17] =	wrdreg s22  }
0x21: {  	p1 =	por p1, !p0;
	s31 =	sadd.s32 $0x8, s18;
	[dreg:$0x19] =	wrdreg s0  }
0x22: {  	v0 =	vimm.f32 $0.0e+00;
	p2 =	por p2, p0;
	s18 =	simm.s32 $0x50;
	[dreg:$0x1f] =	wrdreg s31  }
.LBB2_1:
0x23: {  	[dreg:$0x5] =	wrdreg s23;
	s23 =	simm.s32 $0x100;
	s22 =	simm.s32 $0x0  }
.LBB2_2:
0x24: {  	p4 =	sne.s32 s23, $0x2F00;
	[tilespmem:s22+$0x13D60] =	vst v0;
	s24 =	smov.u32 s23;
	s23 =	sadd.s32 $0x100, s23  }
.Ltmp0:
0x25: {  	[tilespmem:s22+$0x13D50] =	vst v0;
	(pc) =	sbr.rel @p4 .LBB2_2-.Ltmp0, $3  }
0x26: {  	[tilespmem:s22+$0x13D30] =	vst v0  }
0x27: {  	[tilespmem:s22+$0x13D40] =	vst v0;
	_ =	sdelay $0x1  }
0x28: {  	s22 =	sshra.s32 s24, $0x2  }
0x29: {  	[tilespmem:s22+$0x13D60] =	vst v0  }
0x2a: {  	[tilespmem:s22+$0x13D50] =	vst v0  }
0x2b: {  	[tilespmem:s22+$0x13D30] =	vst v0  }
0x2c: {  	[tilespmem:s22+$0x13D40] =	vst v0;
	s22 =	simm.s32 @p0 $0x13D30;
	s23 =	simm.s32 @p0 $0x15  }
0x2d: {  	[spmem:s14] =	stream.linear.scatter @p0 [tilespmem:s22], [sflag:$0x15], $0xC00, $0x38;
	[tilespmem:$0x1E570] =	vst v63  }
0x2e: {  	_ =	swait.ge @p0 [sflag:s23], $0xC00  }
0x2f: {  	[sflag:s23] =	ssyncset.done @p0 $0x0  }
0x30: {  	s24 =	rddreg [dreg:$0x7];
	[sflag:s23] =	ssyncadd.s32 @p0 $0xFFFFF400  }
0x31: {  	[spmem:s24] =	stream.linear.scatter @p0 [tilespmem:s22], [sflag:$0x15], $0xC00, $0x38;
	[tilespmem:$0x1E570] =	vst v63  }
0x32: {  	_ =	swait.ge @p0 [sflag:s23], $0xC00  }
0x33: {  	[sflag:s23] =	ssyncset.done @p0 $0x0  }
0x34: {  	s24 =	rddreg [dreg:$0x8];
	[sflag:s23] =	ssyncadd.s32 @p0 $0xFFFFF400  }
0x35: {  	[spmem:s24] =	stream.linear.scatter @p0 [tilespmem:s22], [sflag:$0x15], $0xC00, $0x38;
	[tilespmem:$0x1E570] =	vst v63  }
0x36: {  	_ =	swait.ge @p0 [sflag:s23], $0xC00  }
0x37: {  	[sflag:s23] =	ssyncset.done @p0 $0x0  }
0x38: {  	s24 =	rddreg [dreg:$0x9];
	[sflag:s23] =	ssyncadd.s32 @p0 $0xFFFFF400  }
0x39: {  	[spmem:s24] =	stream.linear.scatter @p0 [tilespmem:s22], [sflag:$0x15], $0xC00, $0x38;
	[tilespmem:$0x1E570] =	vst v63  }
0x3a: {  	_ =	swait.ge @p0 [sflag:s23], $0xC00  }
0x3b: {  	[sflag:s23] =	ssyncset.done @p0 $0x0  }
0x3c: {  	s24 =	rddreg [dreg:$0xa];
	[sflag:s23] =	ssyncadd.s32 @p0 $0xFFFFF400  }
0x3d: {  	[spmem:s24] =	stream.linear.scatter @p0 [tilespmem:s22], [sflag:$0x15], $0xC00, $0x38;
	[tilespmem:$0x1E570] =	vst v63  }
0x3e: {  	_ =	swait.ge @p0 [sflag:s23], $0xC00  }
0x3f: {  	[sflag:s23] =	ssyncset.done @p0 $0x0  }
0x40: {  	s24 =	rddreg [dreg:$0xb];
	[sflag:s23] =	ssyncadd.s32 @p0 $0xFFFFF400  }
0x41: {  	[spmem:s24] =	stream.linear.scatter @p0 [tilespmem:s22], [sflag:$0x15], $0xC00, $0x38;
	[tilespmem:$0x1E570] =	vst v63  }
0x42: {  	_ =	swait.ge @p0 [sflag:s23], $0xC00  }
0x43: {  	[sflag:s23] =	ssyncset.done @p0 $0x0  }
0x44: {  	s24 =	rddreg [dreg:$0xc];
	[sflag:s23] =	ssyncadd.s32 @p0 $0xFFFFF400  }
0x45: {  	[spmem:s24] =	stream.linear.scatter @p0 [tilespmem:s22], [sflag:$0x15], $0xC00, $0x38;
	[tilespmem:$0x1E570] =	vst v63  }
0x46: {  	_ =	swait.ge @p0 [sflag:s23], $0xC00  }
0x47: {  	[sflag:s23] =	ssyncset.done @p0 $0x0  }
0x48: {  	s24 =	rddreg [dreg:$0xd];
	[sflag:s23] =	ssyncadd.s32 @p0 $0xFFFFF400  }
0x49: {  	[spmem:s24] =	stream.linear.scatter @p0 [tilespmem:s22], [sflag:$0x15], $0xC00, $0x38;
	[tilespmem:$0x1E570] =	vst v63  }
0x4a: {  	_ =	swait.ge @p0 [sflag:s23], $0xC00  }
0x4b: {  	[sflag:s23] =	ssyncset.done @p0 $0x0  }
0x4c: {  	s24 =	rddreg [dreg:$0xe];
	[sflag:s23] =	ssyncadd.s32 @p0 $0xFFFFF400  }
0x4d: {  	[spmem:s24] =	stream.linear.scatter @p0 [tilespmem:s22], [sflag:$0x15], $0xC00, $0x38;
	[tilespmem:$0x1E570] =	vst v63  }
0x4e: {  	_ =	swait.ge @p0 [sflag:s23], $0xC00  }
0x4f: {  	[sflag:s23] =	ssyncset.done @p0 $0x0  }
0x50: {  	s24 =	rddreg [dreg:$0xf];
	[sflag:s23] =	ssyncadd.s32 @p0 $0xFFFFF400  }
0x51: {  	[spmem:s24] =	stream.linear.scatter @p0 [tilespmem:s22], [sflag:$0x15], $0xC00, $0x38;
	[tilespmem:$0x1E570] =	vst v63  }
0x52: {  	_ =	swait.ge @p0 [sflag:s23], $0xC00  }
0x53: {  	[sflag:s23] =	ssyncset.done @p0 $0x0  }
0x54: {  	s24 =	rddreg [dreg:$0x10];
	[sflag:s23] =	ssyncadd.s32 @p0 $0xFFFFF400  }
0x55: {  	[spmem:s24] =	stream.linear.scatter @p0 [tilespmem:s22], [sflag:$0x15], $0xC00, $0x38;
	[tilespmem:$0x1E570] =	vst v63  }
0x56: {  	_ =	swait.ge @p0 [sflag:s23], $0xC00  }
0x57: {  	[sflag:s23] =	ssyncset.done @p0 $0x0  }
0x58: {  	s24 =	rddreg [dreg:$0x1b];
	[sflag:s23] =	ssyncadd.s32 @p0 $0xFFFFF400  }
0x59: {  	[spmem:s24] =	stream.linear.scatter @p0 [tilespmem:s22], [sflag:$0x15], $0xC00, $0x38;
	[tilespmem:$0x1E570] =	vst v63  }
0x5a: {  	_ =	swait.ge @p0 [sflag:s23], $0xC00  }
0x5b: {  	[sflag:s23] =	ssyncset.done @p0 $0x0  }
0x5c: {  	s24 =	rddreg [dreg:$0x1c];
	[sflag:s23] =	ssyncadd.s32 @p0 $0xFFFFF400  }
0x5d: {  	[spmem:s24] =	stream.linear.scatter @p0 [tilespmem:s22], [sflag:$0x15], $0xC00, $0x38;
	[tilespmem:$0x1E570] =	vst v63  }
0x5e: {  	_ =	swait.ge @p0 [sflag:s23], $0xC00  }
0x5f: {  	[sflag:s23] =	ssyncset.done @p0 $0x0  }
0x60: {  	s22 =	simm.s32 @!p1 $0x13D30;
	s24 =	rddreg [dreg:$0x1d];
	[sflag:s23] =	ssyncadd.s32 @p0 $0xFFFFF400  }
0x61: {  	[spmem:s24] =	stream.linear.scatter @!p1 [tilespmem:s22], [sflag:$0x15], $0x400, $0x38;
	[tilespmem:$0x1E570] =	vst v63  }
0x62: {  	s22 =	simm.s32 @!p1 $0x15  }
0x63: {  	s0 =	sshrl.u32 @!p0 s14, $0x3;
	_ =	swait.ge @!p1 [sflag:s22], $0x400  }
0x64: {  	s1 =	simm.s32 @!p0 $0x1;
	s25 =	simm.s32 @!p0 $0x10;
	s30 =	rddreg [dreg:$0x11]  }
0x65: {  	s23 =	sshll.u32 @!p0 s13, $0x6;
	[sflag:s22] =	ssyncset.done @!p1 $0x0;
	[smem:$0x7FC] =	sst s0  }
0x66: {  	[sflag:s22] =	ssyncadd.s32 @!p1 $0xFFFFFC00;
	s22 =	sor.u32 @!p0 $0x1C15, s23;
	s23 =	simm.s32 @!p0 $0x8  }
0x67: {  	[spmem:s0@s23], [sflag:s22] =	dma.strided @!p0 [hbm:s30@s25], $0x1380, s1, $0x8   }
0x68: {  	s23 =	simm.s32 @!p0 $0x15  }
0x69: {  	s0 =	sshrl.u32 @!p2 s24, $0x3;
	s24 =	simm.s32 @!p2 $0x8;
	_ =	swait.ge @!p0 [sflag:s23], $0x1380  }
0x6a: {  	s25 =	simm.s32 @!p2 $0x10;
	[sflag:s23] =	ssyncset.done @!p0 $0x0;
	s30 =	rddreg [dreg:$0x13]  }
0x6b: {  	[smem:$0x7FD] =	sst s0;
	[sflag:s23] =	ssyncadd.s32 @!p0 $0xFFFFEC80;
	s23 =	simm.s32 @!p2 $0x1  }
0x6c: {  	[spmem:s0@s24], [sflag:s22] =	dma.strided @!p2 [hbm:s30@s25], $0x80, s23, $0x8   }
0x6d: {  	s22 =	simm.s32 @!p2 $0x15  }
0x6e: {  	_ =	swait.ge @!p2 [sflag:s22], $0x80  }
0x6f: {  	s26 =	simm.s32 $0x15;
	[sflag:s22] =	ssyncset.done @!p2 $0x0  }
0x70: {  	s24 =	simm.s32 $0x0;
	s25 =	rddreg [dreg:$0x15];
	[sflag:s22] =	ssyncadd.s32 @!p2 $0xFFFFFF80  }
0x71: {  	[tilespmem:s24], [sflag:$0x15] =	stream.linear.gather [hbm4b:s25+s24], $0x2710, $0x38;
	[tilespmem:$0x1E570] =	vst v63  }
0x72: {  	_ =	swait.ge [sflag:s26], $0x2710  }
0x73: {  	[sflag:s26] =	ssyncset.done $0x0  }
0x74: {  	s29 =	simm.s32 $0x2710;
	s28 =	rddreg [dreg:$0x12];
	[sflag:s26] =	ssyncadd.s32 $0xFFFFD8F0  }
0x75: {  	[tilespmem:s29], [sflag:$0x15] =	stream.linear.gather [hbm4b:s28+s24], $0x2710, $0x38;
	[tilespmem:$0x1E570] =	vst v63  }
0x76: {  	_ =	swait.ge [sflag:s26], $0x2710  }
0x77: {  	[sflag:s26] =	ssyncset.done $0x0  }
0x78: {  	s31 =	simm.s32 $0x4E20;
	s30 =	rddreg [dreg:$0x16];
	[sflag:s26] =	ssyncadd.s32 $0xFFFFD8F0  }
0x79: {  	[tilespmem:s31], [sflag:$0x15] =	stream.linear.gather [hbm4b:s30+s24], $0x2710, $0x38;
	[tilespmem:$0x1E570] =	vst v63  }
0x7a: {  	_ =	swait.ge [sflag:s26], $0x2710  }
0x7b: {  	[sflag:s26] =	ssyncset.done $0x0  }
0x7c: {  	s24 =	simm.s32 $0x0;
	[sflag:s26] =	ssyncadd.s32 $0xFFFFD8F0  }
0x7d: {  	v1 =	vld [tilespmem:s24+$0x10]  }
0x7e: {  	v2 =	vld [tilespmem:s24+$0x2720];
	_ =	sdelay $0x2  }
0x7f: {  	v4 =	vld [tilespmem:s24+$0x30]  }
0x80: {  	v3 =	vld [tilespmem:s24+$0x2740];
	v5 =	vand.u32 $0xFFFFFF8, v1  }
0x81: {  	v1 =	vshll.u32 v1, $0x1;
	v2 =	vadd.s32 v5, v2  }
0x82: {  	s22 =	simm.s32 $0x50;
	v6 =	vld [tilespmem:s24+$0x0];
	v1 =	vand.u32 $0xE, v1;
	v2 =	vshll.u32 v2, $0x4  }
0x83: {  	v5 =	vld [tilespmem:s22+$0x2740];
	v1 =	vor.u32 v1, v2  }
0x84: {  	v2 =	vld [tilespmem:s24+$0x2710];
	[tilespmem:s24+$0x10] =	vst v1;
	v1 =	vand.u32 $0xFFFFFF8, v4  }
0x85: {  	v9 =	vld [tilespmem:s24+$0x2750];
	v4 =	vshll.u32 v4, $0x1;
	v1 =	vadd.s32 v1, v3  }
0x86: {  	v8 =	vld [tilespmem:s22+$0x10];
	v3 =	vand.u32 $0xE, v4;
	v1 =	vshll.u32 v1, $0x4  }
0x87: {  	v4 =	vld [tilespmem:s22+$0x2720];
	v1 =	vor.u32 v3, v1  }
0x88: {  	v3 =	vld [tilespmem:s24+$0x40];
	[tilespmem:s24+$0x30] =	vst v1;
	v1 =	vand.u32 $0xFFFFFF8, v6  }
0x89: {  	v11 =	vld [tilespmem:s24+$0x20];
	v6 =	vshll.u32 v6, $0x1;
	v2 =	vadd.s32 v1, v2  }
0x8a: {  	v10 =	vld [tilespmem:s22+$0x30];
	v6 =	vand.u32 $0xE, v6;
	v2 =	vshll.u32 v2, $0x4  }
0x8b: {  	s23 =	simm.s32 $0xA0;
	v1 =	vld [tilespmem:s22+$0x2730];
	v12 =	vand.u32 $0xFFFFFF8, v8;
	v8 =	vshll.u32 v8, $0x1;
	v6 =	vor.u32 v6, v2  }
0x8c: {  	v2 =	vld [tilespmem:s23+$0x2740];
	v4 =	vadd.s32 v12, v4;
	[tilespmem:s24+$0x0] =	vst v6;
	v6 =	vand.u32 $0xE, v8  }
0x8d: {  	v7 =	vld [tilespmem:s24+$0x2730];
	v4 =	vshll.u32 v4, $0x4;
	v62 =	vand.u32 $0xFFFFFF8, v3;
	v3 =	vshll.u32 v3, $0x1  }
0x8e: {  	v8 =	vld [tilespmem:s22+$0x0];
	v4 =	vor.u32 v6, v4;
	v6 =	vadd.s32 v62, v9;
	v3 =	vand.u32 $0xE, v3  }
0x8f: {  	v13 =	vld [tilespmem:s22+$0x2710];
	[tilespmem:s22+$0x10] =	vst v4;
	v9 =	vand.u32 $0xFFFFFF8, v10;
	v6 =	vshll.u32 v6, $0x4;
	v10 =	vshll.u32 v10, $0x1  }
0x90: {  	v4 =	vld [tilespmem:s23+$0x10];
	v5 =	vadd.s32 v9, v5;
	v3 =	vor.u32 v3, v6;
	v9 =	vand.u32 $0xE, v10  }
0x91: {  	v6 =	vld [tilespmem:s23+$0x2720];
	v10 =	vand.u32 $0xFFFFFF8, v11;
	v11 =	vshll.u32 v11, $0x1;
	v5 =	vshll.u32 v5, $0x4;
	[tilespmem:s24+$0x40] =	vst v3  }
0x92: {  	v5 =	vor.u32 v9, v5;
	v3 =	vld [tilespmem:s22+$0x40];
	v9 =	vadd.s32 v10, v7;
	v10 =	vand.u32 $0xE, v11  }
0x93: {  	v7 =	vld [tilespmem:s22+$0x2750];
	[tilespmem:s22+$0x30] =	vst v5;
	v11 =	vand.u32 $0xFFFFFF8, v8;
	v8 =	vshll.u32 v8, $0x1;
	v63 =	vshll.u32 v9, $0x4  }
0x94: {  	s25 =	simm.s32 $0x3C0;
	v5 =	vld [tilespmem:s23+$0x30];
	v9 =	vadd.s32 v11, v13;
	v8 =	vand.u32 $0xE, v8;
	v10 =	vor.u32 v10, v63  }
.LBB2_4:
0x95: {  	s30 =	sshra.s32 s25, $0x2;
	p4 =	sne.s32 s25, $0x9B00;
	s25 =	sadd.s32 $0x140, s25;
	v11 =	vand.u32 $0xFFFFFF8, v4;
	v4 =	vshll.u32 v4, $0x1;
	v12 =	vld [tilespmem:s23+$0x2730];
	v9 =	vshll.u32 v9, $0x4;
	[tilespmem:s24+$0x20] =	vst v10  }
0x96: {  	s24 =	smov.u32 s22;
	v6 =	vadd.s32 v11, v6;
	v4 =	vand.u32 $0xE, v4;
	v8 =	vor.u32 v8, v9;
	v9 =	vld [tilespmem:s22+$0x20];
	s22 =	smov.u32 s23;
	s23 =	smov.u32 s30  }
0x97: {  	v10 =	vld [tilespmem:s23+$0x2740];
	v6 =	vshll.u32 v6, $0x4;
	[tilespmem:s24+$0x0] =	vst v8;
	v8 =	vand.u32 $0xFFFFFF8, v3;
	v3 =	vshll.u32 v3, $0x1  }
0x98: {  	v11 =	vld [tilespmem:s22+$0x0];
	v4 =	vor.u32 v4, v6;
	v6 =	vadd.s32 v8, v7;
	v3 =	vand.u32 $0xE, v3  }
0x99: {  	v8 =	vld [tilespmem:s22+$0x2710];
	[tilespmem:s22+$0x10] =	vst v4;
	v7 =	vand.u32 $0xFFFFFF8, v5;
	v5 =	vshll.u32 v5, $0x1;
	v6 =	vshll.u32 v6, $0x4  }
.Ltmp1:
0x9a: {  	v4 =	vld [tilespmem:s23+$0x10];
	v16 =	vadd.s32 v7, v2;
	v5 =	vand.u32 $0xE, v5;
	v3 =	vor.u32 v3, v6;
	(pc) =	sbr.rel @p4 .LBB2_4-.Ltmp1, $4  }
0x9b: {  	v6 =	vld [tilespmem:s23+$0x2720];
	v15 =	vshll.u32 v16, $0x4;
	v7 =	vand.u32 $0xFFFFFF8, v9;
	v9 =	vshll.u32 v9, $0x1;
	[tilespmem:s24+$0x40] =	vst v3  }
0x9c: {  	v5 =	vor.u32 v5, v15;
	v3 =	vld [tilespmem:s22+$0x40];
	v13 =	vadd.s32 v7, v1;
	v14 =	vand.u32 $0xE, v9;
	v1 =	vmovc v12;
	v2 =	vmovc v10  }
0x9d: {  	v9 =	vand.u32 $0xFFFFFF8, v11;
	v10 =	vshll.u32 v11, $0x1;
	[tilespmem:s22+$0x30] =	vst v5;
	v7 =	vld [tilespmem:s22+$0x2750];
	v11 =	vshll.u32 v13, $0x4  }
0x9e: {  	v5 =	vld [tilespmem:s23+$0x30];
	v9 =	vadd.s32 v9, v8;
	v8 =	vand.u32 $0xE, v10;
	v10 =	vor.u32 v14, v11  }
0x9f: {  	v11 =	vld [tilespmem:s23+$0x2730];
	[tilespmem:s24+$0x20] =	vst v10;
	v50 =	vand.u32 $0xFFFFFF8, v4  }
0xa0: {  	v9 =	vshll.u32 v9, $0x4;
	v51 =	vshll.u32 v4, $0x1;
	v6 =	vadd.s32 v50, v6;
	v52 =	vld [tilespmem:s22+$0x20]  }
0xa1: {  	v8 =	vor.u32 v8, v9;
	v4 =	vand.u32 $0xE, v51;
	v6 =	vshll.u32 v6, $0x4  }
0xa2: {  	v53 =	vand.u32 $0xFFFFFF8, v3;
	v3 =	vshll.u32 v3, $0x1;
	v4 =	vor.u32 v4, v6  }
0xa3: {  	v55 =	vadd.s32 v53, v7;
	v3 =	vand.u32 $0xE, v3;
	v57 =	vand.u32 $0xFFFFFF8, v5  }
0xa4: {  	[tilespmem:s22+$0x0] =	vst v8;
	v6 =	vshll.u32 v55, $0x4;
	v58 =	vshll.u32 v5, $0x1;
	v2 =	vadd.s32 v57, v2  }
0xa5: {  	v54 =	vld [tilespmem:s23+$0x0];
	[tilespmem:s23+$0x10] =	vst v4;
	v3 =	vor.u32 v3, v6;
	v4 =	vand.u32 $0xE, v58;
	v59 =	vand.u32 $0xFFFFFF8, v52  }
0xa6: {  	v56 =	vld [tilespmem:s23+$0x2710];
	v2 =	vshll.u32 v2, $0x4;
	[tilespmem:s22+$0x40] =	vst v3;
	v3 =	vshll.u32 v52, $0x1;
	v1 =	vadd.s32 v59, v1  }
0xa7: {  	v2 =	vor.u32 v4, v2;
	v3 =	vand.u32 $0xE, v3;
	v1 =	vshll.u32 v1, $0x4  }
0xa8: {  	v60 =	vld [tilespmem:s23+$0x40];
	[tilespmem:s23+$0x30] =	vst v2;
	v1 =	vor.u32 v3, v1  }
0xa9: {  	v2 =	vld [tilespmem:s23+$0x2750];
	[tilespmem:s22+$0x20] =	vst v1  }
0xaa: {  	v1 =	vld [tilespmem:s23+$0x20]  }
0xab: {  	v3 =	vand.u32 $0xFFFFFF8, v54  }
0xac: {  	v61 =	vshll.u32 v54, $0x1;
	v3 =	vadd.s32 v3, v56  }
0xad: {  	v5 =	vand.u32 $0xE, v61;
	v3 =	vshll.u32 v3, $0x4  }
0xae: {  	v3 =	vor.u32 v5, v3;
	v62 =	vand.u32 $0xFFFFFF8, v60;
	v4 =	vshll.u32 v60, $0x1  }
0xaf: {  	v2 =	vadd.s32 v62, v2;
	v4 =	vand.u32 $0xE, v4;
	v63 =	vand.u32 $0xFFFFFF8, v1  }
0xb0: {  	v2 =	vshll.u32 v2, $0x4;
	v1 =	vshll.u32 v1, $0x1;
	v5 =	vadd.s32 v63, v11  }
0xb1: {  	[tilespmem:s23+$0x0] =	vst v3;
	v2 =	vor.u32 v4, v2;
	v1 =	vand.u32 $0xE, v1;
	v3 =	vshll.u32 v5, $0x4  }
0xb2: {  	[tilespmem:s23+$0x40] =	vst v2;
	v1 =	vor.u32 v1, v3  }
0xb3: {  	[tilespmem:s23+$0x20] =	vst v1  }
0xb4: {  	s25 =	simm.s32 $0x0;
	s7 =	simm.s32 $0x7530;
	[bflag:$0x0] =	sbarrier.arrive $0xFFFF  }
0xb5: {  	[tilespmem:s7], [sflag:$0x1] =	stream.indirect.gather [hbm4b:s4+s18], $0x40, s25, s18, $0xb8;
	[tilespmem:$0x1E570] =	vst v63  }
0xb6: {  	s9 =	simm.s32 $0x8930  }
0xb7: {  	[tilespmem:s9], [sflag:$0x2] =	stream.indirect.gather [hbm4b:s4+s18], $0x40, s18, s18, $0xb8;
	[tilespmem:$0x1E570] =	vst v63  }
0xb8: {  	s26 =	simm.s32 $0xA0;
	s23 =	simm.s32 $0x9D30  }
0xb9: {  	[tilespmem:s23], [sflag:$0x3] =	stream.indirect.gather [hbm4b:s4+s18], $0x40, s26, s18, $0xb8;
	[tilespmem:$0x1E570] =	vst v63  }
0xba: {  	s0 =	simm.s32 $0xF0;
	s25 =	simm.s32 $0xB130  }
0xbb: {  	[tilespmem:s25], [sflag:$0x4] =	stream.indirect.gather [hbm4b:s4+s18], $0x40, s0, s18, $0xb8;
	[tilespmem:$0x1E570] =	vst v63  }
0xbc: {  	s1 =	simm.s32 $0x140;
	s0 =	simm.s32 $0xC530  }
0xbd: {  	[tilespmem:s0], [sflag:$0x5] =	stream.indirect.gather [hbm4b:s4+s18], $0x40, s1, s18, $0xb8;
	[tilespmem:$0x1E570] =	vst v63  }
0xbe: {  	s5 =	simm.s32 $0x190;
	s16 =	simm.s32 $0xD930  }
0xbf: {  	[tilespmem:s16], [sflag:$0x6] =	stream.indirect.gather [hbm4b:s4+s18], $0x40, s5, s18, $0xb8;
	[tilespmem:$0x1E570] =	vst v63  }
0xc0: {  	s6 =	simm.s32 $0x1E0;
	s1 =	simm.s32 $0xED30  }
0xc1: {  	[tilespmem:s1], [sflag:$0x7] =	stream.indirect.gather [hbm4b:s4+s18], $0x40, s6, s18, $0xb8;
	[tilespmem:$0x1E570] =	vst v63  }
0xc2: {  	s8 =	simm.s32 $0x230;
	s10 =	simm.s32 $0x10130;
	s24 =	simm.s32 $0x1  }
0xc3: {  	[tilespmem:s10], [sflag:$0x8] =	stream.indirect.gather [hbm4b:s4+s18], $0x40, s8, s18, $0xb8;
	[tilespmem:$0x1E570] =	vst v63  }
0xc4: {  	_ =	swait.ge [sflag:s24], $0x1400  }
0xc5: {  	[sflag:s24] =	ssyncset.done $0x0  }
0xc6: {  	s11 =	simm.s32 $0x4E20;
	[sflag:s24] =	ssyncadd.s32 $0xFFFFEC00  }
0xc7: {  	[spmem:s2] =	stream.indirect.scatter.add.f32 [tilespmem:s7], [sflag:$0xB], $0x40, s11, s18, $0xb8;
	[tilespmem:$0x1E570] =	vst v63  }
0xc8: {  	s12 =	simm.s32 $0x280;
	s13 =	simm.s32 $0x11530;
	s8 =	simm.s32 $0x2  }
0xc9: {  	[tilespmem:s13], [sflag:$0x9] =	stream.indirect.gather [hbm4b:s4+s18], $0x40, s12, s18, $0xb8;
	[tilespmem:$0x1E570] =	vst v63  }
0xca: {  	_ =	swait.ge [sflag:s8], $0x1400  }
0xcb: {  	[sflag:s8] =	ssyncset.done $0x0  }
0xcc: {  	s14 =	simm.s32 $0x4E70;
	[sflag:s8] =	ssyncadd.s32 $0xFFFFEC00  }
0xcd: {  	[spmem:s2] =	stream.indirect.scatter.add.f32 [tilespmem:s9], [sflag:$0xC], $0x40, s14, s18, $0xb8;
	[tilespmem:$0x1E570] =	vst v63  }
0xce: {  	s15 =	simm.s32 $0x2D0;
	s17 =	simm.s32 $0x12930;
	s10 =	simm.s32 $0x3  }
0xcf: {  	[tilespmem:s17], [sflag:$0xA] =	stream.indirect.gather [hbm4b:s4+s18], $0x40, s15, s18, $0xb8;
	[tilespmem:$0x1E570] =	vst v63  }
0xd0: {  	_ =	swait.ge [sflag:s10], $0x1400  }
0xd1: {  	[sflag:s10] =	ssyncset.done $0x0  }
0xd2: {  	s20 =	simm.s32 $0x4EC0;
	s11 =	simm.s32 $0xB;
	[sflag:s10] =	ssyncadd.s32 $0xFFFFEC00  }
0xd3: {  	[spmem:s2] =	stream.indirect.scatter.add.f32 [tilespmem:s23], [sflag:$0xD], $0x40, s20, s18, $0xb8;
	[tilespmem:$0x1E570] =	vst v63  }
0xd4: {  	_ =	swait.ge [sflag:s11], $0x1400  }
0xd5: {  	[sflag:s11] =	ssyncset.done $0x0  }
0xd6: {  	s12 =	simm.s32 $0x320;
	[sflag:s11] =	ssyncadd.s32 $0xFFFFEC00  }
0xd7: {  	[tilespmem:s7], [sflag:$0x1] =	stream.indirect.gather [hbm4b:s4+s18], $0x40, s12, s18, $0xb8;
	[tilespmem:$0x1E570] =	vst v63  }
0xd8: {  	s12 =	simm.s32 $0x4  }
0xd9: {  	_ =	swait.ge [sflag:s12], $0x1400  }
0xda: {  	[sflag:s12] =	ssyncset.done $0x0  }
0xdb: {  	s13 =	simm.s32 $0x4F10;
	[sflag:s12] =	ssyncadd.s32 $0xFFFFEC00  }
0xdc: {  	[spmem:s2] =	stream.indirect.scatter.add.f32 [tilespmem:s25], [sflag:$0xE], $0x40, s13, s18, $0xb8;
	[tilespmem:$0x1E570] =	vst v63  }
0xdd: {  	s13 =	simm.s32 $0xC  }
0xde: {  	_ =	swait.ge [sflag:s13], $0x1400  }
0xdf: {  	[sflag:s13] =	ssyncset.done $0x0  }
0xe0: {  	s14 =	simm.s32 $0x370;
	[sflag:s13] =	ssyncadd.s32 $0xFFFFEC00  }
0xe1: {  	[tilespmem:s9], [sflag:$0x2] =	stream.indirect.gather [hbm4b:s4+s18], $0x40, s14, s18, $0xb8;
	[tilespmem:$0x1E570] =	vst v63  }
0xe2: {  	s14 =	simm.s32 $0x5  }
0xe3: {  	_ =	swait.ge [sflag:s14], $0x1400  }
0xe4: {  	[sflag:s14] =	ssyncset.done $0x0  }
0xe5: {  	s3 =	simm.s32 $0xC530;
	s15 =	simm.s32 $0x4F60;
	[sflag:s14] =	ssyncadd.s32 $0xFFFFEC00  }
0xe6: {  	[spmem:s2] =	stream.indirect.scatter.add.f32 [tilespmem:s3], [sflag:$0xF], $0x40, s15, s18, $0xb8;
	[tilespmem:$0x1E570] =	vst v63  }
0xe7: {  	s15 =	simm.s32 $0xD  }
0xe8: {  	_ =	swait.ge [sflag:s15], $0x1400  }
0xe9: {  	[sflag:s15] =	ssyncset.done $0x0  }
0xea: {  	s26 =	simm.s32 $0x3C0;
	[sflag:s15] =	ssyncadd.s32 $0xFFFFEC00  }
0xeb: {  	[tilespmem:s23], [sflag:$0x3] =	stream.indirect.gather [hbm4b:s4+s18], $0x40, s26, s18, $0xb8;
	[tilespmem:$0x1E570] =	vst v63  }
0xec: {  	s26 =	simm.s32 $0x6  }
0xed: {  	_ =	swait.ge [sflag:s26], $0x1400  }
0xee: {  	[sflag:s26] =	ssyncset.done $0x0  }
0xef: {  	s28 =	simm.s32 $0xE;
	s1 =	simm.s32 $0x4FB0;
	[sflag:s26] =	ssyncadd.s32 $0xFFFFEC00  }
0xf0: {  	[spmem:s2] =	stream.indirect.scatter.add.f32 [tilespmem:s16], [sflag:$0x10], $0x40, s1, s18, $0xb8;
	[tilespmem:$0x1E570] =	vst v63  }
0xf1: {  	_ =	swait.ge [sflag:s28], $0x1400  }
0xf2: {  	[sflag:s28] =	ssyncset.done $0x0  }
0xf3: {  	s29 =	simm.s32 $0x7;
	s5 =	simm.s32 $0x410;
	[sflag:s28] =	ssyncadd.s32 $0xFFFFEC00  }
0xf4: {  	[tilespmem:s25], [sflag:$0x4] =	stream.indirect.gather [hbm4b:s4+s18], $0x40, s5, s18, $0xb8;
	[tilespmem:$0x1E570] =	vst v63  }
0xf5: {  	_ =	swait.ge [sflag:s29], $0x1400  }
0xf6: {  	s6 =	simm.s32 $0xED30;
	[sflag:s29] =	ssyncset.done $0x0  }
0xf7: {  	s3 =	simm.s32 $0x5000;
	s5 =	simm.s32 $0xF;
	[sflag:s29] =	ssyncadd.s32 $0xFFFFEC00  }
0xf8: {  	[spmem:s2] =	stream.indirect.scatter.add.f32 [tilespmem:s6], [sflag:$0x11], $0x40, s3, s18, $0xb8;
	[tilespmem:$0x1E570] =	vst v63  }
0xf9: {  	_ =	swait.ge [sflag:s5], $0x1400  }
0xfa: {  	[sflag:s5] =	ssyncset.done $0x0  }
0xfb: {  	s21 =	simm.s32 $0xC530;
	s3 =	simm.s32 $0x460;
	[sflag:s5] =	ssyncadd.s32 $0xFFFFEC00  }
0xfc: {  	[tilespmem:s21], [sflag:$0x5] =	stream.indirect.gather [hbm4b:s4+s18], $0x40, s3, s18, $0xb8;
	[tilespmem:$0x1E570] =	vst v63  }
0xfd: {  	s3 =	simm.s32 $0x8  }
0xfe: {  	_ =	swait.ge [sflag:s3], $0x1400  }
0xff: {  	s31 =	simm.s32 $0x10130;
	[sflag:s3] =	ssyncset.done $0x0  }
0x100: {  	s17 =	simm.s32 $0x5050;
	s1 =	simm.s32 $0x10;
	[sflag:s3] =	ssyncadd.s32 $0xFFFFEC00  }
0x101: {  	[spmem:s2] =	stream.indirect.scatter.add.f32 [tilespmem:s31], [sflag:$0x12], $0x40, s17, s18, $0xb8;
	[tilespmem:$0x1E570] =	vst v63  }
0x102: {  	_ =	swait.ge [sflag:s1], $0x1400  }
0x103: {  	[sflag:s1] =	ssyncset.done $0x0  }
0x104: {  	s20 =	simm.s32 $0x4B0;
	[sflag:s1] =	ssyncadd.s32 $0xFFFFEC00  }
0x105: {  	[tilespmem:s16], [sflag:$0x6] =	stream.indirect.gather [hbm4b:s4+s18], $0x40, s20, s18, $0xb8;
	[tilespmem:$0x1E570] =	vst v63  }
0x106: {  	s20 =	simm.s32 $0x9  }
0x107: {  	_ =	swait.ge [sflag:s20], $0x1400  }
0x108: {  	s19 =	simm.s32 $0x11530;
	[sflag:s20] =	ssyncset.done $0x0  }
0x109: {  	s21 =	simm.s32 $0x11;
	s17 =	simm.s32 $0x50A0;
	[sflag:s20] =	ssyncadd.s32 $0xFFFFEC00  }
0x10a: {  	[spmem:s2] =	stream.indirect.scatter.add.f32 [tilespmem:s19], [sflag:$0x13], $0x40, s17, s18, $0xb8;
	[tilespmem:$0x1E570] =	vst v63  }
0x10b: {  	_ =	swait.ge [sflag:s21], $0x1400  }
0x10c: {  	[sflag:s21] =	ssyncset.done $0x0  }
0x10d: {  	s19 =	simm.s32 $0x500;
	s17 =	simm.s32 $0xA;
	[sflag:s21] =	ssyncadd.s32 $0xFFFFEC00  }
0x10e: {  	[tilespmem:s6], [sflag:$0x7] =	stream.indirect.gather [hbm4b:s4+s18], $0x40, s19, s18, $0xb8;
	[tilespmem:$0x1E570] =	vst v63  }
0x10f: {  	_ =	swait.ge [sflag:s17], $0x1400  }
0x110: {  	s30 =	simm.s32 $0x12930;
	[sflag:s17] =	ssyncset.done $0x0  }
0x111: {  	s22 =	simm.s32 $0x50F0;
	s19 =	simm.s32 $0x12;
	[sflag:s17] =	ssyncadd.s32 $0xFFFFEC00  }
0x112: {  	[spmem:s2] =	stream.indirect.scatter.add.f32 [tilespmem:s30], [sflag:$0x14], $0x40, s22, s18, $0xb8;
	[tilespmem:$0x1E570] =	vst v63  }
0x113: {  	_ =	swait.ge [sflag:s19], $0x1400  }
0x114: {  	[sflag:s19] =	ssyncset.done $0x0  }
0x115: {  	s22 =	simm.s32 $0x550;
	[sflag:s19] =	ssyncadd.s32 $0xFFFFEC00  }
0x116: {  	[tilespmem:s31], [sflag:$0x8] =	stream.indirect.gather [hbm4b:s4+s18], $0x40, s22, s18, $0xb8;
	[tilespmem:$0x1E570] =	vst v63  }
0x117: {  	_ =	swait.ge [sflag:s24], $0x1400  }
0x118: {  	[sflag:s24] =	ssyncset.done $0x0  }
0x119: {  	s22 =	simm.s32 $0x5140;
	s31 =	simm.s32 $0x13;
	[sflag:s24] =	ssyncadd.s32 $0xFFFFEC00  }
0x11a: {  	[spmem:s2] =	stream.indirect.scatter.add.f32 [tilespmem:s7], [sflag:$0xB], $0x40, s22, s18, $0xb8;
	[tilespmem:$0x1E570] =	vst v63  }
0x11b: {  	_ =	swait.ge [sflag:s31], $0x1400  }
0x11c: {  	[sflag:s31] =	ssyncset.done $0x0  }
0x11d: {  	s0 =	simm.s32 $0x11530;
	s22 =	simm.s32 $0x5A0;
	[sflag:s31] =	ssyncadd.s32 $0xFFFFEC00  }
0x11e: {  	[tilespmem:s0], [sflag:$0x9] =	stream.indirect.gather [hbm4b:s4+s18], $0x40, s22, s18, $0xb8;
	[tilespmem:$0x1E570] =	vst v63  }
0x11f: {  	_ =	swait.ge [sflag:s8], $0x1400  }
0x120: {  	[sflag:s8] =	ssyncset.done $0x0  }
0x121: {  	s30 =	simm.s32 $0x14;
	s0 =	simm.s32 $0x5190;
	[sflag:s8] =	ssyncadd.s32 $0xFFFFEC00  }
0x122: {  	[spmem:s2] =	stream.indirect.scatter.add.f32 [tilespmem:s9], [sflag:$0xC], $0x40, s0, s18, $0xb8;
	[tilespmem:$0x1E570] =	vst v63  }
0x123: {  	_ =	swait.ge [sflag:s30], $0x1400  }
0x124: {  	[sflag:s30] =	ssyncset.done $0x0  }
0x125: {  	s6 =	simm.s32 $0x12930;
	s0 =	simm.s32 $0x5F0;
	[sflag:s30] =	ssyncadd.s32 $0xFFFFEC00  }
0x126: {  	[tilespmem:s6], [sflag:$0xA] =	stream.indirect.gather [hbm4b:s4+s18], $0x40, s0, s18, $0xb8;
	[tilespmem:$0x1E570] =	vst v63  }
0x127: {  	_ =	swait.ge [sflag:s10], $0x1400  }
0x128: {  	[sflag:s10] =	ssyncset.done $0x0  }
0x129: {  	[sflag:s10] =	ssyncadd.s32 $0xFFFFEC00;
	s10 =	simm.s32 $0x51E0  }
0x12a: {  	[spmem:s2] =	stream.indirect.scatter.add.f32 [tilespmem:s23], [sflag:$0xD], $0x40, s10, s18, $0xb8;
	[tilespmem:$0x1E570] =	vst v63  }
0x12b: {  	_ =	swait.ge [sflag:s11], $0x1400  }
0x12c: {  	[sflag:s11] =	ssyncset.done $0x0  }
0x12d: {  	s0 =	simm.s32 $0x640;
	[sflag:s11] =	ssyncadd.s32 $0xFFFFEC00  }
0x12e: {  	[tilespmem:s7], [sflag:$0x1] =	stream.indirect.gather [hbm4b:s4+s18], $0x40, s0, s18, $0xb8;
	[tilespmem:$0x1E570] =	vst v63  }
0x12f: {  	_ =	swait.ge [sflag:s12], $0x1400  }
0x130: {  	[sflag:s12] =	ssyncset.done $0x0  }
0x131: {  	s6 =	simm.s32 $0x5230;
	[sflag:s12] =	ssyncadd.s32 $0xFFFFEC00  }
0x132: {  	[spmem:s2] =	stream.indirect.scatter.add.f32 [tilespmem:s25], [sflag:$0xE], $0x40, s6, s18, $0xb8;
	[tilespmem:$0x1E570] =	vst v63  }
0x133: {  	_ =	swait.ge [sflag:s13], $0x1400  }
0x134: {  	[sflag:s13] =	ssyncset.done $0x0  }
0x135: {  	s7 =	simm.s32 $0x690;
	[sflag:s13] =	ssyncadd.s32 $0xFFFFEC00  }
0x136: {  	[tilespmem:s9], [sflag:$0x2] =	stream.indirect.gather [hbm4b:s4+s18], $0x40, s7, s18, $0xb8;
	[tilespmem:$0x1E570] =	vst v63  }
0x137: {  	_ =	swait.ge [sflag:s14], $0x1400  }
0x138: {  	[sflag:s14] =	ssyncset.done $0x0  }
0x139: {  	s6 =	simm.s32 $0xC530;
	s9 =	simm.s32 $0x5280;
	[sflag:s14] =	ssyncadd.s32 $0xFFFFEC00  }
0x13a: {  	[spmem:s2] =	stream.indirect.scatter.add.f32 [tilespmem:s6], [sflag:$0xF], $0x40, s9, s18, $0xb8;
	[tilespmem:$0x1E570] =	vst v63  }
0x13b: {  	_ =	swait.ge [sflag:s15], $0x1400  }
0x13c: {  	[sflag:s15] =	ssyncset.done $0x0  }
0x13d: {  	s10 =	simm.s32 $0x6E0;
	[sflag:s15] =	ssyncadd.s32 $0xFFFFEC00  }
0x13e: {  	[tilespmem:s23], [sflag:$0x3] =	stream.indirect.gather [hbm4b:s4+s18], $0x40, s10, s18, $0xb8;
	[tilespmem:$0x1E570] =	vst v63  }
0x13f: {  	_ =	swait.ge [sflag:s26], $0x1400  }
0x140: {  	[sflag:s26] =	ssyncset.done $0x0  }
0x141: {  	s0 =	simm.s32 $0x52D0;
	[sflag:s26] =	ssyncadd.s32 $0xFFFFEC00  }
0x142: {  	[spmem:s2] =	stream.indirect.scatter.add.f32 [tilespmem:s16], [sflag:$0x10], $0x40, s0, s18, $0xb8;
	[tilespmem:$0x1E570] =	vst v63  }
0x143: {  	_ =	swait.ge [sflag:s28], $0x1400  }
0x144: {  	[sflag:s28] =	ssyncset.done $0x0  }
0x145: {  	s7 =	simm.s32 $0x730;
	[sflag:s28] =	ssyncadd.s32 $0xFFFFEC00  }
0x146: {  	[tilespmem:s25], [sflag:$0x4] =	stream.indirect.gather [hbm4b:s4+s18], $0x40, s7, s18, $0xb8;
	[tilespmem:$0x1E570] =	vst v63  }
0x147: {  	_ =	swait.ge [sflag:s29], $0x1400  }
0x148: {  	[sflag:s29] =	ssyncset.done $0x0  }
0x149: {  	s9 =	simm.s32 $0x5320;
	s0 =	simm.s32 $0xED30;
	[sflag:s29] =	ssyncadd.s32 $0xFFFFEC00  }
0x14a: {  	[spmem:s2] =	stream.indirect.scatter.add.f32 [tilespmem:s0], [sflag:$0x11], $0x40, s9, s18, $0xb8;
	[tilespmem:$0x1E570] =	vst v63  }
0x14b: {  	_ =	swait.ge [sflag:s5], $0x1400  }
0x14c: {  	[sflag:s5] =	ssyncset.done $0x0  }
0x14d: {  	s10 =	simm.s32 $0x780;
	[sflag:s5] =	ssyncadd.s32 $0xFFFFEC00  }
0x14e: {  	[tilespmem:s6], [sflag:$0x5] =	stream.indirect.gather [hbm4b:s4+s18], $0x40, s10, s18, $0xb8;
	[tilespmem:$0x1E570] =	vst v63  }
0x14f: {  	_ =	swait.ge [sflag:s3], $0x1400  }
0x150: {  	[sflag:s3] =	ssyncset.done $0x0  }
0x151: {  	s23 =	simm.s32 $0x5370;
	s25 =	simm.s32 $0x10130;
	[sflag:s3] =	ssyncadd.s32 $0xFFFFEC00  }
0x152: {  	[spmem:s2] =	stream.indirect.scatter.add.f32 [tilespmem:s25], [sflag:$0x12], $0x40, s23, s18, $0xb8;
	[tilespmem:$0x1E570] =	vst v63  }
0x153: {  	_ =	swait.ge [sflag:s1], $0x1400  }
0x154: {  	[sflag:s1] =	ssyncset.done $0x0  }
0x155: {  	s7 =	simm.s32 $0x7D0;
	[sflag:s1] =	ssyncadd.s32 $0xFFFFEC00  }
0x156: {  	[tilespmem:s16], [sflag:$0x6] =	stream.indirect.gather [hbm4b:s4+s18], $0x40, s7, s18, $0xb8;
	[tilespmem:$0x1E570] =	vst v63  }
0x157: {  	_ =	swait.ge [sflag:s20], $0x1400  }
0x158: {  	[sflag:s20] =	ssyncset.done $0x0  }
0x159: {  	s9 =	simm.s32 $0x53C0;
	s10 =	simm.s32 $0x11530;
	[sflag:s20] =	ssyncadd.s32 $0xFFFFEC00  }
0x15a: {  	[spmem:s2] =	stream.indirect.scatter.add.f32 [tilespmem:s10], [sflag:$0x13], $0x40, s9, s18, $0xb8;
	[tilespmem:$0x1E570] =	vst v63  }
0x15b: {  	_ =	swait.ge [sflag:s21], $0x1400  }
0x15c: {  	[sflag:s21] =	ssyncset.done $0x0  }
0x15d: {  	s16 =	simm.s32 $0x820;
	[sflag:s21] =	ssyncadd.s32 $0xFFFFEC00  }
0x15e: {  	[tilespmem:s0], [sflag:$0x7] =	stream.indirect.gather [hbm4b:s4+s18], $0x40, s16, s18, $0xb8;
	[tilespmem:$0x1E570] =	vst v63  }
0x15f: {  	_ =	swait.ge [sflag:s17], $0x1400  }
0x160: {  	[sflag:s17] =	ssyncset.done $0x0  }
0x161: {  	s23 =	simm.s32 $0x5410;
	s25 =	simm.s32 $0x12930;
	[sflag:s17] =	ssyncadd.s32 $0xFFFFEC00  }
0x162: {  	[spmem:s2] =	stream.indirect.scatter.add.f32 [tilespmem:s25], [sflag:$0x14], $0x40, s23, s18, $0xb8;
	[tilespmem:$0x1E570] =	vst v63  }
0x163: {  	_ =	swait.ge [sflag:s19], $0x1400  }
0x164: {  	[sflag:s19] =	ssyncset.done $0x0  }
0x165: {  	s22 =	simm.s32 $0xC80;
	s23 =	simm.s32 $0x870;
	[sflag:s19] =	ssyncadd.s32 $0xFFFFEC00  }
.LBB2_6:
0x166: {  	s16 =	simm.s32 $0x10130  }
0x167: {  	[tilespmem:s16], [sflag:$0x8] =	stream.indirect.gather [hbm4b:s4+s18], $0x40, s23, s18, $0xb8;
	[tilespmem:$0x1E570] =	vst v63  }
0x168: {  	s23 =	smov.u32 s22  }
0x169: {  	p4 =	sne.s32 s22, $0x7080;
	s22 =	sadd.s32 $0xC80, s22;
	_ =	swait.ge [sflag:s24], $0x1400  }
0x16a: {  	s23 =	sshra.s32 s23, $0x2;
	[sflag:s24] =	ssyncset.done $0x0  }
0x16b: {  	s9 =	simm.s32 $0x7530;
	[sflag:s24] =	ssyncadd.s32 $0xFFFFEC00;
	s24 =	sadd.s32 $0x5140, s23  }
0x16c: {  	[spmem:s2] =	stream.indirect.scatter.add.f32 [tilespmem:s9], [sflag:$0xB], $0x40, s24, s18, $0xb8;
	[tilespmem:$0x1E570] =	vst v63  }
0x16d: {  	_ =	swait.ge [sflag:s31], $0x1400  }
0x16e: {  	[sflag:s31] =	ssyncset.done $0x0  }
0x16f: {  	s0 =	simm.s32 $0x11530;
	s24 =	sadd.s32 $0x5A0, s23;
	[sflag:s31] =	ssyncadd.s32 $0xFFFFEC00  }
0x170: {  	[tilespmem:s0], [sflag:$0x9] =	stream.indirect.gather [hbm4b:s4+s18], $0x40, s24, s18, $0xb8;
	[tilespmem:$0x1E570] =	vst v63  }
0x171: {  	_ =	swait.ge [sflag:s8], $0x1400  }
0x172: {  	[sflag:s8] =	ssyncset.done $0x0  }
0x173: {  	s25 =	simm.s32 $0x8930;
	s24 =	sadd.s32 $0x5190, s23;
	[sflag:s8] =	ssyncadd.s32 $0xFFFFEC00  }
0x174: {  	[spmem:s2] =	stream.indirect.scatter.add.f32 [tilespmem:s25], [sflag:$0xC], $0x40, s24, s18, $0xb8;
	[tilespmem:$0x1E570] =	vst v63  }
0x175: {  	_ =	swait.ge [sflag:s30], $0x1400  }
0x176: {  	s6 =	simm.s32 $0x12930;
	[sflag:s30] =	ssyncset.done $0x0  }
0x177: {  	s7 =	simm.s32 $0x3;
	s24 =	sadd.s32 $0x5F0, s23;
	[sflag:s30] =	ssyncadd.s32 $0xFFFFEC00  }
0x178: {  	[tilespmem:s6], [sflag:$0xA] =	stream.indirect.gather [hbm4b:s4+s18], $0x40, s24, s18, $0xb8;
	[tilespmem:$0x1E570] =	vst v63  }
0x179: {  	_ =	swait.ge [sflag:s7], $0x1400  }
0x17a: {  	[sflag:s7] =	ssyncset.done $0x0  }
0x17b: {  	s24 =	sadd.s32 $0x51E0, s23;
	[sflag:s7] =	ssyncadd.s32 $0xFFFFEC00;
	s7 =	simm.s32 $0x9D30  }
0x17c: {  	[spmem:s2] =	stream.indirect.scatter.add.f32 [tilespmem:s7], [sflag:$0xD], $0x40, s24, s18, $0xb8;
	[tilespmem:$0x1E570] =	vst v63  }
0x17d: {  	_ =	swait.ge [sflag:s11], $0x1400  }
0x17e: {  	[sflag:s11] =	ssyncset.done $0x0  }
0x17f: {  	s24 =	sadd.s32 $0x640, s23;
	[sflag:s11] =	ssyncadd.s32 $0xFFFFEC00  }
0x180: {  	[tilespmem:s9], [sflag:$0x1] =	stream.indirect.gather [hbm4b:s4+s18], $0x40, s24, s18, $0xb8;
	[tilespmem:$0x1E570] =	vst v63  }
0x181: {  	_ =	swait.ge [sflag:s12], $0x1400  }
0x182: {  	[sflag:s12] =	ssyncset.done $0x0  }
0x183: {  	s24 =	sadd.s32 $0x5230, s23;
	s9 =	simm.s32 $0xB130;
	[sflag:s12] =	ssyncadd.s32 $0xFFFFEC00  }
0x184: {  	[spmem:s2] =	stream.indirect.scatter.add.f32 [tilespmem:s9], [sflag:$0xE], $0x40, s24, s18, $0xb8;
	[tilespmem:$0x1E570] =	vst v63  }
0x185: {  	_ =	swait.ge [sflag:s13], $0x1400  }
0x186: {  	[sflag:s13] =	ssyncset.done $0x0  }
0x187: {  	s24 =	sadd.s32 $0x690, s23;
	[sflag:s13] =	ssyncadd.s32 $0xFFFFEC00  }
0x188: {  	[tilespmem:s25], [sflag:$0x2] =	stream.indirect.gather [hbm4b:s4+s18], $0x40, s24, s18, $0xb8;
	[tilespmem:$0x1E570] =	vst v63  }
0x189: {  	_ =	swait.ge [sflag:s14], $0x1400  }
0x18a: {  	[sflag:s14] =	ssyncset.done $0x0  }
0x18b: {  	s24 =	sadd.s32 $0x5280, s23;
	s25 =	simm.s32 $0xC530;
	[sflag:s14] =	ssyncadd.s32 $0xFFFFEC00  }
0x18c: {  	[spmem:s2] =	stream.indirect.scatter.add.f32 [tilespmem:s25], [sflag:$0xF], $0x40, s24, s18, $0xb8;
	[tilespmem:$0x1E570] =	vst v63  }
0x18d: {  	_ =	swait.ge [sflag:s15], $0x1400  }
0x18e: {  	[sflag:s15] =	ssyncset.done $0x0  }
0x18f: {  	s24 =	sadd.s32 $0x6E0, s23;
	[sflag:s15] =	ssyncadd.s32 $0xFFFFEC00  }
0x190: {  	[tilespmem:s7], [sflag:$0x3] =	stream.indirect.gather [hbm4b:s4+s18], $0x40, s24, s18, $0xb8;
	[tilespmem:$0x1E570] =	vst v63  }
0x191: {  	_ =	swait.ge [sflag:s26], $0x1400  }
0x192: {  	[sflag:s26] =	ssyncset.done $0x0  }
0x193: {  	s10 =	simm.s32 $0xD930;
	s24 =	sadd.s32 $0x52D0, s23;
	[sflag:s26] =	ssyncadd.s32 $0xFFFFEC00  }
0x194: {  	[spmem:s2] =	stream.indirect.scatter.add.f32 [tilespmem:s10], [sflag:$0x10], $0x40, s24, s18, $0xb8;
	[tilespmem:$0x1E570] =	vst v63  }
0x195: {  	_ =	swait.ge [sflag:s28], $0x1400  }
0x196: {  	[sflag:s28] =	ssyncset.done $0x0  }
0x197: {  	s24 =	sadd.s32 $0x730, s23;
	[sflag:s28] =	ssyncadd.s32 $0xFFFFEC00  }
0x198: {  	[tilespmem:s9], [sflag:$0x4] =	stream.indirect.gather [hbm4b:s4+s18], $0x40, s24, s18, $0xb8;
	[tilespmem:$0x1E570] =	vst v63  }
0x199: {  	_ =	swait.ge [sflag:s29], $0x1400  }
0x19a: {  	[sflag:s29] =	ssyncset.done $0x0  }
0x19b: {  	s7 =	simm.s32 $0xED30;
	s24 =	sadd.s32 $0x5320, s23;
	[sflag:s29] =	ssyncadd.s32 $0xFFFFEC00  }
0x19c: {  	[spmem:s2] =	stream.indirect.scatter.add.f32 [tilespmem:s7], [sflag:$0x11], $0x40, s24, s18, $0xb8;
	[tilespmem:$0x1E570] =	vst v63  }
0x19d: {  	_ =	swait.ge [sflag:s5], $0x1400  }
0x19e: {  	[sflag:s5] =	ssyncset.done $0x0  }
0x19f: {  	s24 =	sadd.s32 $0x780, s23;
	[sflag:s5] =	ssyncadd.s32 $0xFFFFEC00  }
0x1a0: {  	[tilespmem:s25], [sflag:$0x5] =	stream.indirect.gather [hbm4b:s4+s18], $0x40, s24, s18, $0xb8;
	[tilespmem:$0x1E570] =	vst v63  }
0x1a1: {  	_ =	swait.ge [sflag:s3], $0x1400  }
0x1a2: {  	[sflag:s3] =	ssyncset.done $0x0  }
0x1a3: {  	s24 =	sadd.s32 $0x5370, s23;
	[sflag:s3] =	ssyncadd.s32 $0xFFFFEC00  }
0x1a4: {  	[spmem:s2] =	stream.indirect.scatter.add.f32 [tilespmem:s16], [sflag:$0x12], $0x40, s24, s18, $0xb8;
	[tilespmem:$0x1E570] =	vst v63  }
0x1a5: {  	_ =	swait.ge [sflag:s1], $0x1400  }
0x1a6: {  	[sflag:s1] =	ssyncset.done $0x0  }
0x1a7: {  	s24 =	sadd.s32 $0x7D0, s23;
	s16 =	simm.s32 $0xD930;
	[sflag:s1] =	ssyncadd.s32 $0xFFFFEC00  }
0x1a8: {  	[tilespmem:s10], [sflag:$0x6] =	stream.indirect.gather [hbm4b:s4+s18], $0x40, s24, s18, $0xb8;
	[tilespmem:$0x1E570] =	vst v63  }
0x1a9: {  	_ =	swait.ge [sflag:s20], $0x1400  }
0x1aa: {  	[sflag:s20] =	ssyncset.done $0x0  }
0x1ab: {  	s24 =	sadd.s32 $0x53C0, s23;
	[sflag:s20] =	ssyncadd.s32 $0xFFFFEC00  }
0x1ac: {  	[spmem:s2] =	stream.indirect.scatter.add.f32 [tilespmem:s0], [sflag:$0x13], $0x40, s24, s18, $0xb8;
	[tilespmem:$0x1E570] =	vst v63  }
0x1ad: {  	_ =	swait.ge [sflag:s21], $0x1400  }
0x1ae: {  	[sflag:s21] =	ssyncset.done $0x0  }
0x1af: {  	s24 =	sadd.s32 $0x820, s23;
	s0 =	simm.s32 $0xED30;
	[sflag:s21] =	ssyncadd.s32 $0xFFFFEC00  }
0x1b0: {  	[tilespmem:s7], [sflag:$0x7] =	stream.indirect.gather [hbm4b:s4+s18], $0x40, s24, s18, $0xb8;
	[tilespmem:$0x1E570] =	vst v63  }
0x1b1: {  	_ =	swait.ge [sflag:s17], $0x1400  }
0x1b2: {  	[sflag:s17] =	ssyncset.done $0x0  }
0x1b3: {  	s24 =	sadd.s32 $0x5410, s23;
	[sflag:s17] =	ssyncadd.s32 $0xFFFFEC00  }
0x1b4: {  	[spmem:s2] =	stream.indirect.scatter.add.f32 [tilespmem:s6], [sflag:$0x14], $0x40, s24, s18, $0xb8;
	[tilespmem:$0x1E570] =	vst v63  }
.Ltmp2:
0x1b5: {  	_ = 	snop;
	(pc) =	sbr.rel @p4 .LBB2_6-.Ltmp2, $4  }
0x1b6: {  	s24 =	simm.s32 $0x1  }
0x1b7: {  	_ =	swait.ge [sflag:s19], $0x1400  }
0x1b8: {  	[sflag:s19] =	ssyncset.done $0x0  }
0x1b9: {  	s23 =	sadd.s32 $0x870, s23;
	[sflag:s19] =	ssyncadd.s32 $0xFFFFEC00  }
0x1ba: {  	s6 =	simm.s32 $0x10130  }
0x1bb: {  	[tilespmem:s6], [sflag:$0x8] =	stream.indirect.gather [hbm4b:s4+s18], $0x40, s23, s18, $0xb8;
	[tilespmem:$0x1E570] =	vst v63  }
0x1bc: {  	_ =	swait.ge [sflag:s24], $0x1400  }
0x1bd: {  	[sflag:s24] =	ssyncset.done $0x0  }
0x1be: {  	s22 =	simm.s32 $0x7080;
	s25 =	simm.s32 $0x7530;
	[sflag:s24] =	ssyncadd.s32 $0xFFFFEC00  }
0x1bf: {  	[spmem:s2] =	stream.indirect.scatter.add.f32 [tilespmem:s25], [sflag:$0xB], $0x40, s22, s18, $0xb8;
	[tilespmem:$0x1E570] =	vst v63  }
0x1c0: {  	_ =	swait.ge [sflag:s31], $0x1400  }
0x1c1: {  	[sflag:s31] =	ssyncset.done $0x0  }
0x1c2: {  	s7 =	simm.s32 $0x11530;
	s6 =	simm.s32 $0x24E0;
	[sflag:s31] =	ssyncadd.s32 $0xFFFFEC00  }
0x1c3: {  	[tilespmem:s7], [sflag:$0x9] =	stream.indirect.gather [hbm4b:s4+s18], $0x40, s6, s18, $0xb8;
	[tilespmem:$0x1E570] =	vst v63  }
0x1c4: {  	_ =	swait.ge [sflag:s8], $0x1400  }
0x1c5: {  	[sflag:s8] =	ssyncset.done $0x0  }
0x1c6: {  	s9 =	simm.s32 $0x70D0;
	s7 =	simm.s32 $0x8930;
	[sflag:s8] =	ssyncadd.s32 $0xFFFFEC00  }
0x1c7: {  	[spmem:s2] =	stream.indirect.scatter.add.f32 [tilespmem:s7], [sflag:$0xC], $0x40, s9, s18, $0xb8;
	[tilespmem:$0x1E570] =	vst v63  }
0x1c8: {  	_ =	swait.ge [sflag:s30], $0x1400  }
0x1c9: {  	[sflag:s30] =	ssyncset.done $0x0  }
0x1ca: {  	s10 =	simm.s32 $0x2530;
	s6 =	simm.s32 $0x12930;
	[sflag:s30] =	ssyncadd.s32 $0xFFFFEC00  }
0x1cb: {  	[tilespmem:s6], [sflag:$0xA] =	stream.indirect.gather [hbm4b:s4+s18], $0x40, s10, s18, $0xb8;
	[tilespmem:$0x1E570] =	vst v63  }
0x1cc: {  	s10 =	simm.s32 $0x3  }
0x1cd: {  	_ =	swait.ge [sflag:s10], $0x1400  }
0x1ce: {  	[sflag:s10] =	ssyncset.done $0x0  }
0x1cf: {  	s25 =	simm.s32 $0x7120;
	s9 =	simm.s32 $0x9D30;
	[sflag:s10] =	ssyncadd.s32 $0xFFFFEC00  }
0x1d0: {  	[spmem:s2] =	stream.indirect.scatter.add.f32 [tilespmem:s9], [sflag:$0xD], $0x40, s25, s18, $0xb8;
	[tilespmem:$0x1E570] =	vst v63  }
0x1d1: {  	_ =	swait.ge [sflag:s11], $0x1400  }
0x1d2: {  	[sflag:s11] =	ssyncset.done $0x0  }
0x1d3: {  	s23 =	simm.s32 $0x7530;
	s25 =	simm.s32 $0x2580;
	[sflag:s11] =	ssyncadd.s32 $0xFFFFEC00  }
0x1d4: {  	[tilespmem:s23], [sflag:$0x1] =	stream.indirect.gather [hbm4b:s4+s18], $0x40, s25, s18, $0xb8;
	[tilespmem:$0x1E570] =	vst v63  }
0x1d5: {  	_ =	swait.ge [sflag:s12], $0x1400  }
0x1d6: {  	[sflag:s12] =	ssyncset.done $0x0  }
0x1d7: {  	s23 =	simm.s32 $0x7170;
	s25 =	simm.s32 $0xB130;
	[sflag:s12] =	ssyncadd.s32 $0xFFFFEC00  }
0x1d8: {  	[spmem:s2] =	stream.indirect.scatter.add.f32 [tilespmem:s25], [sflag:$0xE], $0x40, s23, s18, $0xb8;
	[tilespmem:$0x1E570] =	vst v63  }
0x1d9: {  	_ =	swait.ge [sflag:s13], $0x1400  }
0x1da: {  	[sflag:s13] =	ssyncset.done $0x0  }
0x1db: {  	s23 =	simm.s32 $0x25D0;
	[sflag:s13] =	ssyncadd.s32 $0xFFFFEC00  }
0x1dc: {  	[tilespmem:s7], [sflag:$0x2] =	stream.indirect.gather [hbm4b:s4+s18], $0x40, s23, s18, $0xb8;
	[tilespmem:$0x1E570] =	vst v63  }
0x1dd: {  	_ =	swait.ge [sflag:s14], $0x1400  }
0x1de: {  	[sflag:s14] =	ssyncset.done $0x0  }
0x1df: {  	s22 =	simm.s32 $0x71C0;
	s23 =	simm.s32 $0xC530;
	[sflag:s14] =	ssyncadd.s32 $0xFFFFEC00  }
0x1e0: {  	[spmem:s2] =	stream.indirect.scatter.add.f32 [tilespmem:s23], [sflag:$0xF], $0x40, s22, s18, $0xb8;
	[tilespmem:$0x1E570] =	vst v63  }
0x1e1: {  	_ =	swait.ge [sflag:s15], $0x1400  }
0x1e2: {  	[sflag:s15] =	ssyncset.done $0x0  }
0x1e3: {  	s22 =	simm.s32 $0x2620;
	[sflag:s15] =	ssyncadd.s32 $0xFFFFEC00  }
0x1e4: {  	[tilespmem:s9], [sflag:$0x3] =	stream.indirect.gather [hbm4b:s4+s18], $0x40, s22, s18, $0xb8;
	[tilespmem:$0x1E570] =	vst v63  }
0x1e5: {  	_ =	swait.ge [sflag:s26], $0x1400  }
0x1e6: {  	[sflag:s26] =	ssyncset.done $0x0  }
0x1e7: {  	[sflag:s26] =	ssyncadd.s32 $0xFFFFEC00;
	s26 =	simm.s32 $0x7210  }
0x1e8: {  	[spmem:s2] =	stream.indirect.scatter.add.f32 [tilespmem:s16], [sflag:$0x10], $0x40, s26, s18, $0xb8;
	[tilespmem:$0x1E570] =	vst v63  }
0x1e9: {  	_ =	swait.ge [sflag:s28], $0x1400  }
0x1ea: {  	[sflag:s28] =	ssyncset.done $0x0  }
0x1eb: {  	s22 =	simm.s32 $0x2670;
	[sflag:s28] =	ssyncadd.s32 $0xFFFFEC00  }
0x1ec: {  	[tilespmem:s25], [sflag:$0x4] =	stream.indirect.gather [hbm4b:s4+s18], $0x40, s22, s18, $0xb8;
	[tilespmem:$0x1E570] =	vst v63  }
0x1ed: {  	_ =	swait.ge [sflag:s29], $0x1400  }
0x1ee: {  	[sflag:s29] =	ssyncset.done $0x0  }
0x1ef: {  	s26 =	simm.s32 $0x7260;
	[sflag:s29] =	ssyncadd.s32 $0xFFFFEC00  }
0x1f0: {  	[spmem:s2] =	stream.indirect.scatter.add.f32 [tilespmem:s0], [sflag:$0x11], $0x40, s26, s18, $0xb8;
	[tilespmem:$0x1E570] =	vst v63  }
0x1f1: {  	_ =	swait.ge [sflag:s5], $0x1400  }
0x1f2: {  	[sflag:s5] =	ssyncset.done $0x0  }
0x1f3: {  	s29 =	simm.s32 $0x26C0;
	[sflag:s5] =	ssyncadd.s32 $0xFFFFEC00  }
0x1f4: {  	[tilespmem:s23], [sflag:$0x5] =	stream.indirect.gather [hbm4b:s4+s18], $0x40, s29, s18, $0xb8;
	[tilespmem:$0x1E570] =	vst v63  }
0x1f5: {  	_ =	swait.ge [sflag:s3], $0x1400  }
0x1f6: {  	[sflag:s3] =	ssyncset.done $0x0  }
0x1f7: {  	s16 =	simm.s32 $0x72B0;
	s22 =	simm.s32 $0x10130;
	[sflag:s3] =	ssyncadd.s32 $0xFFFFEC00  }
0x1f8: {  	[spmem:s2] =	stream.indirect.scatter.add.f32 [tilespmem:s22], [sflag:$0x12], $0x40, s16, s18, $0xb8;
	[tilespmem:$0x1E570] =	vst v63  }
0x1f9: {  	_ =	swait.ge [sflag:s1], $0x1400  }
0x1fa: {  	[sflag:s1] =	ssyncset.done $0x0  }
0x1fb: {  	[sflag:s1] =	ssyncadd.s32 $0xFFFFEC00  }
0x1fc: {  	_ =	swait.ge [sflag:s20], $0x1400  }
0x1fd: {  	[sflag:s20] =	ssyncset.done $0x0  }
0x1fe: {  	s26 =	simm.s32 $0x7300;
	s29 =	simm.s32 $0x11530;
	[sflag:s20] =	ssyncadd.s32 $0xFFFFEC00  }
0x1ff: {  	[spmem:s2] =	stream.indirect.scatter.add.f32 [tilespmem:s29], [sflag:$0x13], $0x40, s26, s18, $0xb8;
	[tilespmem:$0x1E570] =	vst v63  }
0x200: {  	_ =	swait.ge [sflag:s21], $0x1400  }
0x201: {  	[sflag:s21] =	ssyncset.done $0x0  }
0x202: {  	[sflag:s21] =	ssyncadd.s32 $0xFFFFEC00  }
0x203: {  	_ =	swait.ge [sflag:s17], $0x1400  }
0x204: {  	[sflag:s17] =	ssyncset.done $0x0  }
0x205: {  	s16 =	simm.s32 $0x7350;
	[sflag:s17] =	ssyncadd.s32 $0xFFFFEC00  }
0x206: {  	[spmem:s2] =	stream.indirect.scatter.add.f32 [tilespmem:s6], [sflag:$0x14], $0x40, s16, s18, $0xb8;
	[tilespmem:$0x1E570] =	vst v63  }
0x207: {  	_ =	swait.ge [sflag:s19], $0x1400  }
0x208: {  	[sflag:s19] =	ssyncset.done $0x0  }
0x209: {  	[sflag:s19] =	ssyncadd.s32 $0xFFFFEC00  }
0x20a: {  	_ =	swait.ge [sflag:s24], $0x1400  }
0x20b: {  	[sflag:s24] =	ssyncset.done $0x0  }
0x20c: {  	s17 =	simm.s32 $0x73A0;
	s19 =	simm.s32 $0x7530;
	[sflag:s24] =	ssyncadd.s32 $0xFFFFEC00  }
0x20d: {  	[spmem:s2] =	stream.indirect.scatter.add.f32 [tilespmem:s19], [sflag:$0xB], $0x40, s17, s18, $0xb8;
	[tilespmem:$0x1E570] =	vst v63  }
0x20e: {  	_ =	swait.ge [sflag:s31], $0x1400  }
0x20f: {  	[sflag:s31] =	ssyncset.done $0x0  }
0x210: {  	[sflag:s31] =	ssyncadd.s32 $0xFFFFEC00  }
0x211: {  	_ =	swait.ge [sflag:s8], $0x1400  }
0x212: {  	[sflag:s8] =	ssyncset.done $0x0  }
0x213: {  	s20 =	simm.s32 $0x73F0;
	[sflag:s8] =	ssyncadd.s32 $0xFFFFEC00  }
0x214: {  	[spmem:s2] =	stream.indirect.scatter.add.f32 [tilespmem:s7], [sflag:$0xC], $0x40, s20, s18, $0xb8;
	[tilespmem:$0x1E570] =	vst v63  }
0x215: {  	_ =	swait.ge [sflag:s30], $0x1400  }
0x216: {  	[sflag:s30] =	ssyncset.done $0x0  }
0x217: {  	[sflag:s30] =	ssyncadd.s32 $0xFFFFEC00  }
0x218: {  	_ =	swait.ge [sflag:s10], $0x1400  }
0x219: {  	[sflag:s10] =	ssyncset.done $0x0  }
0x21a: {  	s21 =	simm.s32 $0x7440;
	[sflag:s10] =	ssyncadd.s32 $0xFFFFEC00  }
0x21b: {  	[spmem:s2] =	stream.indirect.scatter.add.f32 [tilespmem:s9], [sflag:$0xD], $0x40, s21, s18, $0xb8;
	[tilespmem:$0x1E570] =	vst v63  }
0x21c: {  	_ =	swait.ge [sflag:s11], $0x1400  }
0x21d: {  	[sflag:s11] =	ssyncset.done $0x0  }
0x21e: {  	[sflag:s11] =	ssyncadd.s32 $0xFFFFEC00  }
0x21f: {  	_ =	swait.ge [sflag:s12], $0x1400  }
0x220: {  	[sflag:s12] =	ssyncset.done $0x0  }
0x221: {  	s22 =	simm.s32 $0x7490;
	[sflag:s12] =	ssyncadd.s32 $0xFFFFEC00  }
0x222: {  	[spmem:s2] =	stream.indirect.scatter.add.f32 [tilespmem:s25], [sflag:$0xE], $0x40, s22, s18, $0xb8;
	[tilespmem:$0x1E570] =	vst v63  }
0x223: {  	_ =	swait.ge [sflag:s13], $0x1400  }
0x224: {  	[sflag:s13] =	ssyncset.done $0x0  }
0x225: {  	[sflag:s13] =	ssyncadd.s32 $0xFFFFEC00  }
0x226: {  	_ =	swait.ge [sflag:s14], $0x1400  }
0x227: {  	[sflag:s14] =	ssyncset.done $0x0  }
0x228: {  	s25 =	simm.s32 $0x74E0;
	[sflag:s14] =	ssyncadd.s32 $0xFFFFEC00  }
0x229: {  	[spmem:s2] =	stream.indirect.scatter.add.f32 [tilespmem:s23], [sflag:$0xF], $0x40, s25, s18, $0xb8;
	[tilespmem:$0x1E570] =	vst v63  }
0x22a: {  	_ =	swait.ge [sflag:s15], $0x1400  }
0x22b: {  	[sflag:s15] =	ssyncset.done $0x0  }
0x22c: {  	[sflag:s15] =	ssyncadd.s32 $0xFFFFEC00  }
0x22d: {  	_ =	swait.ge [sflag:s28], $0x1400  }
0x22e: {  	[sflag:s28] =	ssyncset.done $0x0  }
0x22f: {  	[sflag:s28] =	ssyncadd.s32 $0xFFFFEC00  }
0x230: {  	_ =	swait.ge [sflag:s5], $0x1400  }
0x231: {  	[sflag:s5] =	ssyncset.done $0x0  }
0x232: {  	[sflag:s5] =	ssyncadd.s32 $0xFFFFEC00  }
0x233: {  	[bflag:$0x0] =	sbarrier.arrive $0xFFFF  }
0x234: {  	s26 =	stileid.u32;
	s0 =	rddreg [dreg:$0x6]  }
0x235: {  	s28 =	sshll.u32 s26, $0x6;
	s30 =	rddreg [dreg:$0x14];
	s29 =	sshrl.u32 s0, $0x3  }
0x236: {  	s31 =	simm.s32 $0x15;
	s5 =	sor.u32 $0x1C15, s28;
	[smem:$0x7FA] =	sst s29  }
0x237: {  	[hbm:s30@s1], [sflag:s5] =	dma.strided [spmem:s29@s3], $0x1380, s24, $0x8   }
0x238: {  	_ =	swait.ge [sflag:s31], $0x1380  }
0x239: {  	s23 =	simm.s32 @!p3 $0x10;
	s24 =	simm.s32 @!p3 $0x8;
	s22 =	rddreg [dreg:$0x1d]  }
0x23a: {  	[sflag:s31] =	ssyncset.done $0x0;
	s25 =	rddreg [dreg:$0x17];
	s1 =	sshrl.u32 @!p3 s22, $0x3  }
0x23b: {  	[sflag:s31] =	ssyncadd.s32 $0xFFFFEC80;
	s22 =	simm.s32 @!p3 $0x1;
	[smem:$0x7FB] =	sst s1  }
0x23c: {  	[hbm:s25@s23], [sflag:s5] =	dma.strided @!p3 [spmem:s1@s24], $0x80, s22, $0x8   }
0x23d: {  	s22 =	simm.s32 @!p3 $0x15  }
0x23e: {  	_ =	swait.ge @!p3 [sflag:s22], $0x80  }
0x23f: {  	[sflag:s22] =	ssyncset.done @!p3 $0x0  }
0x240: {  	[sflag:s22] =	ssyncadd.s32 @!p3 $0xFFFFFF80;
	s22 =	simm.s32 $0x0  }
0x241: {  	v4 =	vld [tilespmem:s22+$0x0]  }
0x242: {  	v3 =	vld [tilespmem:s22+$0x10]  }
0x243: {  	v2 =	vld [tilespmem:s22+$0x20]  }
0x244: {  	s23 =	simm.s32 $0x140;
	v1 =	vld [tilespmem:s22+$0x30]  }
.LBB2_8:
0x245: {  	p4 =	sne.s32 s23, $0x9B00;
	v5 =	vld [tilespmem:s22+$0x40]  }
0x246: {  	v4 =	vadd.s32 $0x1, v4  }
.Ltmp3:
0x247: {  	s24 =	sshra.s32 s23, $0x2;
	[tilespmem:s22+$0x0] =	vst v4;
	v3 =	vadd.s32 $0x1, v3;
	(pc) =	sbr.rel @p4 .LBB2_8-.Ltmp3, $4  }
0x248: {  	v4 =	vld [tilespmem:s24+$0x0];
	[tilespmem:s22+$0x10] =	vst v3;
	v2 =	vadd.s32 $0x1, v2  }
0x249: {  	v3 =	vld [tilespmem:s24+$0x10];
	[tilespmem:s22+$0x20] =	vst v2;
	v1 =	vadd.s32 $0x1, v1  }
0x24a: {  	v2 =	vld [tilespmem:s24+$0x20];
	[tilespmem:s22+$0x30] =	vst v1;
	v5 =	vadd.s32 $0x1, v5  }
0x24b: {  	s23 =	sadd.s32 $0x140, s23;
	v1 =	vld [tilespmem:s24+$0x30];
	[tilespmem:s22+$0x40] =	vst v5;
	s22 =	smov.u32 s24  }
0x24c: {  	v5 =	vld [tilespmem:s22+$0x40]  }
0x24d: {  	v4 =	vadd.s32 $0x1, v4  }
0x24e: {  	[tilespmem:s22+$0x0] =	vst v4;
	v3 =	vadd.s32 $0x1, v3  }
0x24f: {  	[tilespmem:s22+$0x10] =	vst v3;
	v2 =	vadd.s32 $0x1, v2  }
0x250: {  	[tilespmem:s22+$0x20] =	vst v2;
	v1 =	vadd.s32 $0x1, v1  }
0x251: {  	[tilespmem:s22+$0x30] =	vst v1;
	v1 =	vadd.s32 $0x1, v5  }
0x252: {  	s23 =	simm.s32 @p0 $0x15;
	[tilespmem:s22+$0x40] =	vst v1;
	s22 =	simm.s32 @p0 $0x13D30  }
0x253: {  	[spmem:s0] =	stream.linear.scatter @p0 [tilespmem:s22], [sflag:$0x15], $0xC00, $0x38;
	[tilespmem:$0x1E570] =	vst v63  }
0x254: {  	_ =	swait.ge @p0 [sflag:s23], $0xC00  }
0x255: {  	[sflag:s23] =	ssyncset.done @p0 $0x0  }
0x256: {  	s24 =	rddreg [dreg:$0x7];
	[sflag:s23] =	ssyncadd.s32 @p0 $0xFFFFF400  }
0x257: {  	[spmem:s24] =	stream.linear.scatter @p0 [tilespmem:s22], [sflag:$0x15], $0xC00, $0x38;
	[tilespmem:$0x1E570] =	vst v63  }
0x258: {  	_ =	swait.ge @p0 [sflag:s23], $0xC00  }
0x259: {  	[sflag:s23] =	ssyncset.done @p0 $0x0  }
0x25a: {  	s24 =	rddreg [dreg:$0x8];
	[sflag:s23] =	ssyncadd.s32 @p0 $0xFFFFF400  }
0x25b: {  	[spmem:s24] =	stream.linear.scatter @p0 [tilespmem:s22], [sflag:$0x15], $0xC00, $0x38;
	[tilespmem:$0x1E570] =	vst v63  }
0x25c: {  	_ =	swait.ge @p0 [sflag:s23], $0xC00  }
0x25d: {  	[sflag:s23] =	ssyncset.done @p0 $0x0  }
0x25e: {  	s24 =	rddreg [dreg:$0x9];
	[sflag:s23] =	ssyncadd.s32 @p0 $0xFFFFF400  }
0x25f: {  	[spmem:s24] =	stream.linear.scatter @p0 [tilespmem:s22], [sflag:$0x15], $0xC00, $0x38;
	[tilespmem:$0x1E570] =	vst v63  }
0x260: {  	_ =	swait.ge @p0 [sflag:s23], $0xC00  }
0x261: {  	[sflag:s23] =	ssyncset.done @p0 $0x0  }
0x262: {  	s24 =	rddreg [dreg:$0xa];
	[sflag:s23] =	ssyncadd.s32 @p0 $0xFFFFF400  }
0x263: {  	[spmem:s24] =	stream.linear.scatter @p0 [tilespmem:s22], [sflag:$0x15], $0xC00, $0x38;
	[tilespmem:$0x1E570] =	vst v63  }
0x264: {  	_ =	swait.ge @p0 [sflag:s23], $0xC00  }
0x265: {  	[sflag:s23] =	ssyncset.done @p0 $0x0  }
0x266: {  	s24 =	rddreg [dreg:$0xb];
	[sflag:s23] =	ssyncadd.s32 @p0 $0xFFFFF400  }
0x267: {  	[spmem:s24] =	stream.linear.scatter @p0 [tilespmem:s22], [sflag:$0x15], $0xC00, $0x38;
	[tilespmem:$0x1E570] =	vst v63  }
0x268: {  	_ =	swait.ge @p0 [sflag:s23], $0xC00  }
0x269: {  	[sflag:s23] =	ssyncset.done @p0 $0x0  }
0x26a: {  	s24 =	rddreg [dreg:$0xc];
	[sflag:s23] =	ssyncadd.s32 @p0 $0xFFFFF400  }
0x26b: {  	[spmem:s24] =	stream.linear.scatter @p0 [tilespmem:s22], [sflag:$0x15], $0xC00, $0x38;
	[tilespmem:$0x1E570] =	vst v63  }
0x26c: {  	_ =	swait.ge @p0 [sflag:s23], $0xC00  }
0x26d: {  	[sflag:s23] =	ssyncset.done @p0 $0x0  }
0x26e: {  	s24 =	rddreg [dreg:$0xd];
	[sflag:s23] =	ssyncadd.s32 @p0 $0xFFFFF400  }
0x26f: {  	[spmem:s24] =	stream.linear.scatter @p0 [tilespmem:s22], [sflag:$0x15], $0xC00, $0x38;
	[tilespmem:$0x1E570] =	vst v63  }
0x270: {  	_ =	swait.ge @p0 [sflag:s23], $0xC00  }
0x271: {  	[sflag:s23] =	ssyncset.done @p0 $0x0  }
0x272: {  	s24 =	rddreg [dreg:$0xe];
	[sflag:s23] =	ssyncadd.s32 @p0 $0xFFFFF400  }
0x273: {  	[spmem:s24] =	stream.linear.scatter @p0 [tilespmem:s22], [sflag:$0x15], $0xC00, $0x38;
	[tilespmem:$0x1E570] =	vst v63  }
0x274: {  	_ =	swait.ge @p0 [sflag:s23], $0xC00  }
0x275: {  	[sflag:s23] =	ssyncset.done @p0 $0x0  }
0x276: {  	s24 =	rddreg [dreg:$0xf];
	[sflag:s23] =	ssyncadd.s32 @p0 $0xFFFFF400  }
0x277: {  	[spmem:s24] =	stream.linear.scatter @p0 [tilespmem:s22], [sflag:$0x15], $0xC00, $0x38;
	[tilespmem:$0x1E570] =	vst v63  }
0x278: {  	_ =	swait.ge @p0 [sflag:s23], $0xC00  }
0x279: {  	[sflag:s23] =	ssyncset.done @p0 $0x0  }
0x27a: {  	s24 =	rddreg [dreg:$0x10];
	[sflag:s23] =	ssyncadd.s32 @p0 $0xFFFFF400  }
0x27b: {  	[spmem:s24] =	stream.linear.scatter @p0 [tilespmem:s22], [sflag:$0x15], $0xC00, $0x38;
	[tilespmem:$0x1E570] =	vst v63  }
0x27c: {  	_ =	swait.ge @p0 [sflag:s23], $0xC00  }
0x27d: {  	[sflag:s23] =	ssyncset.done @p0 $0x0  }
0x27e: {  	s24 =	rddreg [dreg:$0x1b];
	[sflag:s23] =	ssyncadd.s32 @p0 $0xFFFFF400  }
0x27f: {  	[spmem:s24] =	stream.linear.scatter @p0 [tilespmem:s22], [sflag:$0x15], $0xC00, $0x38;
	[tilespmem:$0x1E570] =	vst v63  }
0x280: {  	_ =	swait.ge @p0 [sflag:s23], $0xC00  }
0x281: {  	[sflag:s23] =	ssyncset.done @p0 $0x0  }
0x282: {  	s24 =	rddreg [dreg:$0x1c];
	[sflag:s23] =	ssyncadd.s32 @p0 $0xFFFFF400  }
0x283: {  	[spmem:s24] =	stream.linear.scatter @p0 [tilespmem:s22], [sflag:$0x15], $0xC00, $0x38;
	[tilespmem:$0x1E570] =	vst v63  }
0x284: {  	_ =	swait.ge @p0 [sflag:s23], $0xC00  }
0x285: {  	[sflag:s23] =	ssyncset.done @p0 $0x0  }
0x286: {  	s22 =	simm.s32 @!p1 $0x13D30;
	[sflag:s23] =	ssyncadd.s32 @p0 $0xFFFFF400;
	s23 =	rddreg [dreg:$0x1d]  }
0x287: {  	[spmem:s23] =	stream.linear.scatter @!p1 [tilespmem:s22], [sflag:$0x15], $0x400, $0x38;
	[tilespmem:$0x1E570] =	vst v63  }
0x288: {  	s22 =	simm.s32 @!p1 $0x15  }
0x289: {  	_ =	swait.ge @!p1 [sflag:s22], $0x400  }
0x28a: {  	s0 =	sld [smem:$0x7FC]  }
0x28b: {  	s24 =	simm.s32 @!p0 $0x10;
	s23 =	simm.s32 @!p0 $0x8;
	[sflag:s22] =	ssyncset.done @!p1 $0x0  }
0x28c: {  	s25 =	rddreg [dreg:$0x1e];
	[sflag:s22] =	ssyncadd.s32 @!p1 $0xFFFFFC00;
	s22 =	simm.s32 @!p0 $0x1  }
0x28d: {  	[spmem:s0@s23], [sflag:s5] =	dma.strided @!p0 [hbm:s25@s24], $0x1380, s22, $0x8   }
0x28e: {  	s22 =	simm.s32 @!p0 $0x15  }
0x28f: {  	_ =	swait.ge @!p0 [sflag:s22], $0x1380  }
0x290: {  	s23 =	simm.s32 @!p2 $0x8;
	s0 =	sld [smem:$0x7FD]  }
0x291: {  	s24 =	simm.s32 @!p2 $0x10;
	[sflag:s22] =	ssyncset.done @!p0 $0x0;
	s25 =	rddreg [dreg:$0x18]  }
0x292: {  	[smem:$0x7F9] =	sst s5;
	[sflag:s22] =	ssyncadd.s32 @!p0 $0xFFFFEC80;
	s22 =	simm.s32 @!p2 $0x1  }
0x293: {  	[spmem:s0@s23], [sflag:s5] =	dma.strided @!p2 [hbm:s25@s24], $0x80, s22, $0x8   }
0x294: {  	s22 =	simm.s32 @!p2 $0x15  }
0x295: {  	_ =	swait.ge @!p2 [sflag:s22], $0x80  }
0x296: {  	[sflag:s22] =	ssyncset.done @!p2 $0x0  }
0x297: {  	[sflag:s22] =	ssyncadd.s32 @!p2 $0xFFFFFF80  }
0x298: {  	s17 =	simm.s32 $0x0;
	s7 =	simm.s32 $0x7530;
	[bflag:$0x0] =	sbarrier.arrive $0xFFFF  }
0x299: {  	[tilespmem:s7], [sflag:$0x1] =	stream.indirect.gather [hbm4b:s4+s18], $0x40, s17, s18, $0xb8;
	[tilespmem:$0x1E570] =	vst v63  }
0x29a: {  	s9 =	simm.s32 $0x8930  }
0x29b: {  	[tilespmem:s9], [sflag:$0x2] =	stream.indirect.gather [hbm4b:s4+s18], $0x40, s18, s18, $0xb8;
	[tilespmem:$0x1E570] =	vst v63  }
0x29c: {  	s19 =	simm.s32 $0xA0;
	s23 =	simm.s32 $0x9D30  }
0x29d: {  	[tilespmem:s23], [sflag:$0x3] =	stream.indirect.gather [hbm4b:s4+s18], $0x40, s19, s18, $0xb8;
	[tilespmem:$0x1E570] =	vst v63  }
0x29e: {  	s20 =	simm.s32 $0xF0;
	s25 =	simm.s32 $0xB130  }
0x29f: {  	[tilespmem:s25], [sflag:$0x4] =	stream.indirect.gather [hbm4b:s4+s18], $0x40, s20, s18, $0xb8;
	[tilespmem:$0x1E570] =	vst v63  }
0x2a0: {  	s21 =	simm.s32 $0x140;
	s24 =	simm.s32 $0xC530  }
0x2a1: {  	[tilespmem:s24], [sflag:$0x5] =	stream.indirect.gather [hbm4b:s4+s18], $0x40, s21, s18, $0xb8;
	[tilespmem:$0x1E570] =	vst v63  }
0x2a2: {  	s1 =	simm.s32 $0x190;
	s16 =	simm.s32 $0xD930  }
0x2a3: {  	[tilespmem:s16], [sflag:$0x6] =	stream.indirect.gather [hbm4b:s4+s18], $0x40, s1, s18, $0xb8;
	[tilespmem:$0x1E570] =	vst v63  }
0x2a4: {  	s3 =	simm.s32 $0x1E0;
	s1 =	simm.s32 $0xED30  }
0x2a5: {  	[tilespmem:s1], [sflag:$0x7] =	stream.indirect.gather [hbm4b:s4+s18], $0x40, s3, s18, $0xb8;
	[tilespmem:$0x1E570] =	vst v63  }
0x2a6: {  	s6 =	simm.s32 $0x10130;
	s5 =	simm.s32 $0x230;
	s24 =	simm.s32 $0x1  }
0x2a7: {  	[tilespmem:s6], [sflag:$0x8] =	stream.indirect.gather [hbm4b:s4+s18], $0x40, s5, s18, $0xb8;
	[tilespmem:$0x1E570] =	vst v63  }
0x2a8: {  	_ =	swait.ge [sflag:s24], $0x1400  }
0x2a9: {  	[sflag:s24] =	ssyncset.done $0x0  }
0x2aa: {  	s8 =	simm.s32 $0x4E20;
	[sflag:s24] =	ssyncadd.s32 $0xFFFFEC00  }
0x2ab: {  	[spmem:s2] =	stream.indirect.scatter.add.f32 [tilespmem:s7], [sflag:$0xB], $0x40, s8, s18, $0xb8;
	[tilespmem:$0x1E570] =	vst v63  }
0x2ac: {  	s10 =	simm.s32 $0x280;
	s11 =	simm.s32 $0x11530;
	s8 =	simm.s32 $0x2  }
0x2ad: {  	[tilespmem:s11], [sflag:$0x9] =	stream.indirect.gather [hbm4b:s4+s18], $0x40, s10, s18, $0xb8;
	[tilespmem:$0x1E570] =	vst v63  }
0x2ae: {  	_ =	swait.ge [sflag:s8], $0x1400  }
0x2af: {  	[sflag:s8] =	ssyncset.done $0x0  }
0x2b0: {  	s12 =	simm.s32 $0x4E70;
	[sflag:s8] =	ssyncadd.s32 $0xFFFFEC00  }
0x2b1: {  	[spmem:s2] =	stream.indirect.scatter.add.f32 [tilespmem:s9], [sflag:$0xC], $0x40, s12, s18, $0xb8;
	[tilespmem:$0x1E570] =	vst v63  }
0x2b2: {  	s13 =	simm.s32 $0x2D0;
	s14 =	simm.s32 $0x12930;
	s10 =	simm.s32 $0x3  }
0x2b3: {  	[tilespmem:s14], [sflag:$0xA] =	stream.indirect.gather [hbm4b:s4+s18], $0x40, s13, s18, $0xb8;
	[tilespmem:$0x1E570] =	vst v63  }
0x2b4: {  	_ =	swait.ge [sflag:s10], $0x1400  }
0x2b5: {  	[sflag:s10] =	ssyncset.done $0x0  }
0x2b6: {  	s15 =	simm.s32 $0x4EC0;
	s11 =	simm.s32 $0xB;
	[sflag:s10] =	ssyncadd.s32 $0xFFFFEC00  }
0x2b7: {  	[spmem:s2] =	stream.indirect.scatter.add.f32 [tilespmem:s23], [sflag:$0xD], $0x40, s15, s18, $0xb8;
	[tilespmem:$0x1E570] =	vst v63  }
0x2b8: {  	_ =	swait.ge [sflag:s11], $0x1400  }
0x2b9: {  	[sflag:s11] =	ssyncset.done $0x0  }
0x2ba: {  	s12 =	simm.s32 $0x320;
	[sflag:s11] =	ssyncadd.s32 $0xFFFFEC00  }
0x2bb: {  	[tilespmem:s7], [sflag:$0x1] =	stream.indirect.gather [hbm4b:s4+s18], $0x40, s12, s18, $0xb8;
	[tilespmem:$0x1E570] =	vst v63  }
0x2bc: {  	s12 =	simm.s32 $0x4  }
0x2bd: {  	_ =	swait.ge [sflag:s12], $0x1400  }
0x2be: {  	[sflag:s12] =	ssyncset.done $0x0  }
0x2bf: {  	s13 =	simm.s32 $0x4F10;
	[sflag:s12] =	ssyncadd.s32 $0xFFFFEC00  }
0x2c0: {  	[spmem:s2] =	stream.indirect.scatter.add.f32 [tilespmem:s25], [sflag:$0xE], $0x40, s13, s18, $0xb8;
	[tilespmem:$0x1E570] =	vst v63  }
0x2c1: {  	s13 =	simm.s32 $0xC  }
0x2c2: {  	_ =	swait.ge [sflag:s13], $0x1400  }
0x2c3: {  	[sflag:s13] =	ssyncset.done $0x0  }
0x2c4: {  	s14 =	simm.s32 $0x370;
	[sflag:s13] =	ssyncadd.s32 $0xFFFFEC00  }
0x2c5: {  	[tilespmem:s9], [sflag:$0x2] =	stream.indirect.gather [hbm4b:s4+s18], $0x40, s14, s18, $0xb8;
	[tilespmem:$0x1E570] =	vst v63  }
0x2c6: {  	s14 =	simm.s32 $0x5  }
0x2c7: {  	_ =	swait.ge [sflag:s14], $0x1400  }
0x2c8: {  	[sflag:s14] =	ssyncset.done $0x0  }
0x2c9: {  	s26 =	simm.s32 $0xC530;
	s15 =	simm.s32 $0x4F60;
	[sflag:s14] =	ssyncadd.s32 $0xFFFFEC00  }
0x2ca: {  	[spmem:s2] =	stream.indirect.scatter.add.f32 [tilespmem:s26], [sflag:$0xF], $0x40, s15, s18, $0xb8;
	[tilespmem:$0x1E570] =	vst v63  }
0x2cb: {  	s15 =	simm.s32 $0xD  }
0x2cc: {  	_ =	swait.ge [sflag:s15], $0x1400  }
0x2cd: {  	[sflag:s15] =	ssyncset.done $0x0  }
0x2ce: {  	s20 =	simm.s32 $0x3C0;
	s26 =	simm.s32 $0x6;
	[sflag:s15] =	ssyncadd.s32 $0xFFFFEC00  }
0x2cf: {  	[tilespmem:s23], [sflag:$0x3] =	stream.indirect.gather [hbm4b:s4+s18], $0x40, s20, s18, $0xb8;
	[tilespmem:$0x1E570] =	vst v63  }
0x2d0: {  	_ =	swait.ge [sflag:s26], $0x1400  }
0x2d1: {  	[sflag:s26] =	ssyncset.done $0x0  }
0x2d2: {  	s28 =	simm.s32 $0xE;
	s21 =	simm.s32 $0x4FB0;
	[sflag:s26] =	ssyncadd.s32 $0xFFFFEC00  }
0x2d3: {  	[spmem:s2] =	stream.indirect.scatter.add.f32 [tilespmem:s16], [sflag:$0x10], $0x40, s21, s18, $0xb8;
	[tilespmem:$0x1E570] =	vst v63  }
0x2d4: {  	_ =	swait.ge [sflag:s28], $0x1400  }
0x2d5: {  	[sflag:s28] =	ssyncset.done $0x0  }
0x2d6: {  	s29 =	simm.s32 $0x7;
	s1 =	simm.s32 $0x410;
	[sflag:s28] =	ssyncadd.s32 $0xFFFFEC00  }
0x2d7: {  	[tilespmem:s25], [sflag:$0x4] =	stream.indirect.gather [hbm4b:s4+s18], $0x40, s1, s18, $0xb8;
	[tilespmem:$0x1E570] =	vst v63  }
0x2d8: {  	_ =	swait.ge [sflag:s29], $0x1400  }
0x2d9: {  	s3 =	simm.s32 $0x5000;
	[sflag:s29] =	ssyncset.done $0x0  }
0x2da: {  	s6 =	simm.s32 $0xED30;
	s5 =	simm.s32 $0xF;
	[sflag:s29] =	ssyncadd.s32 $0xFFFFEC00  }
0x2db: {  	[spmem:s2] =	stream.indirect.scatter.add.f32 [tilespmem:s6], [sflag:$0x11], $0x40, s3, s18, $0xb8;
	[tilespmem:$0x1E570] =	vst v63  }
0x2dc: {  	_ =	swait.ge [sflag:s5], $0x1400  }
0x2dd: {  	[sflag:s5] =	ssyncset.done $0x0  }
0x2de: {  	s17 =	simm.s32 $0xC530;
	s3 =	simm.s32 $0x460;
	[sflag:s5] =	ssyncadd.s32 $0xFFFFEC00  }
0x2df: {  	[tilespmem:s17], [sflag:$0x5] =	stream.indirect.gather [hbm4b:s4+s18], $0x40, s3, s18, $0xb8;
	[tilespmem:$0x1E570] =	vst v63  }
0x2e0: {  	s3 =	simm.s32 $0x8  }
0x2e1: {  	_ =	swait.ge [sflag:s3], $0x1400  }
0x2e2: {  	s31 =	simm.s32 $0x10130;
	[sflag:s3] =	ssyncset.done $0x0  }
0x2e3: {  	s1 =	simm.s32 $0x10;
	s17 =	simm.s32 $0x5050;
	[sflag:s3] =	ssyncadd.s32 $0xFFFFEC00  }
0x2e4: {  	[spmem:s2] =	stream.indirect.scatter.add.f32 [tilespmem:s31], [sflag:$0x12], $0x40, s17, s18, $0xb8;
	[tilespmem:$0x1E570] =	vst v63  }
0x2e5: {  	_ =	swait.ge [sflag:s1], $0x1400  }
0x2e6: {  	[sflag:s1] =	ssyncset.done $0x0  }
0x2e7: {  	s20 =	simm.s32 $0x4B0;
	[sflag:s1] =	ssyncadd.s32 $0xFFFFEC00  }
0x2e8: {  	[tilespmem:s16], [sflag:$0x6] =	stream.indirect.gather [hbm4b:s4+s18], $0x40, s20, s18, $0xb8;
	[tilespmem:$0x1E570] =	vst v63  }
0x2e9: {  	s20 =	simm.s32 $0x9  }
0x2ea: {  	_ =	swait.ge [sflag:s20], $0x1400  }
0x2eb: {  	s19 =	simm.s32 $0x11530;
	[sflag:s20] =	ssyncset.done $0x0  }
0x2ec: {  	s21 =	simm.s32 $0x11;
	s17 =	simm.s32 $0x50A0;
	[sflag:s20] =	ssyncadd.s32 $0xFFFFEC00  }
0x2ed: {  	[spmem:s2] =	stream.indirect.scatter.add.f32 [tilespmem:s19], [sflag:$0x13], $0x40, s17, s18, $0xb8;
	[tilespmem:$0x1E570] =	vst v63  }
0x2ee: {  	_ =	swait.ge [sflag:s21], $0x1400  }
0x2ef: {  	[sflag:s21] =	ssyncset.done $0x0  }
0x2f0: {  	s19 =	simm.s32 $0x500;
	s17 =	simm.s32 $0xA;
	[sflag:s21] =	ssyncadd.s32 $0xFFFFEC00  }
0x2f1: {  	[tilespmem:s6], [sflag:$0x7] =	stream.indirect.gather [hbm4b:s4+s18], $0x40, s19, s18, $0xb8;
	[tilespmem:$0x1E570] =	vst v63  }
0x2f2: {  	_ =	swait.ge [sflag:s17], $0x1400  }
0x2f3: {  	s30 =	simm.s32 $0x12930;
	[sflag:s17] =	ssyncset.done $0x0  }
0x2f4: {  	s22 =	simm.s32 $0x50F0;
	s19 =	simm.s32 $0x12;
	[sflag:s17] =	ssyncadd.s32 $0xFFFFEC00  }
0x2f5: {  	[spmem:s2] =	stream.indirect.scatter.add.f32 [tilespmem:s30], [sflag:$0x14], $0x40, s22, s18, $0xb8;
	[tilespmem:$0x1E570] =	vst v63  }
0x2f6: {  	_ =	swait.ge [sflag:s19], $0x1400  }
0x2f7: {  	[sflag:s19] =	ssyncset.done $0x0  }
0x2f8: {  	s22 =	simm.s32 $0x550;
	[sflag:s19] =	ssyncadd.s32 $0xFFFFEC00  }
0x2f9: {  	[tilespmem:s31], [sflag:$0x8] =	stream.indirect.gather [hbm4b:s4+s18], $0x40, s22, s18, $0xb8;
	[tilespmem:$0x1E570] =	vst v63  }
0x2fa: {  	_ =	swait.ge [sflag:s24], $0x1400  }
0x2fb: {  	[sflag:s24] =	ssyncset.done $0x0  }
0x2fc: {  	s22 =	simm.s32 $0x5140;
	s31 =	simm.s32 $0x13;
	[sflag:s24] =	ssyncadd.s32 $0xFFFFEC00  }
0x2fd: {  	[spmem:s2] =	stream.indirect.scatter.add.f32 [tilespmem:s7], [sflag:$0xB], $0x40, s22, s18, $0xb8;
	[tilespmem:$0x1E570] =	vst v63  }
0x2fe: {  	_ =	swait.ge [sflag:s31], $0x1400  }
0x2ff: {  	[sflag:s31] =	ssyncset.done $0x0  }
0x300: {  	s0 =	simm.s32 $0x11530;
	s22 =	simm.s32 $0x5A0;
	[sflag:s31] =	ssyncadd.s32 $0xFFFFEC00  }
0x301: {  	[tilespmem:s0], [sflag:$0x9] =	stream.indirect.gather [hbm4b:s4+s18], $0x40, s22, s18, $0xb8;
	[tilespmem:$0x1E570] =	vst v63  }
0x302: {  	_ =	swait.ge [sflag:s8], $0x1400  }
0x303: {  	[sflag:s8] =	ssyncset.done $0x0  }
0x304: {  	s30 =	simm.s32 $0x14;
	s0 =	simm.s32 $0x5190;
	[sflag:s8] =	ssyncadd.s32 $0xFFFFEC00  }
0x305: {  	[spmem:s2] =	stream.indirect.scatter.add.f32 [tilespmem:s9], [sflag:$0xC], $0x40, s0, s18, $0xb8;
	[tilespmem:$0x1E570] =	vst v63  }
0x306: {  	_ =	swait.ge [sflag:s30], $0x1400  }
0x307: {  	[sflag:s30] =	ssyncset.done $0x0  }
0x308: {  	s6 =	simm.s32 $0x12930;
	s0 =	simm.s32 $0x5F0;
	[sflag:s30] =	ssyncadd.s32 $0xFFFFEC00  }
0x309: {  	[tilespmem:s6], [sflag:$0xA] =	stream.indirect.gather [hbm4b:s4+s18], $0x40, s0, s18, $0xb8;
	[tilespmem:$0x1E570] =	vst v63  }
0x30a: {  	_ =	swait.ge [sflag:s10], $0x1400  }
0x30b: {  	[sflag:s10] =	ssyncset.done $0x0  }
0x30c: {  	[sflag:s10] =	ssyncadd.s32 $0xFFFFEC00;
	s10 =	simm.s32 $0x51E0  }
0x30d: {  	[spmem:s2] =	stream.indirect.scatter.add.f32 [tilespmem:s23], [sflag:$0xD], $0x40, s10, s18, $0xb8;
	[tilespmem:$0x1E570] =	vst v63  }
0x30e: {  	_ =	swait.ge [sflag:s11], $0x1400  }
0x30f: {  	[sflag:s11] =	ssyncset.done $0x0  }
0x310: {  	s0 =	simm.s32 $0x640;
	[sflag:s11] =	ssyncadd.s32 $0xFFFFEC00  }
0x311: {  	[tilespmem:s7], [sflag:$0x1] =	stream.indirect.gather [hbm4b:s4+s18], $0x40, s0, s18, $0xb8;
	[tilespmem:$0x1E570] =	vst v63  }
0x312: {  	_ =	swait.ge [sflag:s12], $0x1400  }
0x313: {  	[sflag:s12] =	ssyncset.done $0x0  }
0x314: {  	s6 =	simm.s32 $0x5230;
	[sflag:s12] =	ssyncadd.s32 $0xFFFFEC00  }
0x315: {  	[spmem:s2] =	stream.indirect.scatter.add.f32 [tilespmem:s25], [sflag:$0xE], $0x40, s6, s18, $0xb8;
	[tilespmem:$0x1E570] =	vst v63  }
0x316: {  	_ =	swait.ge [sflag:s13], $0x1400  }
0x317: {  	[sflag:s13] =	ssyncset.done $0x0  }
0x318: {  	s7 =	simm.s32 $0x690;
	[sflag:s13] =	ssyncadd.s32 $0xFFFFEC00  }
0x319: {  	[tilespmem:s9], [sflag:$0x2] =	stream.indirect.gather [hbm4b:s4+s18], $0x40, s7, s18, $0xb8;
	[tilespmem:$0x1E570] =	vst v63  }
0x31a: {  	_ =	swait.ge [sflag:s14], $0x1400  }
0x31b: {  	[sflag:s14] =	ssyncset.done $0x0  }
0x31c: {  	s6 =	simm.s32 $0xC530;
	s9 =	simm.s32 $0x5280;
	[sflag:s14] =	ssyncadd.s32 $0xFFFFEC00  }
0x31d: {  	[spmem:s2] =	stream.indirect.scatter.add.f32 [tilespmem:s6], [sflag:$0xF], $0x40, s9, s18, $0xb8;
	[tilespmem:$0x1E570] =	vst v63  }
0x31e: {  	_ =	swait.ge [sflag:s15], $0x1400  }
0x31f: {  	[sflag:s15] =	ssyncset.done $0x0  }
0x320: {  	s10 =	simm.s32 $0x6E0;
	[sflag:s15] =	ssyncadd.s32 $0xFFFFEC00  }
0x321: {  	[tilespmem:s23], [sflag:$0x3] =	stream.indirect.gather [hbm4b:s4+s18], $0x40, s10, s18, $0xb8;
	[tilespmem:$0x1E570] =	vst v63  }
0x322: {  	_ =	swait.ge [sflag:s26], $0x1400  }
0x323: {  	[sflag:s26] =	ssyncset.done $0x0  }
0x324: {  	s0 =	simm.s32 $0x52D0;
	[sflag:s26] =	ssyncadd.s32 $0xFFFFEC00  }
0x325: {  	[spmem:s2] =	stream.indirect.scatter.add.f32 [tilespmem:s16], [sflag:$0x10], $0x40, s0, s18, $0xb8;
	[tilespmem:$0x1E570] =	vst v63  }
0x326: {  	_ =	swait.ge [sflag:s28], $0x1400  }
0x327: {  	[sflag:s28] =	ssyncset.done $0x0  }
0x328: {  	s7 =	simm.s32 $0x730;
	[sflag:s28] =	ssyncadd.s32 $0xFFFFEC00  }
0x329: {  	[tilespmem:s25], [sflag:$0x4] =	stream.indirect.gather [hbm4b:s4+s18], $0x40, s7, s18, $0xb8;
	[tilespmem:$0x1E570] =	vst v63  }
0x32a: {  	_ =	swait.ge [sflag:s29], $0x1400  }
0x32b: {  	[sflag:s29] =	ssyncset.done $0x0  }
0x32c: {  	s9 =	simm.s32 $0x5320;
	s0 =	simm.s32 $0xED30;
	[sflag:s29] =	ssyncadd.s32 $0xFFFFEC00  }
0x32d: {  	[spmem:s2] =	stream.indirect.scatter.add.f32 [tilespmem:s0], [sflag:$0x11], $0x40, s9, s18, $0xb8;
	[tilespmem:$0x1E570] =	vst v63  }
0x32e: {  	_ =	swait.ge [sflag:s5], $0x1400  }
0x32f: {  	[sflag:s5] =	ssyncset.done $0x0  }
0x330: {  	s10 =	simm.s32 $0x780;
	[sflag:s5] =	ssyncadd.s32 $0xFFFFEC00  }
0x331: {  	[tilespmem:s6], [sflag:$0x5] =	stream.indirect.gather [hbm4b:s4+s18], $0x40, s10, s18, $0xb8;
	[tilespmem:$0x1E570] =	vst v63  }
0x332: {  	_ =	swait.ge [sflag:s3], $0x1400  }
0x333: {  	[sflag:s3] =	ssyncset.done $0x0  }
0x334: {  	s23 =	simm.s32 $0x5370;
	s25 =	simm.s32 $0x10130;
	[sflag:s3] =	ssyncadd.s32 $0xFFFFEC00  }
0x335: {  	[spmem:s2] =	stream.indirect.scatter.add.f32 [tilespmem:s25], [sflag:$0x12], $0x40, s23, s18, $0xb8;
	[tilespmem:$0x1E570] =	vst v63  }
0x336: {  	_ =	swait.ge [sflag:s1], $0x1400  }
0x337: {  	[sflag:s1] =	ssyncset.done $0x0  }
0x338: {  	s7 =	simm.s32 $0x7D0;
	[sflag:s1] =	ssyncadd.s32 $0xFFFFEC00  }
0x339: {  	[tilespmem:s16], [sflag:$0x6] =	stream.indirect.gather [hbm4b:s4+s18], $0x40, s7, s18, $0xb8;
	[tilespmem:$0x1E570] =	vst v63  }
0x33a: {  	_ =	swait.ge [sflag:s20], $0x1400  }
0x33b: {  	[sflag:s20] =	ssyncset.done $0x0  }
0x33c: {  	s9 =	simm.s32 $0x53C0;
	s10 =	simm.s32 $0x11530;
	[sflag:s20] =	ssyncadd.s32 $0xFFFFEC00  }
0x33d: {  	[spmem:s2] =	stream.indirect.scatter.add.f32 [tilespmem:s10], [sflag:$0x13], $0x40, s9, s18, $0xb8;
	[tilespmem:$0x1E570] =	vst v63  }
0x33e: {  	_ =	swait.ge [sflag:s21], $0x1400  }
0x33f: {  	[sflag:s21] =	ssyncset.done $0x0  }
0x340: {  	s16 =	simm.s32 $0x820;
	[sflag:s21] =	ssyncadd.s32 $0xFFFFEC00  }
0x341: {  	[tilespmem:s0], [sflag:$0x7] =	stream.indirect.gather [hbm4b:s4+s18], $0x40, s16, s18, $0xb8;
	[tilespmem:$0x1E570] =	vst v63  }
0x342: {  	_ =	swait.ge [sflag:s17], $0x1400  }
0x343: {  	[sflag:s17] =	ssyncset.done $0x0  }
0x344: {  	s23 =	simm.s32 $0x5410;
	s25 =	simm.s32 $0x12930;
	[sflag:s17] =	ssyncadd.s32 $0xFFFFEC00  }
0x345: {  	[spmem:s2] =	stream.indirect.scatter.add.f32 [tilespmem:s25], [sflag:$0x14], $0x40, s23, s18, $0xb8;
	[tilespmem:$0x1E570] =	vst v63  }
0x346: {  	_ =	swait.ge [sflag:s19], $0x1400  }
0x347: {  	[sflag:s19] =	ssyncset.done $0x0  }
0x348: {  	s22 =	simm.s32 $0xC80;
	s23 =	simm.s32 $0x870;
	[sflag:s19] =	ssyncadd.s32 $0xFFFFEC00  }
.LBB2_10:
0x349: {  	s16 =	simm.s32 $0x10130  }
0x34a: {  	[tilespmem:s16], [sflag:$0x8] =	stream.indirect.gather [hbm4b:s4+s18], $0x40, s23, s18, $0xb8;
	[tilespmem:$0x1E570] =	vst v63  }
0x34b: {  	s23 =	smov.u32 s22  }
0x34c: {  	p4 =	sne.s32 s22, $0x7080;
	s22 =	sadd.s32 $0xC80, s22;
	_ =	swait.ge [sflag:s24], $0x1400  }
0x34d: {  	s23 =	sshra.s32 s23, $0x2;
	[sflag:s24] =	ssyncset.done $0x0  }
0x34e: {  	s9 =	simm.s32 $0x7530;
	[sflag:s24] =	ssyncadd.s32 $0xFFFFEC00;
	s24 =	sadd.s32 $0x5140, s23  }
0x34f: {  	[spmem:s2] =	stream.indirect.scatter.add.f32 [tilespmem:s9], [sflag:$0xB], $0x40, s24, s18, $0xb8;
	[tilespmem:$0x1E570] =	vst v63  }
0x350: {  	_ =	swait.ge [sflag:s31], $0x1400  }
0x351: {  	[sflag:s31] =	ssyncset.done $0x0  }
0x352: {  	s0 =	simm.s32 $0x11530;
	s24 =	sadd.s32 $0x5A0, s23;
	[sflag:s31] =	ssyncadd.s32 $0xFFFFEC00  }
0x353: {  	[tilespmem:s0], [sflag:$0x9] =	stream.indirect.gather [hbm4b:s4+s18], $0x40, s24, s18, $0xb8;
	[tilespmem:$0x1E570] =	vst v63  }
0x354: {  	_ =	swait.ge [sflag:s8], $0x1400  }
0x355: {  	[sflag:s8] =	ssyncset.done $0x0  }
0x356: {  	s25 =	simm.s32 $0x8930;
	s24 =	sadd.s32 $0x5190, s23;
	[sflag:s8] =	ssyncadd.s32 $0xFFFFEC00  }
0x357: {  	[spmem:s2] =	stream.indirect.scatter.add.f32 [tilespmem:s25], [sflag:$0xC], $0x40, s24, s18, $0xb8;
	[tilespmem:$0x1E570] =	vst v63  }
0x358: {  	_ =	swait.ge [sflag:s30], $0x1400  }
0x359: {  	s6 =	simm.s32 $0x12930;
	[sflag:s30] =	ssyncset.done $0x0  }
0x35a: {  	s7 =	simm.s32 $0x3;
	s24 =	sadd.s32 $0x5F0, s23;
	[sflag:s30] =	ssyncadd.s32 $0xFFFFEC00  }
0x35b: {  	[tilespmem:s6], [sflag:$0xA] =	stream.indirect.gather [hbm4b:s4+s18], $0x40, s24, s18, $0xb8;
	[tilespmem:$0x1E570] =	vst v63  }
0x35c: {  	_ =	swait.ge [sflag:s7], $0x1400  }
0x35d: {  	[sflag:s7] =	ssyncset.done $0x0  }
0x35e: {  	s24 =	sadd.s32 $0x51E0, s23;
	[sflag:s7] =	ssyncadd.s32 $0xFFFFEC00;
	s7 =	simm.s32 $0x9D30  }
0x35f: {  	[spmem:s2] =	stream.indirect.scatter.add.f32 [tilespmem:s7], [sflag:$0xD], $0x40, s24, s18, $0xb8;
	[tilespmem:$0x1E570] =	vst v63  }
0x360: {  	_ =	swait.ge [sflag:s11], $0x1400  }
0x361: {  	[sflag:s11] =	ssyncset.done $0x0  }
0x362: {  	s24 =	sadd.s32 $0x640, s23;
	[sflag:s11] =	ssyncadd.s32 $0xFFFFEC00  }
0x363: {  	[tilespmem:s9], [sflag:$0x1] =	stream.indirect.gather [hbm4b:s4+s18], $0x40, s24, s18, $0xb8;
	[tilespmem:$0x1E570] =	vst v63  }
0x364: {  	_ =	swait.ge [sflag:s12], $0x1400  }
0x365: {  	[sflag:s12] =	ssyncset.done $0x0  }
0x366: {  	s24 =	sadd.s32 $0x5230, s23;
	s9 =	simm.s32 $0xB130;
	[sflag:s12] =	ssyncadd.s32 $0xFFFFEC00  }
0x367: {  	[spmem:s2] =	stream.indirect.scatter.add.f32 [tilespmem:s9], [sflag:$0xE], $0x40, s24, s18, $0xb8;
	[tilespmem:$0x1E570] =	vst v63  }
0x368: {  	_ =	swait.ge [sflag:s13], $0x1400  }
0x369: {  	[sflag:s13] =	ssyncset.done $0x0  }
0x36a: {  	s24 =	sadd.s32 $0x690, s23;
	[sflag:s13] =	ssyncadd.s32 $0xFFFFEC00  }
0x36b: {  	[tilespmem:s25], [sflag:$0x2] =	stream.indirect.gather [hbm4b:s4+s18], $0x40, s24, s18, $0xb8;
	[tilespmem:$0x1E570] =	vst v63  }
0x36c: {  	_ =	swait.ge [sflag:s14], $0x1400  }
0x36d: {  	[sflag:s14] =	ssyncset.done $0x0  }
0x36e: {  	s24 =	sadd.s32 $0x5280, s23;
	s25 =	simm.s32 $0xC530;
	[sflag:s14] =	ssyncadd.s32 $0xFFFFEC00  }
0x36f: {  	[spmem:s2] =	stream.indirect.scatter.add.f32 [tilespmem:s25], [sflag:$0xF], $0x40, s24, s18, $0xb8;
	[tilespmem:$0x1E570] =	vst v63  }
0x370: {  	_ =	swait.ge [sflag:s15], $0x1400  }
0x371: {  	[sflag:s15] =	ssyncset.done $0x0  }
0x372: {  	s24 =	sadd.s32 $0x6E0, s23;
	[sflag:s15] =	ssyncadd.s32 $0xFFFFEC00  }
0x373: {  	[tilespmem:s7], [sflag:$0x3] =	stream.indirect.gather [hbm4b:s4+s18], $0x40, s24, s18, $0xb8;
	[tilespmem:$0x1E570] =	vst v63  }
0x374: {  	_ =	swait.ge [sflag:s26], $0x1400  }
0x375: {  	[sflag:s26] =	ssyncset.done $0x0  }
0x376: {  	s10 =	simm.s32 $0xD930;
	s24 =	sadd.s32 $0x52D0, s23;
	[sflag:s26] =	ssyncadd.s32 $0xFFFFEC00  }
0x377: {  	[spmem:s2] =	stream.indirect.scatter.add.f32 [tilespmem:s10], [sflag:$0x10], $0x40, s24, s18, $0xb8;
	[tilespmem:$0x1E570] =	vst v63  }
0x378: {  	_ =	swait.ge [sflag:s28], $0x1400  }
0x379: {  	[sflag:s28] =	ssyncset.done $0x0  }
0x37a: {  	s24 =	sadd.s32 $0x730, s23;
	[sflag:s28] =	ssyncadd.s32 $0xFFFFEC00  }
0x37b: {  	[tilespmem:s9], [sflag:$0x4] =	stream.indirect.gather [hbm4b:s4+s18], $0x40, s24, s18, $0xb8;
	[tilespmem:$0x1E570] =	vst v63  }
0x37c: {  	_ =	swait.ge [sflag:s29], $0x1400  }
0x37d: {  	[sflag:s29] =	ssyncset.done $0x0  }
0x37e: {  	s7 =	simm.s32 $0xED30;
	s24 =	sadd.s32 $0x5320, s23;
	[sflag:s29] =	ssyncadd.s32 $0xFFFFEC00  }
0x37f: {  	[spmem:s2] =	stream.indirect.scatter.add.f32 [tilespmem:s7], [sflag:$0x11], $0x40, s24, s18, $0xb8;
	[tilespmem:$0x1E570] =	vst v63  }
0x380: {  	_ =	swait.ge [sflag:s5], $0x1400  }
0x381: {  	[sflag:s5] =	ssyncset.done $0x0  }
0x382: {  	s24 =	sadd.s32 $0x780, s23;
	[sflag:s5] =	ssyncadd.s32 $0xFFFFEC00  }
0x383: {  	[tilespmem:s25], [sflag:$0x5] =	stream.indirect.gather [hbm4b:s4+s18], $0x40, s24, s18, $0xb8;
	[tilespmem:$0x1E570] =	vst v63  }
0x384: {  	_ =	swait.ge [sflag:s3], $0x1400  }
0x385: {  	[sflag:s3] =	ssyncset.done $0x0  }
0x386: {  	s24 =	sadd.s32 $0x5370, s23;
	[sflag:s3] =	ssyncadd.s32 $0xFFFFEC00  }
0x387: {  	[spmem:s2] =	stream.indirect.scatter.add.f32 [tilespmem:s16], [sflag:$0x12], $0x40, s24, s18, $0xb8;
	[tilespmem:$0x1E570] =	vst v63  }
0x388: {  	_ =	swait.ge [sflag:s1], $0x1400  }
0x389: {  	[sflag:s1] =	ssyncset.done $0x0  }
0x38a: {  	s24 =	sadd.s32 $0x7D0, s23;
	s16 =	simm.s32 $0xD930;
	[sflag:s1] =	ssyncadd.s32 $0xFFFFEC00  }
0x38b: {  	[tilespmem:s10], [sflag:$0x6] =	stream.indirect.gather [hbm4b:s4+s18], $0x40, s24, s18, $0xb8;
	[tilespmem:$0x1E570] =	vst v63  }
0x38c: {  	_ =	swait.ge [sflag:s20], $0x1400  }
0x38d: {  	[sflag:s20] =	ssyncset.done $0x0  }
0x38e: {  	s24 =	sadd.s32 $0x53C0, s23;
	[sflag:s20] =	ssyncadd.s32 $0xFFFFEC00  }
0x38f: {  	[spmem:s2] =	stream.indirect.scatter.add.f32 [tilespmem:s0], [sflag:$0x13], $0x40, s24, s18, $0xb8;
	[tilespmem:$0x1E570] =	vst v63  }
0x390: {  	_ =	swait.ge [sflag:s21], $0x1400  }
0x391: {  	[sflag:s21] =	ssyncset.done $0x0  }
0x392: {  	s24 =	sadd.s32 $0x820, s23;
	s0 =	simm.s32 $0xED30;
	[sflag:s21] =	ssyncadd.s32 $0xFFFFEC00  }
0x393: {  	[tilespmem:s7], [sflag:$0x7] =	stream.indirect.gather [hbm4b:s4+s18], $0x40, s24, s18, $0xb8;
	[tilespmem:$0x1E570] =	vst v63  }
0x394: {  	_ =	swait.ge [sflag:s17], $0x1400  }
0x395: {  	[sflag:s17] =	ssyncset.done $0x0  }
0x396: {  	s24 =	sadd.s32 $0x5410, s23;
	[sflag:s17] =	ssyncadd.s32 $0xFFFFEC00  }
0x397: {  	[spmem:s2] =	stream.indirect.scatter.add.f32 [tilespmem:s6], [sflag:$0x14], $0x40, s24, s18, $0xb8;
	[tilespmem:$0x1E570] =	vst v63  }
.Ltmp4:
0x398: {  	_ = 	snop;
	(pc) =	sbr.rel @p4 .LBB2_10-.Ltmp4, $4  }
0x399: {  	s24 =	simm.s32 $0x1  }
0x39a: {  	_ =	swait.ge [sflag:s19], $0x1400  }
0x39b: {  	[sflag:s19] =	ssyncset.done $0x0  }
0x39c: {  	s23 =	sadd.s32 $0x870, s23;
	[sflag:s19] =	ssyncadd.s32 $0xFFFFEC00  }
0x39d: {  	s6 =	simm.s32 $0x10130  }
0x39e: {  	[tilespmem:s6], [sflag:$0x8] =	stream.indirect.gather [hbm4b:s4+s18], $0x40, s23, s18, $0xb8;
	[tilespmem:$0x1E570] =	vst v63  }
0x39f: {  	_ =	swait.ge [sflag:s24], $0x1400  }
0x3a0: {  	[sflag:s24] =	ssyncset.done $0x0  }
0x3a1: {  	s22 =	simm.s32 $0x7080;
	s25 =	simm.s32 $0x7530;
	[sflag:s24] =	ssyncadd.s32 $0xFFFFEC00  }
0x3a2: {  	[spmem:s2] =	stream.indirect.scatter.add.f32 [tilespmem:s25], [sflag:$0xB], $0x40, s22, s18, $0xb8;
	[tilespmem:$0x1E570] =	vst v63  }
0x3a3: {  	_ =	swait.ge [sflag:s31], $0x1400  }
0x3a4: {  	[sflag:s31] =	ssyncset.done $0x0  }
0x3a5: {  	s7 =	simm.s32 $0x11530;
	s6 =	simm.s32 $0x24E0;
	[sflag:s31] =	ssyncadd.s32 $0xFFFFEC00  }
0x3a6: {  	[tilespmem:s7], [sflag:$0x9] =	stream.indirect.gather [hbm4b:s4+s18], $0x40, s6, s18, $0xb8;
	[tilespmem:$0x1E570] =	vst v63  }
0x3a7: {  	_ =	swait.ge [sflag:s8], $0x1400  }
0x3a8: {  	[sflag:s8] =	ssyncset.done $0x0  }
0x3a9: {  	s9 =	simm.s32 $0x70D0;
	s7 =	simm.s32 $0x8930;
	[sflag:s8] =	ssyncadd.s32 $0xFFFFEC00  }
0x3aa: {  	[spmem:s2] =	stream.indirect.scatter.add.f32 [tilespmem:s7], [sflag:$0xC], $0x40, s9, s18, $0xb8;
	[tilespmem:$0x1E570] =	vst v63  }
0x3ab: {  	_ =	swait.ge [sflag:s30], $0x1400  }
0x3ac: {  	[sflag:s30] =	ssyncset.done $0x0  }
0x3ad: {  	s10 =	simm.s32 $0x2530;
	s6 =	simm.s32 $0x12930;
	[sflag:s30] =	ssyncadd.s32 $0xFFFFEC00  }
0x3ae: {  	[tilespmem:s6], [sflag:$0xA] =	stream.indirect.gather [hbm4b:s4+s18], $0x40, s10, s18, $0xb8;
	[tilespmem:$0x1E570] =	vst v63  }
0x3af: {  	s10 =	simm.s32 $0x3  }
0x3b0: {  	_ =	swait.ge [sflag:s10], $0x1400  }
0x3b1: {  	[sflag:s10] =	ssyncset.done $0x0  }
0x3b2: {  	s25 =	simm.s32 $0x7120;
	s9 =	simm.s32 $0x9D30;
	[sflag:s10] =	ssyncadd.s32 $0xFFFFEC00  }
0x3b3: {  	[spmem:s2] =	stream.indirect.scatter.add.f32 [tilespmem:s9], [sflag:$0xD], $0x40, s25, s18, $0xb8;
	[tilespmem:$0x1E570] =	vst v63  }
0x3b4: {  	_ =	swait.ge [sflag:s11], $0x1400  }
0x3b5: {  	[sflag:s11] =	ssyncset.done $0x0  }
0x3b6: {  	s23 =	simm.s32 $0x7530;
	s25 =	simm.s32 $0x2580;
	[sflag:s11] =	ssyncadd.s32 $0xFFFFEC00  }
0x3b7: {  	[tilespmem:s23], [sflag:$0x1] =	stream.indirect.gather [hbm4b:s4+s18], $0x40, s25, s18, $0xb8;
	[tilespmem:$0x1E570] =	vst v63  }
0x3b8: {  	_ =	swait.ge [sflag:s12], $0x1400  }
0x3b9: {  	[sflag:s12] =	ssyncset.done $0x0  }
0x3ba: {  	s23 =	simm.s32 $0x7170;
	s25 =	simm.s32 $0xB130;
	[sflag:s12] =	ssyncadd.s32 $0xFFFFEC00  }
0x3bb: {  	[spmem:s2] =	stream.indirect.scatter.add.f32 [tilespmem:s25], [sflag:$0xE], $0x40, s23, s18, $0xb8;
	[tilespmem:$0x1E570] =	vst v63  }
0x3bc: {  	_ =	swait.ge [sflag:s13], $0x1400  }
0x3bd: {  	[sflag:s13] =	ssyncset.done $0x0  }
0x3be: {  	s23 =	simm.s32 $0x25D0;
	[sflag:s13] =	ssyncadd.s32 $0xFFFFEC00  }
0x3bf: {  	[tilespmem:s7], [sflag:$0x2] =	stream.indirect.gather [hbm4b:s4+s18], $0x40, s23, s18, $0xb8;
	[tilespmem:$0x1E570] =	vst v63  }
0x3c0: {  	_ =	swait.ge [sflag:s14], $0x1400  }
0x3c1: {  	[sflag:s14] =	ssyncset.done $0x0  }
0x3c2: {  	s22 =	simm.s32 $0x71C0;
	s23 =	simm.s32 $0xC530;
	[sflag:s14] =	ssyncadd.s32 $0xFFFFEC00  }
0x3c3: {  	[spmem:s2] =	stream.indirect.scatter.add.f32 [tilespmem:s23], [sflag:$0xF], $0x40, s22, s18, $0xb8;
	[tilespmem:$0x1E570] =	vst v63  }
0x3c4: {  	_ =	swait.ge [sflag:s15], $0x1400  }
0x3c5: {  	[sflag:s15] =	ssyncset.done $0x0  }
0x3c6: {  	s22 =	simm.s32 $0x2620;
	[sflag:s15] =	ssyncadd.s32 $0xFFFFEC00  }
0x3c7: {  	[tilespmem:s9], [sflag:$0x3] =	stream.indirect.gather [hbm4b:s4+s18], $0x40, s22, s18, $0xb8;
	[tilespmem:$0x1E570] =	vst v63  }
0x3c8: {  	_ =	swait.ge [sflag:s26], $0x1400  }
0x3c9: {  	[sflag:s26] =	ssyncset.done $0x0  }
0x3ca: {  	[sflag:s26] =	ssyncadd.s32 $0xFFFFEC00;
	s26 =	simm.s32 $0x7210  }
0x3cb: {  	[spmem:s2] =	stream.indirect.scatter.add.f32 [tilespmem:s16], [sflag:$0x10], $0x40, s26, s18, $0xb8;
	[tilespmem:$0x1E570] =	vst v63  }
0x3cc: {  	_ =	swait.ge [sflag:s28], $0x1400  }
0x3cd: {  	[sflag:s28] =	ssyncset.done $0x0  }
0x3ce: {  	s22 =	simm.s32 $0x2670;
	[sflag:s28] =	ssyncadd.s32 $0xFFFFEC00  }
0x3cf: {  	[tilespmem:s25], [sflag:$0x4] =	stream.indirect.gather [hbm4b:s4+s18], $0x40, s22, s18, $0xb8;
	[tilespmem:$0x1E570] =	vst v63  }
0x3d0: {  	_ =	swait.ge [sflag:s29], $0x1400  }
0x3d1: {  	[sflag:s29] =	ssyncset.done $0x0  }
0x3d2: {  	s26 =	simm.s32 $0x7260;
	[sflag:s29] =	ssyncadd.s32 $0xFFFFEC00  }
0x3d3: {  	[spmem:s2] =	stream.indirect.scatter.add.f32 [tilespmem:s0], [sflag:$0x11], $0x40, s26, s18, $0xb8;
	[tilespmem:$0x1E570] =	vst v63  }
0x3d4: {  	_ =	swait.ge [sflag:s5], $0x1400  }
0x3d5: {  	[sflag:s5] =	ssyncset.done $0x0  }
0x3d6: {  	s29 =	simm.s32 $0x26C0;
	[sflag:s5] =	ssyncadd.s32 $0xFFFFEC00  }
0x3d7: {  	[tilespmem:s23], [sflag:$0x5] =	stream.indirect.gather [hbm4b:s4+s18], $0x40, s29, s18, $0xb8;
	[tilespmem:$0x1E570] =	vst v63  }
0x3d8: {  	_ =	swait.ge [sflag:s3], $0x1400  }
0x3d9: {  	[sflag:s3] =	ssyncset.done $0x0  }
0x3da: {  	s16 =	simm.s32 $0x72B0;
	s22 =	simm.s32 $0x10130;
	[sflag:s3] =	ssyncadd.s32 $0xFFFFEC00  }
0x3db: {  	[spmem:s2] =	stream.indirect.scatter.add.f32 [tilespmem:s22], [sflag:$0x12], $0x40, s16, s18, $0xb8;
	[tilespmem:$0x1E570] =	vst v63  }
0x3dc: {  	_ =	swait.ge [sflag:s1], $0x1400  }
0x3dd: {  	[sflag:s1] =	ssyncset.done $0x0  }
0x3de: {  	[sflag:s1] =	ssyncadd.s32 $0xFFFFEC00  }
0x3df: {  	_ =	swait.ge [sflag:s20], $0x1400  }
0x3e0: {  	[sflag:s20] =	ssyncset.done $0x0  }
0x3e1: {  	s26 =	simm.s32 $0x7300;
	s29 =	simm.s32 $0x11530;
	[sflag:s20] =	ssyncadd.s32 $0xFFFFEC00  }
0x3e2: {  	[spmem:s2] =	stream.indirect.scatter.add.f32 [tilespmem:s29], [sflag:$0x13], $0x40, s26, s18, $0xb8;
	[tilespmem:$0x1E570] =	vst v63  }
0x3e3: {  	_ =	swait.ge [sflag:s21], $0x1400  }
0x3e4: {  	[sflag:s21] =	ssyncset.done $0x0  }
0x3e5: {  	[sflag:s21] =	ssyncadd.s32 $0xFFFFEC00  }
0x3e6: {  	_ =	swait.ge [sflag:s17], $0x1400  }
0x3e7: {  	[sflag:s17] =	ssyncset.done $0x0  }
0x3e8: {  	s16 =	simm.s32 $0x7350;
	[sflag:s17] =	ssyncadd.s32 $0xFFFFEC00  }
0x3e9: {  	[spmem:s2] =	stream.indirect.scatter.add.f32 [tilespmem:s6], [sflag:$0x14], $0x40, s16, s18, $0xb8;
	[tilespmem:$0x1E570] =	vst v63  }
0x3ea: {  	_ =	swait.ge [sflag:s19], $0x1400  }
0x3eb: {  	[sflag:s19] =	ssyncset.done $0x0  }
0x3ec: {  	[sflag:s19] =	ssyncadd.s32 $0xFFFFEC00  }
0x3ed: {  	_ =	swait.ge [sflag:s24], $0x1400  }
0x3ee: {  	[sflag:s24] =	ssyncset.done $0x0  }
0x3ef: {  	s17 =	simm.s32 $0x73A0;
	s19 =	simm.s32 $0x7530;
	[sflag:s24] =	ssyncadd.s32 $0xFFFFEC00  }
0x3f0: {  	[spmem:s2] =	stream.indirect.scatter.add.f32 [tilespmem:s19], [sflag:$0xB], $0x40, s17, s18, $0xb8;
	[tilespmem:$0x1E570] =	vst v63  }
0x3f1: {  	_ =	swait.ge [sflag:s31], $0x1400  }
0x3f2: {  	[sflag:s31] =	ssyncset.done $0x0  }
0x3f3: {  	[sflag:s31] =	ssyncadd.s32 $0xFFFFEC00  }
0x3f4: {  	_ =	swait.ge [sflag:s8], $0x1400  }
0x3f5: {  	[sflag:s8] =	ssyncset.done $0x0  }
0x3f6: {  	s20 =	simm.s32 $0x73F0;
	[sflag:s8] =	ssyncadd.s32 $0xFFFFEC00  }
0x3f7: {  	[spmem:s2] =	stream.indirect.scatter.add.f32 [tilespmem:s7], [sflag:$0xC], $0x40, s20, s18, $0xb8;
	[tilespmem:$0x1E570] =	vst v63  }
0x3f8: {  	_ =	swait.ge [sflag:s30], $0x1400  }
0x3f9: {  	[sflag:s30] =	ssyncset.done $0x0  }
0x3fa: {  	[sflag:s30] =	ssyncadd.s32 $0xFFFFEC00  }
0x3fb: {  	_ =	swait.ge [sflag:s10], $0x1400  }
0x3fc: {  	[sflag:s10] =	ssyncset.done $0x0  }
0x3fd: {  	s21 =	simm.s32 $0x7440;
	[sflag:s10] =	ssyncadd.s32 $0xFFFFEC00  }
0x3fe: {  	[spmem:s2] =	stream.indirect.scatter.add.f32 [tilespmem:s9], [sflag:$0xD], $0x40, s21, s18, $0xb8;
	[tilespmem:$0x1E570] =	vst v63  }
0x3ff: {  	_ =	swait.ge [sflag:s11], $0x1400  }
0x400: {  	[sflag:s11] =	ssyncset.done $0x0  }
0x401: {  	[sflag:s11] =	ssyncadd.s32 $0xFFFFEC00  }
0x402: {  	_ =	swait.ge [sflag:s12], $0x1400  }
0x403: {  	[sflag:s12] =	ssyncset.done $0x0  }
0x404: {  	s22 =	simm.s32 $0x7490;
	[sflag:s12] =	ssyncadd.s32 $0xFFFFEC00  }
0x405: {  	[spmem:s2] =	stream.indirect.scatter.add.f32 [tilespmem:s25], [sflag:$0xE], $0x40, s22, s18, $0xb8;
	[tilespmem:$0x1E570] =	vst v63  }
0x406: {  	_ =	swait.ge [sflag:s13], $0x1400  }
0x407: {  	[sflag:s13] =	ssyncset.done $0x0  }
0x408: {  	[sflag:s13] =	ssyncadd.s32 $0xFFFFEC00  }
0x409: {  	_ =	swait.ge [sflag:s14], $0x1400  }
0x40a: {  	[sflag:s14] =	ssyncset.done $0x0  }
0x40b: {  	s25 =	simm.s32 $0x74E0;
	[sflag:s14] =	ssyncadd.s32 $0xFFFFEC00  }
0x40c: {  	[spmem:s2] =	stream.indirect.scatter.add.f32 [tilespmem:s23], [sflag:$0xF], $0x40, s25, s18, $0xb8;
	[tilespmem:$0x1E570] =	vst v63  }
0x40d: {  	_ =	swait.ge [sflag:s15], $0x1400  }
0x40e: {  	[sflag:s15] =	ssyncset.done $0x0  }
0x40f: {  	[sflag:s15] =	ssyncadd.s32 $0xFFFFEC00  }
0x410: {  	_ =	swait.ge [sflag:s28], $0x1400  }
0x411: {  	[sflag:s28] =	ssyncset.done $0x0  }
0x412: {  	[sflag:s28] =	ssyncadd.s32 $0xFFFFEC00  }
0x413: {  	_ =	swait.ge [sflag:s5], $0x1400  }
0x414: {  	[sflag:s5] =	ssyncset.done $0x0  }
0x415: {  	[sflag:s5] =	ssyncadd.s32 $0xFFFFEC00  }
0x416: {  	[bflag:$0x0] =	sbarrier.arrive $0xFFFF  }
0x417: {  	s0 =	sld [smem:$0x7F9]  }
0x418: {  	s28 =	sld [smem:$0x7FA];
	_ =	sdelay $0x1  }
0x419: {  	s29 =	simm.s32 $0x15;
	s26 =	rddreg [dreg:$0x1f]  }
0x41a: {  	[hbm:s26@s1], [sflag:s0] =	dma.strided [spmem:s28@s3], $0x1380, s24, $0x8   }
0x41b: {  	_ =	swait.ge [sflag:s29], $0x1380  }
0x41c: {  	s1 =	sld [smem:$0x7FB]  }
0x41d: {  	s22 =	simm.s32 @!p3 $0x1;
	s23 =	simm.s32 @!p3 $0x10;
	[sflag:s29] =	ssyncset.done $0x0  }
0x41e: {  	s24 =	simm.s32 @!p3 $0x8;
	s25 =	rddreg [dreg:$0x19];
	[sflag:s29] =	ssyncadd.s32 $0xFFFFEC80  }
0x41f: {  	[hbm:s25@s23], [sflag:s0] =	dma.strided @!p3 [spmem:s1@s24], $0x80, s22, $0x8   }
0x420: {  	s22 =	simm.s32 @!p3 $0x15  }
0x421: {  	_ =	swait.ge @!p3 [sflag:s22], $0x80  }
0x422: {  	s30 =	rddreg [dreg:$0x5]  }
0x423: {  	s31 =	rddreg [dreg:$0x1a];
	s23 =	sadd.s32 $0x1, s30  }
0x424: {  	p4 =	sne.s32 s23, s31  }
.Ltmp5:
0x425: {  	_ = 	snop;
	(pc) =	sbr.rel @p4 .LBB2_1-.Ltmp5, $3  }
0x426: {  	_ =	sdelay $0x1  }
0x427: {  	[sflag:s22] =	ssyncset.done @!p3 $0x0  }
0x428: {  	s13 =	stileid.u32;
	s14 =	rddreg [dreg:$0x6];
	[sflag:s22] =	ssyncadd.s32 @!p3 $0xFFFFFF80  }
0x429: {  	_ =	sfence.sel $0x180000  }
0x42a: {  	[bflag:$0x0] =	sbarrier.arrive $0xFFFF  }
0x42b: {  	_ =	strace $0x90000047  }
0x42c: {  	[bflag:$0x2] =	sbarrier.arrive $0xFFFF  }
0x42d: {  	p0 =	sne.s32 s13, $0x0;
	s0 =	rddreg [dreg:$0x4]  }
0x42e: {  	s0 =	sadd.s32 @!p0 $0x100000, s0  }
0x42f: {  	[sflag:s0] =	ssyncadd.tile.s32 @!p0 $0x1;
	_ =	shalt  }
.Lfunc_end2:
_tile_overlayer_lowered:
.L_overlay_start_2:
0x430: {  	(tag) =	ssettag $0x2  }
0x431: {  	s0 =	rddreg [dreg:$0x0];
	s2 =	stileid.u32  }
0x432: {  	s1 =	rddreg [dreg:$0x1];
	p0 =	sne.s32 s2, $0x0  }
0x433: {  	s3 =	rddreg [dreg:$0x2];
	[bflag:$0x3] =	sbarrier.arrive $0xFFFF;
	s2 =	simm.s32 @!p0 $0x1C15  }
0x434: {  	[timem:s3], [sflag:s2] =	dma.local @!p0 [hbm:s0], s1  }
0x435: {  	s0 =	simm.s32 @!p0 $0x15  }
0x436: {  	_ =	swait.ge @!p0 [sflag:s0], s1  }
0x437: {  	s1 =	ssub.s32 @!p0 $0x0, s1;
	[sflag:s0] =	ssyncset.done @!p0 $0x0  }
0x438: {  	[sflag:s0] =	ssyncadd.s32 @!p0 s1  }
0x439: {  	[bflag:$0x3] =	sbarrier.arrive $0xFFFF  }
0x43a: {  	_ =	shalt  }

</sc_bundles>
